<compile_context>
chip_gen: v7x
topology: tpu7x:2x2x1
jax: 0.10.2.dev20260603
libtpu: 0.0.44.dev20260713+nightly
codegen_flags: <defaults>
</compile_context>

<pallas_src>
import functools

import jax
import jax.numpy as jnp
from jax import lax
from jax.experimental import pallas as pl
from jax.experimental.pallas import tpu as pltpu
from jax.experimental.pallas import tpu_sc as plsc

N_NODES = 10000
N_EDGES = 320000
D = 128
D_BOND = 16
N_BOND_PAD = 8
DEPTH_G = 5

NBLK = 25
BN = N_NODES // NBLK
EROWS = N_EDGES // D

NW = 32
EPW = N_EDGES // NW
CH = 80
NCH = EPW // CH
NPAD = 10240
RPT = NPAD // 16

NBUF = 2
NSUPER = NCH // NBUF



def _eidx_body(src_ref, bt_ref, eidx_ref):
    eidx_ref[...] = src_ref[...] + bt_ref[...] * N_NODES


def _eidx(src2d, bt2d):
    return pl.pallas_call(
        _eidx_body,
        out_shape=jax.ShapeDtypeStruct((EROWS, D), jnp.int32),
    )(src2d, bt2d)


def _prep_body(fnode_ref, ea_ref, wa_ref, wo1a_ref,
               eb_ref, wb_ref, bin_ref,
               p_ref, fo_ref, t0_ref):
    fn = fnode_ref[0, 0, :]
    onehot = (fn[:, None] == lax.broadcasted_iota(jnp.int32, (BN, D), 1))
    fatom = jnp.dot(onehot.astype(jnp.float32), ea_ref[...],
                    preferred_element_type=jnp.float32)
    pblk = jnp.dot(fatom, wa_ref[...], preferred_element_type=jnp.float32)
    p_ref[...] = pblk
    fo_ref[...] = jnp.dot(fatom, wo1a_ref[...],
                          preferred_element_type=jnp.float32)
    bv = jnp.dot(eb_ref[...], wb_ref[...],
                 preferred_element_type=jnp.float32) + bin_ref[...]
    for b in range(4):
        t0_ref[b] = jnp.maximum(pblk + bv[b:b + 1, :], 0.0)


def _prep(fnode3, ea_pad, w_a, w_o1a, eb_pad, w_b, b_in2):
    full = lambda shp: pl.BlockSpec(shp, lambda i: tuple(0 for _ in shp))
    return pl.pallas_call(
        _prep_body,
        grid=(NBLK,),
        in_specs=[
            pl.BlockSpec((1, 1, BN), lambda i: (i, 0, 0)),
            full((D, D)), full((D, D)), full((D, D)),
            full((N_BOND_PAD, D_BOND)), full((D_BOND, D)), full((1, D)),
        ],
        out_specs=[
            pl.BlockSpec((BN, D), lambda i: (i, 0)),
            pl.BlockSpec((BN, D), lambda i: (i, 0)),
            pl.BlockSpec((4, BN, D), lambda i: (0, i, 0)),
        ],
        out_shape=[
            jax.ShapeDtypeStruct((N_NODES, D), jnp.float32),
            jax.ShapeDtypeStruct((N_NODES, D), jnp.float32),
            jax.ShapeDtypeStruct((4, N_NODES, D), jnp.float32),
        ],
    )(fnode3, ea_pad, w_a, w_o1a, eb_pad, w_b, b_in2)


def _combine_body(part_ref, p_ref, wh_ref, bh_ref, eb_ref, wb_ref, bin_ref,
                  t_ref):
    agg = part_ref[0] + part_ref[1]
    q = p_ref[...] + jnp.dot(agg, wh_ref[...],
                             preferred_element_type=jnp.float32) + bh_ref[...]
    bv = jnp.dot(eb_ref[...], wb_ref[...],
                 preferred_element_type=jnp.float32) + bin_ref[...]
    for b in range(4):
        t_ref[b] = jnp.maximum(q + bv[b:b + 1, :], 0.0)


def _combine(part, p, w_h, b_h2, eb_pad, w_b, b_in2):
    full = lambda shp: pl.BlockSpec(shp, lambda i: tuple(0 for _ in shp))
    return pl.pallas_call(
        _combine_body,
        grid=(NBLK,),
        in_specs=[
            pl.BlockSpec((2, BN, D), lambda i: (0, i, 0)),
            pl.BlockSpec((BN, D), lambda i: (i, 0)),
            full((D, D)), full((1, D)),
            full((N_BOND_PAD, D_BOND)), full((D_BOND, D)), full((1, D)),
        ],
        out_specs=pl.BlockSpec((4, BN, D), lambda i: (0, i, 0)),
        out_shape=jax.ShapeDtypeStruct((4, N_NODES, D), jnp.float32),
    )(part, p, w_h, b_h2, eb_pad, w_b, b_in2)


def _head_body(part_ref, fo_ref, wo1b_ref, bo1_ref, wo2_ref, bo2_ref,
               out_ref):
    a = part_ref[0] + part_ref[1]
    h = jnp.maximum(
        fo_ref[...] + jnp.dot(a, wo1b_ref[...],
                              preferred_element_type=jnp.float32)
        + bo1_ref[...], 0.0)
    out_ref[...] = jnp.dot(h, wo2_ref[...],
                           preferred_element_type=jnp.float32) + bo2_ref[...]


def _head(part, fo, w_o1b, b_o12, w_o2, b_o22):
    full = lambda shp: pl.BlockSpec(shp, lambda i: tuple(0 for _ in shp))
    return pl.pallas_call(
        _head_body,
        grid=(NBLK,),
        in_specs=[
            pl.BlockSpec((2, BN, D), lambda i: (0, i, 0)),
            pl.BlockSpec((BN, D), lambda i: (i, 0)),
            full((D, D)), full((1, D)), full((D, D)), full((1, D)),
        ],
        out_specs=pl.BlockSpec((BN, D), lambda i: (i, 0)),
        out_shape=jax.ShapeDtypeStruct((N_NODES, D), jnp.float32),
    )(part, fo, w_o1b, b_o12, w_o2, b_o22)



def _sc_body(t_hbm, eidx_hbm, dst_hbm, zeros_hbm, out_hbm,
             agg_s, eidx_v, dst_v, rows_v, *sems):
    sg = sems[:NBUF]
    ss_a, ss_b = sems[NBUF], sems[NBUF + 1]
    cid = lax.axis_index("c")
    sid = lax.axis_index("s")
    w = sid * 2 + cid

    def fire_gather(c, b):
        base = pl.multiple_of(c * CH, 8)
        pltpu.async_copy(t_hbm.at[eidx_v.at[pl.ds(base, CH)]],
                         rows_v.at[b], sg[b])

    def wait_gather(b):
        pltpu.make_async_copy(t_hbm.at[pl.ds(0, CH)], rows_v.at[b],
                              sg[b]).wait()

    def fire_scatter(c, b, ss):
        pltpu.async_copy(rows_v.at[b], agg_s.at[dst_v.at[c]], ss, add=True)

    def drain(ss):
        pltpu.make_async_copy(t_hbm.at[pl.ds(0, CH)], rows_v.at[0],
                              ss).wait()

    pltpu.sync_copy(zeros_hbm, agg_s.at[pl.ds(sid * RPT, RPT)])
    pltpu.sync_copy(eidx_hbm.at[w], eidx_v)
    pltpu.sync_copy(dst_hbm.at[w], dst_v)
    plsc.subcore_barrier()

    fire_gather(0, 0)

    def super_block(s_idx, carry):
        c0 = s_idx * NBUF

        @pl.when(s_idx > 0)
        def _():
            drain(ss_b)
        fire_gather(c0 + 1, 1)
        wait_gather(0)
        fire_scatter(c0, 0, ss_a)

        @pl.when(s_idx < NSUPER - 1)
        def _():
            drain(ss_a)
            fire_gather(c0 + 2, 0)
        wait_gather(1)
        fire_scatter(c0 + 1, 1, ss_b)
        return carry

    lax.fori_loop(0, NSUPER, super_block, 0)

    drain(ss_a)
    fire_gather(NCH - 1, 0)
    drain(ss_b)
    wait_gather(0)
    fire_scatter(NCH - 1, 0, ss_a)
    drain(ss_a)

    plsc.subcore_barrier()
    pltpu.sync_copy(agg_s.at[pl.ds(sid * RPT, RPT)],
                    out_hbm.at[cid, pl.ds(sid * RPT, RPT)])


_sc_pass = functools.partial(
    pl.kernel,
    out_type=jax.ShapeDtypeStruct((2, NPAD, D), jnp.float32),
    mesh=plsc.VectorSubcoreMesh(core_axis_name="c", subcore_axis_name="s"),
    scratch_types=[
        pltpu.VMEM_SHARED((NPAD, D), jnp.float32),
        pltpu.VMEM((EPW,), jnp.int32),
        pltpu.VMEM((NCH, CH), jnp.int32),
        pltpu.VMEM((NBUF, CH, D), jnp.float32),
    ] + [pltpu.SemaphoreType.DMA] * (NBUF + 2),
)(_sc_body)



def kernel(fnode, edge_index, bond_type, E_a, E_b,
           W_in, b_in, W_h, b_h, W_o1, b_o1, W_o2, b_o2):
    fnode3 = fnode.astype(jnp.int32).reshape(NBLK, 1, BN)
    src2d = edge_index[0].astype(jnp.int32).reshape(EROWS, D)
    bt2d = bond_type.astype(jnp.int32).reshape(EROWS, D)
    dst3 = edge_index[1].astype(jnp.int32).reshape(NW, NCH, CH)

    ea_pad = jnp.zeros((D, D), jnp.float32).at[:E_a.shape[0]].set(E_a)
    eb_pad = jnp.zeros((N_BOND_PAD, D_BOND), jnp.float32).at[:4].set(E_b)
    w_a, w_b = W_in[:D], W_in[D:]
    w_o1a, w_o1b = W_o1[:D], W_o1[D:]
    b_in2 = b_in.reshape(1, D)
    b_h2 = b_h.reshape(1, D)
    b_o12 = b_o1.reshape(1, D)
    b_o22 = b_o2.reshape(1, D)
    zeros = jnp.zeros((RPT, D), jnp.float32)

    p, fo, t0 = _prep(fnode3, ea_pad, w_a, w_o1a, eb_pad, w_b, b_in2)
    eidx_w = _eidx(src2d, bt2d).reshape(NW, EPW)

    t = t0
    part = None
    for it in range(DEPTH_G):
        part = _sc_pass(t.reshape(4 * N_NODES, D), eidx_w, dst3, zeros)
        if it < DEPTH_G - 1:
            t = _combine(part, p, W_h, b_h2, eb_pad, w_b, b_in2)

    return _head(part, fo, w_o1b, b_o12, W_o2, b_o22)

# --- scband reference (transcript-rebuilt; emitter-appended) ---
"""Pipeline reference for scband-mol-encoder-6734508720420 (READ-ONLY COPY).

The authoritative reference and input builder live on the scoring server;
editing this copy changes nothing except your own understanding.
"""

import jax, jax.numpy as jnp
import numpy as np

N_NODES = 10000
N_EDGES = 320000
ATOM_SIZE = 120
N_BOND = 4
D_ATOM = 128
D_BOND = 16
HIDDEN = 128
DEPTH_G = 5


def setup_inputs(seed: int = 0) -> dict:
    key = jax.random.key(seed)
    ks = jax.random.split(key, 12)
    fnode = jax.random.randint(ks[0], (N_NODES,), 0, ATOM_SIZE)
    edge_index = jax.random.randint(ks[1], (2, N_EDGES), 0, N_NODES)
    bond_type = jax.random.randint(ks[2], (N_EDGES,), 0, N_BOND)
    # learned parameters (E_a has one extra row: mask_token_id = atom_size)
    E_a = jax.random.normal(ks[3], (ATOM_SIZE + 1, D_ATOM), dtype=jnp.float32) * 0.1
    E_b = jax.random.normal(ks[4], (N_BOND, D_BOND), dtype=jnp.float32) * 0.1
    W_in = jax.random.normal(ks[5], (D_ATOM + D_BOND, HIDDEN), dtype=jnp.float32) * 0.05
    b_in = jnp.zeros((HIDDEN,), dtype=jnp.float32)
    W_h = jax.random.normal(ks[6], (HIDDEN, HIDDEN), dtype=jnp.float32) * 0.05
    b_h = jnp.zeros((HIDDEN,), dtype=jnp.float32)
    W_o1 = jax.random.normal(ks[7], (D_ATOM + HIDDEN, HIDDEN), dtype=jnp.float32) * 0.05
    b_o1 = jnp.zeros((HIDDEN,), dtype=jnp.float32)
    W_o2 = jax.random.normal(ks[8], (HIDDEN, HIDDEN), dtype=jnp.float32) * 0.05
    b_o2 = jnp.zeros((HIDDEN,), dtype=jnp.float32)
    return {
        'fnode': fnode, 'edge_index': edge_index, 'bond_type': bond_type,
        'E_a': E_a, 'E_b': E_b,
        'W_in': W_in, 'b_in': b_in, 'W_h': W_h, 'b_h': b_h,
        'W_o1': W_o1, 'b_o1': b_o1, 'W_o2': W_o2, 'b_o2': b_o2,
    }


def reference(fnode, edge_index, bond_type, E_a, E_b,
              W_in, b_in, W_h, b_h, W_o1, b_o1, W_o2, b_o2):
    # MolEncoder graph path: use_feature=False, use_tree=False, network_type='gcn'
    src = edge_index[0]
    dst = edge_index[1]
    # embed_atom_feature (no masks): hnode = E_a.index_select(fnode)
    fatom = jnp.take(E_a, fnode, axis=0)                 # [N, D_ATOM]
    fbond = jnp.take(E_b, bond_type, axis=0)             # [E, D_BOND]
    # edge input features: source atom embedding || bond embedding
    x_e = jnp.concatenate([jnp.take(fatom, src, axis=0), fbond], axis=-1)  # [E, D_ATOM+D_BOND]
    pre = x_e @ W_in + b_in                               # [E, H]
    m = jax.nn.relu(pre)
    # GCN message passing, depthG iterations
    for _ in range(DEPTH_G - 1):
        agg = jax.ops.segment_sum(m, dst, num_segments=N_NODES)  # scatter-add over dst
        nei = jnp.take(agg, src, axis=0)                          # gather to edges
        m = jax.nn.relu(pre + nei @ W_h + b_h)
    a = jax.ops.segment_sum(m, dst, num_segments=N_NODES)        # [N, H]
    # outputAtom: Linear(feature+hidden, hidden) -> ReLU -> Linear(hidden, hidden)
    h = jnp.concatenate([fatom, a], axis=-1)
    h = jax.nn.relu(h @ W_o1 + b_o1)
    hatom = h @ W_o2 + b_o2
    return hatom

if __name__ == "__main__":
    import jax
    _d = setup_inputs()
    print(jax.jit(kernel)(*tuple(_d.values())))

</pallas_src>

<mosaic_0001>
#map = affine_map<(d0, d1) -> (0, 0)>
#map1 = affine_map<(d0, d1) -> (0, 0, 0)>
module attributes {stable_mosaic.version = 14 : i64} {
  func.func @_sc_body(%arg0: i32, %arg1: i32, %arg2: memref<40000x128xf32, #tpu.memory_space<hbm>>, %arg3: memref<32x10000xi32, #tpu.memory_space<hbm>>, %arg4: memref<32x125x80xi32, #tpu.memory_space<hbm>>, %arg5: memref<640x128xf32, #tpu.memory_space<hbm>>, %arg6: memref<2x10240x128xf32, #tpu.memory_space<hbm>>, %arg7: memref<10240x128xf32, #tpu.memory_space<vmem_shared>>, %arg8: memref<10000xi32, #tpu.memory_space<vmem>>, %arg9: memref<125x80xi32, #tpu.memory_space<vmem>>, %arg10: memref<2x80x128xf32, #tpu.memory_space<vmem>>, %arg11: memref<!tpu.dma_semaphore, #tpu.memory_space<semaphore_mem>>, %arg12: memref<!tpu.dma_semaphore, #tpu.memory_space<semaphore_mem>>, %arg13: memref<!tpu.dma_semaphore, #tpu.memory_space<semaphore_mem>>, %arg14: memref<!tpu.dma_semaphore, #tpu.memory_space<semaphore_mem>>) attributes {dimension_semantics = [#tpu.dimension_semantics<core_parallel>, #tpu.dimension_semantics<subcore_parallel>], iteration_bounds = array<i64: 2, 16>, scalar_prefetch = 0 : i64, scratch_operands = 8 : i64, tpu.core_type = #tpu.core_type<sc_vector_subcore>, window_params = [{transform_indices = #map}, {transform_indices = #map}, {transform_indices = #map1}, {transform_indices = #map}, {transform_indices = #map1}]} {
    %mul3A = arith.constant 2 : i32
    %mul3A_0 = arith.muli %arg1, %mul3A : i32
    %add3A = arith.addi %mul3A_0, %arg0 : i32
    %mul3A_1 = arith.constant 640 : i32
    %mul3A_2 = arith.muli %arg1, %mul3A_1 : i32
    "tpu.region"() ({
      %run_scoped3A = tpu.sem_alloc : memref<!tpu.dma_semaphore, #tpu.memory_space<semaphore_mem>>
      %dma_start3A_104 = arith.constant 0 : i32
      %dma_start3A_105 = tpu.memref_slice %arg7[%mul3A_2, %dma_start3A_104] : memref<10240x128xf32, #tpu.memory_space<vmem_shared>> -> memref<640x128xf32, #tpu.memory_space<vmem_shared>>
      tpu.enqueue_dma source(%arg5 : memref<640x128xf32, #tpu.memory_space<hbm>>) target(%dma_start3A_105 : memref<640x128xf32, #tpu.memory_space<vmem_shared>>) target_semaphore(%run_scoped3A : memref<!tpu.dma_semaphore, #tpu.memory_space<semaphore_mem>>)
      %dma_wait3A_106 = arith.constant 0 : i32
      %dma_wait3A_107 = tpu.memref_slice %arg7[%mul3A_2, %dma_wait3A_106] : memref<10240x128xf32, #tpu.memory_space<vmem_shared>> -> memref<640x128xf32, #tpu.memory_space<vmem_shared>>
      tpu.wait_dma2 semaphore(%run_scoped3A : memref<!tpu.dma_semaphore, #tpu.memory_space<semaphore_mem>>) src(%arg5 : memref<640x128xf32, #tpu.memory_space<hbm>>) dst(%dma_wait3A_107 : memref<640x128xf32, #tpu.memory_space<vmem_shared>>)
      tpu.yield
    }) : () -> ()
    "tpu.region"() ({
      %run_scoped3A = tpu.sem_alloc : memref<!tpu.dma_semaphore, #tpu.memory_space<semaphore_mem>>
      %dma_start3A_104 = arith.constant 0 : i32
      %dma_start3A_105 = tpu.memref_slice %arg3[%add3A, %dma_start3A_104] : memref<32x10000xi32, #tpu.memory_space<hbm>> -> memref<1x10000xi32, #tpu.memory_space<hbm>>
      %dma_start3A_106 = tpu.memref_squeeze %dma_start3A_105 : memref<1x10000xi32, #tpu.memory_space<hbm>> -> memref<10000xi32, #tpu.memory_space<hbm>>
      %dma_start3A_107 = arith.constant 0 : i32
      %dma_start3A_108 = tpu.memref_slice %arg3[%add3A, %dma_start3A_107] : memref<32x10000xi32, #tpu.memory_space<hbm>> -> memref<1x10000xi32, #tpu.memory_space<hbm>>
      %dma_start3A_109 = tpu.memref_squeeze %dma_start3A_108 : memref<1x10000xi32, #tpu.memory_space<hbm>> -> memref<10000xi32, #tpu.memory_space<hbm>>
      tpu.enqueue_dma source(%dma_start3A_109 : memref<10000xi32, #tpu.memory_space<hbm>>) target(%arg8 : memref<10000xi32, #tpu.memory_space<vmem>>) target_semaphore(%run_scoped3A : memref<!tpu.dma_semaphore, #tpu.memory_space<semaphore_mem>>)
      %dma_wait3A_110 = arith.constant 0 : i32
      %dma_wait3A_111 = tpu.memref_slice %arg3[%add3A, %dma_wait3A_110] : memref<32x10000xi32, #tpu.memory_space<hbm>> -> memref<1x10000xi32, #tpu.memory_space<hbm>>
      %dma_wait3A_112 = tpu.memref_squeeze %dma_wait3A_111 : memref<1x10000xi32, #tpu.memory_space<hbm>> -> memref<10000xi32, #tpu.memory_space<hbm>>
      %dma_wait3A_113 = arith.constant 0 : i32
      %dma_wait3A_114 = tpu.memref_slice %arg3[%add3A, %dma_wait3A_113] : memref<32x10000xi32, #tpu.memory_space<hbm>> -> memref<1x10000xi32, #tpu.memory_space<hbm>>
      %dma_wait3A_115 = tpu.memref_squeeze %dma_wait3A_114 : memref<1x10000xi32, #tpu.memory_space<hbm>> -> memref<10000xi32, #tpu.memory_space<hbm>>
      tpu.wait_dma2 semaphore(%run_scoped3A : memref<!tpu.dma_semaphore, #tpu.memory_space<semaphore_mem>>) src(%dma_wait3A_115 : memref<10000xi32, #tpu.memory_space<hbm>>) dst(%arg8 : memref<10000xi32, #tpu.memory_space<vmem>>)
      tpu.yield
    }) : () -> ()
    "tpu.region"() ({
      %run_scoped3A = tpu.sem_alloc : memref<!tpu.dma_semaphore, #tpu.memory_space<semaphore_mem>>
      %dma_start3A_104 = arith.constant 0 : i32
      %dma_start3A_105 = arith.constant 0 : i32
      %dma_start3A_106 = tpu.memref_slice %arg4[%add3A, %dma_start3A_104, %dma_start3A_105] : memref<32x125x80xi32, #tpu.memory_space<hbm>> -> memref<1x125x80xi32, #tpu.memory_space<hbm>>
      %dma_start3A_107 = tpu.memref_squeeze %dma_start3A_106 : memref<1x125x80xi32, #tpu.memory_space<hbm>> -> memref<125x80xi32, #tpu.memory_space<hbm>>
      %dma_start3A_108 = arith.constant 0 : i32
      %dma_start3A_109 = arith.constant 0 : i32
      %dma_start3A_110 = tpu.memref_slice %arg4[%add3A, %dma_start3A_108, %dma_start3A_109] : memref<32x125x80xi32, #tpu.memory_space<hbm>> -> memref<1x125x80xi32, #tpu.memory_space<hbm>>
      %dma_start3A_111 = tpu.memref_squeeze %dma_start3A_110 : memref<1x125x80xi32, #tpu.memory_space<hbm>> -> memref<125x80xi32, #tpu.memory_space<hbm>>
      tpu.enqueue_dma source(%dma_start3A_111 : memref<125x80xi32, #tpu.memory_space<hbm>>) target(%arg9 : memref<125x80xi32, #tpu.memory_space<vmem>>) target_semaphore(%run_scoped3A : memref<!tpu.dma_semaphore, #tpu.memory_space<semaphore_mem>>)
      %dma_wait3A_112 = arith.constant 0 : i32
      %dma_wait3A_113 = arith.constant 0 : i32
      %dma_wait3A_114 = tpu.memref_slice %arg4[%add3A, %dma_wait3A_112, %dma_wait3A_113] : memref<32x125x80xi32, #tpu.memory_space<hbm>> -> memref<1x125x80xi32, #tpu.memory_space<hbm>>
      %dma_wait3A_115 = tpu.memref_squeeze %dma_wait3A_114 : memref<1x125x80xi32, #tpu.memory_space<hbm>> -> memref<125x80xi32, #tpu.memory_space<hbm>>
      %dma_wait3A_116 = arith.constant 0 : i32
      %dma_wait3A_117 = arith.constant 0 : i32
      %dma_wait3A_118 = tpu.memref_slice %arg4[%add3A, %dma_wait3A_116, %dma_wait3A_117] : memref<32x125x80xi32, #tpu.memory_space<hbm>> -> memref<1x125x80xi32, #tpu.memory_space<hbm>>
      %dma_wait3A_119 = tpu.memref_squeeze %dma_wait3A_118 : memref<1x125x80xi32, #tpu.memory_space<hbm>> -> memref<125x80xi32, #tpu.memory_space<hbm>>
      tpu.wait_dma2 semaphore(%run_scoped3A : memref<!tpu.dma_semaphore, #tpu.memory_space<semaphore_mem>>) src(%dma_wait3A_119 : memref<125x80xi32, #tpu.memory_space<hbm>>) dst(%arg9 : memref<125x80xi32, #tpu.memory_space<vmem>>)
      tpu.yield
    }) : () -> ()
    %barrier3A = arith.constant 0 : index
    tpu.barrier barrier_id(%barrier3A)
    %multiple_of3A = arith.constant 0 : i32
    %multiple_of3A_3 = tpu.assume_multiple %multiple_of3A, 8 : i32
    %dma_start3A = arith.constant 0 : i32
    %dma_start3A_4 = arith.constant 0 : i32
    %dma_start3A_5 = arith.constant 0 : i32
    %dma_start3A_6 = tpu.memref_slice %arg10[%dma_start3A, %dma_start3A_4, %dma_start3A_5] : memref<2x80x128xf32, #tpu.memory_space<vmem>> -> memref<1x80x128xf32, #tpu.memory_space<vmem>>
    %dma_start3A_7 = tpu.memref_squeeze %dma_start3A_6 : memref<1x80x128xf32, #tpu.memory_space<vmem>> -> memref<80x128xf32, #tpu.memory_space<vmem>>
    %dma_start3A_8 = tpu.memref_slice %arg8[%multiple_of3A_3] : memref<10000xi32, #tpu.memory_space<vmem>> -> memref<80xi32, #tpu.memory_space<vmem>>
    %dma_start3A_9 = arith.constant 0 : i32
    %dma_start3A_10 = arith.constant 0 : i32
    %dma_start3A_11 = tpu.memref_slice %arg2[%dma_start3A_9, %dma_start3A_10] : memref<40000x128xf32, #tpu.memory_space<hbm>> -> memref<40000x128xf32, #tpu.memory_space<hbm>>
    tpu.enqueue_indirect_dma source(%dma_start3A_11 : memref<40000x128xf32, #tpu.memory_space<hbm>>) target(%dma_start3A_7 : memref<80x128xf32, #tpu.memory_space<vmem>>) offsets(%dma_start3A_8 : memref<80xi32, #tpu.memory_space<vmem>>) semaphore(%arg11 : memref<!tpu.dma_semaphore, #tpu.memory_space<semaphore_mem>>)
    %scan3A = arith.constant 0 : i32
    %scan3A_12 = arith.constant 0 : i32
    %scan3A_13 = arith.constant 62 : i32
    %scan3A_14 = arith.addi %scan3A_12, %scan3A_13 : i32
    %scan3A_15 = arith.constant 1 : i32
    scf.for %scan3A_104 = %scan3A_12 to %scan3A_14 step %scan3A_15  : i32 {
      %mul3A_105 = arith.constant 2 : i32
      %mul3A_106 = arith.muli %scan3A_104, %mul3A_105 : i32
      %gt3A = arith.constant 0 : i32
      %gt3A_107 = arith.cmpi sgt, %scan3A_104, %gt3A : i32
      %convert_element_type3A = arith.extui %gt3A_107 : i1 to i32
      %cond3A = arith.constant 0 : i32
      %cond3A_108 = arith.cmpi ne, %convert_element_type3A, %cond3A : i32
      scf.if %cond3A_108 {
        %dma_wait3A_181 = arith.constant 0 : i32
        %dma_wait3A_182 = arith.constant 0 : i32
        %dma_wait3A_183 = arith.constant 0 : i32
        %dma_wait3A_184 = tpu.memref_slice %arg10[%dma_wait3A_181, %dma_wait3A_182, %dma_wait3A_183] : memref<2x80x128xf32, #tpu.memory_space<vmem>> -> memref<1x80x128xf32, #tpu.memory_space<vmem>>
        %dma_wait3A_185 = tpu.memref_squeeze %dma_wait3A_184 : memref<1x80x128xf32, #tpu.memory_space<vmem>> -> memref<80x128xf32, #tpu.memory_space<vmem>>
        %dma_wait3A_186 = arith.constant 0 : i32
        %dma_wait3A_187 = arith.constant 0 : i32
        %dma_wait3A_188 = tpu.memref_slice %arg2[%dma_wait3A_186, %dma_wait3A_187] : memref<40000x128xf32, #tpu.memory_space<hbm>> -> memref<80x128xf32, #tpu.memory_space<hbm>>
        %dma_wait3A_189 = arith.constant 0 : i32
        %dma_wait3A_190 = arith.constant 0 : i32
        %dma_wait3A_191 = tpu.memref_slice %arg10[%dma_wait3A_181, %dma_wait3A_189, %dma_wait3A_190] : memref<2x80x128xf32, #tpu.memory_space<vmem>> -> memref<1x80x128xf32, #tpu.memory_space<vmem>>
        %dma_wait3A_192 = tpu.memref_squeeze %dma_wait3A_191 : memref<1x80x128xf32, #tpu.memory_space<vmem>> -> memref<80x128xf32, #tpu.memory_space<vmem>>
        %dma_wait3A_193 = arith.constant 0 : i32
        %dma_wait3A_194 = arith.constant 0 : i32
        %dma_wait3A_195 = tpu.memref_slice %arg2[%dma_wait3A_193, %dma_wait3A_194] : memref<40000x128xf32, #tpu.memory_space<hbm>> -> memref<80x128xf32, #tpu.memory_space<hbm>>
        tpu.wait_dma2 semaphore(%arg14 : memref<!tpu.dma_semaphore, #tpu.memory_space<semaphore_mem>>) src(%dma_wait3A_195 : memref<80x128xf32, #tpu.memory_space<hbm>>) dst(%dma_wait3A_192 : memref<80x128xf32, #tpu.memory_space<vmem>>)
      } else {
      }
      %add3A_109 = arith.constant 1 : i32
      %add3A_110 = arith.addi %mul3A_106, %add3A_109 : i32
      %mul3A_111 = arith.constant 80 : i32
      %mul3A_112 = arith.muli %add3A_110, %mul3A_111 : i32
      %multiple_of3A_113 = tpu.assume_multiple %mul3A_112, 8 : i32
      %dma_start3A_114 = arith.constant 1 : i32
      %dma_start3A_115 = arith.constant 0 : i32
      %dma_start3A_116 = arith.constant 0 : i32
      %dma_start3A_117 = tpu.memref_slice %arg10[%dma_start3A_114, %dma_start3A_115, %dma_start3A_116] : memref<2x80x128xf32, #tpu.memory_space<vmem>> -> memref<1x80x128xf32, #tpu.memory_space<vmem>>
      %dma_start3A_118 = tpu.memref_squeeze %dma_start3A_117 : memref<1x80x128xf32, #tpu.memory_space<vmem>> -> memref<80x128xf32, #tpu.memory_space<vmem>>
      %dma_start3A_119 = tpu.memref_slice %arg8[%multiple_of3A_113] : memref<10000xi32, #tpu.memory_space<vmem>> -> memref<80xi32, #tpu.memory_space<vmem>>
      %dma_start3A_120 = arith.constant 0 : i32
      %dma_start3A_121 = arith.constant 0 : i32
      %dma_start3A_122 = tpu.memref_slice %arg2[%dma_start3A_120, %dma_start3A_121] : memref<40000x128xf32, #tpu.memory_space<hbm>> -> memref<40000x128xf32, #tpu.memory_space<hbm>>
      tpu.enqueue_indirect_dma source(%dma_start3A_122 : memref<40000x128xf32, #tpu.memory_space<hbm>>) target(%dma_start3A_118 : memref<80x128xf32, #tpu.memory_space<vmem>>) offsets(%dma_start3A_119 : memref<80xi32, #tpu.memory_space<vmem>>) semaphore(%arg12 : memref<!tpu.dma_semaphore, #tpu.memory_space<semaphore_mem>>)
      %dma_wait3A_123 = arith.constant 0 : i32
      %dma_wait3A_124 = arith.constant 0 : i32
      %dma_wait3A_125 = arith.constant 0 : i32
      %dma_wait3A_126 = tpu.memref_slice %arg10[%dma_wait3A_123, %dma_wait3A_124, %dma_wait3A_125] : memref<2x80x128xf32, #tpu.memory_space<vmem>> -> memref<1x80x128xf32, #tpu.memory_space<vmem>>
      %dma_wait3A_127 = tpu.memref_squeeze %dma_wait3A_126 : memref<1x80x128xf32, #tpu.memory_space<vmem>> -> memref<80x128xf32, #tpu.memory_space<vmem>>
      %dma_wait3A_128 = arith.constant 0 : i32
      %dma_wait3A_129 = arith.constant 0 : i32
      %dma_wait3A_130 = tpu.memref_slice %arg2[%dma_wait3A_128, %dma_wait3A_129] : memref<40000x128xf32, #tpu.memory_space<hbm>> -> memref<80x128xf32, #tpu.memory_space<hbm>>
      %dma_wait3A_131 = arith.constant 0 : i32
      %dma_wait3A_132 = arith.constant 0 : i32
      %dma_wait3A_133 = tpu.memref_slice %arg10[%dma_wait3A_123, %dma_wait3A_131, %dma_wait3A_132] : memref<2x80x128xf32, #tpu.memory_space<vmem>> -> memref<1x80x128xf32, #tpu.memory_space<vmem>>
      %dma_wait3A_134 = tpu.memref_squeeze %dma_wait3A_133 : memref<1x80x128xf32, #tpu.memory_space<vmem>> -> memref<80x128xf32, #tpu.memory_space<vmem>>
      %dma_wait3A_135 = arith.constant 0 : i32
      %dma_wait3A_136 = arith.constant 0 : i32
      %dma_wait3A_137 = tpu.memref_slice %arg2[%dma_wait3A_135, %dma_wait3A_136] : memref<40000x128xf32, #tpu.memory_space<hbm>> -> memref<80x128xf32, #tpu.memory_space<hbm>>
      tpu.wait_dma2 semaphore(%arg11 : memref<!tpu.dma_semaphore, #tpu.memory_space<semaphore_mem>>) src(%dma_wait3A_137 : memref<80x128xf32, #tpu.memory_space<hbm>>) dst(%dma_wait3A_134 : memref<80x128xf32, #tpu.memory_space<vmem>>)
      %dma_start3A_138 = arith.constant 0 : i32
      %dma_start3A_139 = arith.constant 0 : i32
      %dma_start3A_140 = arith.constant 0 : i32
      %dma_start3A_141 = tpu.memref_slice %arg10[%dma_start3A_138, %dma_start3A_139, %dma_start3A_140] : memref<2x80x128xf32, #tpu.memory_space<vmem>> -> memref<1x80x128xf32, #tpu.memory_space<vmem>>
      %dma_start3A_142 = tpu.memref_squeeze %dma_start3A_141 : memref<1x80x128xf32, #tpu.memory_space<vmem>> -> memref<80x128xf32, #tpu.memory_space<vmem>>
      %dma_start3A_143 = arith.constant 0 : i32
      %dma_start3A_144 = tpu.memref_slice %arg9[%mul3A_106, %dma_start3A_143] : memref<125x80xi32, #tpu.memory_space<vmem>> -> memref<1x80xi32, #tpu.memory_space<vmem>>
      %dma_start3A_145 = tpu.memref_squeeze %dma_start3A_144 : memref<1x80xi32, #tpu.memory_space<vmem>> -> memref<80xi32, #tpu.memory_space<vmem>>
      %dma_start3A_146 = arith.constant 0 : i32
      %dma_start3A_147 = arith.constant 0 : i32
      %dma_start3A_148 = tpu.memref_slice %arg7[%dma_start3A_146, %dma_start3A_147] : memref<10240x128xf32, #tpu.memory_space<vmem_shared>> -> memref<10240x128xf32, #tpu.memory_space<vmem_shared>>
      tpu.enqueue_indirect_dma source(%dma_start3A_142 : memref<80x128xf32, #tpu.memory_space<vmem>>) target(%dma_start3A_148 : memref<10240x128xf32, #tpu.memory_space<vmem_shared>>) offsets(%dma_start3A_145 : memref<80xi32, #tpu.memory_space<vmem>>) semaphore(%arg13 : memref<!tpu.dma_semaphore, #tpu.memory_space<semaphore_mem>>) {add = true}
      %lt3A = arith.constant 61 : i32
      %lt3A_149 = arith.cmpi slt, %scan3A_104, %lt3A : i32
      %convert_element_type3A_150 = arith.extui %lt3A_149 : i1 to i32
      %cond3A_151 = arith.constant 0 : i32
      %cond3A_152 = arith.cmpi ne, %convert_element_type3A_150, %cond3A_151 : i32
      scf.if %cond3A_152 {
        %dma_wait3A_181 = arith.constant 0 : i32
        %dma_wait3A_182 = arith.constant 0 : i32
        %dma_wait3A_183 = arith.constant 0 : i32
        %dma_wait3A_184 = tpu.memref_slice %arg10[%dma_wait3A_181, %dma_wait3A_182, %dma_wait3A_183] : memref<2x80x128xf32, #tpu.memory_space<vmem>> -> memref<1x80x128xf32, #tpu.memory_space<vmem>>
        %dma_wait3A_185 = tpu.memref_squeeze %dma_wait3A_184 : memref<1x80x128xf32, #tpu.memory_space<vmem>> -> memref<80x128xf32, #tpu.memory_space<vmem>>
        %dma_wait3A_186 = arith.constant 0 : i32
        %dma_wait3A_187 = arith.constant 0 : i32
        %dma_wait3A_188 = tpu.memref_slice %arg2[%dma_wait3A_186, %dma_wait3A_187] : memref<40000x128xf32, #tpu.memory_space<hbm>> -> memref<80x128xf32, #tpu.memory_space<hbm>>
        %dma_wait3A_189 = arith.constant 0 : i32
        %dma_wait3A_190 = arith.constant 0 : i32
        %dma_wait3A_191 = tpu.memref_slice %arg10[%dma_wait3A_181, %dma_wait3A_189, %dma_wait3A_190] : memref<2x80x128xf32, #tpu.memory_space<vmem>> -> memref<1x80x128xf32, #tpu.memory_space<vmem>>
        %dma_wait3A_192 = tpu.memref_squeeze %dma_wait3A_191 : memref<1x80x128xf32, #tpu.memory_space<vmem>> -> memref<80x128xf32, #tpu.memory_space<vmem>>
        %dma_wait3A_193 = arith.constant 0 : i32
        %dma_wait3A_194 = arith.constant 0 : i32
        %dma_wait3A_195 = tpu.memref_slice %arg2[%dma_wait3A_193, %dma_wait3A_194] : memref<40000x128xf32, #tpu.memory_space<hbm>> -> memref<80x128xf32, #tpu.memory_space<hbm>>
        tpu.wait_dma2 semaphore(%arg13 : memref<!tpu.dma_semaphore, #tpu.memory_space<semaphore_mem>>) src(%dma_wait3A_195 : memref<80x128xf32, #tpu.memory_space<hbm>>) dst(%dma_wait3A_192 : memref<80x128xf32, #tpu.memory_space<vmem>>)
        %add3A_196 = arith.constant 2 : i32
        %add3A_197 = arith.addi %mul3A_106, %add3A_196 : i32
        %mul3A_198 = arith.constant 80 : i32
        %mul3A_199 = arith.muli %add3A_197, %mul3A_198 : i32
        %multiple_of3A_200 = tpu.assume_multiple %mul3A_199, 8 : i32
        %dma_start3A_201 = arith.constant 0 : i32
        %dma_start3A_202 = arith.constant 0 : i32
        %dma_start3A_203 = arith.constant 0 : i32
        %dma_start3A_204 = tpu.memref_slice %arg10[%dma_start3A_201, %dma_start3A_202, %dma_start3A_203] : memref<2x80x128xf32, #tpu.memory_space<vmem>> -> memref<1x80x128xf32, #tpu.memory_space<vmem>>
        %dma_start3A_205 = tpu.memref_squeeze %dma_start3A_204 : memref<1x80x128xf32, #tpu.memory_space<vmem>> -> memref<80x128xf32, #tpu.memory_space<vmem>>
        %dma_start3A_206 = tpu.memref_slice %arg8[%multiple_of3A_200] : memref<10000xi32, #tpu.memory_space<vmem>> -> memref<80xi32, #tpu.memory_space<vmem>>
        %dma_start3A_207 = arith.constant 0 : i32
        %dma_start3A_208 = arith.constant 0 : i32
        %dma_start3A_209 = tpu.memref_slice %arg2[%dma_start3A_207, %dma_start3A_208] : memref<40000x128xf32, #tpu.memory_space<hbm>> -> memref<40000x128xf32, #tpu.memory_space<hbm>>
        tpu.enqueue_indirect_dma source(%dma_start3A_209 : memref<40000x128xf32, #tpu.memory_space<hbm>>) target(%dma_start3A_205 : memref<80x128xf32, #tpu.memory_space<vmem>>) offsets(%dma_start3A_206 : memref<80xi32, #tpu.memory_space<vmem>>) semaphore(%arg11 : memref<!tpu.dma_semaphore, #tpu.memory_space<semaphore_mem>>)
      } else {
      }
      %dma_wait3A_153 = arith.constant 1 : i32
      %dma_wait3A_154 = arith.constant 0 : i32
      %dma_wait3A_155 = arith.constant 0 : i32
      %dma_wait3A_156 = tpu.memref_slice %arg10[%dma_wait3A_153, %dma_wait3A_154, %dma_wait3A_155] : memref<2x80x128xf32, #tpu.memory_space<vmem>> -> memref<1x80x128xf32, #tpu.memory_space<vmem>>
      %dma_wait3A_157 = tpu.memref_squeeze %dma_wait3A_156 : memref<1x80x128xf32, #tpu.memory_space<vmem>> -> memref<80x128xf32, #tpu.memory_space<vmem>>
      %dma_wait3A_158 = arith.constant 0 : i32
      %dma_wait3A_159 = arith.constant 0 : i32
      %dma_wait3A_160 = tpu.memref_slice %arg2[%dma_wait3A_158, %dma_wait3A_159] : memref<40000x128xf32, #tpu.memory_space<hbm>> -> memref<80x128xf32, #tpu.memory_space<hbm>>
      %dma_wait3A_161 = arith.constant 0 : i32
      %dma_wait3A_162 = arith.constant 0 : i32
      %dma_wait3A_163 = tpu.memref_slice %arg10[%dma_wait3A_153, %dma_wait3A_161, %dma_wait3A_162] : memref<2x80x128xf32, #tpu.memory_space<vmem>> -> memref<1x80x128xf32, #tpu.memory_space<vmem>>
      %dma_wait3A_164 = tpu.memref_squeeze %dma_wait3A_163 : memref<1x80x128xf32, #tpu.memory_space<vmem>> -> memref<80x128xf32, #tpu.memory_space<vmem>>
      %dma_wait3A_165 = arith.constant 0 : i32
      %dma_wait3A_166 = arith.constant 0 : i32
      %dma_wait3A_167 = tpu.memref_slice %arg2[%dma_wait3A_165, %dma_wait3A_166] : memref<40000x128xf32, #tpu.memory_space<hbm>> -> memref<80x128xf32, #tpu.memory_space<hbm>>
      tpu.wait_dma2 semaphore(%arg12 : memref<!tpu.dma_semaphore, #tpu.memory_space<semaphore_mem>>) src(%dma_wait3A_167 : memref<80x128xf32, #tpu.memory_space<hbm>>) dst(%dma_wait3A_164 : memref<80x128xf32, #tpu.memory_space<vmem>>)
      %add3A_168 = arith.constant 1 : i32
      %add3A_169 = arith.addi %mul3A_106, %add3A_168 : i32
      %dma_start3A_170 = arith.constant 1 : i32
      %dma_start3A_171 = arith.constant 0 : i32
      %dma_start3A_172 = arith.constant 0 : i32
      %dma_start3A_173 = tpu.memref_slice %arg10[%dma_start3A_170, %dma_start3A_171, %dma_start3A_172] : memref<2x80x128xf32, #tpu.memory_space<vmem>> -> memref<1x80x128xf32, #tpu.memory_space<vmem>>
      %dma_start3A_174 = tpu.memref_squeeze %dma_start3A_173 : memref<1x80x128xf32, #tpu.memory_space<vmem>> -> memref<80x128xf32, #tpu.memory_space<vmem>>
      %dma_start3A_175 = arith.constant 0 : i32
      %dma_start3A_176 = tpu.memref_slice %arg9[%add3A_169, %dma_start3A_175] : memref<125x80xi32, #tpu.memory_space<vmem>> -> memref<1x80xi32, #tpu.memory_space<vmem>>
      %dma_start3A_177 = tpu.memref_squeeze %dma_start3A_176 : memref<1x80xi32, #tpu.memory_space<vmem>> -> memref<80xi32, #tpu.memory_space<vmem>>
      %dma_start3A_178 = arith.constant 0 : i32
      %dma_start3A_179 = arith.constant 0 : i32
      %dma_start3A_180 = tpu.memref_slice %arg7[%dma_start3A_178, %dma_start3A_179] : memref<10240x128xf32, #tpu.memory_space<vmem_shared>> -> memref<10240x128xf32, #tpu.memory_space<vmem_shared>>
      tpu.enqueue_indirect_dma source(%dma_start3A_174 : memref<80x128xf32, #tpu.memory_space<vmem>>) target(%dma_start3A_180 : memref<10240x128xf32, #tpu.memory_space<vmem_shared>>) offsets(%dma_start3A_177 : memref<80xi32, #tpu.memory_space<vmem>>) semaphore(%arg14 : memref<!tpu.dma_semaphore, #tpu.memory_space<semaphore_mem>>) {add = true}
    }
    %scan3A_16 = arith.constant 62 : i32
    %dma_wait3A = arith.constant 0 : i32
    %dma_wait3A_17 = arith.constant 0 : i32
    %dma_wait3A_18 = arith.constant 0 : i32
    %dma_wait3A_19 = tpu.memref_slice %arg10[%dma_wait3A, %dma_wait3A_17, %dma_wait3A_18] : memref<2x80x128xf32, #tpu.memory_space<vmem>> -> memref<1x80x128xf32, #tpu.memory_space<vmem>>
    %dma_wait3A_20 = tpu.memref_squeeze %dma_wait3A_19 : memref<1x80x128xf32, #tpu.memory_space<vmem>> -> memref<80x128xf32, #tpu.memory_space<vmem>>
    %dma_wait3A_21 = arith.constant 0 : i32
    %dma_wait3A_22 = arith.constant 0 : i32
    %dma_wait3A_23 = tpu.memref_slice %arg2[%dma_wait3A_21, %dma_wait3A_22] : memref<40000x128xf32, #tpu.memory_space<hbm>> -> memref<80x128xf32, #tpu.memory_space<hbm>>
    %dma_wait3A_24 = arith.constant 0 : i32
    %dma_wait3A_25 = arith.constant 0 : i32
    %dma_wait3A_26 = tpu.memref_slice %arg10[%dma_wait3A, %dma_wait3A_24, %dma_wait3A_25] : memref<2x80x128xf32, #tpu.memory_space<vmem>> -> memref<1x80x128xf32, #tpu.memory_space<vmem>>
    %dma_wait3A_27 = tpu.memref_squeeze %dma_wait3A_26 : memref<1x80x128xf32, #tpu.memory_space<vmem>> -> memref<80x128xf32, #tpu.memory_space<vmem>>
    %dma_wait3A_28 = arith.constant 0 : i32
    %dma_wait3A_29 = arith.constant 0 : i32
    %dma_wait3A_30 = tpu.memref_slice %arg2[%dma_wait3A_28, %dma_wait3A_29] : memref<40000x128xf32, #tpu.memory_space<hbm>> -> memref<80x128xf32, #tpu.memory_space<hbm>>
    tpu.wait_dma2 semaphore(%arg13 : memref<!tpu.dma_semaphore, #tpu.memory_space<semaphore_mem>>) src(%dma_wait3A_30 : memref<80x128xf32, #tpu.memory_space<hbm>>) dst(%dma_wait3A_27 : memref<80x128xf32, #tpu.memory_space<vmem>>)
    %multiple_of3A_31 = arith.constant 9920 : i32
    %multiple_of3A_32 = tpu.assume_multiple %multiple_of3A_31, 8 : i32
    %dma_start3A_33 = arith.constant 0 : i32
    %dma_start3A_34 = arith.constant 0 : i32
    %dma_start3A_35 = arith.constant 0 : i32
    %dma_start3A_36 = tpu.memref_slice %arg10[%dma_start3A_33, %dma_start3A_34, %dma_start3A_35] : memref<2x80x128xf32, #tpu.memory_space<vmem>> -> memref<1x80x128xf32, #tpu.memory_space<vmem>>
    %dma_start3A_37 = tpu.memref_squeeze %dma_start3A_36 : memref<1x80x128xf32, #tpu.memory_space<vmem>> -> memref<80x128xf32, #tpu.memory_space<vmem>>
    %dma_start3A_38 = tpu.memref_slice %arg8[%multiple_of3A_32] : memref<10000xi32, #tpu.memory_space<vmem>> -> memref<80xi32, #tpu.memory_space<vmem>>
    %dma_start3A_39 = arith.constant 0 : i32
    %dma_start3A_40 = arith.constant 0 : i32
    %dma_start3A_41 = tpu.memref_slice %arg2[%dma_start3A_39, %dma_start3A_40] : memref<40000x128xf32, #tpu.memory_space<hbm>> -> memref<40000x128xf32, #tpu.memory_space<hbm>>
    tpu.enqueue_indirect_dma source(%dma_start3A_41 : memref<40000x128xf32, #tpu.memory_space<hbm>>) target(%dma_start3A_37 : memref<80x128xf32, #tpu.memory_space<vmem>>) offsets(%dma_start3A_38 : memref<80xi32, #tpu.memory_space<vmem>>) semaphore(%arg11 : memref<!tpu.dma_semaphore, #tpu.memory_space<semaphore_mem>>)
    %dma_wait3A_42 = arith.constant 0 : i32
    %dma_wait3A_43 = arith.constant 0 : i32
    %dma_wait3A_44 = arith.constant 0 : i32
    %dma_wait3A_45 = tpu.memref_slice %arg10[%dma_wait3A_42, %dma_wait3A_43, %dma_wait3A_44] : memref<2x80x128xf32, #tpu.memory_space<vmem>> -> memref<1x80x128xf32, #tpu.memory_space<vmem>>
    %dma_wait3A_46 = tpu.memref_squeeze %dma_wait3A_45 : memref<1x80x128xf32, #tpu.memory_space<vmem>> -> memref<80x128xf32, #tpu.memory_space<vmem>>
    %dma_wait3A_47 = arith.constant 0 : i32
    %dma_wait3A_48 = arith.constant 0 : i32
    %dma_wait3A_49 = tpu.memref_slice %arg2[%dma_wait3A_47, %dma_wait3A_48] : memref<40000x128xf32, #tpu.memory_space<hbm>> -> memref<80x128xf32, #tpu.memory_space<hbm>>
    %dma_wait3A_50 = arith.constant 0 : i32
    %dma_wait3A_51 = arith.constant 0 : i32
    %dma_wait3A_52 = tpu.memref_slice %arg10[%dma_wait3A_42, %dma_wait3A_50, %dma_wait3A_51] : memref<2x80x128xf32, #tpu.memory_space<vmem>> -> memref<1x80x128xf32, #tpu.memory_space<vmem>>
    %dma_wait3A_53 = tpu.memref_squeeze %dma_wait3A_52 : memref<1x80x128xf32, #tpu.memory_space<vmem>> -> memref<80x128xf32, #tpu.memory_space<vmem>>
    %dma_wait3A_54 = arith.constant 0 : i32
    %dma_wait3A_55 = arith.constant 0 : i32
    %dma_wait3A_56 = tpu.memref_slice %arg2[%dma_wait3A_54, %dma_wait3A_55] : memref<40000x128xf32, #tpu.memory_space<hbm>> -> memref<80x128xf32, #tpu.memory_space<hbm>>
    tpu.wait_dma2 semaphore(%arg14 : memref<!tpu.dma_semaphore, #tpu.memory_space<semaphore_mem>>) src(%dma_wait3A_56 : memref<80x128xf32, #tpu.memory_space<hbm>>) dst(%dma_wait3A_53 : memref<80x128xf32, #tpu.memory_space<vmem>>)
    %dma_wait3A_57 = arith.constant 0 : i32
    %dma_wait3A_58 = arith.constant 0 : i32
    %dma_wait3A_59 = arith.constant 0 : i32
    %dma_wait3A_60 = tpu.memref_slice %arg10[%dma_wait3A_57, %dma_wait3A_58, %dma_wait3A_59] : memref<2x80x128xf32, #tpu.memory_space<vmem>> -> memref<1x80x128xf32, #tpu.memory_space<vmem>>
    %dma_wait3A_61 = tpu.memref_squeeze %dma_wait3A_60 : memref<1x80x128xf32, #tpu.memory_space<vmem>> -> memref<80x128xf32, #tpu.memory_space<vmem>>
    %dma_wait3A_62 = arith.constant 0 : i32
    %dma_wait3A_63 = arith.constant 0 : i32
    %dma_wait3A_64 = tpu.memref_slice %arg2[%dma_wait3A_62, %dma_wait3A_63] : memref<40000x128xf32, #tpu.memory_space<hbm>> -> memref<80x128xf32, #tpu.memory_space<hbm>>
    %dma_wait3A_65 = arith.constant 0 : i32
    %dma_wait3A_66 = arith.constant 0 : i32
    %dma_wait3A_67 = tpu.memref_slice %arg10[%dma_wait3A_57, %dma_wait3A_65, %dma_wait3A_66] : memref<2x80x128xf32, #tpu.memory_space<vmem>> -> memref<1x80x128xf32, #tpu.memory_space<vmem>>
    %dma_wait3A_68 = tpu.memref_squeeze %dma_wait3A_67 : memref<1x80x128xf32, #tpu.memory_space<vmem>> -> memref<80x128xf32, #tpu.memory_space<vmem>>
    %dma_wait3A_69 = arith.constant 0 : i32
    %dma_wait3A_70 = arith.constant 0 : i32
    %dma_wait3A_71 = tpu.memref_slice %arg2[%dma_wait3A_69, %dma_wait3A_70] : memref<40000x128xf32, #tpu.memory_space<hbm>> -> memref<80x128xf32, #tpu.memory_space<hbm>>
    tpu.wait_dma2 semaphore(%arg11 : memref<!tpu.dma_semaphore, #tpu.memory_space<semaphore_mem>>) src(%dma_wait3A_71 : memref<80x128xf32, #tpu.memory_space<hbm>>) dst(%dma_wait3A_68 : memref<80x128xf32, #tpu.memory_space<vmem>>)
    %dma_start3A_72 = arith.constant 0 : i32
    %dma_start3A_73 = arith.constant 124 : i32
    %dma_start3A_74 = arith.constant 0 : i32
    %dma_start3A_75 = arith.constant 0 : i32
    %dma_start3A_76 = tpu.memref_slice %arg10[%dma_start3A_72, %dma_start3A_74, %dma_start3A_75] : memref<2x80x128xf32, #tpu.memory_space<vmem>> -> memref<1x80x128xf32, #tpu.memory_space<vmem>>
    %dma_start3A_77 = tpu.memref_squeeze %dma_start3A_76 : memref<1x80x128xf32, #tpu.memory_space<vmem>> -> memref<80x128xf32, #tpu.memory_space<vmem>>
    %dma_start3A_78 = arith.constant 0 : i32
    %dma_start3A_79 = tpu.memref_slice %arg9[%dma_start3A_73, %dma_start3A_78] : memref<125x80xi32, #tpu.memory_space<vmem>> -> memref<1x80xi32, #tpu.memory_space<vmem>>
    %dma_start3A_80 = tpu.memref_squeeze %dma_start3A_79 : memref<1x80xi32, #tpu.memory_space<vmem>> -> memref<80xi32, #tpu.memory_space<vmem>>
    %dma_start3A_81 = arith.constant 0 : i32
    %dma_start3A_82 = arith.constant 0 : i32
    %dma_start3A_83 = tpu.memref_slice %arg7[%dma_start3A_81, %dma_start3A_82] : memref<10240x128xf32, #tpu.memory_space<vmem_shared>> -> memref<10240x128xf32, #tpu.memory_space<vmem_shared>>
    tpu.enqueue_indirect_dma source(%dma_start3A_77 : memref<80x128xf32, #tpu.memory_space<vmem>>) target(%dma_start3A_83 : memref<10240x128xf32, #tpu.memory_space<vmem_shared>>) offsets(%dma_start3A_80 : memref<80xi32, #tpu.memory_space<vmem>>) semaphore(%arg13 : memref<!tpu.dma_semaphore, #tpu.memory_space<semaphore_mem>>) {add = true}
    %dma_wait3A_84 = arith.constant 0 : i32
    %dma_wait3A_85 = arith.constant 0 : i32
    %dma_wait3A_86 = arith.constant 0 : i32
    %dma_wait3A_87 = tpu.memref_slice %arg10[%dma_wait3A_84, %dma_wait3A_85, %dma_wait3A_86] : memref<2x80x128xf32, #tpu.memory_space<vmem>> -> memref<1x80x128xf32, #tpu.memory_space<vmem>>
    %dma_wait3A_88 = tpu.memref_squeeze %dma_wait3A_87 : memref<1x80x128xf32, #tpu.memory_space<vmem>> -> memref<80x128xf32, #tpu.memory_space<vmem>>
    %dma_wait3A_89 = arith.constant 0 : i32
    %dma_wait3A_90 = arith.constant 0 : i32
    %dma_wait3A_91 = tpu.memref_slice %arg2[%dma_wait3A_89, %dma_wait3A_90] : memref<40000x128xf32, #tpu.memory_space<hbm>> -> memref<80x128xf32, #tpu.memory_space<hbm>>
    %dma_wait3A_92 = arith.constant 0 : i32
    %dma_wait3A_93 = arith.constant 0 : i32
    %dma_wait3A_94 = tpu.memref_slice %arg10[%dma_wait3A_84, %dma_wait3A_92, %dma_wait3A_93] : memref<2x80x128xf32, #tpu.memory_space<vmem>> -> memref<1x80x128xf32, #tpu.memory_space<vmem>>
    %dma_wait3A_95 = tpu.memref_squeeze %dma_wait3A_94 : memref<1x80x128xf32, #tpu.memory_space<vmem>> -> memref<80x128xf32, #tpu.memory_space<vmem>>
    %dma_wait3A_96 = arith.constant 0 : i32
    %dma_wait3A_97 = arith.constant 0 : i32
    %dma_wait3A_98 = tpu.memref_slice %arg2[%dma_wait3A_96, %dma_wait3A_97] : memref<40000x128xf32, #tpu.memory_space<hbm>> -> memref<80x128xf32, #tpu.memory_space<hbm>>
    tpu.wait_dma2 semaphore(%arg13 : memref<!tpu.dma_semaphore, #tpu.memory_space<semaphore_mem>>) src(%dma_wait3A_98 : memref<80x128xf32, #tpu.memory_space<hbm>>) dst(%dma_wait3A_95 : memref<80x128xf32, #tpu.memory_space<vmem>>)
    %barrier3A_99 = arith.constant 0 : index
    tpu.barrier barrier_id(%barrier3A_99)
    %mul3A_100 = arith.constant 640 : i32
    %mul3A_101 = arith.muli %arg1, %mul3A_100 : i32
    %mul3A_102 = arith.constant 640 : i32
    %mul3A_103 = arith.muli %arg1, %mul3A_102 : i32
    "tpu.region"() ({
      %run_scoped3A = tpu.sem_alloc : memref<!tpu.dma_semaphore, #tpu.memory_space<semaphore_mem>>
      %dma_start3A_104 = arith.constant 0 : i32
      %dma_start3A_105 = tpu.memref_slice %arg6[%arg0, %mul3A_103, %dma_start3A_104] : memref<2x10240x128xf32, #tpu.memory_space<hbm>> -> memref<1x640x128xf32, #tpu.memory_space<hbm>>
      %dma_start3A_106 = tpu.memref_squeeze %dma_start3A_105 : memref<1x640x128xf32, #tpu.memory_space<hbm>> -> memref<640x128xf32, #tpu.memory_space<hbm>>
      %dma_start3A_107 = arith.constant 0 : i32
      %dma_start3A_108 = tpu.memref_slice %arg7[%mul3A_101, %dma_start3A_107] : memref<10240x128xf32, #tpu.memory_space<vmem_shared>> -> memref<640x128xf32, #tpu.memory_space<vmem_shared>>
      tpu.enqueue_dma source(%dma_start3A_108 : memref<640x128xf32, #tpu.memory_space<vmem_shared>>) target(%dma_start3A_106 : memref<640x128xf32, #tpu.memory_space<hbm>>) target_semaphore(%run_scoped3A : memref<!tpu.dma_semaphore, #tpu.memory_space<semaphore_mem>>)
      %dma_wait3A_109 = arith.constant 0 : i32
      %dma_wait3A_110 = tpu.memref_slice %arg6[%arg0, %mul3A_103, %dma_wait3A_109] : memref<2x10240x128xf32, #tpu.memory_space<hbm>> -> memref<1x640x128xf32, #tpu.memory_space<hbm>>
      %dma_wait3A_111 = tpu.memref_squeeze %dma_wait3A_110 : memref<1x640x128xf32, #tpu.memory_space<hbm>> -> memref<640x128xf32, #tpu.memory_space<hbm>>
      %dma_wait3A_112 = arith.constant 0 : i32
      %dma_wait3A_113 = tpu.memref_slice %arg7[%mul3A_101, %dma_wait3A_112] : memref<10240x128xf32, #tpu.memory_space<vmem_shared>> -> memref<640x128xf32, #tpu.memory_space<vmem_shared>>
      tpu.wait_dma2 semaphore(%run_scoped3A : memref<!tpu.dma_semaphore, #tpu.memory_space<semaphore_mem>>) src(%dma_wait3A_113 : memref<640x128xf32, #tpu.memory_space<vmem_shared>>) dst(%dma_wait3A_111 : memref<640x128xf32, #tpu.memory_space<hbm>>)
      tpu.yield
    }) : () -> ()
    return
  }
}

#map = affine_map<(d0, d1) -> (0, 0)>
#map1 = affine_map<(d0, d1) -> (0, 0, 0)>
module attributes {stable_mosaic.version = 14 : i64} {
  func.func @_sc_body(%arg0: i32, %arg1: i32, %arg2: memref<40000x128xf32, #tpu.memory_space<hbm>>, %arg3: memref<32x10000xi32, #tpu.memory_space<hbm>>, %arg4: memref<32x125x80xi32, #tpu.memory_space<hbm>>, %arg5: memref<640x128xf32, #tpu.memory_space<hbm>>, %arg6: memref<2x10240x128xf32, #tpu.memory_space<hbm>>, %arg7: memref<10240x128xf32, #tpu.memory_space<vmem_shared>>, %arg8: memref<10000xi32, #tpu.memory_space<vmem>>, %arg9: memref<125x80xi32, #tpu.memory_space<vmem>>, %arg10: memref<2x80x128xf32, #tpu.memory_space<vmem>>, %arg11: memref<!tpu.dma_semaphore, #tpu.memory_space<semaphore_mem>>, %arg12: memref<!tpu.dma_semaphore, #tpu.memory_space<semaphore_mem>>, %arg13: memref<!tpu.dma_semaphore, #tpu.memory_space<semaphore_mem>>, %arg14: memref<!tpu.dma_semaphore, #tpu.memory_space<semaphore_mem>>) attributes {dimension_semantics = [#tpu.dimension_semantics<core_parallel>, #tpu.dimension_semantics<subcore_parallel>], iteration_bounds = array<i64: 2, 16>, scalar_prefetch = 0 : i64, scratch_operands = 8 : i64, tpu.core_type = #tpu.core_type<sc_vector_subcore>, window_params = [{transform_indices = #map}, {transform_indices = #map}, {transform_indices = #map1}, {transform_indices = #map}, {transform_indices = #map1}]} {
    %mul3A = arith.constant 2 : i32
    %mul3A_0 = arith.muli %arg1, %mul3A : i32
    %add3A = arith.addi %mul3A_0, %arg0 : i32
    %mul3A_1 = arith.constant 640 : i32
    %mul3A_2 = arith.muli %arg1, %mul3A_1 : i32
    "tpu.region"() ({
      %run_scoped3A = tpu.sem_alloc : memref<!tpu.dma_semaphore, #tpu.memory_space<semaphore_mem>>
      %dma_start3A_104 = arith.constant 0 : i32
      %dma_start3A_105 = tpu.memref_slice %arg7[%mul3A_2, %dma_start3A_104] : memref<10240x128xf32, #tpu.memory_space<vmem_shared>> -> memref<640x128xf32, #tpu.memory_space<vmem_shared>>
      tpu.enqueue_dma source(%arg5 : memref<640x128xf32, #tpu.memory_space<hbm>>) target(%dma_start3A_105 : memref<640x128xf32, #tpu.memory_space<vmem_shared>>) target_semaphore(%run_scoped3A : memref<!tpu.dma_semaphore, #tpu.memory_space<semaphore_mem>>)
      %dma_wait3A_106 = arith.constant 0 : i32
      %dma_wait3A_107 = tpu.memref_slice %arg7[%mul3A_2, %dma_wait3A_106] : memref<10240x128xf32, #tpu.memory_space<vmem_shared>> -> memref<640x128xf32, #tpu.memory_space<vmem_shared>>
      tpu.wait_dma2 semaphore(%run_scoped3A : memref<!tpu.dma_semaphore, #tpu.memory_space<semaphore_mem>>) src(%arg5 : memref<640x128xf32, #tpu.memory_space<hbm>>) dst(%dma_wait3A_107 : memref<640x128xf32, #tpu.memory_space<vmem_shared>>)
      tpu.yield
    }) : () -> ()
    "tpu.region"() ({
      %run_scoped3A = tpu.sem_alloc : memref<!tpu.dma_semaphore, #tpu.memory_space<semaphore_mem>>
      %dma_start3A_104 = arith.constant 0 : i32
      %dma_start3A_105 = tpu.memref_slice %arg3[%add3A, %dma_start3A_104] : memref<32x10000xi32, #tpu.memory_space<hbm>> -> memref<1x10000xi32, #tpu.memory_space<hbm>>
      %dma_start3A_106 = tpu.memref_squeeze %dma_start3A_105 : memref<1x10000xi32, #tpu.memory_space<hbm>> -> memref<10000xi32, #tpu.memory_space<hbm>>
      %dma_start3A_107 = arith.constant 0 : i32
      %dma_start3A_108 = tpu.memref_slice %arg3[%add3A, %dma_start3A_107] : memref<32x10000xi32, #tpu.memory_space<hbm>> -> memref<1x10000xi32, #tpu.memory_space<hbm>>
      %dma_start3A_109 = tpu.memref_squeeze %dma_start3A_108 : memref<1x10000xi32, #tpu.memory_space<hbm>> -> memref<10000xi32, #tpu.memory_space<hbm>>
      tpu.enqueue_dma source(%dma_start3A_109 : memref<10000xi32, #tpu.memory_space<hbm>>) target(%arg8 : memref<10000xi32, #tpu.memory_space<vmem>>) target_semaphore(%run_scoped3A : memref<!tpu.dma_semaphore, #tpu.memory_space<semaphore_mem>>)
      %dma_wait3A_110 = arith.constant 0 : i32
      %dma_wait3A_111 = tpu.memref_slice %arg3[%add3A, %dma_wait3A_110] : memref<32x10000xi32, #tpu.memory_space<hbm>> -> memref<1x10000xi32, #tpu.memory_space<hbm>>
      %dma_wait3A_112 = tpu.memref_squeeze %dma_wait3A_111 : memref<1x10000xi32, #tpu.memory_space<hbm>> -> memref<10000xi32, #tpu.memory_space<hbm>>
      %dma_wait3A_113 = arith.constant 0 : i32
      %dma_wait3A_114 = tpu.memref_slice %arg3[%add3A, %dma_wait3A_113] : memref<32x10000xi32, #tpu.memory_space<hbm>> -> memref<1x10000xi32, #tpu.memory_space<hbm>>
      %dma_wait3A_115 = tpu.memref_squeeze %dma_wait3A_114 : memref<1x10000xi32, #tpu.memory_space<hbm>> -> memref<10000xi32, #tpu.memory_space<hbm>>
      tpu.wait_dma2 semaphore(%run_scoped3A : memref<!tpu.dma_semaphore, #tpu.memory_space<semaphore_mem>>) src(%dma_wait3A_115 : memref<10000xi32, #tpu.memory_space<hbm>>) dst(%arg8 : memref<10000xi32, #tpu.memory_space<vmem>>)
      tpu.yield
    }) : () -> ()
    "tpu.region"() ({
      %run_scoped3A = tpu.sem_alloc : memref<!tpu.dma_semaphore, #tpu.memory_space<semaphore_mem>>
      %dma_start3A_104 = arith.constant 0 : i32
      %dma_start3A_105 = arith.constant 0 : i32
      %dma_start3A_106 = tpu.memref_slice %arg4[%add3A, %dma_start3A_104, %dma_start3A_105] : memref<32x125x80xi32, #tpu.memory_space<hbm>> -> memref<1x125x80xi32, #tpu.memory_space<hbm>>
      %dma_start3A_107 = tpu.memref_squeeze %dma_start3A_106 : memref<1x125x80xi32, #tpu.memory_space<hbm>> -> memref<125x80xi32, #tpu.memory_space<hbm>>
      %dma_start3A_108 = arith.constant 0 : i32
      %dma_start3A_109 = arith.constant 0 : i32
      %dma_start3A_110 = tpu.memref_slice %arg4[%add3A, %dma_start3A_108, %dma_start3A_109] : memref<32x125x80xi32, #tpu.memory_space<hbm>> -> memref<1x125x80xi32, #tpu.memory_space<hbm>>
      %dma_start3A_111 = tpu.memref_squeeze %dma_start3A_110 : memref<1x125x80xi32, #tpu.memory_space<hbm>> -> memref<125x80xi32, #tpu.memory_space<hbm>>
      tpu.enqueue_dma source(%dma_start3A_111 : memref<125x80xi32, #tpu.memory_space<hbm>>) target(%arg9 : memref<125x80xi32, #tpu.memory_space<vmem>>) target_semaphore(%run_scoped3A : memref<!tpu.dma_semaphore, #tpu.memory_space<semaphore_mem>>)
      %dma_wait3A_112 = arith.constant 0 : i32
      %dma_wait3A_113 = arith.constant 0 : i32
      %dma_wait3A_114 = tpu.memref_slice %arg4[%add3A, %dma_wait3A_112, %dma_wait3A_113] : memref<32x125x80xi32, #tpu.memory_space<hbm>> -> memref<1x125x80xi32, #tpu.memory_space<hbm>>
      %dma_wait3A_115 = tpu.memref_squeeze %dma_wait3A_114 : memref<1x125x80xi32, #tpu.memory_space<hbm>> -> memref<125x80xi32, #tpu.memory_space<hbm>>
      %dma_wait3A_116 = arith.constant 0 : i32
      %dma_wait3A_117 = arith.constant 0 : i32
      %dma_wait3A_118 = tpu.memref_slice %arg4[%add3A, %dma_wait3A_116, %dma_wait3A_117] : memref<32x125x80xi32, #tpu.memory_space<hbm>> -> memref<1x125x80xi32, #tpu.memory_space<hbm>>
      %dma_wait3A_119 = tpu.memref_squeeze %dma_wait3A_118 : memref<1x125x80xi32, #tpu.memory_space<hbm>> -> memref<125x80xi32, #tpu.memory_space<hbm>>
      tpu.wait_dma2 semaphore(%run_scoped3A : memref<!tpu.dma_semaphore, #tpu.memory_space<semaphore_mem>>) src(%dma_wait3A_119 : memref<125x80xi32, #tpu.memory_space<hbm>>) dst(%arg9 : memref<125x80xi32, #tpu.memory_space<vmem>>)
      tpu.yield
    }) : () -> ()
    %barrier3A = arith.constant 0 : index
    tpu.barrier barrier_id(%barrier3A)
    %multiple_of3A = arith.constant 0 : i32
    %multiple_of3A_3 = tpu.assume_multiple %multiple_of3A, 8 : i32
    %dma_start3A = arith.constant 0 : i32
    %dma_start3A_4 = arith.constant 0 : i32
    %dma_start3A_5 = arith.constant 0 : i32
    %dma_start3A_6 = tpu.memref_slice %arg10[%dma_start3A, %dma_start3A_4, %dma_start3A_5] : memref<2x80x128xf32, #tpu.memory_space<vmem>> -> memref<1x80x128xf32, #tpu.memory_space<vmem>>
    %dma_start3A_7 = tpu.memref_squeeze %dma_start3A_6 : memref<1x80x128xf32, #tpu.memory_space<vmem>> -> memref<80x128xf32, #tpu.memory_space<vmem>>
    %dma_start3A_8 = tpu.memref_slice %arg8[%multiple_of3A_3] : memref<10000xi32, #tpu.memory_space<vmem>> -> memref<80xi32, #tpu.memory_space<vmem>>
    %dma_start3A_9 = arith.constant 0 : i32
    %dma_start3A_10 = arith.constant 0 : i32
    %dma_start3A_11 = tpu.memref_slice %arg2[%dma_start3A_9, %dma_start3A_10] : memref<40000x128xf32, #tpu.memory_space<hbm>> -> memref<40000x128xf32, #tpu.memory_space<hbm>>
    tpu.enqueue_indirect_dma source(%dma_start3A_11 : memref<40000x128xf32, #tpu.memory_space<hbm>>) target(%dma_start3A_7 : memref<80x128xf32, #tpu.memory_space<vmem>>) offsets(%dma_start3A_8 : memref<80xi32, #tpu.memory_space<vmem>>) semaphore(%arg11 : memref<!tpu.dma_semaphore, #tpu.memory_space<semaphore_mem>>)
    %scan3A = arith.constant 0 : i32
    %scan3A_12 = arith.constant 0 : i32
    %scan3A_13 = arith.constant 62 : i32
    %scan3A_14 = arith.addi %scan3A_12, %scan3A_13 : i32
    %scan3A_15 = arith.constant 1 : i32
    scf.for %scan3A_104 = %scan3A_12 to %scan3A_14 step %scan3A_15  : i32 {
      %mul3A_105 = arith.constant 2 : i32
      %mul3A_106 = arith.muli %scan3A_104, %mul3A_105 : i32
      %gt3A = arith.constant 0 : i32
      %gt3A_107 = arith.cmpi sgt, %scan3A_104, %gt3A : i32
      %convert_element_type3A = arith.extui %gt3A_107 : i1 to i32
      %cond3A = arith.constant 0 : i32
      %cond3A_108 = arith.cmpi ne, %convert_element_type3A, %cond3A : i32
      scf.if %cond3A_108 {
        %dma_wait3A_181 = arith.constant 0 : i32
        %dma_wait3A_182 = arith.constant 0 : i32
        %dma_wait3A_183 = arith.constant 0 : i32
        %dma_wait3A_184 = tpu.memref_slice %arg10[%dma_wait3A_181, %dma_wait3A_182, %dma_wait3A_183] : memref<2x80x128xf32, #tpu.memory_space<vmem>> -> memref<1x80x128xf32, #tpu.memory_space<vmem>>
        %dma_wait3A_185 = tpu.memref_squeeze %dma_wait3A_184 : memref<1x80x128xf32, #tpu.memory_space<vmem>> -> memref<80x128xf32, #tpu.memory_space<vmem>>
        %dma_wait3A_186 = arith.constant 0 : i32
        %dma_wait3A_187 = arith.constant 0 : i32
        %dma_wait3A_188 = tpu.memref_slice %arg2[%dma_wait3A_186, %dma_wait3A_187] : memref<40000x128xf32, #tpu.memory_space<hbm>> -> memref<80x128xf32, #tpu.memory_space<hbm>>
        %dma_wait3A_189 = arith.constant 0 : i32
        %dma_wait3A_190 = arith.constant 0 : i32
        %dma_wait3A_191 = tpu.memref_slice %arg10[%dma_wait3A_181, %dma_wait3A_189, %dma_wait3A_190] : memref<2x80x128xf32, #tpu.memory_space<vmem>> -> memref<1x80x128xf32, #tpu.memory_space<vmem>>
        %dma_wait3A_192 = tpu.memref_squeeze %dma_wait3A_191 : memref<1x80x128xf32, #tpu.memory_space<vmem>> -> memref<80x128xf32, #tpu.memory_space<vmem>>
        %dma_wait3A_193 = arith.constant 0 : i32
        %dma_wait3A_194 = arith.constant 0 : i32
        %dma_wait3A_195 = tpu.memref_slice %arg2[%dma_wait3A_193, %dma_wait3A_194] : memref<40000x128xf32, #tpu.memory_space<hbm>> -> memref<80x128xf32, #tpu.memory_space<hbm>>
        tpu.wait_dma2 semaphore(%arg14 : memref<!tpu.dma_semaphore, #tpu.memory_space<semaphore_mem>>) src(%dma_wait3A_195 : memref<80x128xf32, #tpu.memory_space<hbm>>) dst(%dma_wait3A_192 : memref<80x128xf32, #tpu.memory_space<vmem>>)
      } else {
      }
      %add3A_109 = arith.constant 1 : i32
      %add3A_110 = arith.addi %mul3A_106, %add3A_109 : i32
      %mul3A_111 = arith.constant 80 : i32
      %mul3A_112 = arith.muli %add3A_110, %mul3A_111 : i32
      %multiple_of3A_113 = tpu.assume_multiple %mul3A_112, 8 : i32
      %dma_start3A_114 = arith.constant 1 : i32
      %dma_start3A_115 = arith.constant 0 : i32
      %dma_start3A_116 = arith.constant 0 : i32
      %dma_start3A_117 = tpu.memref_slice %arg10[%dma_start3A_114, %dma_start3A_115, %dma_start3A_116] : memref<2x80x128xf32, #tpu.memory_space<vmem>> -> memref<1x80x128xf32, #tpu.memory_space<vmem>>
      %dma_start3A_118 = tpu.memref_squeeze %dma_start3A_117 : memref<1x80x128xf32, #tpu.memory_space<vmem>> -> memref<80x128xf32, #tpu.memory_space<vmem>>
      %dma_start3A_119 = tpu.memref_slice %arg8[%multiple_of3A_113] : memref<10000xi32, #tpu.memory_space<vmem>> -> memref<80xi32, #tpu.memory_space<vmem>>
      %dma_start3A_120 = arith.constant 0 : i32
      %dma_start3A_121 = arith.constant 0 : i32
      %dma_start3A_122 = tpu.memref_slice %arg2[%dma_start3A_120, %dma_start3A_121] : memref<40000x128xf32, #tpu.memory_space<hbm>> -> memref<40000x128xf32, #tpu.memory_space<hbm>>
      tpu.enqueue_indirect_dma source(%dma_start3A_122 : memref<40000x128xf32, #tpu.memory_space<hbm>>) target(%dma_start3A_118 : memref<80x128xf32, #tpu.memory_space<vmem>>) offsets(%dma_start3A_119 : memref<80xi32, #tpu.memory_space<vmem>>) semaphore(%arg12 : memref<!tpu.dma_semaphore, #tpu.memory_space<semaphore_mem>>)
      %dma_wait3A_123 = arith.constant 0 : i32
      %dma_wait3A_124 = arith.constant 0 : i32
      %dma_wait3A_125 = arith.constant 0 : i32
      %dma_wait3A_126 = tpu.memref_slice %arg10[%dma_wait3A_123, %dma_wait3A_124, %dma_wait3A_125] : memref<2x80x128xf32, #tpu.memory_space<vmem>> -> memref<1x80x128xf32, #tpu.memory_space<vmem>>
      %dma_wait3A_127 = tpu.memref_squeeze %dma_wait3A_126 : memref<1x80x128xf32, #tpu.memory_space<vmem>> -> memref<80x128xf32, #tpu.memory_space<vmem>>
      %dma_wait3A_128 = arith.constant 0 : i32
      %dma_wait3A_129 = arith.constant 0 : i32
      %dma_wait3A_130 = tpu.memref_slice %arg2[%dma_wait3A_128, %dma_wait3A_129] : memref<40000x128xf32, #tpu.memory_space<hbm>> -> memref<80x128xf32, #tpu.memory_space<hbm>>
      %dma_wait3A_131 = arith.constant 0 : i32
      %dma_wait3A_132 = arith.constant 0 : i32
      %dma_wait3A_133 = tpu.memref_slice %arg10[%dma_wait3A_123, %dma_wait3A_131, %dma_wait3A_132] : memref<2x80x128xf32, #tpu.memory_space<vmem>> -> memref<1x80x128xf32, #tpu.memory_space<vmem>>
      %dma_wait3A_134 = tpu.memref_squeeze %dma_wait3A_133 : memref<1x80x128xf32, #tpu.memory_space<vmem>> -> memref<80x128xf32, #tpu.memory_space<vmem>>
      %dma_wait3A_135 = arith.constant 0 : i32
      %dma_wait3A_136 = arith.constant 0 : i32
      %dma_wait3A_137 = tpu.memref_slice %arg2[%dma_wait3A_135, %dma_wait3A_136] : memref<40000x128xf32, #tpu.memory_space<hbm>> -> memref<80x128xf32, #tpu.memory_space<hbm>>
      tpu.wait_dma2 semaphore(%arg11 : memref<!tpu.dma_semaphore, #tpu.memory_space<semaphore_mem>>) src(%dma_wait3A_137 : memref<80x128xf32, #tpu.memory_space<hbm>>) dst(%dma_wait3A_134 : memref<80x128xf32, #tpu.memory_space<vmem>>)
      %dma_start3A_138 = arith.constant 0 : i32
      %dma_start3A_139 = arith.constant 0 : i32
      %dma_start3A_140 = arith.constant 0 : i32
      %dma_start3A_141 = tpu.memref_slice %arg10[%dma_start3A_138, %dma_start3A_139, %dma_start3A_140] : memref<2x80x128xf32, #tpu.memory_space<vmem>> -> memref<1x80x128xf32, #tpu.memory_space<vmem>>
      %dma_start3A_142 = tpu.memref_squeeze %dma_start3A_141 : memref<1x80x128xf32, #tpu.memory_space<vmem>> -> memref<80x128xf32, #tpu.memory_space<vmem>>
      %dma_start3A_143 = arith.constant 0 : i32
      %dma_start3A_144 = tpu.memref_slice %arg9[%mul3A_106, %dma_start3A_143] : memref<125x80xi32, #tpu.memory_space<vmem>> -> memref<1x80xi32, #tpu.memory_space<vmem>>
      %dma_start3A_145 = tpu.memref_squeeze %dma_start3A_144 : memref<1x80xi32, #tpu.memory_space<vmem>> -> memref<80xi32, #tpu.memory_space<vmem>>
      %dma_start3A_146 = arith.constant 0 : i32
      %dma_start3A_147 = arith.constant 0 : i32
      %dma_start3A_148 = tpu.memref_slice %arg7[%dma_start3A_146, %dma_start3A_147] : memref<10240x128xf32, #tpu.memory_space<vmem_shared>> -> memref<10240x128xf32, #tpu.memory_space<vmem_shared>>
      tpu.enqueue_indirect_dma source(%dma_start3A_142 : memref<80x128xf32, #tpu.memory_space<vmem>>) target(%dma_start3A_148 : memref<10240x128xf32, #tpu.memory_space<vmem_shared>>) offsets(%dma_start3A_145 : memref<80xi32, #tpu.memory_space<vmem>>) semaphore(%arg13 : memref<!tpu.dma_semaphore, #tpu.memory_space<semaphore_mem>>) {add = true}
      %lt3A = arith.constant 61 : i32
      %lt3A_149 = arith.cmpi slt, %scan3A_104, %lt3A : i32
      %convert_element_type3A_150 = arith.extui %lt3A_149 : i1 to i32
      %cond3A_151 = arith.constant 0 : i32
      %cond3A_152 = arith.cmpi ne, %convert_element_type3A_150, %cond3A_151 : i32
      scf.if %cond3A_152 {
        %dma_wait3A_181 = arith.constant 0 : i32
        %dma_wait3A_182 = arith.constant 0 : i32
        %dma_wait3A_183 = arith.constant 0 : i32
        %dma_wait3A_184 = tpu.memref_slice %arg10[%dma_wait3A_181, %dma_wait3A_182, %dma_wait3A_183] : memref<2x80x128xf32, #tpu.memory_space<vmem>> -> memref<1x80x128xf32, #tpu.memory_space<vmem>>
        %dma_wait3A_185 = tpu.memref_squeeze %dma_wait3A_184 : memref<1x80x128xf32, #tpu.memory_space<vmem>> -> memref<80x128xf32, #tpu.memory_space<vmem>>
        %dma_wait3A_186 = arith.constant 0 : i32
        %dma_wait3A_187 = arith.constant 0 : i32
        %dma_wait3A_188 = tpu.memref_slice %arg2[%dma_wait3A_186, %dma_wait3A_187] : memref<40000x128xf32, #tpu.memory_space<hbm>> -> memref<80x128xf32, #tpu.memory_space<hbm>>
        %dma_wait3A_189 = arith.constant 0 : i32
        %dma_wait3A_190 = arith.constant 0 : i32
        %dma_wait3A_191 = tpu.memref_slice %arg10[%dma_wait3A_181, %dma_wait3A_189, %dma_wait3A_190] : memref<2x80x128xf32, #tpu.memory_space<vmem>> -> memref<1x80x128xf32, #tpu.memory_space<vmem>>
        %dma_wait3A_192 = tpu.memref_squeeze %dma_wait3A_191 : memref<1x80x128xf32, #tpu.memory_space<vmem>> -> memref<80x128xf32, #tpu.memory_space<vmem>>
        %dma_wait3A_193 = arith.constant 0 : i32
        %dma_wait3A_194 = arith.constant 0 : i32
        %dma_wait3A_195 = tpu.memref_slice %arg2[%dma_wait3A_193, %dma_wait3A_194] : memref<40000x128xf32, #tpu.memory_space<hbm>> -> memref<80x128xf32, #tpu.memory_space<hbm>>
        tpu.wait_dma2 semaphore(%arg13 : memref<!tpu.dma_semaphore, #tpu.memory_space<semaphore_mem>>) src(%dma_wait3A_195 : memref<80x128xf32, #tpu.memory_space<hbm>>) dst(%dma_wait3A_192 : memref<80x128xf32, #tpu.memory_space<vmem>>)
        %add3A_196 = arith.constant 2 : i32
        %add3A_197 = arith.addi %mul3A_106, %add3A_196 : i32
        %mul3A_198 = arith.constant 80 : i32
        %mul3A_199 = arith.muli %add3A_197, %mul3A_198 : i32
        %multiple_of3A_200 = tpu.assume_multiple %mul3A_199, 8 : i32
        %dma_start3A_201 = arith.constant 0 : i32
        %dma_start3A_202 = arith.constant 0 : i32
        %dma_start3A_203 = arith.constant 0 : i32
        %dma_start3A_204 = tpu.memref_slice %arg10[%dma_start3A_201, %dma_start3A_202, %dma_start3A_203] : memref<2x80x128xf32, #tpu.memory_space<vmem>> -> memref<1x80x128xf32, #tpu.memory_space<vmem>>
        %dma_start3A_205 = tpu.memref_squeeze %dma_start3A_204 : memref<1x80x128xf32, #tpu.memory_space<vmem>> -> memref<80x128xf32, #tpu.memory_space<vmem>>
        %dma_start3A_206 = tpu.memref_slice %arg8[%multiple_of3A_200] : memref<10000xi32, #tpu.memory_space<vmem>> -> memref<80xi32, #tpu.memory_space<vmem>>
        %dma_start3A_207 = arith.constant 0 : i32
        %dma_start3A_208 = arith.constant 0 : i32
        %dma_start3A_209 = tpu.memref_slice %arg2[%dma_start3A_207, %dma_start3A_208] : memref<40000x128xf32, #tpu.memory_space<hbm>> -> memref<40000x128xf32, #tpu.memory_space<hbm>>
        tpu.enqueue_indirect_dma source(%dma_start3A_209 : memref<40000x128xf32, #tpu.memory_space<hbm>>) target(%dma_start3A_205 : memref<80x128xf32, #tpu.memory_space<vmem>>) offsets(%dma_start3A_206 : memref<80xi32, #tpu.memory_space<vmem>>) semaphore(%arg11 : memref<!tpu.dma_semaphore, #tpu.memory_space<semaphore_mem>>)
      } else {
      }
      %dma_wait3A_153 = arith.constant 1 : i32
      %dma_wait3A_154 = arith.constant 0 : i32
      %dma_wait3A_155 = arith.constant 0 : i32
      %dma_wait3A_156 = tpu.memref_slice %arg10[%dma_wait3A_153, %dma_wait3A_154, %dma_wait3A_155] : memref<2x80x128xf32, #tpu.memory_space<vmem>> -> memref<1x80x128xf32, #tpu.memory_space<vmem>>
      %dma_wait3A_157 = tpu.memref_squeeze %dma_wait3A_156 : memref<1x80x128xf32, #tpu.memory_space<vmem>> -> memref<80x128xf32, #tpu.memory_space<vmem>>
      %dma_wait3A_158 = arith.constant 0 : i32
      %dma_wait3A_159 = arith.constant 0 : i32
      %dma_wait3A_160 = tpu.memref_slice %arg2[%dma_wait3A_158, %dma_wait3A_159] : memref<40000x128xf32, #tpu.memory_space<hbm>> -> memref<80x128xf32, #tpu.memory_space<hbm>>
      %dma_wait3A_161 = arith.constant 0 : i32
      %dma_wait3A_162 = arith.constant 0 : i32
      %dma_wait3A_163 = tpu.memref_slice %arg10[%dma_wait3A_153, %dma_wait3A_161, %dma_wait3A_162] : memref<2x80x128xf32, #tpu.memory_space<vmem>> -> memref<1x80x128xf32, #tpu.memory_space<vmem>>
      %dma_wait3A_164 = tpu.memref_squeeze %dma_wait3A_163 : memref<1x80x128xf32, #tpu.memory_space<vmem>> -> memref<80x128xf32, #tpu.memory_space<vmem>>
      %dma_wait3A_165 = arith.constant 0 : i32
      %dma_wait3A_166 = arith.constant 0 : i32
      %dma_wait3A_167 = tpu.memref_slice %arg2[%dma_wait3A_165, %dma_wait3A_166] : memref<40000x128xf32, #tpu.memory_space<hbm>> -> memref<80x128xf32, #tpu.memory_space<hbm>>
      tpu.wait_dma2 semaphore(%arg12 : memref<!tpu.dma_semaphore, #tpu.memory_space<semaphore_mem>>) src(%dma_wait3A_167 : memref<80x128xf32, #tpu.memory_space<hbm>>) dst(%dma_wait3A_164 : memref<80x128xf32, #tpu.memory_space<vmem>>)
      %add3A_168 = arith.constant 1 : i32
      %add3A_169 = arith.addi %mul3A_106, %add3A_168 : i32
      %dma_start3A_170 = arith.constant 1 : i32
      %dma_start3A_171 = arith.constant 0 : i32
      %dma_start3A_172 = arith.constant 0 : i32
      %dma_start3A_173 = tpu.memref_slice %arg10[%dma_start3A_170, %dma_start3A_171, %dma_start3A_172] : memref<2x80x128xf32, #tpu.memory_space<vmem>> -> memref<1x80x128xf32, #tpu.memory_space<vmem>>
      %dma_start3A_174 = tpu.memref_squeeze %dma_start3A_173 : memref<1x80x128xf32, #tpu.memory_space<vmem>> -> memref<80x128xf32, #tpu.memory_space<vmem>>
      %dma_start3A_175 = arith.constant 0 : i32
      %dma_start3A_176 = tpu.memref_slice %arg9[%add3A_169, %dma_start3A_175] : memref<125x80xi32, #tpu.memory_space<vmem>> -> memref<1x80xi32, #tpu.memory_space<vmem>>
      %dma_start3A_177 = tpu.memref_squeeze %dma_start3A_176 : memref<1x80xi32, #tpu.memory_space<vmem>> -> memref<80xi32, #tpu.memory_space<vmem>>
      %dma_start3A_178 = arith.constant 0 : i32
      %dma_start3A_179 = arith.constant 0 : i32
      %dma_start3A_180 = tpu.memref_slice %arg7[%dma_start3A_178, %dma_start3A_179] : memref<10240x128xf32, #tpu.memory_space<vmem_shared>> -> memref<10240x128xf32, #tpu.memory_space<vmem_shared>>
      tpu.enqueue_indirect_dma source(%dma_start3A_174 : memref<80x128xf32, #tpu.memory_space<vmem>>) target(%dma_start3A_180 : memref<10240x128xf32, #tpu.memory_space<vmem_shared>>) offsets(%dma_start3A_177 : memref<80xi32, #tpu.memory_space<vmem>>) semaphore(%arg14 : memref<!tpu.dma_semaphore, #tpu.memory_space<semaphore_mem>>) {add = true}
    }
    %scan3A_16 = arith.constant 62 : i32
    %dma_wait3A = arith.constant 0 : i32
    %dma_wait3A_17 = arith.constant 0 : i32
    %dma_wait3A_18 = arith.constant 0 : i32
    %dma_wait3A_19 = tpu.memref_slice %arg10[%dma_wait3A, %dma_wait3A_17, %dma_wait3A_18] : memref<2x80x128xf32, #tpu.memory_space<vmem>> -> memref<1x80x128xf32, #tpu.memory_space<vmem>>
    %dma_wait3A_20 = tpu.memref_squeeze %dma_wait3A_19 : memref<1x80x128xf32, #tpu.memory_space<vmem>> -> memref<80x128xf32, #tpu.memory_space<vmem>>
    %dma_wait3A_21 = arith.constant 0 : i32
    %dma_wait3A_22 = arith.constant 0 : i32
    %dma_wait3A_23 = tpu.memref_slice %arg2[%dma_wait3A_21, %dma_wait3A_22] : memref<40000x128xf32, #tpu.memory_space<hbm>> -> memref<80x128xf32, #tpu.memory_space<hbm>>
    %dma_wait3A_24 = arith.constant 0 : i32
    %dma_wait3A_25 = arith.constant 0 : i32
    %dma_wait3A_26 = tpu.memref_slice %arg10[%dma_wait3A, %dma_wait3A_24, %dma_wait3A_25] : memref<2x80x128xf32, #tpu.memory_space<vmem>> -> memref<1x80x128xf32, #tpu.memory_space<vmem>>
    %dma_wait3A_27 = tpu.memref_squeeze %dma_wait3A_26 : memref<1x80x128xf32, #tpu.memory_space<vmem>> -> memref<80x128xf32, #tpu.memory_space<vmem>>
    %dma_wait3A_28 = arith.constant 0 : i32
    %dma_wait3A_29 = arith.constant 0 : i32
    %dma_wait3A_30 = tpu.memref_slice %arg2[%dma_wait3A_28, %dma_wait3A_29] : memref<40000x128xf32, #tpu.memory_space<hbm>> -> memref<80x128xf32, #tpu.memory_space<hbm>>
    tpu.wait_dma2 semaphore(%arg13 : memref<!tpu.dma_semaphore, #tpu.memory_space<semaphore_mem>>) src(%dma_wait3A_30 : memref<80x128xf32, #tpu.memory_space<hbm>>) dst(%dma_wait3A_27 : memref<80x128xf32, #tpu.memory_space<vmem>>)
    %multiple_of3A_31 = arith.constant 9920 : i32
    %multiple_of3A_32 = tpu.assume_multiple %multiple_of3A_31, 8 : i32
    %dma_start3A_33 = arith.constant 0 : i32
    %dma_start3A_34 = arith.constant 0 : i32
    %dma_start3A_35 = arith.constant 0 : i32
    %dma_start3A_36 = tpu.memref_slice %arg10[%dma_start3A_33, %dma_start3A_34, %dma_start3A_35] : memref<2x80x128xf32, #tpu.memory_space<vmem>> -> memref<1x80x128xf32, #tpu.memory_space<vmem>>
    %dma_start3A_37 = tpu.memref_squeeze %dma_start3A_36 : memref<1x80x128xf32, #tpu.memory_space<vmem>> -> memref<80x128xf32, #tpu.memory_space<vmem>>
    %dma_start3A_38 = tpu.memref_slice %arg8[%multiple_of3A_32] : memref<10000xi32, #tpu.memory_space<vmem>> -> memref<80xi32, #tpu.memory_space<vmem>>
    %dma_start3A_39 = arith.constant 0 : i32
    %dma_start3A_40 = arith.constant 0 : i32
    %dma_start3A_41 = tpu.memref_slice %arg2[%dma_start3A_39, %dma_start3A_40] : memref<40000x128xf32, #tpu.memory_space<hbm>> -> memref<40000x128xf32, #tpu.memory_space<hbm>>
    tpu.enqueue_indirect_dma source(%dma_start3A_41 : memref<40000x128xf32, #tpu.memory_space<hbm>>) target(%dma_start3A_37 : memref<80x128xf32, #tpu.memory_space<vmem>>) offsets(%dma_start3A_38 : memref<80xi32, #tpu.memory_space<vmem>>) semaphore(%arg11 : memref<!tpu.dma_semaphore, #tpu.memory_space<semaphore_mem>>)
    %dma_wait3A_42 = arith.constant 0 : i32
    %dma_wait3A_43 = arith.constant 0 : i32
    %dma_wait3A_44 = arith.constant 0 : i32
    %dma_wait3A_45 = tpu.memref_slice %arg10[%dma_wait3A_42, %dma_wait3A_43, %dma_wait3A_44] : memref<2x80x128xf32, #tpu.memory_space<vmem>> -> memref<1x80x128xf32, #tpu.memory_space<vmem>>
    %dma_wait3A_46 = tpu.memref_squeeze %dma_wait3A_45 : memref<1x80x128xf32, #tpu.memory_space<vmem>> -> memref<80x128xf32, #tpu.memory_space<vmem>>
    %dma_wait3A_47 = arith.constant 0 : i32
    %dma_wait3A_48 = arith.constant 0 : i32
    %dma_wait3A_49 = tpu.memref_slice %arg2[%dma_wait3A_47, %dma_wait3A_48] : memref<40000x128xf32, #tpu.memory_space<hbm>> -> memref<80x128xf32, #tpu.memory_space<hbm>>
    %dma_wait3A_50 = arith.constant 0 : i32
    %dma_wait3A_51 = arith.constant 0 : i32
    %dma_wait3A_52 = tpu.memref_slice %arg10[%dma_wait3A_42, %dma_wait3A_50, %dma_wait3A_51] : memref<2x80x128xf32, #tpu.memory_space<vmem>> -> memref<1x80x128xf32, #tpu.memory_space<vmem>>
    %dma_wait3A_53 = tpu.memref_squeeze %dma_wait3A_52 : memref<1x80x128xf32, #tpu.memory_space<vmem>> -> memref<80x128xf32, #tpu.memory_space<vmem>>
    %dma_wait3A_54 = arith.constant 0 : i32
    %dma_wait3A_55 = arith.constant 0 : i32
    %dma_wait3A_56 = tpu.memref_slice %arg2[%dma_wait3A_54, %dma_wait3A_55] : memref<40000x128xf32, #tpu.memory_space<hbm>> -> memref<80x128xf32, #tpu.memory_space<hbm>>
    tpu.wait_dma2 semaphore(%arg14 : memref<!tpu.dma_semaphore, #tpu.memory_space<semaphore_mem>>) src(%dma_wait3A_56 : memref<80x128xf32, #tpu.memory_space<hbm>>) dst(%dma_wait3A_53 : memref<80x128xf32, #tpu.memory_space<vmem>>)
    %dma_wait3A_57 = arith.constant 0 : i32
    %dma_wait3A_58 = arith.constant 0 : i32
    %dma_wait3A_59 = arith.constant 0 : i32
    %dma_wait3A_60 = tpu.memref_slice %arg10[%dma_wait3A_57, %dma_wait3A_58, %dma_wait3A_59] : memref<2x80x128xf32, #tpu.memory_space<vmem>> -> memref<1x80x128xf32, #tpu.memory_space<vmem>>
    %dma_wait3A_61 = tpu.memref_squeeze %dma_wait3A_60 : memref<1x80x128xf32, #tpu.memory_space<vmem>> -> memref<80x128xf32, #tpu.memory_space<vmem>>
    %dma_wait3A_62 = arith.constant 0 : i32
    %dma_wait3A_63 = arith.constant 0 : i32
    %dma_wait3A_64 = tpu.memref_slice %arg2[%dma_wait3A_62, %dma_wait3A_63] : memref<40000x128xf32, #tpu.memory_space<hbm>> -> memref<80x128xf32, #tpu.memory_space<hbm>>
    %dma_wait3A_65 = arith.constant 0 : i32
    %dma_wait3A_66 = arith.constant 0 : i32
    %dma_wait3A_67 = tpu.memref_slice %arg10[%dma_wait3A_57, %dma_wait3A_65, %dma_wait3A_66] : memref<2x80x128xf32, #tpu.memory_space<vmem>> -> memref<1x80x128xf32, #tpu.memory_space<vmem>>
    %dma_wait3A_68 = tpu.memref_squeeze %dma_wait3A_67 : memref<1x80x128xf32, #tpu.memory_space<vmem>> -> memref<80x128xf32, #tpu.memory_space<vmem>>
    %dma_wait3A_69 = arith.constant 0 : i32
    %dma_wait3A_70 = arith.constant 0 : i32
    %dma_wait3A_71 = tpu.memref_slice %arg2[%dma_wait3A_69, %dma_wait3A_70] : memref<40000x128xf32, #tpu.memory_space<hbm>> -> memref<80x128xf32, #tpu.memory_space<hbm>>
    tpu.wait_dma2 semaphore(%arg11 : memref<!tpu.dma_semaphore, #tpu.memory_space<semaphore_mem>>) src(%dma_wait3A_71 : memref<80x128xf32, #tpu.memory_space<hbm>>) dst(%dma_wait3A_68 : memref<80x128xf32, #tpu.memory_space<vmem>>)
    %dma_start3A_72 = arith.constant 0 : i32
    %dma_start3A_73 = arith.constant 124 : i32
    %dma_start3A_74 = arith.constant 0 : i32
    %dma_start3A_75 = arith.constant 0 : i32
    %dma_start3A_76 = tpu.memref_slice %arg10[%dma_start3A_72, %dma_start3A_74, %dma_start3A_75] : memref<2x80x128xf32, #tpu.memory_space<vmem>> -> memref<1x80x128xf32, #tpu.memory_space<vmem>>
    %dma_start3A_77 = tpu.memref_squeeze %dma_start3A_76 : memref<1x80x128xf32, #tpu.memory_space<vmem>> -> memref<80x128xf32, #tpu.memory_space<vmem>>
    %dma_start3A_78 = arith.constant 0 : i32
    %dma_start3A_79 = tpu.memref_slice %arg9[%dma_start3A_73, %dma_start3A_78] : memref<125x80xi32, #tpu.memory_space<vmem>> -> memref<1x80xi32, #tpu.memory_space<vmem>>
    %dma_start3A_80 = tpu.memref_squeeze %dma_start3A_79 : memref<1x80xi32, #tpu.memory_space<vmem>> -> memref<80xi32, #tpu.memory_space<vmem>>
    %dma_start3A_81 = arith.constant 0 : i32
    %dma_start3A_82 = arith.constant 0 : i32
    %dma_start3A_83 = tpu.memref_slice %arg7[%dma_start3A_81, %dma_start3A_82] : memref<10240x128xf32, #tpu.memory_space<vmem_shared>> -> memref<10240x128xf32, #tpu.memory_space<vmem_shared>>
    tpu.enqueue_indirect_dma source(%dma_start3A_77 : memref<80x128xf32, #tpu.memory_space<vmem>>) target(%dma_start3A_83 : memref<10240x128xf32, #tpu.memory_space<vmem_shared>>) offsets(%dma_start3A_80 : memref<80xi32, #tpu.memory_space<vmem>>) semaphore(%arg13 : memref<!tpu.dma_semaphore, #tpu.memory_space<semaphore_mem>>) {add = true}
    %dma_wait3A_84 = arith.constant 0 : i32
    %dma_wait3A_85 = arith.constant 0 : i32
    %dma_wait3A_86 = arith.constant 0 : i32
    %dma_wait3A_87 = tpu.memref_slice %arg10[%dma_wait3A_84, %dma_wait3A_85, %dma_wait3A_86] : memref<2x80x128xf32, #tpu.memory_space<vmem>> -> memref<1x80x128xf32, #tpu.memory_space<vmem>>
    %dma_wait3A_88 = tpu.memref_squeeze %dma_wait3A_87 : memref<1x80x128xf32, #tpu.memory_space<vmem>> -> memref<80x128xf32, #tpu.memory_space<vmem>>
    %dma_wait3A_89 = arith.constant 0 : i32
    %dma_wait3A_90 = arith.constant 0 : i32
    %dma_wait3A_91 = tpu.memref_slice %arg2[%dma_wait3A_89, %dma_wait3A_90] : memref<40000x128xf32, #tpu.memory_space<hbm>> -> memref<80x128xf32, #tpu.memory_space<hbm>>
    %dma_wait3A_92 = arith.constant 0 : i32
    %dma_wait3A_93 = arith.constant 0 : i32
    %dma_wait3A_94 = tpu.memref_slice %arg10[%dma_wait3A_84, %dma_wait3A_92, %dma_wait3A_93] : memref<2x80x128xf32, #tpu.memory_space<vmem>> -> memref<1x80x128xf32, #tpu.memory_space<vmem>>
    %dma_wait3A_95 = tpu.memref_squeeze %dma_wait3A_94 : memref<1x80x128xf32, #tpu.memory_space<vmem>> -> memref<80x128xf32, #tpu.memory_space<vmem>>
    %dma_wait3A_96 = arith.constant 0 : i32
    %dma_wait3A_97 = arith.constant 0 : i32
    %dma_wait3A_98 = tpu.memref_slice %arg2[%dma_wait3A_96, %dma_wait3A_97] : memref<40000x128xf32, #tpu.memory_space<hbm>> -> memref<80x128xf32, #tpu.memory_space<hbm>>
    tpu.wait_dma2 semaphore(%arg13 : memref<!tpu.dma_semaphore, #tpu.memory_space<semaphore_mem>>) src(%dma_wait3A_98 : memref<80x128xf32, #tpu.memory_space<hbm>>) dst(%dma_wait3A_95 : memref<80x128xf32, #tpu.memory_space<vmem>>)
    %barrier3A_99 = arith.constant 0 : index
    tpu.barrier barrier_id(%barrier3A_99)
    %mul3A_100 = arith.constant 640 : i32
    %mul3A_101 = arith.muli %arg1, %mul3A_100 : i32
    %mul3A_102 = arith.constant 640 : i32
    %mul3A_103 = arith.muli %arg1, %mul3A_102 : i32
    "tpu.region"() ({
      %run_scoped3A = tpu.sem_alloc : memref<!tpu.dma_semaphore, #tpu.memory_space<semaphore_mem>>
      %dma_start3A_104 = arith.constant 0 : i32
      %dma_start3A_105 = tpu.memref_slice %arg6[%arg0, %mul3A_103, %dma_start3A_104] : memref<2x10240x128xf32, #tpu.memory_space<hbm>> -> memref<1x640x128xf32, #tpu.memory_space<hbm>>
      %dma_start3A_106 = tpu.memref_squeeze %dma_start3A_105 : memref<1x640x128xf32, #tpu.memory_space<hbm>> -> memref<640x128xf32, #tpu.memory_space<hbm>>
      %dma_start3A_107 = arith.constant 0 : i32
      %dma_start3A_108 = tpu.memref_slice %arg7[%mul3A_101, %dma_start3A_107] : memref<10240x128xf32, #tpu.memory_space<vmem_shared>> -> memref<640x128xf32, #tpu.memory_space<vmem_shared>>
      tpu.enqueue_dma source(%dma_start3A_108 : memref<640x128xf32, #tpu.memory_space<vmem_shared>>) target(%dma_start3A_106 : memref<640x128xf32, #tpu.memory_space<hbm>>) target_semaphore(%run_scoped3A : memref<!tpu.dma_semaphore, #tpu.memory_space<semaphore_mem>>)
      %dma_wait3A_109 = arith.constant 0 : i32
      %dma_wait3A_110 = tpu.memref_slice %arg6[%arg0, %mul3A_103, %dma_wait3A_109] : memref<2x10240x128xf32, #tpu.memory_space<hbm>> -> memref<1x640x128xf32, #tpu.memory_space<hbm>>
      %dma_wait3A_111 = tpu.memref_squeeze %dma_wait3A_110 : memref<1x640x128xf32, #tpu.memory_space<hbm>> -> memref<640x128xf32, #tpu.memory_space<hbm>>
      %dma_wait3A_112 = arith.constant 0 : i32
      %dma_wait3A_113 = tpu.memref_slice %arg7[%mul3A_101, %dma_wait3A_112] : memref<10240x128xf32, #tpu.memory_space<vmem_shared>> -> memref<640x128xf32, #tpu.memory_space<vmem_shared>>
      tpu.wait_dma2 semaphore(%run_scoped3A : memref<!tpu.dma_semaphore, #tpu.memory_space<semaphore_mem>>) src(%dma_wait3A_113 : memref<640x128xf32, #tpu.memory_space<vmem_shared>>) dst(%dma_wait3A_111 : memref<640x128xf32, #tpu.memory_space<hbm>>)
      tpu.yield
    }) : () -> ()
    return
  }
}

#map = affine_map<(d0, d1) -> (0, 0)>
#map1 = affine_map<(d0, d1) -> (0, 0, 0)>
module attributes {stable_mosaic.version = 14 : i64} {
  func.func @_sc_body(%arg0: i32, %arg1: i32, %arg2: memref<40000x128xf32, #tpu.memory_space<hbm>>, %arg3: memref<32x10000xi32, #tpu.memory_space<hbm>>, %arg4: memref<32x125x80xi32, #tpu.memory_space<hbm>>, %arg5: memref<640x128xf32, #tpu.memory_space<hbm>>, %arg6: memref<2x10240x128xf32, #tpu.memory_space<hbm>>, %arg7: memref<10240x128xf32, #tpu.memory_space<vmem_shared>>, %arg8: memref<10000xi32, #tpu.memory_space<vmem>>, %arg9: memref<125x80xi32, #tpu.memory_space<vmem>>, %arg10: memref<2x80x128xf32, #tpu.memory_space<vmem>>, %arg11: memref<!tpu.dma_semaphore, #tpu.memory_space<semaphore_mem>>, %arg12: memref<!tpu.dma_semaphore, #tpu.memory_space<semaphore_mem>>, %arg13: memref<!tpu.dma_semaphore, #tpu.memory_space<semaphore_mem>>, %arg14: memref<!tpu.dma_semaphore, #tpu.memory_space<semaphore_mem>>) attributes {dimension_semantics = [#tpu.dimension_semantics<core_parallel>, #tpu.dimension_semantics<subcore_parallel>], iteration_bounds = array<i64: 2, 16>, scalar_prefetch = 0 : i64, scratch_operands = 8 : i64, tpu.core_type = #tpu.core_type<sc_vector_subcore>, window_params = [{transform_indices = #map}, {transform_indices = #map}, {transform_indices = #map1}, {transform_indices = #map}, {transform_indices = #map1}]} {
    %mul3A = arith.constant 2 : i32
    %mul3A_0 = arith.muli %arg1, %mul3A : i32
    %add3A = arith.addi %mul3A_0, %arg0 : i32
    %mul3A_1 = arith.constant 640 : i32
    %mul3A_2 = arith.muli %arg1, %mul3A_1 : i32
    "tpu.region"() ({
      %run_scoped3A = tpu.sem_alloc : memref<!tpu.dma_semaphore, #tpu.memory_space<semaphore_mem>>
      %dma_start3A_104 = arith.constant 0 : i32
      %dma_start3A_105 = tpu.memref_slice %arg7[%mul3A_2, %dma_start3A_104] : memref<10240x128xf32, #tpu.memory_space<vmem_shared>> -> memref<640x128xf32, #tpu.memory_space<vmem_shared>>
      tpu.enqueue_dma source(%arg5 : memref<640x128xf32, #tpu.memory_space<hbm>>) target(%dma_start3A_105 : memref<640x128xf32, #tpu.memory_space<vmem_shared>>) target_semaphore(%run_scoped3A : memref<!tpu.dma_semaphore, #tpu.memory_space<semaphore_mem>>)
      %dma_wait3A_106 = arith.constant 0 : i32
      %dma_wait3A_107 = tpu.memref_slice %arg7[%mul3A_2, %dma_wait3A_106] : memref<10240x128xf32, #tpu.memory_space<vmem_shared>> -> memref<640x128xf32, #tpu.memory_space<vmem_shared>>
      tpu.wait_dma2 semaphore(%run_scoped3A : memref<!tpu.dma_semaphore, #tpu.memory_space<semaphore_mem>>) src(%arg5 : memref<640x128xf32, #tpu.memory_space<hbm>>) dst(%dma_wait3A_107 : memref<640x128xf32, #tpu.memory_space<vmem_shared>>)
      tpu.yield
    }) : () -> ()
    "tpu.region"() ({
      %run_scoped3A = tpu.sem_alloc : memref<!tpu.dma_semaphore, #tpu.memory_space<semaphore_mem>>
      %dma_start3A_104 = arith.constant 0 : i32
      %dma_start3A_105 = tpu.memref_slice %arg3[%add3A, %dma_start3A_104] : memref<32x10000xi32, #tpu.memory_space<hbm>> -> memref<1x10000xi32, #tpu.memory_space<hbm>>
      %dma_start3A_106 = tpu.memref_squeeze %dma_start3A_105 : memref<1x10000xi32, #tpu.memory_space<hbm>> -> memref<10000xi32, #tpu.memory_space<hbm>>
      %dma_start3A_107 = arith.constant 0 : i32
      %dma_start3A_108 = tpu.memref_slice %arg3[%add3A, %dma_start3A_107] : memref<32x10000xi32, #tpu.memory_space<hbm>> -> memref<1x10000xi32, #tpu.memory_space<hbm>>
      %dma_start3A_109 = tpu.memref_squeeze %dma_start3A_108 : memref<1x10000xi32, #tpu.memory_space<hbm>> -> memref<10000xi32, #tpu.memory_space<hbm>>
      tpu.enqueue_dma source(%dma_start3A_109 : memref<10000xi32, #tpu.memory_space<hbm>>) target(%arg8 : memref<10000xi32, #tpu.memory_space<vmem>>) target_semaphore(%run_scoped3A : memref<!tpu.dma_semaphore, #tpu.memory_space<semaphore_mem>>)
      %dma_wait3A_110 = arith.constant 0 : i32
      %dma_wait3A_111 = tpu.memref_slice %arg3[%add3A, %dma_wait3A_110] : memref<32x10000xi32, #tpu.memory_space<hbm>> -> memref<1x10000xi32, #tpu.memory_space<hbm>>
      %dma_wait3A_112 = tpu.memref_squeeze %dma_wait3A_111 : memref<1x10000xi32, #tpu.memory_space<hbm>> -> memref<10000xi32, #tpu.memory_space<hbm>>
      %dma_wait3A_113 = arith.constant 0 : i32
      %dma_wait3A_114 = tpu.memref_slice %arg3[%add3A, %dma_wait3A_113] : memref<32x10000xi32, #tpu.memory_space<hbm>> -> memref<1x10000xi32, #tpu.memory_space<hbm>>
      %dma_wait3A_115 = tpu.memref_squeeze %dma_wait3A_114 : memref<1x10000xi32, #tpu.memory_space<hbm>> -> memref<10000xi32, #tpu.memory_space<hbm>>
      tpu.wait_dma2 semaphore(%run_scoped3A : memref<!tpu.dma_semaphore, #tpu.memory_space<semaphore_mem>>) src(%dma_wait3A_115 : memref<10000xi32, #tpu.memory_space<hbm>>) dst(%arg8 : memref<10000xi32, #tpu.memory_space<vmem>>)
      tpu.yield
    }) : () -> ()
    "tpu.region"() ({
      %run_scoped3A = tpu.sem_alloc : memref<!tpu.dma_semaphore, #tpu.memory_space<semaphore_mem>>
      %dma_start3A_104 = arith.constant 0 : i32
      %dma_start3A_105 = arith.constant 0 : i32
      %dma_start3A_106 = tpu.memref_slice %arg4[%add3A, %dma_start3A_104, %dma_start3A_105] : memref<32x125x80xi32, #tpu.memory_space<hbm>> -> memref<1x125x80xi32, #tpu.memory_space<hbm>>
      %dma_start3A_107 = tpu.memref_squeeze %dma_start3A_106 : memref<1x125x80xi32, #tpu.memory_space<hbm>> -> memref<125x80xi32, #tpu.memory_space<hbm>>
      %dma_start3A_108 = arith.constant 0 : i32
      %dma_start3A_109 = arith.constant 0 : i32
      %dma_start3A_110 = tpu.memref_slice %arg4[%add3A, %dma_start3A_108, %dma_start3A_109] : memref<32x125x80xi32, #tpu.memory_space<hbm>> -> memref<1x125x80xi32, #tpu.memory_space<hbm>>
      %dma_start3A_111 = tpu.memref_squeeze %dma_start3A_110 : memref<1x125x80xi32, #tpu.memory_space<hbm>> -> memref<125x80xi32, #tpu.memory_space<hbm>>
      tpu.enqueue_dma source(%dma_start3A_111 : memref<125x80xi32, #tpu.memory_space<hbm>>) target(%arg9 : memref<125x80xi32, #tpu.memory_space<vmem>>) target_semaphore(%run_scoped3A : memref<!tpu.dma_semaphore, #tpu.memory_space<semaphore_mem>>)
      %dma_wait3A_112 = arith.constant 0 : i32
      %dma_wait3A_113 = arith.constant 0 : i32
      %dma_wait3A_114 = tpu.memref_slice %arg4[%add3A, %dma_wait3A_112, %dma_wait3A_113] : memref<32x125x80xi32, #tpu.memory_space<hbm>> -> memref<1x125x80xi32, #tpu.memory_space<hbm>>
      %dma_wait3A_115 = tpu.memref_squeeze %dma_wait3A_114 : memref<1x125x80xi32, #tpu.memory_space<hbm>> -> memref<125x80xi32, #tpu.memory_space<hbm>>
      %dma_wait3A_116 = arith.constant 0 : i32
      %dma_wait3A_117 = arith.constant 0 : i32
      %dma_wait3A_118 = tpu.memref_slice %arg4[%add3A, %dma_wait3A_116, %dma_wait3A_117] : memref<32x125x80xi32, #tpu.memory_space<hbm>> -> memref<1x125x80xi32, #tpu.memory_space<hbm>>
      %dma_wait3A_119 = tpu.memref_squeeze %dma_wait3A_118 : memref<1x125x80xi32, #tpu.memory_space<hbm>> -> memref<125x80xi32, #tpu.memory_space<hbm>>
      tpu.wait_dma2 semaphore(%run_scoped3A : memref<!tpu.dma_semaphore, #tpu.memory_space<semaphore_mem>>) src(%dma_wait3A_119 : memref<125x80xi32, #tpu.memory_space<hbm>>) dst(%arg9 : memref<125x80xi32, #tpu.memory_space<vmem>>)
      tpu.yield
    }) : () -> ()
    %barrier3A = arith.constant 0 : index
    tpu.barrier barrier_id(%barrier3A)
    %multiple_of3A = arith.constant 0 : i32
    %multiple_of3A_3 = tpu.assume_multiple %multiple_of3A, 8 : i32
    %dma_start3A = arith.constant 0 : i32
    %dma_start3A_4 = arith.constant 0 : i32
    %dma_start3A_5 = arith.constant 0 : i32
    %dma_start3A_6 = tpu.memref_slice %arg10[%dma_start3A, %dma_start3A_4, %dma_start3A_5] : memref<2x80x128xf32, #tpu.memory_space<vmem>> -> memref<1x80x128xf32, #tpu.memory_space<vmem>>
    %dma_start3A_7 = tpu.memref_squeeze %dma_start3A_6 : memref<1x80x128xf32, #tpu.memory_space<vmem>> -> memref<80x128xf32, #tpu.memory_space<vmem>>
    %dma_start3A_8 = tpu.memref_slice %arg8[%multiple_of3A_3] : memref<10000xi32, #tpu.memory_space<vmem>> -> memref<80xi32, #tpu.memory_space<vmem>>
    %dma_start3A_9 = arith.constant 0 : i32
    %dma_start3A_10 = arith.constant 0 : i32
    %dma_start3A_11 = tpu.memref_slice %arg2[%dma_start3A_9, %dma_start3A_10] : memref<40000x128xf32, #tpu.memory_space<hbm>> -> memref<40000x128xf32, #tpu.memory_space<hbm>>
    tpu.enqueue_indirect_dma source(%dma_start3A_11 : memref<40000x128xf32, #tpu.memory_space<hbm>>) target(%dma_start3A_7 : memref<80x128xf32, #tpu.memory_space<vmem>>) offsets(%dma_start3A_8 : memref<80xi32, #tpu.memory_space<vmem>>) semaphore(%arg11 : memref<!tpu.dma_semaphore, #tpu.memory_space<semaphore_mem>>)
    %scan3A = arith.constant 0 : i32
    %scan3A_12 = arith.constant 0 : i32
    %scan3A_13 = arith.constant 62 : i32
    %scan3A_14 = arith.addi %scan3A_12, %scan3A_13 : i32
    %scan3A_15 = arith.constant 1 : i32
    scf.for %scan3A_104 = %scan3A_12 to %scan3A_14 step %scan3A_15  : i32 {
      %mul3A_105 = arith.constant 2 : i32
      %mul3A_106 = arith.muli %scan3A_104, %mul3A_105 : i32
      %gt3A = arith.constant 0 : i32
      %gt3A_107 = arith.cmpi sgt, %scan3A_104, %gt3A : i32
      %convert_element_type3A = arith.extui %gt3A_107 : i1 to i32
      %cond3A = arith.constant 0 : i32
      %cond3A_108 = arith.cmpi ne, %convert_element_type3A, %cond3A : i32
      scf.if %cond3A_108 {
        %dma_wait3A_181 = arith.constant 0 : i32
        %dma_wait3A_182 = arith.constant 0 : i32
        %dma_wait3A_183 = arith.constant 0 : i32
        %dma_wait3A_184 = tpu.memref_slice %arg10[%dma_wait3A_181, %dma_wait3A_182, %dma_wait3A_183] : memref<2x80x128xf32, #tpu.memory_space<vmem>> -> memref<1x80x128xf32, #tpu.memory_space<vmem>>
        %dma_wait3A_185 = tpu.memref_squeeze %dma_wait3A_184 : memref<1x80x128xf32, #tpu.memory_space<vmem>> -> memref<80x128xf32, #tpu.memory_space<vmem>>
        %dma_wait3A_186 = arith.constant 0 : i32
        %dma_wait3A_187 = arith.constant 0 : i32
        %dma_wait3A_188 = tpu.memref_slice %arg2[%dma_wait3A_186, %dma_wait3A_187] : memref<40000x128xf32, #tpu.memory_space<hbm>> -> memref<80x128xf32, #tpu.memory_space<hbm>>
        %dma_wait3A_189 = arith.constant 0 : i32
        %dma_wait3A_190 = arith.constant 0 : i32
        %dma_wait3A_191 = tpu.memref_slice %arg10[%dma_wait3A_181, %dma_wait3A_189, %dma_wait3A_190] : memref<2x80x128xf32, #tpu.memory_space<vmem>> -> memref<1x80x128xf32, #tpu.memory_space<vmem>>
        %dma_wait3A_192 = tpu.memref_squeeze %dma_wait3A_191 : memref<1x80x128xf32, #tpu.memory_space<vmem>> -> memref<80x128xf32, #tpu.memory_space<vmem>>
        %dma_wait3A_193 = arith.constant 0 : i32
        %dma_wait3A_194 = arith.constant 0 : i32
        %dma_wait3A_195 = tpu.memref_slice %arg2[%dma_wait3A_193, %dma_wait3A_194] : memref<40000x128xf32, #tpu.memory_space<hbm>> -> memref<80x128xf32, #tpu.memory_space<hbm>>
        tpu.wait_dma2 semaphore(%arg14 : memref<!tpu.dma_semaphore, #tpu.memory_space<semaphore_mem>>) src(%dma_wait3A_195 : memref<80x128xf32, #tpu.memory_space<hbm>>) dst(%dma_wait3A_192 : memref<80x128xf32, #tpu.memory_space<vmem>>)
      } else {
      }
      %add3A_109 = arith.constant 1 : i32
      %add3A_110 = arith.addi %mul3A_106, %add3A_109 : i32
      %mul3A_111 = arith.constant 80 : i32
      %mul3A_112 = arith.muli %add3A_110, %mul3A_111 : i32
      %multiple_of3A_113 = tpu.assume_multiple %mul3A_112, 8 : i32
      %dma_start3A_114 = arith.constant 1 : i32
      %dma_start3A_115 = arith.constant 0 : i32
      %dma_start3A_116 = arith.constant 0 : i32
      %dma_start3A_117 = tpu.memref_slice %arg10[%dma_start3A_114, %dma_start3A_115, %dma_start3A_116] : memref<2x80x128xf32, #tpu.memory_space<vmem>> -> memref<1x80x128xf32, #tpu.memory_space<vmem>>
      %dma_start3A_118 = tpu.memref_squeeze %dma_start3A_117 : memref<1x80x128xf32, #tpu.memory_space<vmem>> -> memref<80x128xf32, #tpu.memory_space<vmem>>
      %dma_start3A_119 = tpu.memref_slice %arg8[%multiple_of3A_113] : memref<10000xi32, #tpu.memory_space<vmem>> -> memref<80xi32, #tpu.memory_space<vmem>>
      %dma_start3A_120 = arith.constant 0 : i32
      %dma_start3A_121 = arith.constant 0 : i32
      %dma_start3A_122 = tpu.memref_slice %arg2[%dma_start3A_120, %dma_start3A_121] : memref<40000x128xf32, #tpu.memory_space<hbm>> -> memref<40000x128xf32, #tpu.memory_space<hbm>>
      tpu.enqueue_indirect_dma source(%dma_start3A_122 : memref<40000x128xf32, #tpu.memory_space<hbm>>) target(%dma_start3A_118 : memref<80x128xf32, #tpu.memory_space<vmem>>) offsets(%dma_start3A_119 : memref<80xi32, #tpu.memory_space<vmem>>) semaphore(%arg12 : memref<!tpu.dma_semaphore, #tpu.memory_space<semaphore_mem>>)
      %dma_wait3A_123 = arith.constant 0 : i32
      %dma_wait3A_124 = arith.constant 0 : i32
      %dma_wait3A_125 = arith.constant 0 : i32
      %dma_wait3A_126 = tpu.memref_slice %arg10[%dma_wait3A_123, %dma_wait3A_124, %dma_wait3A_125] : memref<2x80x128xf32, #tpu.memory_space<vmem>> -> memref<1x80x128xf32, #tpu.memory_space<vmem>>
      %dma_wait3A_127 = tpu.memref_squeeze %dma_wait3A_126 : memref<1x80x128xf32, #tpu.memory_space<vmem>> -> memref<80x128xf32, #tpu.memory_space<vmem>>
      %dma_wait3A_128 = arith.constant 0 : i32
      %dma_wait3A_129 = arith.constant 0 : i32
      %dma_wait3A_130 = tpu.memref_slice %arg2[%dma_wait3A_128, %dma_wait3A_129] : memref<40000x128xf32, #tpu.memory_space<hbm>> -> memref<80x128xf32, #tpu.memory_space<hbm>>
      %dma_wait3A_131 = arith.constant 0 : i32
      %dma_wait3A_132 = arith.constant 0 : i32
      %dma_wait3A_133 = tpu.memref_slice %arg10[%dma_wait3A_123, %dma_wait3A_131, %dma_wait3A_132] : memref<2x80x128xf32, #tpu.memory_space<vmem>> -> memref<1x80x128xf32, #tpu.memory_space<vmem>>
      %dma_wait3A_134 = tpu.memref_squeeze %dma_wait3A_133 : memref<1x80x128xf32, #tpu.memory_space<vmem>> -> memref<80x128xf32, #tpu.memory_space<vmem>>
      %dma_wait3A_135 = arith.constant 0 : i32
      %dma_wait3A_136 = arith.constant 0 : i32
      %dma_wait3A_137 = tpu.memref_slice %arg2[%dma_wait3A_135, %dma_wait3A_136] : memref<40000x128xf32, #tpu.memory_space<hbm>> -> memref<80x128xf32, #tpu.memory_space<hbm>>
      tpu.wait_dma2 semaphore(%arg11 : memref<!tpu.dma_semaphore, #tpu.memory_space<semaphore_mem>>) src(%dma_wait3A_137 : memref<80x128xf32, #tpu.memory_space<hbm>>) dst(%dma_wait3A_134 : memref<80x128xf32, #tpu.memory_space<vmem>>)
      %dma_start3A_138 = arith.constant 0 : i32
      %dma_start3A_139 = arith.constant 0 : i32
      %dma_start3A_140 = arith.constant 0 : i32
      %dma_start3A_141 = tpu.memref_slice %arg10[%dma_start3A_138, %dma_start3A_139, %dma_start3A_140] : memref<2x80x128xf32, #tpu.memory_space<vmem>> -> memref<1x80x128xf32, #tpu.memory_space<vmem>>
      %dma_start3A_142 = tpu.memref_squeeze %dma_start3A_141 : memref<1x80x128xf32, #tpu.memory_space<vmem>> -> memref<80x128xf32, #tpu.memory_space<vmem>>
      %dma_start3A_143 = arith.constant 0 : i32
      %dma_start3A_144 = tpu.memref_slice %arg9[%mul3A_106, %dma_start3A_143] : memref<125x80xi32, #tpu.memory_space<vmem>> -> memref<1x80xi32, #tpu.memory_space<vmem>>
      %dma_start3A_145 = tpu.memref_squeeze %dma_start3A_144 : memref<1x80xi32, #tpu.memory_space<vmem>> -> memref<80xi32, #tpu.memory_space<vmem>>
      %dma_start3A_146 = arith.constant 0 : i32
      %dma_start3A_147 = arith.constant 0 : i32
      %dma_start3A_148 = tpu.memref_slice %arg7[%dma_start3A_146, %dma_start3A_147] : memref<10240x128xf32, #tpu.memory_space<vmem_shared>> -> memref<10240x128xf32, #tpu.memory_space<vmem_shared>>
      tpu.enqueue_indirect_dma source(%dma_start3A_142 : memref<80x128xf32, #tpu.memory_space<vmem>>) target(%dma_start3A_148 : memref<10240x128xf32, #tpu.memory_space<vmem_shared>>) offsets(%dma_start3A_145 : memref<80xi32, #tpu.memory_space<vmem>>) semaphore(%arg13 : memref<!tpu.dma_semaphore, #tpu.memory_space<semaphore_mem>>) {add = true}
      %lt3A = arith.constant 61 : i32
      %lt3A_149 = arith.cmpi slt, %scan3A_104, %lt3A : i32
      %convert_element_type3A_150 = arith.extui %lt3A_149 : i1 to i32
      %cond3A_151 = arith.constant 0 : i32
      %cond3A_152 = arith.cmpi ne, %convert_element_type3A_150, %cond3A_151 : i32
      scf.if %cond3A_152 {
        %dma_wait3A_181 = arith.constant 0 : i32
        %dma_wait3A_182 = arith.constant 0 : i32
        %dma_wait3A_183 = arith.constant 0 : i32
        %dma_wait3A_184 = tpu.memref_slice %arg10[%dma_wait3A_181, %dma_wait3A_182, %dma_wait3A_183] : memref<2x80x128xf32, #tpu.memory_space<vmem>> -> memref<1x80x128xf32, #tpu.memory_space<vmem>>
        %dma_wait3A_185 = tpu.memref_squeeze %dma_wait3A_184 : memref<1x80x128xf32, #tpu.memory_space<vmem>> -> memref<80x128xf32, #tpu.memory_space<vmem>>
        %dma_wait3A_186 = arith.constant 0 : i32
        %dma_wait3A_187 = arith.constant 0 : i32
        %dma_wait3A_188 = tpu.memref_slice %arg2[%dma_wait3A_186, %dma_wait3A_187] : memref<40000x128xf32, #tpu.memory_space<hbm>> -> memref<80x128xf32, #tpu.memory_space<hbm>>
        %dma_wait3A_189 = arith.constant 0 : i32
        %dma_wait3A_190 = arith.constant 0 : i32
        %dma_wait3A_191 = tpu.memref_slice %arg10[%dma_wait3A_181, %dma_wait3A_189, %dma_wait3A_190] : memref<2x80x128xf32, #tpu.memory_space<vmem>> -> memref<1x80x128xf32, #tpu.memory_space<vmem>>
        %dma_wait3A_192 = tpu.memref_squeeze %dma_wait3A_191 : memref<1x80x128xf32, #tpu.memory_space<vmem>> -> memref<80x128xf32, #tpu.memory_space<vmem>>
        %dma_wait3A_193 = arith.constant 0 : i32
        %dma_wait3A_194 = arith.constant 0 : i32
        %dma_wait3A_195 = tpu.memref_slice %arg2[%dma_wait3A_193, %dma_wait3A_194] : memref<40000x128xf32, #tpu.memory_space<hbm>> -> memref<80x128xf32, #tpu.memory_space<hbm>>
        tpu.wait_dma2 semaphore(%arg13 : memref<!tpu.dma_semaphore, #tpu.memory_space<semaphore_mem>>) src(%dma_wait3A_195 : memref<80x128xf32, #tpu.memory_space<hbm>>) dst(%dma_wait3A_192 : memref<80x128xf32, #tpu.memory_space<vmem>>)
        %add3A_196 = arith.constant 2 : i32
        %add3A_197 = arith.addi %mul3A_106, %add3A_196 : i32
        %mul3A_198 = arith.constant 80 : i32
        %mul3A_199 = arith.muli %add3A_197, %mul3A_198 : i32
        %multiple_of3A_200 = tpu.assume_multiple %mul3A_199, 8 : i32
        %dma_start3A_201 = arith.constant 0 : i32
        %dma_start3A_202 = arith.constant 0 : i32
        %dma_start3A_203 = arith.constant 0 : i32
        %dma_start3A_204 = tpu.memref_slice %arg10[%dma_start3A_201, %dma_start3A_202, %dma_start3A_203] : memref<2x80x128xf32, #tpu.memory_space<vmem>> -> memref<1x80x128xf32, #tpu.memory_space<vmem>>
        %dma_start3A_205 = tpu.memref_squeeze %dma_start3A_204 : memref<1x80x128xf32, #tpu.memory_space<vmem>> -> memref<80x128xf32, #tpu.memory_space<vmem>>
        %dma_start3A_206 = tpu.memref_slice %arg8[%multiple_of3A_200] : memref<10000xi32, #tpu.memory_space<vmem>> -> memref<80xi32, #tpu.memory_space<vmem>>
        %dma_start3A_207 = arith.constant 0 : i32
        %dma_start3A_208 = arith.constant 0 : i32
        %dma_start3A_209 = tpu.memref_slice %arg2[%dma_start3A_207, %dma_start3A_208] : memref<40000x128xf32, #tpu.memory_space<hbm>> -> memref<40000x128xf32, #tpu.memory_space<hbm>>
        tpu.enqueue_indirect_dma source(%dma_start3A_209 : memref<40000x128xf32, #tpu.memory_space<hbm>>) target(%dma_start3A_205 : memref<80x128xf32, #tpu.memory_space<vmem>>) offsets(%dma_start3A_206 : memref<80xi32, #tpu.memory_space<vmem>>) semaphore(%arg11 : memref<!tpu.dma_semaphore, #tpu.memory_space<semaphore_mem>>)
      } else {
      }
      %dma_wait3A_153 = arith.constant 1 : i32
      %dma_wait3A_154 = arith.constant 0 : i32
      %dma_wait3A_155 = arith.constant 0 : i32
      %dma_wait3A_156 = tpu.memref_slice %arg10[%dma_wait3A_153, %dma_wait3A_154, %dma_wait3A_155] : memref<2x80x128xf32, #tpu.memory_space<vmem>> -> memref<1x80x128xf32, #tpu.memory_space<vmem>>
      %dma_wait3A_157 = tpu.memref_squeeze %dma_wait3A_156 : memref<1x80x128xf32, #tpu.memory_space<vmem>> -> memref<80x128xf32, #tpu.memory_space<vmem>>
      %dma_wait3A_158 = arith.constant 0 : i32
      %dma_wait3A_159 = arith.constant 0 : i32
      %dma_wait3A_160 = tpu.memref_slice %arg2[%dma_wait3A_158, %dma_wait3A_159] : memref<40000x128xf32, #tpu.memory_space<hbm>> -> memref<80x128xf32, #tpu.memory_space<hbm>>
      %dma_wait3A_161 = arith.constant 0 : i32
      %dma_wait3A_162 = arith.constant 0 : i32
      %dma_wait3A_163 = tpu.memref_slice %arg10[%dma_wait3A_153, %dma_wait3A_161, %dma_wait3A_162] : memref<2x80x128xf32, #tpu.memory_space<vmem>> -> memref<1x80x128xf32, #tpu.memory_space<vmem>>
      %dma_wait3A_164 = tpu.memref_squeeze %dma_wait3A_163 : memref<1x80x128xf32, #tpu.memory_space<vmem>> -> memref<80x128xf32, #tpu.memory_space<vmem>>
      %dma_wait3A_165 = arith.constant 0 : i32
      %dma_wait3A_166 = arith.constant 0 : i32
      %dma_wait3A_167 = tpu.memref_slice %arg2[%dma_wait3A_165, %dma_wait3A_166] : memref<40000x128xf32, #tpu.memory_space<hbm>> -> memref<80x128xf32, #tpu.memory_space<hbm>>
      tpu.wait_dma2 semaphore(%arg12 : memref<!tpu.dma_semaphore, #tpu.memory_space<semaphore_mem>>) src(%dma_wait3A_167 : memref<80x128xf32, #tpu.memory_space<hbm>>) dst(%dma_wait3A_164 : memref<80x128xf32, #tpu.memory_space<vmem>>)
      %add3A_168 = arith.constant 1 : i32
      %add3A_169 = arith.addi %mul3A_106, %add3A_168 : i32
      %dma_start3A_170 = arith.constant 1 : i32
      %dma_start3A_171 = arith.constant 0 : i32
      %dma_start3A_172 = arith.constant 0 : i32
      %dma_start3A_173 = tpu.memref_slice %arg10[%dma_start3A_170, %dma_start3A_171, %dma_start3A_172] : memref<2x80x128xf32, #tpu.memory_space<vmem>> -> memref<1x80x128xf32, #tpu.memory_space<vmem>>
      %dma_start3A_174 = tpu.memref_squeeze %dma_start3A_173 : memref<1x80x128xf32, #tpu.memory_space<vmem>> -> memref<80x128xf32, #tpu.memory_space<vmem>>
      %dma_start3A_175 = arith.constant 0 : i32
      %dma_start3A_176 = tpu.memref_slice %arg9[%add3A_169, %dma_start3A_175] : memref<125x80xi32, #tpu.memory_space<vmem>> -> memref<1x80xi32, #tpu.memory_space<vmem>>
      %dma_start3A_177 = tpu.memref_squeeze %dma_start3A_176 : memref<1x80xi32, #tpu.memory_space<vmem>> -> memref<80xi32, #tpu.memory_space<vmem>>
      %dma_start3A_178 = arith.constant 0 : i32
      %dma_start3A_179 = arith.constant 0 : i32
      %dma_start3A_180 = tpu.memref_slice %arg7[%dma_start3A_178, %dma_start3A_179] : memref<10240x128xf32, #tpu.memory_space<vmem_shared>> -> memref<10240x128xf32, #tpu.memory_space<vmem_shared>>
      tpu.enqueue_indirect_dma source(%dma_start3A_174 : memref<80x128xf32, #tpu.memory_space<vmem>>) target(%dma_start3A_180 : memref<10240x128xf32, #tpu.memory_space<vmem_shared>>) offsets(%dma_start3A_177 : memref<80xi32, #tpu.memory_space<vmem>>) semaphore(%arg14 : memref<!tpu.dma_semaphore, #tpu.memory_space<semaphore_mem>>) {add = true}
    }
    %scan3A_16 = arith.constant 62 : i32
    %dma_wait3A = arith.constant 0 : i32
    %dma_wait3A_17 = arith.constant 0 : i32
    %dma_wait3A_18 = arith.constant 0 : i32
    %dma_wait3A_19 = tpu.memref_slice %arg10[%dma_wait3A, %dma_wait3A_17, %dma_wait3A_18] : memref<2x80x128xf32, #tpu.memory_space<vmem>> -> memref<1x80x128xf32, #tpu.memory_space<vmem>>
    %dma_wait3A_20 = tpu.memref_squeeze %dma_wait3A_19 : memref<1x80x128xf32, #tpu.memory_space<vmem>> -> memref<80x128xf32, #tpu.memory_space<vmem>>
    %dma_wait3A_21 = arith.constant 0 : i32
    %dma_wait3A_22 = arith.constant 0 : i32
    %dma_wait3A_23 = tpu.memref_slice %arg2[%dma_wait3A_21, %dma_wait3A_22] : memref<40000x128xf32, #tpu.memory_space<hbm>> -> memref<80x128xf32, #tpu.memory_space<hbm>>
    %dma_wait3A_24 = arith.constant 0 : i32
    %dma_wait3A_25 = arith.constant 0 : i32
    %dma_wait3A_26 = tpu.memref_slice %arg10[%dma_wait3A, %dma_wait3A_24, %dma_wait3A_25] : memref<2x80x128xf32, #tpu.memory_space<vmem>> -> memref<1x80x128xf32, #tpu.memory_space<vmem>>
    %dma_wait3A_27 = tpu.memref_squeeze %dma_wait3A_26 : memref<1x80x128xf32, #tpu.memory_space<vmem>> -> memref<80x128xf32, #tpu.memory_space<vmem>>
    %dma_wait3A_28 = arith.constant 0 : i32
    %dma_wait3A_29 = arith.constant 0 : i32
    %dma_wait3A_30 = tpu.memref_slice %arg2[%dma_wait3A_28, %dma_wait3A_29] : memref<40000x128xf32, #tpu.memory_space<hbm>> -> memref<80x128xf32, #tpu.memory_space<hbm>>
    tpu.wait_dma2 semaphore(%arg13 : memref<!tpu.dma_semaphore, #tpu.memory_space<semaphore_mem>>) src(%dma_wait3A_30 : memref<80x128xf32, #tpu.memory_space<hbm>>) dst(%dma_wait3A_27 : memref<80x128xf32, #tpu.memory_space<vmem>>)
    %multiple_of3A_31 = arith.constant 9920 : i32
    %multiple_of3A_32 = tpu.assume_multiple %multiple_of3A_31, 8 : i32
    %dma_start3A_33 = arith.constant 0 : i32
    %dma_start3A_34 = arith.constant 0 : i32
    %dma_start3A_35 = arith.constant 0 : i32
    %dma_start3A_36 = tpu.memref_slice %arg10[%dma_start3A_33, %dma_start3A_34, %dma_start3A_35] : memref<2x80x128xf32, #tpu.memory_space<vmem>> -> memref<1x80x128xf32, #tpu.memory_space<vmem>>
    %dma_start3A_37 = tpu.memref_squeeze %dma_start3A_36 : memref<1x80x128xf32, #tpu.memory_space<vmem>> -> memref<80x128xf32, #tpu.memory_space<vmem>>
    %dma_start3A_38 = tpu.memref_slice %arg8[%multiple_of3A_32] : memref<10000xi32, #tpu.memory_space<vmem>> -> memref<80xi32, #tpu.memory_space<vmem>>
    %dma_start3A_39 = arith.constant 0 : i32
    %dma_start3A_40 = arith.constant 0 : i32
    %dma_start3A_41 = tpu.memref_slice %arg2[%dma_start3A_39, %dma_start3A_40] : memref<40000x128xf32, #tpu.memory_space<hbm>> -> memref<40000x128xf32, #tpu.memory_space<hbm>>
    tpu.enqueue_indirect_dma source(%dma_start3A_41 : memref<40000x128xf32, #tpu.memory_space<hbm>>) target(%dma_start3A_37 : memref<80x128xf32, #tpu.memory_space<vmem>>) offsets(%dma_start3A_38 : memref<80xi32, #tpu.memory_space<vmem>>) semaphore(%arg11 : memref<!tpu.dma_semaphore, #tpu.memory_space<semaphore_mem>>)
    %dma_wait3A_42 = arith.constant 0 : i32
    %dma_wait3A_43 = arith.constant 0 : i32
    %dma_wait3A_44 = arith.constant 0 : i32
    %dma_wait3A_45 = tpu.memref_slice %arg10[%dma_wait3A_42, %dma_wait3A_43, %dma_wait3A_44] : memref<2x80x128xf32, #tpu.memory_space<vmem>> -> memref<1x80x128xf32, #tpu.memory_space<vmem>>
    %dma_wait3A_46 = tpu.memref_squeeze %dma_wait3A_45 : memref<1x80x128xf32, #tpu.memory_space<vmem>> -> memref<80x128xf32, #tpu.memory_space<vmem>>
    %dma_wait3A_47 = arith.constant 0 : i32
    %dma_wait3A_48 = arith.constant 0 : i32
    %dma_wait3A_49 = tpu.memref_slice %arg2[%dma_wait3A_47, %dma_wait3A_48] : memref<40000x128xf32, #tpu.memory_space<hbm>> -> memref<80x128xf32, #tpu.memory_space<hbm>>
    %dma_wait3A_50 = arith.constant 0 : i32
    %dma_wait3A_51 = arith.constant 0 : i32
    %dma_wait3A_52 = tpu.memref_slice %arg10[%dma_wait3A_42, %dma_wait3A_50, %dma_wait3A_51] : memref<2x80x128xf32, #tpu.memory_space<vmem>> -> memref<1x80x128xf32, #tpu.memory_space<vmem>>
    %dma_wait3A_53 = tpu.memref_squeeze %dma_wait3A_52 : memref<1x80x128xf32, #tpu.memory_space<vmem>> -> memref<80x128xf32, #tpu.memory_space<vmem>>
    %dma_wait3A_54 = arith.constant 0 : i32
    %dma_wait3A_55 = arith.constant 0 : i32
    %dma_wait3A_56 = tpu.memref_slice %arg2[%dma_wait3A_54, %dma_wait3A_55] : memref<40000x128xf32, #tpu.memory_space<hbm>> -> memref<80x128xf32, #tpu.memory_space<hbm>>
    tpu.wait_dma2 semaphore(%arg14 : memref<!tpu.dma_semaphore, #tpu.memory_space<semaphore_mem>>) src(%dma_wait3A_56 : memref<80x128xf32, #tpu.memory_space<hbm>>) dst(%dma_wait3A_53 : memref<80x128xf32, #tpu.memory_space<vmem>>)
    %dma_wait3A_57 = arith.constant 0 : i32
    %dma_wait3A_58 = arith.constant 0 : i32
    %dma_wait3A_59 = arith.constant 0 : i32
    %dma_wait3A_60 = tpu.memref_slice %arg10[%dma_wait3A_57, %dma_wait3A_58, %dma_wait3A_59] : memref<2x80x128xf32, #tpu.memory_space<vmem>> -> memref<1x80x128xf32, #tpu.memory_space<vmem>>
    %dma_wait3A_61 = tpu.memref_squeeze %dma_wait3A_60 : memref<1x80x128xf32, #tpu.memory_space<vmem>> -> memref<80x128xf32, #tpu.memory_space<vmem>>
    %dma_wait3A_62 = arith.constant 0 : i32
    %dma_wait3A_63 = arith.constant 0 : i32
    %dma_wait3A_64 = tpu.memref_slice %arg2[%dma_wait3A_62, %dma_wait3A_63] : memref<40000x128xf32, #tpu.memory_space<hbm>> -> memref<80x128xf32, #tpu.memory_space<hbm>>
    %dma_wait3A_65 = arith.constant 0 : i32
    %dma_wait3A_66 = arith.constant 0 : i32
    %dma_wait3A_67 = tpu.memref_slice %arg10[%dma_wait3A_57, %dma_wait3A_65, %dma_wait3A_66] : memref<2x80x128xf32, #tpu.memory_space<vmem>> -> memref<1x80x128xf32, #tpu.memory_space<vmem>>
    %dma_wait3A_68 = tpu.memref_squeeze %dma_wait3A_67 : memref<1x80x128xf32, #tpu.memory_space<vmem>> -> memref<80x128xf32, #tpu.memory_space<vmem>>
    %dma_wait3A_69 = arith.constant 0 : i32
    %dma_wait3A_70 = arith.constant 0 : i32
    %dma_wait3A_71 = tpu.memref_slice %arg2[%dma_wait3A_69, %dma_wait3A_70] : memref<40000x128xf32, #tpu.memory_space<hbm>> -> memref<80x128xf32, #tpu.memory_space<hbm>>
    tpu.wait_dma2 semaphore(%arg11 : memref<!tpu.dma_semaphore, #tpu.memory_space<semaphore_mem>>) src(%dma_wait3A_71 : memref<80x128xf32, #tpu.memory_space<hbm>>) dst(%dma_wait3A_68 : memref<80x128xf32, #tpu.memory_space<vmem>>)
    %dma_start3A_72 = arith.constant 0 : i32
    %dma_start3A_73 = arith.constant 124 : i32
    %dma_start3A_74 = arith.constant 0 : i32
    %dma_start3A_75 = arith.constant 0 : i32
    %dma_start3A_76 = tpu.memref_slice %arg10[%dma_start3A_72, %dma_start3A_74, %dma_start3A_75] : memref<2x80x128xf32, #tpu.memory_space<vmem>> -> memref<1x80x128xf32, #tpu.memory_space<vmem>>
    %dma_start3A_77 = tpu.memref_squeeze %dma_start3A_76 : memref<1x80x128xf32, #tpu.memory_space<vmem>> -> memref<80x128xf32, #tpu.memory_space<vmem>>
    %dma_start3A_78 = arith.constant 0 : i32
    %dma_start3A_79 = tpu.memref_slice %arg9[%dma_start3A_73, %dma_start3A_78] : memref<125x80xi32, #tpu.memory_space<vmem>> -> memref<1x80xi32, #tpu.memory_space<vmem>>
    %dma_start3A_80 = tpu.memref_squeeze %dma_start3A_79 : memref<1x80xi32, #tpu.memory_space<vmem>> -> memref<80xi32, #tpu.memory_space<vmem>>
    %dma_start3A_81 = arith.constant 0 : i32
    %dma_start3A_82 = arith.constant 0 : i32
    %dma_start3A_83 = tpu.memref_slice %arg7[%dma_start3A_81, %dma_start3A_82] : memref<10240x128xf32, #tpu.memory_space<vmem_shared>> -> memref<10240x128xf32, #tpu.memory_space<vmem_shared>>
    tpu.enqueue_indirect_dma source(%dma_start3A_77 : memref<80x128xf32, #tpu.memory_space<vmem>>) target(%dma_start3A_83 : memref<10240x128xf32, #tpu.memory_space<vmem_shared>>) offsets(%dma_start3A_80 : memref<80xi32, #tpu.memory_space<vmem>>) semaphore(%arg13 : memref<!tpu.dma_semaphore, #tpu.memory_space<semaphore_mem>>) {add = true}
    %dma_wait3A_84 = arith.constant 0 : i32
    %dma_wait3A_85 = arith.constant 0 : i32
    %dma_wait3A_86 = arith.constant 0 : i32
    %dma_wait3A_87 = tpu.memref_slice %arg10[%dma_wait3A_84, %dma_wait3A_85, %dma_wait3A_86] : memref<2x80x128xf32, #tpu.memory_space<vmem>> -> memref<1x80x128xf32, #tpu.memory_space<vmem>>
    %dma_wait3A_88 = tpu.memref_squeeze %dma_wait3A_87 : memref<1x80x128xf32, #tpu.memory_space<vmem>> -> memref<80x128xf32, #tpu.memory_space<vmem>>
    %dma_wait3A_89 = arith.constant 0 : i32
    %dma_wait3A_90 = arith.constant 0 : i32
    %dma_wait3A_91 = tpu.memref_slice %arg2[%dma_wait3A_89, %dma_wait3A_90] : memref<40000x128xf32, #tpu.memory_space<hbm>> -> memref<80x128xf32, #tpu.memory_space<hbm>>
    %dma_wait3A_92 = arith.constant 0 : i32
    %dma_wait3A_93 = arith.constant 0 : i32
    %dma_wait3A_94 = tpu.memref_slice %arg10[%dma_wait3A_84, %dma_wait3A_92, %dma_wait3A_93] : memref<2x80x128xf32, #tpu.memory_space<vmem>> -> memref<1x80x128xf32, #tpu.memory_space<vmem>>
    %dma_wait3A_95 = tpu.memref_squeeze %dma_wait3A_94 : memref<1x80x128xf32, #tpu.memory_space<vmem>> -> memref<80x128xf32, #tpu.memory_space<vmem>>
    %dma_wait3A_96 = arith.constant 0 : i32
    %dma_wait3A_97 = arith.constant 0 : i32
    %dma_wait3A_98 = tpu.memref_slice %arg2[%dma_wait3A_96, %dma_wait3A_97] : memref<40000x128xf32, #tpu.memory_space<hbm>> -> memref<80x128xf32, #tpu.memory_space<hbm>>
    tpu.wait_dma2 semaphore(%arg13 : memref<!tpu.dma_semaphore, #tpu.memory_space<semaphore_mem>>) src(%dma_wait3A_98 : memref<80x128xf32, #tpu.memory_space<hbm>>) dst(%dma_wait3A_95 : memref<80x128xf32, #tpu.memory_space<vmem>>)
    %barrier3A_99 = arith.constant 0 : index
    tpu.barrier barrier_id(%barrier3A_99)
    %mul3A_100 = arith.constant 640 : i32
    %mul3A_101 = arith.muli %arg1, %mul3A_100 : i32
    %mul3A_102 = arith.constant 640 : i32
    %mul3A_103 = arith.muli %arg1, %mul3A_102 : i32
    "tpu.region"() ({
      %run_scoped3A = tpu.sem_alloc : memref<!tpu.dma_semaphore, #tpu.memory_space<semaphore_mem>>
      %dma_start3A_104 = arith.constant 0 : i32
      %dma_start3A_105 = tpu.memref_slice %arg6[%arg0, %mul3A_103, %dma_start3A_104] : memref<2x10240x128xf32, #tpu.memory_space<hbm>> -> memref<1x640x128xf32, #tpu.memory_space<hbm>>
      %dma_start3A_106 = tpu.memref_squeeze %dma_start3A_105 : memref<1x640x128xf32, #tpu.memory_space<hbm>> -> memref<640x128xf32, #tpu.memory_space<hbm>>
      %dma_start3A_107 = arith.constant 0 : i32
      %dma_start3A_108 = tpu.memref_slice %arg7[%mul3A_101, %dma_start3A_107] : memref<10240x128xf32, #tpu.memory_space<vmem_shared>> -> memref<640x128xf32, #tpu.memory_space<vmem_shared>>
      tpu.enqueue_dma source(%dma_start3A_108 : memref<640x128xf32, #tpu.memory_space<vmem_shared>>) target(%dma_start3A_106 : memref<640x128xf32, #tpu.memory_space<hbm>>) target_semaphore(%run_scoped3A : memref<!tpu.dma_semaphore, #tpu.memory_space<semaphore_mem>>)
      %dma_wait3A_109 = arith.constant 0 : i32
      %dma_wait3A_110 = tpu.memref_slice %arg6[%arg0, %mul3A_103, %dma_wait3A_109] : memref<2x10240x128xf32, #tpu.memory_space<hbm>> -> memref<1x640x128xf32, #tpu.memory_space<hbm>>
      %dma_wait3A_111 = tpu.memref_squeeze %dma_wait3A_110 : memref<1x640x128xf32, #tpu.memory_space<hbm>> -> memref<640x128xf32, #tpu.memory_space<hbm>>
      %dma_wait3A_112 = arith.constant 0 : i32
      %dma_wait3A_113 = tpu.memref_slice %arg7[%mul3A_101, %dma_wait3A_112] : memref<10240x128xf32, #tpu.memory_space<vmem_shared>> -> memref<640x128xf32, #tpu.memory_space<vmem_shared>>
      tpu.wait_dma2 semaphore(%run_scoped3A : memref<!tpu.dma_semaphore, #tpu.memory_space<semaphore_mem>>) src(%dma_wait3A_113 : memref<640x128xf32, #tpu.memory_space<vmem_shared>>) dst(%dma_wait3A_111 : memref<640x128xf32, #tpu.memory_space<hbm>>)
      tpu.yield
    }) : () -> ()
    return
  }
}

#map = affine_map<(d0, d1) -> (0, 0)>
#map1 = affine_map<(d0, d1) -> (0, 0, 0)>
module attributes {stable_mosaic.version = 14 : i64} {
  func.func @_sc_body(%arg0: i32, %arg1: i32, %arg2: memref<40000x128xf32, #tpu.memory_space<hbm>>, %arg3: memref<32x10000xi32, #tpu.memory_space<hbm>>, %arg4: memref<32x125x80xi32, #tpu.memory_space<hbm>>, %arg5: memref<640x128xf32, #tpu.memory_space<hbm>>, %arg6: memref<2x10240x128xf32, #tpu.memory_space<hbm>>, %arg7: memref<10240x128xf32, #tpu.memory_space<vmem_shared>>, %arg8: memref<10000xi32, #tpu.memory_space<vmem>>, %arg9: memref<125x80xi32, #tpu.memory_space<vmem>>, %arg10: memref<2x80x128xf32, #tpu.memory_space<vmem>>, %arg11: memref<!tpu.dma_semaphore, #tpu.memory_space<semaphore_mem>>, %arg12: memref<!tpu.dma_semaphore, #tpu.memory_space<semaphore_mem>>, %arg13: memref<!tpu.dma_semaphore, #tpu.memory_space<semaphore_mem>>, %arg14: memref<!tpu.dma_semaphore, #tpu.memory_space<semaphore_mem>>) attributes {dimension_semantics = [#tpu.dimension_semantics<core_parallel>, #tpu.dimension_semantics<subcore_parallel>], iteration_bounds = array<i64: 2, 16>, scalar_prefetch = 0 : i64, scratch_operands = 8 : i64, tpu.core_type = #tpu.core_type<sc_vector_subcore>, window_params = [{transform_indices = #map}, {transform_indices = #map}, {transform_indices = #map1}, {transform_indices = #map}, {transform_indices = #map1}]} {
    %mul3A = arith.constant 2 : i32
    %mul3A_0 = arith.muli %arg1, %mul3A : i32
    %add3A = arith.addi %mul3A_0, %arg0 : i32
    %mul3A_1 = arith.constant 640 : i32
    %mul3A_2 = arith.muli %arg1, %mul3A_1 : i32
    "tpu.region"() ({
      %run_scoped3A = tpu.sem_alloc : memref<!tpu.dma_semaphore, #tpu.memory_space<semaphore_mem>>
      %dma_start3A_104 = arith.constant 0 : i32
      %dma_start3A_105 = tpu.memref_slice %arg7[%mul3A_2, %dma_start3A_104] : memref<10240x128xf32, #tpu.memory_space<vmem_shared>> -> memref<640x128xf32, #tpu.memory_space<vmem_shared>>
      tpu.enqueue_dma source(%arg5 : memref<640x128xf32, #tpu.memory_space<hbm>>) target(%dma_start3A_105 : memref<640x128xf32, #tpu.memory_space<vmem_shared>>) target_semaphore(%run_scoped3A : memref<!tpu.dma_semaphore, #tpu.memory_space<semaphore_mem>>)
      %dma_wait3A_106 = arith.constant 0 : i32
      %dma_wait3A_107 = tpu.memref_slice %arg7[%mul3A_2, %dma_wait3A_106] : memref<10240x128xf32, #tpu.memory_space<vmem_shared>> -> memref<640x128xf32, #tpu.memory_space<vmem_shared>>
      tpu.wait_dma2 semaphore(%run_scoped3A : memref<!tpu.dma_semaphore, #tpu.memory_space<semaphore_mem>>) src(%arg5 : memref<640x128xf32, #tpu.memory_space<hbm>>) dst(%dma_wait3A_107 : memref<640x128xf32, #tpu.memory_space<vmem_shared>>)
      tpu.yield
    }) : () -> ()
    "tpu.region"() ({
      %run_scoped3A = tpu.sem_alloc : memref<!tpu.dma_semaphore, #tpu.memory_space<semaphore_mem>>
      %dma_start3A_104 = arith.constant 0 : i32
      %dma_start3A_105 = tpu.memref_slice %arg3[%add3A, %dma_start3A_104] : memref<32x10000xi32, #tpu.memory_space<hbm>> -> memref<1x10000xi32, #tpu.memory_space<hbm>>
      %dma_start3A_106 = tpu.memref_squeeze %dma_start3A_105 : memref<1x10000xi32, #tpu.memory_space<hbm>> -> memref<10000xi32, #tpu.memory_space<hbm>>
      %dma_start3A_107 = arith.constant 0 : i32
      %dma_start3A_108 = tpu.memref_slice %arg3[%add3A, %dma_start3A_107] : memref<32x10000xi32, #tpu.memory_space<hbm>> -> memref<1x10000xi32, #tpu.memory_space<hbm>>
      %dma_start3A_109 = tpu.memref_squeeze %dma_start3A_108 : memref<1x10000xi32, #tpu.memory_space<hbm>> -> memref<10000xi32, #tpu.memory_space<hbm>>
      tpu.enqueue_dma source(%dma_start3A_109 : memref<10000xi32, #tpu.memory_space<hbm>>) target(%arg8 : memref<10000xi32, #tpu.memory_space<vmem>>) target_semaphore(%run_scoped3A : memref<!tpu.dma_semaphore, #tpu.memory_space<semaphore_mem>>)
      %dma_wait3A_110 = arith.constant 0 : i32
      %dma_wait3A_111 = tpu.memref_slice %arg3[%add3A, %dma_wait3A_110] : memref<32x10000xi32, #tpu.memory_space<hbm>> -> memref<1x10000xi32, #tpu.memory_space<hbm>>
      %dma_wait3A_112 = tpu.memref_squeeze %dma_wait3A_111 : memref<1x10000xi32, #tpu.memory_space<hbm>> -> memref<10000xi32, #tpu.memory_space<hbm>>
      %dma_wait3A_113 = arith.constant 0 : i32
      %dma_wait3A_114 = tpu.memref_slice %arg3[%add3A, %dma_wait3A_113] : memref<32x10000xi32, #tpu.memory_space<hbm>> -> memref<1x10000xi32, #tpu.memory_space<hbm>>
      %dma_wait3A_115 = tpu.memref_squeeze %dma_wait3A_114 : memref<1x10000xi32, #tpu.memory_space<hbm>> -> memref<10000xi32, #tpu.memory_space<hbm>>
      tpu.wait_dma2 semaphore(%run_scoped3A : memref<!tpu.dma_semaphore, #tpu.memory_space<semaphore_mem>>) src(%dma_wait3A_115 : memref<10000xi32, #tpu.memory_space<hbm>>) dst(%arg8 : memref<10000xi32, #tpu.memory_space<vmem>>)
      tpu.yield
    }) : () -> ()
    "tpu.region"() ({
      %run_scoped3A = tpu.sem_alloc : memref<!tpu.dma_semaphore, #tpu.memory_space<semaphore_mem>>
      %dma_start3A_104 = arith.constant 0 : i32
      %dma_start3A_105 = arith.constant 0 : i32
      %dma_start3A_106 = tpu.memref_slice %arg4[%add3A, %dma_start3A_104, %dma_start3A_105] : memref<32x125x80xi32, #tpu.memory_space<hbm>> -> memref<1x125x80xi32, #tpu.memory_space<hbm>>
      %dma_start3A_107 = tpu.memref_squeeze %dma_start3A_106 : memref<1x125x80xi32, #tpu.memory_space<hbm>> -> memref<125x80xi32, #tpu.memory_space<hbm>>
      %dma_start3A_108 = arith.constant 0 : i32
      %dma_start3A_109 = arith.constant 0 : i32
      %dma_start3A_110 = tpu.memref_slice %arg4[%add3A, %dma_start3A_108, %dma_start3A_109] : memref<32x125x80xi32, #tpu.memory_space<hbm>> -> memref<1x125x80xi32, #tpu.memory_space<hbm>>
      %dma_start3A_111 = tpu.memref_squeeze %dma_start3A_110 : memref<1x125x80xi32, #tpu.memory_space<hbm>> -> memref<125x80xi32, #tpu.memory_space<hbm>>
      tpu.enqueue_dma source(%dma_start3A_111 : memref<125x80xi32, #tpu.memory_space<hbm>>) target(%arg9 : memref<125x80xi32, #tpu.memory_space<vmem>>) target_semaphore(%run_scoped3A : memref<!tpu.dma_semaphore, #tpu.memory_space<semaphore_mem>>)
      %dma_wait3A_112 = arith.constant 0 : i32
      %dma_wait3A_113 = arith.constant 0 : i32
      %dma_wait3A_114 = tpu.memref_slice %arg4[%add3A, %dma_wait3A_112, %dma_wait3A_113] : memref<32x125x80xi32, #tpu.memory_space<hbm>> -> memref<1x125x80xi32, #tpu.memory_space<hbm>>
      %dma_wait3A_115 = tpu.memref_squeeze %dma_wait3A_114 : memref<1x125x80xi32, #tpu.memory_space<hbm>> -> memref<125x80xi32, #tpu.memory_space<hbm>>
      %dma_wait3A_116 = arith.constant 0 : i32
      %dma_wait3A_117 = arith.constant 0 : i32
      %dma_wait3A_118 = tpu.memref_slice %arg4[%add3A, %dma_wait3A_116, %dma_wait3A_117] : memref<32x125x80xi32, #tpu.memory_space<hbm>> -> memref<1x125x80xi32, #tpu.memory_space<hbm>>
      %dma_wait3A_119 = tpu.memref_squeeze %dma_wait3A_118 : memref<1x125x80xi32, #tpu.memory_space<hbm>> -> memref<125x80xi32, #tpu.memory_space<hbm>>
      tpu.wait_dma2 semaphore(%run_scoped3A : memref<!tpu.dma_semaphore, #tpu.memory_space<semaphore_mem>>) src(%dma_wait3A_119 : memref<125x80xi32, #tpu.memory_space<hbm>>) dst(%arg9 : memref<125x80xi32, #tpu.memory_space<vmem>>)
      tpu.yield
    }) : () -> ()
    %barrier3A = arith.constant 0 : index
    tpu.barrier barrier_id(%barrier3A)
    %multiple_of3A = arith.constant 0 : i32
    %multiple_of3A_3 = tpu.assume_multiple %multiple_of3A, 8 : i32
    %dma_start3A = arith.constant 0 : i32
    %dma_start3A_4 = arith.constant 0 : i32
    %dma_start3A_5 = arith.constant 0 : i32
    %dma_start3A_6 = tpu.memref_slice %arg10[%dma_start3A, %dma_start3A_4, %dma_start3A_5] : memref<2x80x128xf32, #tpu.memory_space<vmem>> -> memref<1x80x128xf32, #tpu.memory_space<vmem>>
    %dma_start3A_7 = tpu.memref_squeeze %dma_start3A_6 : memref<1x80x128xf32, #tpu.memory_space<vmem>> -> memref<80x128xf32, #tpu.memory_space<vmem>>
    %dma_start3A_8 = tpu.memref_slice %arg8[%multiple_of3A_3] : memref<10000xi32, #tpu.memory_space<vmem>> -> memref<80xi32, #tpu.memory_space<vmem>>
    %dma_start3A_9 = arith.constant 0 : i32
    %dma_start3A_10 = arith.constant 0 : i32
    %dma_start3A_11 = tpu.memref_slice %arg2[%dma_start3A_9, %dma_start3A_10] : memref<40000x128xf32, #tpu.memory_space<hbm>> -> memref<40000x128xf32, #tpu.memory_space<hbm>>
    tpu.enqueue_indirect_dma source(%dma_start3A_11 : memref<40000x128xf32, #tpu.memory_space<hbm>>) target(%dma_start3A_7 : memref<80x128xf32, #tpu.memory_space<vmem>>) offsets(%dma_start3A_8 : memref<80xi32, #tpu.memory_space<vmem>>) semaphore(%arg11 : memref<!tpu.dma_semaphore, #tpu.memory_space<semaphore_mem>>)
    %scan3A = arith.constant 0 : i32
    %scan3A_12 = arith.constant 0 : i32
    %scan3A_13 = arith.constant 62 : i32
    %scan3A_14 = arith.addi %scan3A_12, %scan3A_13 : i32
    %scan3A_15 = arith.constant 1 : i32
    scf.for %scan3A_104 = %scan3A_12 to %scan3A_14 step %scan3A_15  : i32 {
      %mul3A_105 = arith.constant 2 : i32
      %mul3A_106 = arith.muli %scan3A_104, %mul3A_105 : i32
      %gt3A = arith.constant 0 : i32
      %gt3A_107 = arith.cmpi sgt, %scan3A_104, %gt3A : i32
      %convert_element_type3A = arith.extui %gt3A_107 : i1 to i32
      %cond3A = arith.constant 0 : i32
      %cond3A_108 = arith.cmpi ne, %convert_element_type3A, %cond3A : i32
      scf.if %cond3A_108 {
        %dma_wait3A_181 = arith.constant 0 : i32
        %dma_wait3A_182 = arith.constant 0 : i32
        %dma_wait3A_183 = arith.constant 0 : i32
        %dma_wait3A_184 = tpu.memref_slice %arg10[%dma_wait3A_181, %dma_wait3A_182, %dma_wait3A_183] : memref<2x80x128xf32, #tpu.memory_space<vmem>> -> memref<1x80x128xf32, #tpu.memory_space<vmem>>
        %dma_wait3A_185 = tpu.memref_squeeze %dma_wait3A_184 : memref<1x80x128xf32, #tpu.memory_space<vmem>> -> memref<80x128xf32, #tpu.memory_space<vmem>>
        %dma_wait3A_186 = arith.constant 0 : i32
        %dma_wait3A_187 = arith.constant 0 : i32
        %dma_wait3A_188 = tpu.memref_slice %arg2[%dma_wait3A_186, %dma_wait3A_187] : memref<40000x128xf32, #tpu.memory_space<hbm>> -> memref<80x128xf32, #tpu.memory_space<hbm>>
        %dma_wait3A_189 = arith.constant 0 : i32
        %dma_wait3A_190 = arith.constant 0 : i32
        %dma_wait3A_191 = tpu.memref_slice %arg10[%dma_wait3A_181, %dma_wait3A_189, %dma_wait3A_190] : memref<2x80x128xf32, #tpu.memory_space<vmem>> -> memref<1x80x128xf32, #tpu.memory_space<vmem>>
        %dma_wait3A_192 = tpu.memref_squeeze %dma_wait3A_191 : memref<1x80x128xf32, #tpu.memory_space<vmem>> -> memref<80x128xf32, #tpu.memory_space<vmem>>
        %dma_wait3A_193 = arith.constant 0 : i32
        %dma_wait3A_194 = arith.constant 0 : i32
        %dma_wait3A_195 = tpu.memref_slice %arg2[%dma_wait3A_193, %dma_wait3A_194] : memref<40000x128xf32, #tpu.memory_space<hbm>> -> memref<80x128xf32, #tpu.memory_space<hbm>>
        tpu.wait_dma2 semaphore(%arg14 : memref<!tpu.dma_semaphore, #tpu.memory_space<semaphore_mem>>) src(%dma_wait3A_195 : memref<80x128xf32, #tpu.memory_space<hbm>>) dst(%dma_wait3A_192 : memref<80x128xf32, #tpu.memory_space<vmem>>)
      } else {
      }
      %add3A_109 = arith.constant 1 : i32
      %add3A_110 = arith.addi %mul3A_106, %add3A_109 : i32
      %mul3A_111 = arith.constant 80 : i32
      %mul3A_112 = arith.muli %add3A_110, %mul3A_111 : i32
      %multiple_of3A_113 = tpu.assume_multiple %mul3A_112, 8 : i32
      %dma_start3A_114 = arith.constant 1 : i32
      %dma_start3A_115 = arith.constant 0 : i32
      %dma_start3A_116 = arith.constant 0 : i32
      %dma_start3A_117 = tpu.memref_slice %arg10[%dma_start3A_114, %dma_start3A_115, %dma_start3A_116] : memref<2x80x128xf32, #tpu.memory_space<vmem>> -> memref<1x80x128xf32, #tpu.memory_space<vmem>>
      %dma_start3A_118 = tpu.memref_squeeze %dma_start3A_117 : memref<1x80x128xf32, #tpu.memory_space<vmem>> -> memref<80x128xf32, #tpu.memory_space<vmem>>
      %dma_start3A_119 = tpu.memref_slice %arg8[%multiple_of3A_113] : memref<10000xi32, #tpu.memory_space<vmem>> -> memref<80xi32, #tpu.memory_space<vmem>>
      %dma_start3A_120 = arith.constant 0 : i32
      %dma_start3A_121 = arith.constant 0 : i32
      %dma_start3A_122 = tpu.memref_slice %arg2[%dma_start3A_120, %dma_start3A_121] : memref<40000x128xf32, #tpu.memory_space<hbm>> -> memref<40000x128xf32, #tpu.memory_space<hbm>>
      tpu.enqueue_indirect_dma source(%dma_start3A_122 : memref<40000x128xf32, #tpu.memory_space<hbm>>) target(%dma_start3A_118 : memref<80x128xf32, #tpu.memory_space<vmem>>) offsets(%dma_start3A_119 : memref<80xi32, #tpu.memory_space<vmem>>) semaphore(%arg12 : memref<!tpu.dma_semaphore, #tpu.memory_space<semaphore_mem>>)
      %dma_wait3A_123 = arith.constant 0 : i32
      %dma_wait3A_124 = arith.constant 0 : i32
      %dma_wait3A_125 = arith.constant 0 : i32
      %dma_wait3A_126 = tpu.memref_slice %arg10[%dma_wait3A_123, %dma_wait3A_124, %dma_wait3A_125] : memref<2x80x128xf32, #tpu.memory_space<vmem>> -> memref<1x80x128xf32, #tpu.memory_space<vmem>>
      %dma_wait3A_127 = tpu.memref_squeeze %dma_wait3A_126 : memref<1x80x128xf32, #tpu.memory_space<vmem>> -> memref<80x128xf32, #tpu.memory_space<vmem>>
      %dma_wait3A_128 = arith.constant 0 : i32
      %dma_wait3A_129 = arith.constant 0 : i32
      %dma_wait3A_130 = tpu.memref_slice %arg2[%dma_wait3A_128, %dma_wait3A_129] : memref<40000x128xf32, #tpu.memory_space<hbm>> -> memref<80x128xf32, #tpu.memory_space<hbm>>
      %dma_wait3A_131 = arith.constant 0 : i32
      %dma_wait3A_132 = arith.constant 0 : i32
      %dma_wait3A_133 = tpu.memref_slice %arg10[%dma_wait3A_123, %dma_wait3A_131, %dma_wait3A_132] : memref<2x80x128xf32, #tpu.memory_space<vmem>> -> memref<1x80x128xf32, #tpu.memory_space<vmem>>
      %dma_wait3A_134 = tpu.memref_squeeze %dma_wait3A_133 : memref<1x80x128xf32, #tpu.memory_space<vmem>> -> memref<80x128xf32, #tpu.memory_space<vmem>>
      %dma_wait3A_135 = arith.constant 0 : i32
      %dma_wait3A_136 = arith.constant 0 : i32
      %dma_wait3A_137 = tpu.memref_slice %arg2[%dma_wait3A_135, %dma_wait3A_136] : memref<40000x128xf32, #tpu.memory_space<hbm>> -> memref<80x128xf32, #tpu.memory_space<hbm>>
      tpu.wait_dma2 semaphore(%arg11 : memref<!tpu.dma_semaphore, #tpu.memory_space<semaphore_mem>>) src(%dma_wait3A_137 : memref<80x128xf32, #tpu.memory_space<hbm>>) dst(%dma_wait3A_134 : memref<80x128xf32, #tpu.memory_space<vmem>>)
      %dma_start3A_138 = arith.constant 0 : i32
      %dma_start3A_139 = arith.constant 0 : i32
      %dma_start3A_140 = arith.constant 0 : i32
      %dma_start3A_141 = tpu.memref_slice %arg10[%dma_start3A_138, %dma_start3A_139, %dma_start3A_140] : memref<2x80x128xf32, #tpu.memory_space<vmem>> -> memref<1x80x128xf32, #tpu.memory_space<vmem>>
      %dma_start3A_142 = tpu.memref_squeeze %dma_start3A_141 : memref<1x80x128xf32, #tpu.memory_space<vmem>> -> memref<80x128xf32, #tpu.memory_space<vmem>>
      %dma_start3A_143 = arith.constant 0 : i32
      %dma_start3A_144 = tpu.memref_slice %arg9[%mul3A_106, %dma_start3A_143] : memref<125x80xi32, #tpu.memory_space<vmem>> -> memref<1x80xi32, #tpu.memory_space<vmem>>
      %dma_start3A_145 = tpu.memref_squeeze %dma_start3A_144 : memref<1x80xi32, #tpu.memory_space<vmem>> -> memref<80xi32, #tpu.memory_space<vmem>>
      %dma_start3A_146 = arith.constant 0 : i32
      %dma_start3A_147 = arith.constant 0 : i32
      %dma_start3A_148 = tpu.memref_slice %arg7[%dma_start3A_146, %dma_start3A_147] : memref<10240x128xf32, #tpu.memory_space<vmem_shared>> -> memref<10240x128xf32, #tpu.memory_space<vmem_shared>>
      tpu.enqueue_indirect_dma source(%dma_start3A_142 : memref<80x128xf32, #tpu.memory_space<vmem>>) target(%dma_start3A_148 : memref<10240x128xf32, #tpu.memory_space<vmem_shared>>) offsets(%dma_start3A_145 : memref<80xi32, #tpu.memory_space<vmem>>) semaphore(%arg13 : memref<!tpu.dma_semaphore, #tpu.memory_space<semaphore_mem>>) {add = true}
      %lt3A = arith.constant 61 : i32
      %lt3A_149 = arith.cmpi slt, %scan3A_104, %lt3A : i32
      %convert_element_type3A_150 = arith.extui %lt3A_149 : i1 to i32
      %cond3A_151 = arith.constant 0 : i32
      %cond3A_152 = arith.cmpi ne, %convert_element_type3A_150, %cond3A_151 : i32
      scf.if %cond3A_152 {
        %dma_wait3A_181 = arith.constant 0 : i32
        %dma_wait3A_182 = arith.constant 0 : i32
        %dma_wait3A_183 = arith.constant 0 : i32
        %dma_wait3A_184 = tpu.memref_slice %arg10[%dma_wait3A_181, %dma_wait3A_182, %dma_wait3A_183] : memref<2x80x128xf32, #tpu.memory_space<vmem>> -> memref<1x80x128xf32, #tpu.memory_space<vmem>>
        %dma_wait3A_185 = tpu.memref_squeeze %dma_wait3A_184 : memref<1x80x128xf32, #tpu.memory_space<vmem>> -> memref<80x128xf32, #tpu.memory_space<vmem>>
        %dma_wait3A_186 = arith.constant 0 : i32
        %dma_wait3A_187 = arith.constant 0 : i32
        %dma_wait3A_188 = tpu.memref_slice %arg2[%dma_wait3A_186, %dma_wait3A_187] : memref<40000x128xf32, #tpu.memory_space<hbm>> -> memref<80x128xf32, #tpu.memory_space<hbm>>
        %dma_wait3A_189 = arith.constant 0 : i32
        %dma_wait3A_190 = arith.constant 0 : i32
        %dma_wait3A_191 = tpu.memref_slice %arg10[%dma_wait3A_181, %dma_wait3A_189, %dma_wait3A_190] : memref<2x80x128xf32, #tpu.memory_space<vmem>> -> memref<1x80x128xf32, #tpu.memory_space<vmem>>
        %dma_wait3A_192 = tpu.memref_squeeze %dma_wait3A_191 : memref<1x80x128xf32, #tpu.memory_space<vmem>> -> memref<80x128xf32, #tpu.memory_space<vmem>>
        %dma_wait3A_193 = arith.constant 0 : i32
        %dma_wait3A_194 = arith.constant 0 : i32
        %dma_wait3A_195 = tpu.memref_slice %arg2[%dma_wait3A_193, %dma_wait3A_194] : memref<40000x128xf32, #tpu.memory_space<hbm>> -> memref<80x128xf32, #tpu.memory_space<hbm>>
        tpu.wait_dma2 semaphore(%arg13 : memref<!tpu.dma_semaphore, #tpu.memory_space<semaphore_mem>>) src(%dma_wait3A_195 : memref<80x128xf32, #tpu.memory_space<hbm>>) dst(%dma_wait3A_192 : memref<80x128xf32, #tpu.memory_space<vmem>>)
        %add3A_196 = arith.constant 2 : i32
        %add3A_197 = arith.addi %mul3A_106, %add3A_196 : i32
        %mul3A_198 = arith.constant 80 : i32
        %mul3A_199 = arith.muli %add3A_197, %mul3A_198 : i32
        %multiple_of3A_200 = tpu.assume_multiple %mul3A_199, 8 : i32
        %dma_start3A_201 = arith.constant 0 : i32
        %dma_start3A_202 = arith.constant 0 : i32
        %dma_start3A_203 = arith.constant 0 : i32
        %dma_start3A_204 = tpu.memref_slice %arg10[%dma_start3A_201, %dma_start3A_202, %dma_start3A_203] : memref<2x80x128xf32, #tpu.memory_space<vmem>> -> memref<1x80x128xf32, #tpu.memory_space<vmem>>
        %dma_start3A_205 = tpu.memref_squeeze %dma_start3A_204 : memref<1x80x128xf32, #tpu.memory_space<vmem>> -> memref<80x128xf32, #tpu.memory_space<vmem>>
        %dma_start3A_206 = tpu.memref_slice %arg8[%multiple_of3A_200] : memref<10000xi32, #tpu.memory_space<vmem>> -> memref<80xi32, #tpu.memory_space<vmem>>
        %dma_start3A_207 = arith.constant 0 : i32
        %dma_start3A_208 = arith.constant 0 : i32
        %dma_start3A_209 = tpu.memref_slice %arg2[%dma_start3A_207, %dma_start3A_208] : memref<40000x128xf32, #tpu.memory_space<hbm>> -> memref<40000x128xf32, #tpu.memory_space<hbm>>
        tpu.enqueue_indirect_dma source(%dma_start3A_209 : memref<40000x128xf32, #tpu.memory_space<hbm>>) target(%dma_start3A_205 : memref<80x128xf32, #tpu.memory_space<vmem>>) offsets(%dma_start3A_206 : memref<80xi32, #tpu.memory_space<vmem>>) semaphore(%arg11 : memref<!tpu.dma_semaphore, #tpu.memory_space<semaphore_mem>>)
      } else {
      }
      %dma_wait3A_153 = arith.constant 1 : i32
      %dma_wait3A_154 = arith.constant 0 : i32
      %dma_wait3A_155 = arith.constant 0 : i32
      %dma_wait3A_156 = tpu.memref_slice %arg10[%dma_wait3A_153, %dma_wait3A_154, %dma_wait3A_155] : memref<2x80x128xf32, #tpu.memory_space<vmem>> -> memref<1x80x128xf32, #tpu.memory_space<vmem>>
      %dma_wait3A_157 = tpu.memref_squeeze %dma_wait3A_156 : memref<1x80x128xf32, #tpu.memory_space<vmem>> -> memref<80x128xf32, #tpu.memory_space<vmem>>
      %dma_wait3A_158 = arith.constant 0 : i32
      %dma_wait3A_159 = arith.constant 0 : i32
      %dma_wait3A_160 = tpu.memref_slice %arg2[%dma_wait3A_158, %dma_wait3A_159] : memref<40000x128xf32, #tpu.memory_space<hbm>> -> memref<80x128xf32, #tpu.memory_space<hbm>>
      %dma_wait3A_161 = arith.constant 0 : i32
      %dma_wait3A_162 = arith.constant 0 : i32
      %dma_wait3A_163 = tpu.memref_slice %arg10[%dma_wait3A_153, %dma_wait3A_161, %dma_wait3A_162] : memref<2x80x128xf32, #tpu.memory_space<vmem>> -> memref<1x80x128xf32, #tpu.memory_space<vmem>>
      %dma_wait3A_164 = tpu.memref_squeeze %dma_wait3A_163 : memref<1x80x128xf32, #tpu.memory_space<vmem>> -> memref<80x128xf32, #tpu.memory_space<vmem>>
      %dma_wait3A_165 = arith.constant 0 : i32
      %dma_wait3A_166 = arith.constant 0 : i32
      %dma_wait3A_167 = tpu.memref_slice %arg2[%dma_wait3A_165, %dma_wait3A_166] : memref<40000x128xf32, #tpu.memory_space<hbm>> -> memref<80x128xf32, #tpu.memory_space<hbm>>
      tpu.wait_dma2 semaphore(%arg12 : memref<!tpu.dma_semaphore, #tpu.memory_space<semaphore_mem>>) src(%dma_wait3A_167 : memref<80x128xf32, #tpu.memory_space<hbm>>) dst(%dma_wait3A_164 : memref<80x128xf32, #tpu.memory_space<vmem>>)
      %add3A_168 = arith.constant 1 : i32
      %add3A_169 = arith.addi %mul3A_106, %add3A_168 : i32
      %dma_start3A_170 = arith.constant 1 : i32
      %dma_start3A_171 = arith.constant 0 : i32
      %dma_start3A_172 = arith.constant 0 : i32
      %dma_start3A_173 = tpu.memref_slice %arg10[%dma_start3A_170, %dma_start3A_171, %dma_start3A_172] : memref<2x80x128xf32, #tpu.memory_space<vmem>> -> memref<1x80x128xf32, #tpu.memory_space<vmem>>
      %dma_start3A_174 = tpu.memref_squeeze %dma_start3A_173 : memref<1x80x128xf32, #tpu.memory_space<vmem>> -> memref<80x128xf32, #tpu.memory_space<vmem>>
      %dma_start3A_175 = arith.constant 0 : i32
      %dma_start3A_176 = tpu.memref_slice %arg9[%add3A_169, %dma_start3A_175] : memref<125x80xi32, #tpu.memory_space<vmem>> -> memref<1x80xi32, #tpu.memory_space<vmem>>
      %dma_start3A_177 = tpu.memref_squeeze %dma_start3A_176 : memref<1x80xi32, #tpu.memory_space<vmem>> -> memref<80xi32, #tpu.memory_space<vmem>>
      %dma_start3A_178 = arith.constant 0 : i32
      %dma_start3A_179 = arith.constant 0 : i32
      %dma_start3A_180 = tpu.memref_slice %arg7[%dma_start3A_178, %dma_start3A_179] : memref<10240x128xf32, #tpu.memory_space<vmem_shared>> -> memref<10240x128xf32, #tpu.memory_space<vmem_shared>>
      tpu.enqueue_indirect_dma source(%dma_start3A_174 : memref<80x128xf32, #tpu.memory_space<vmem>>) target(%dma_start3A_180 : memref<10240x128xf32, #tpu.memory_space<vmem_shared>>) offsets(%dma_start3A_177 : memref<80xi32, #tpu.memory_space<vmem>>) semaphore(%arg14 : memref<!tpu.dma_semaphore, #tpu.memory_space<semaphore_mem>>) {add = true}
    }
    %scan3A_16 = arith.constant 62 : i32
    %dma_wait3A = arith.constant 0 : i32
    %dma_wait3A_17 = arith.constant 0 : i32
    %dma_wait3A_18 = arith.constant 0 : i32
    %dma_wait3A_19 = tpu.memref_slice %arg10[%dma_wait3A, %dma_wait3A_17, %dma_wait3A_18] : memref<2x80x128xf32, #tpu.memory_space<vmem>> -> memref<1x80x128xf32, #tpu.memory_space<vmem>>
    %dma_wait3A_20 = tpu.memref_squeeze %dma_wait3A_19 : memref<1x80x128xf32, #tpu.memory_space<vmem>> -> memref<80x128xf32, #tpu.memory_space<vmem>>
    %dma_wait3A_21 = arith.constant 0 : i32
    %dma_wait3A_22 = arith.constant 0 : i32
    %dma_wait3A_23 = tpu.memref_slice %arg2[%dma_wait3A_21, %dma_wait3A_22] : memref<40000x128xf32, #tpu.memory_space<hbm>> -> memref<80x128xf32, #tpu.memory_space<hbm>>
    %dma_wait3A_24 = arith.constant 0 : i32
    %dma_wait3A_25 = arith.constant 0 : i32
    %dma_wait3A_26 = tpu.memref_slice %arg10[%dma_wait3A, %dma_wait3A_24, %dma_wait3A_25] : memref<2x80x128xf32, #tpu.memory_space<vmem>> -> memref<1x80x128xf32, #tpu.memory_space<vmem>>
    %dma_wait3A_27 = tpu.memref_squeeze %dma_wait3A_26 : memref<1x80x128xf32, #tpu.memory_space<vmem>> -> memref<80x128xf32, #tpu.memory_space<vmem>>
    %dma_wait3A_28 = arith.constant 0 : i32
    %dma_wait3A_29 = arith.constant 0 : i32
    %dma_wait3A_30 = tpu.memref_slice %arg2[%dma_wait3A_28, %dma_wait3A_29] : memref<40000x128xf32, #tpu.memory_space<hbm>> -> memref<80x128xf32, #tpu.memory_space<hbm>>
    tpu.wait_dma2 semaphore(%arg13 : memref<!tpu.dma_semaphore, #tpu.memory_space<semaphore_mem>>) src(%dma_wait3A_30 : memref<80x128xf32, #tpu.memory_space<hbm>>) dst(%dma_wait3A_27 : memref<80x128xf32, #tpu.memory_space<vmem>>)
    %multiple_of3A_31 = arith.constant 9920 : i32
    %multiple_of3A_32 = tpu.assume_multiple %multiple_of3A_31, 8 : i32
    %dma_start3A_33 = arith.constant 0 : i32
    %dma_start3A_34 = arith.constant 0 : i32
    %dma_start3A_35 = arith.constant 0 : i32
    %dma_start3A_36 = tpu.memref_slice %arg10[%dma_start3A_33, %dma_start3A_34, %dma_start3A_35] : memref<2x80x128xf32, #tpu.memory_space<vmem>> -> memref<1x80x128xf32, #tpu.memory_space<vmem>>
    %dma_start3A_37 = tpu.memref_squeeze %dma_start3A_36 : memref<1x80x128xf32, #tpu.memory_space<vmem>> -> memref<80x128xf32, #tpu.memory_space<vmem>>
    %dma_start3A_38 = tpu.memref_slice %arg8[%multiple_of3A_32] : memref<10000xi32, #tpu.memory_space<vmem>> -> memref<80xi32, #tpu.memory_space<vmem>>
    %dma_start3A_39 = arith.constant 0 : i32
    %dma_start3A_40 = arith.constant 0 : i32
    %dma_start3A_41 = tpu.memref_slice %arg2[%dma_start3A_39, %dma_start3A_40] : memref<40000x128xf32, #tpu.memory_space<hbm>> -> memref<40000x128xf32, #tpu.memory_space<hbm>>
    tpu.enqueue_indirect_dma source(%dma_start3A_41 : memref<40000x128xf32, #tpu.memory_space<hbm>>) target(%dma_start3A_37 : memref<80x128xf32, #tpu.memory_space<vmem>>) offsets(%dma_start3A_38 : memref<80xi32, #tpu.memory_space<vmem>>) semaphore(%arg11 : memref<!tpu.dma_semaphore, #tpu.memory_space<semaphore_mem>>)
    %dma_wait3A_42 = arith.constant 0 : i32
    %dma_wait3A_43 = arith.constant 0 : i32
    %dma_wait3A_44 = arith.constant 0 : i32
    %dma_wait3A_45 = tpu.memref_slice %arg10[%dma_wait3A_42, %dma_wait3A_43, %dma_wait3A_44] : memref<2x80x128xf32, #tpu.memory_space<vmem>> -> memref<1x80x128xf32, #tpu.memory_space<vmem>>
    %dma_wait3A_46 = tpu.memref_squeeze %dma_wait3A_45 : memref<1x80x128xf32, #tpu.memory_space<vmem>> -> memref<80x128xf32, #tpu.memory_space<vmem>>
    %dma_wait3A_47 = arith.constant 0 : i32
    %dma_wait3A_48 = arith.constant 0 : i32
    %dma_wait3A_49 = tpu.memref_slice %arg2[%dma_wait3A_47, %dma_wait3A_48] : memref<40000x128xf32, #tpu.memory_space<hbm>> -> memref<80x128xf32, #tpu.memory_space<hbm>>
    %dma_wait3A_50 = arith.constant 0 : i32
    %dma_wait3A_51 = arith.constant 0 : i32
    %dma_wait3A_52 = tpu.memref_slice %arg10[%dma_wait3A_42, %dma_wait3A_50, %dma_wait3A_51] : memref<2x80x128xf32, #tpu.memory_space<vmem>> -> memref<1x80x128xf32, #tpu.memory_space<vmem>>
    %dma_wait3A_53 = tpu.memref_squeeze %dma_wait3A_52 : memref<1x80x128xf32, #tpu.memory_space<vmem>> -> memref<80x128xf32, #tpu.memory_space<vmem>>
    %dma_wait3A_54 = arith.constant 0 : i32
    %dma_wait3A_55 = arith.constant 0 : i32
    %dma_wait3A_56 = tpu.memref_slice %arg2[%dma_wait3A_54, %dma_wait3A_55] : memref<40000x128xf32, #tpu.memory_space<hbm>> -> memref<80x128xf32, #tpu.memory_space<hbm>>
    tpu.wait_dma2 semaphore(%arg14 : memref<!tpu.dma_semaphore, #tpu.memory_space<semaphore_mem>>) src(%dma_wait3A_56 : memref<80x128xf32, #tpu.memory_space<hbm>>) dst(%dma_wait3A_53 : memref<80x128xf32, #tpu.memory_space<vmem>>)
    %dma_wait3A_57 = arith.constant 0 : i32
    %dma_wait3A_58 = arith.constant 0 : i32
    %dma_wait3A_59 = arith.constant 0 : i32
    %dma_wait3A_60 = tpu.memref_slice %arg10[%dma_wait3A_57, %dma_wait3A_58, %dma_wait3A_59] : memref<2x80x128xf32, #tpu.memory_space<vmem>> -> memref<1x80x128xf32, #tpu.memory_space<vmem>>
    %dma_wait3A_61 = tpu.memref_squeeze %dma_wait3A_60 : memref<1x80x128xf32, #tpu.memory_space<vmem>> -> memref<80x128xf32, #tpu.memory_space<vmem>>
    %dma_wait3A_62 = arith.constant 0 : i32
    %dma_wait3A_63 = arith.constant 0 : i32
    %dma_wait3A_64 = tpu.memref_slice %arg2[%dma_wait3A_62, %dma_wait3A_63] : memref<40000x128xf32, #tpu.memory_space<hbm>> -> memref<80x128xf32, #tpu.memory_space<hbm>>
    %dma_wait3A_65 = arith.constant 0 : i32
    %dma_wait3A_66 = arith.constant 0 : i32
    %dma_wait3A_67 = tpu.memref_slice %arg10[%dma_wait3A_57, %dma_wait3A_65, %dma_wait3A_66] : memref<2x80x128xf32, #tpu.memory_space<vmem>> -> memref<1x80x128xf32, #tpu.memory_space<vmem>>
    %dma_wait3A_68 = tpu.memref_squeeze %dma_wait3A_67 : memref<1x80x128xf32, #tpu.memory_space<vmem>> -> memref<80x128xf32, #tpu.memory_space<vmem>>
    %dma_wait3A_69 = arith.constant 0 : i32
    %dma_wait3A_70 = arith.constant 0 : i32
    %dma_wait3A_71 = tpu.memref_slice %arg2[%dma_wait3A_69, %dma_wait3A_70] : memref<40000x128xf32, #tpu.memory_space<hbm>> -> memref<80x128xf32, #tpu.memory_space<hbm>>
    tpu.wait_dma2 semaphore(%arg11 : memref<!tpu.dma_semaphore, #tpu.memory_space<semaphore_mem>>) src(%dma_wait3A_71 : memref<80x128xf32, #tpu.memory_space<hbm>>) dst(%dma_wait3A_68 : memref<80x128xf32, #tpu.memory_space<vmem>>)
    %dma_start3A_72 = arith.constant 0 : i32
    %dma_start3A_73 = arith.constant 124 : i32
    %dma_start3A_74 = arith.constant 0 : i32
    %dma_start3A_75 = arith.constant 0 : i32
    %dma_start3A_76 = tpu.memref_slice %arg10[%dma_start3A_72, %dma_start3A_74, %dma_start3A_75] : memref<2x80x128xf32, #tpu.memory_space<vmem>> -> memref<1x80x128xf32, #tpu.memory_space<vmem>>
    %dma_start3A_77 = tpu.memref_squeeze %dma_start3A_76 : memref<1x80x128xf32, #tpu.memory_space<vmem>> -> memref<80x128xf32, #tpu.memory_space<vmem>>
    %dma_start3A_78 = arith.constant 0 : i32
    %dma_start3A_79 = tpu.memref_slice %arg9[%dma_start3A_73, %dma_start3A_78] : memref<125x80xi32, #tpu.memory_space<vmem>> -> memref<1x80xi32, #tpu.memory_space<vmem>>
    %dma_start3A_80 = tpu.memref_squeeze %dma_start3A_79 : memref<1x80xi32, #tpu.memory_space<vmem>> -> memref<80xi32, #tpu.memory_space<vmem>>
    %dma_start3A_81 = arith.constant 0 : i32
    %dma_start3A_82 = arith.constant 0 : i32
    %dma_start3A_83 = tpu.memref_slice %arg7[%dma_start3A_81, %dma_start3A_82] : memref<10240x128xf32, #tpu.memory_space<vmem_shared>> -> memref<10240x128xf32, #tpu.memory_space<vmem_shared>>
    tpu.enqueue_indirect_dma source(%dma_start3A_77 : memref<80x128xf32, #tpu.memory_space<vmem>>) target(%dma_start3A_83 : memref<10240x128xf32, #tpu.memory_space<vmem_shared>>) offsets(%dma_start3A_80 : memref<80xi32, #tpu.memory_space<vmem>>) semaphore(%arg13 : memref<!tpu.dma_semaphore, #tpu.memory_space<semaphore_mem>>) {add = true}
    %dma_wait3A_84 = arith.constant 0 : i32
    %dma_wait3A_85 = arith.constant 0 : i32
    %dma_wait3A_86 = arith.constant 0 : i32
    %dma_wait3A_87 = tpu.memref_slice %arg10[%dma_wait3A_84, %dma_wait3A_85, %dma_wait3A_86] : memref<2x80x128xf32, #tpu.memory_space<vmem>> -> memref<1x80x128xf32, #tpu.memory_space<vmem>>
    %dma_wait3A_88 = tpu.memref_squeeze %dma_wait3A_87 : memref<1x80x128xf32, #tpu.memory_space<vmem>> -> memref<80x128xf32, #tpu.memory_space<vmem>>
    %dma_wait3A_89 = arith.constant 0 : i32
    %dma_wait3A_90 = arith.constant 0 : i32
    %dma_wait3A_91 = tpu.memref_slice %arg2[%dma_wait3A_89, %dma_wait3A_90] : memref<40000x128xf32, #tpu.memory_space<hbm>> -> memref<80x128xf32, #tpu.memory_space<hbm>>
    %dma_wait3A_92 = arith.constant 0 : i32
    %dma_wait3A_93 = arith.constant 0 : i32
    %dma_wait3A_94 = tpu.memref_slice %arg10[%dma_wait3A_84, %dma_wait3A_92, %dma_wait3A_93] : memref<2x80x128xf32, #tpu.memory_space<vmem>> -> memref<1x80x128xf32, #tpu.memory_space<vmem>>
    %dma_wait3A_95 = tpu.memref_squeeze %dma_wait3A_94 : memref<1x80x128xf32, #tpu.memory_space<vmem>> -> memref<80x128xf32, #tpu.memory_space<vmem>>
    %dma_wait3A_96 = arith.constant 0 : i32
    %dma_wait3A_97 = arith.constant 0 : i32
    %dma_wait3A_98 = tpu.memref_slice %arg2[%dma_wait3A_96, %dma_wait3A_97] : memref<40000x128xf32, #tpu.memory_space<hbm>> -> memref<80x128xf32, #tpu.memory_space<hbm>>
    tpu.wait_dma2 semaphore(%arg13 : memref<!tpu.dma_semaphore, #tpu.memory_space<semaphore_mem>>) src(%dma_wait3A_98 : memref<80x128xf32, #tpu.memory_space<hbm>>) dst(%dma_wait3A_95 : memref<80x128xf32, #tpu.memory_space<vmem>>)
    %barrier3A_99 = arith.constant 0 : index
    tpu.barrier barrier_id(%barrier3A_99)
    %mul3A_100 = arith.constant 640 : i32
    %mul3A_101 = arith.muli %arg1, %mul3A_100 : i32
    %mul3A_102 = arith.constant 640 : i32
    %mul3A_103 = arith.muli %arg1, %mul3A_102 : i32
    "tpu.region"() ({
      %run_scoped3A = tpu.sem_alloc : memref<!tpu.dma_semaphore, #tpu.memory_space<semaphore_mem>>
      %dma_start3A_104 = arith.constant 0 : i32
      %dma_start3A_105 = tpu.memref_slice %arg6[%arg0, %mul3A_103, %dma_start3A_104] : memref<2x10240x128xf32, #tpu.memory_space<hbm>> -> memref<1x640x128xf32, #tpu.memory_space<hbm>>
      %dma_start3A_106 = tpu.memref_squeeze %dma_start3A_105 : memref<1x640x128xf32, #tpu.memory_space<hbm>> -> memref<640x128xf32, #tpu.memory_space<hbm>>
      %dma_start3A_107 = arith.constant 0 : i32
      %dma_start3A_108 = tpu.memref_slice %arg7[%mul3A_101, %dma_start3A_107] : memref<10240x128xf32, #tpu.memory_space<vmem_shared>> -> memref<640x128xf32, #tpu.memory_space<vmem_shared>>
      tpu.enqueue_dma source(%dma_start3A_108 : memref<640x128xf32, #tpu.memory_space<vmem_shared>>) target(%dma_start3A_106 : memref<640x128xf32, #tpu.memory_space<hbm>>) target_semaphore(%run_scoped3A : memref<!tpu.dma_semaphore, #tpu.memory_space<semaphore_mem>>)
      %dma_wait3A_109 = arith.constant 0 : i32
      %dma_wait3A_110 = tpu.memref_slice %arg6[%arg0, %mul3A_103, %dma_wait3A_109] : memref<2x10240x128xf32, #tpu.memory_space<hbm>> -> memref<1x640x128xf32, #tpu.memory_space<hbm>>
      %dma_wait3A_111 = tpu.memref_squeeze %dma_wait3A_110 : memref<1x640x128xf32, #tpu.memory_space<hbm>> -> memref<640x128xf32, #tpu.memory_space<hbm>>
      %dma_wait3A_112 = arith.constant 0 : i32
      %dma_wait3A_113 = tpu.memref_slice %arg7[%mul3A_101, %dma_wait3A_112] : memref<10240x128xf32, #tpu.memory_space<vmem_shared>> -> memref<640x128xf32, #tpu.memory_space<vmem_shared>>
      tpu.wait_dma2 semaphore(%run_scoped3A : memref<!tpu.dma_semaphore, #tpu.memory_space<semaphore_mem>>) src(%dma_wait3A_113 : memref<640x128xf32, #tpu.memory_space<vmem_shared>>) dst(%dma_wait3A_111 : memref<640x128xf32, #tpu.memory_space<hbm>>)
      tpu.yield
    }) : () -> ()
    return
  }
}

#map = affine_map<(d0, d1) -> (0, 0)>
#map1 = affine_map<(d0, d1) -> (0, 0, 0)>
module attributes {stable_mosaic.version = 14 : i64} {
  func.func @_sc_body(%arg0: i32, %arg1: i32, %arg2: memref<40000x128xf32, #tpu.memory_space<hbm>>, %arg3: memref<32x10000xi32, #tpu.memory_space<hbm>>, %arg4: memref<32x125x80xi32, #tpu.memory_space<hbm>>, %arg5: memref<640x128xf32, #tpu.memory_space<hbm>>, %arg6: memref<2x10240x128xf32, #tpu.memory_space<hbm>>, %arg7: memref<10240x128xf32, #tpu.memory_space<vmem_shared>>, %arg8: memref<10000xi32, #tpu.memory_space<vmem>>, %arg9: memref<125x80xi32, #tpu.memory_space<vmem>>, %arg10: memref<2x80x128xf32, #tpu.memory_space<vmem>>, %arg11: memref<!tpu.dma_semaphore, #tpu.memory_space<semaphore_mem>>, %arg12: memref<!tpu.dma_semaphore, #tpu.memory_space<semaphore_mem>>, %arg13: memref<!tpu.dma_semaphore, #tpu.memory_space<semaphore_mem>>, %arg14: memref<!tpu.dma_semaphore, #tpu.memory_space<semaphore_mem>>) attributes {dimension_semantics = [#tpu.dimension_semantics<core_parallel>, #tpu.dimension_semantics<subcore_parallel>], iteration_bounds = array<i64: 2, 16>, scalar_prefetch = 0 : i64, scratch_operands = 8 : i64, tpu.core_type = #tpu.core_type<sc_vector_subcore>, window_params = [{transform_indices = #map}, {transform_indices = #map}, {transform_indices = #map1}, {transform_indices = #map}, {transform_indices = #map1}]} {
    %mul3A = arith.constant 2 : i32
    %mul3A_0 = arith.muli %arg1, %mul3A : i32
    %add3A = arith.addi %mul3A_0, %arg0 : i32
    %mul3A_1 = arith.constant 640 : i32
    %mul3A_2 = arith.muli %arg1, %mul3A_1 : i32
    "tpu.region"() ({
      %run_scoped3A = tpu.sem_alloc : memref<!tpu.dma_semaphore, #tpu.memory_space<semaphore_mem>>
      %dma_start3A_104 = arith.constant 0 : i32
      %dma_start3A_105 = tpu.memref_slice %arg7[%mul3A_2, %dma_start3A_104] : memref<10240x128xf32, #tpu.memory_space<vmem_shared>> -> memref<640x128xf32, #tpu.memory_space<vmem_shared>>
      tpu.enqueue_dma source(%arg5 : memref<640x128xf32, #tpu.memory_space<hbm>>) target(%dma_start3A_105 : memref<640x128xf32, #tpu.memory_space<vmem_shared>>) target_semaphore(%run_scoped3A : memref<!tpu.dma_semaphore, #tpu.memory_space<semaphore_mem>>)
      %dma_wait3A_106 = arith.constant 0 : i32
      %dma_wait3A_107 = tpu.memref_slice %arg7[%mul3A_2, %dma_wait3A_106] : memref<10240x128xf32, #tpu.memory_space<vmem_shared>> -> memref<640x128xf32, #tpu.memory_space<vmem_shared>>
      tpu.wait_dma2 semaphore(%run_scoped3A : memref<!tpu.dma_semaphore, #tpu.memory_space<semaphore_mem>>) src(%arg5 : memref<640x128xf32, #tpu.memory_space<hbm>>) dst(%dma_wait3A_107 : memref<640x128xf32, #tpu.memory_space<vmem_shared>>)
      tpu.yield
    }) : () -> ()
    "tpu.region"() ({
      %run_scoped3A = tpu.sem_alloc : memref<!tpu.dma_semaphore, #tpu.memory_space<semaphore_mem>>
      %dma_start3A_104 = arith.constant 0 : i32
      %dma_start3A_105 = tpu.memref_slice %arg3[%add3A, %dma_start3A_104] : memref<32x10000xi32, #tpu.memory_space<hbm>> -> memref<1x10000xi32, #tpu.memory_space<hbm>>
      %dma_start3A_106 = tpu.memref_squeeze %dma_start3A_105 : memref<1x10000xi32, #tpu.memory_space<hbm>> -> memref<10000xi32, #tpu.memory_space<hbm>>
      %dma_start3A_107 = arith.constant 0 : i32
      %dma_start3A_108 = tpu.memref_slice %arg3[%add3A, %dma_start3A_107] : memref<32x10000xi32, #tpu.memory_space<hbm>> -> memref<1x10000xi32, #tpu.memory_space<hbm>>
      %dma_start3A_109 = tpu.memref_squeeze %dma_start3A_108 : memref<1x10000xi32, #tpu.memory_space<hbm>> -> memref<10000xi32, #tpu.memory_space<hbm>>
      tpu.enqueue_dma source(%dma_start3A_109 : memref<10000xi32, #tpu.memory_space<hbm>>) target(%arg8 : memref<10000xi32, #tpu.memory_space<vmem>>) target_semaphore(%run_scoped3A : memref<!tpu.dma_semaphore, #tpu.memory_space<semaphore_mem>>)
      %dma_wait3A_110 = arith.constant 0 : i32
      %dma_wait3A_111 = tpu.memref_slice %arg3[%add3A, %dma_wait3A_110] : memref<32x10000xi32, #tpu.memory_space<hbm>> -> memref<1x10000xi32, #tpu.memory_space<hbm>>
      %dma_wait3A_112 = tpu.memref_squeeze %dma_wait3A_111 : memref<1x10000xi32, #tpu.memory_space<hbm>> -> memref<10000xi32, #tpu.memory_space<hbm>>
      %dma_wait3A_113 = arith.constant 0 : i32
      %dma_wait3A_114 = tpu.memref_slice %arg3[%add3A, %dma_wait3A_113] : memref<32x10000xi32, #tpu.memory_space<hbm>> -> memref<1x10000xi32, #tpu.memory_space<hbm>>
      %dma_wait3A_115 = tpu.memref_squeeze %dma_wait3A_114 : memref<1x10000xi32, #tpu.memory_space<hbm>> -> memref<10000xi32, #tpu.memory_space<hbm>>
      tpu.wait_dma2 semaphore(%run_scoped3A : memref<!tpu.dma_semaphore, #tpu.memory_space<semaphore_mem>>) src(%dma_wait3A_115 : memref<10000xi32, #tpu.memory_space<hbm>>) dst(%arg8 : memref<10000xi32, #tpu.memory_space<vmem>>)
      tpu.yield
    }) : () -> ()
    "tpu.region"() ({
      %run_scoped3A = tpu.sem_alloc : memref<!tpu.dma_semaphore, #tpu.memory_space<semaphore_mem>>
      %dma_start3A_104 = arith.constant 0 : i32
      %dma_start3A_105 = arith.constant 0 : i32
      %dma_start3A_106 = tpu.memref_slice %arg4[%add3A, %dma_start3A_104, %dma_start3A_105] : memref<32x125x80xi32, #tpu.memory_space<hbm>> -> memref<1x125x80xi32, #tpu.memory_space<hbm>>
      %dma_start3A_107 = tpu.memref_squeeze %dma_start3A_106 : memref<1x125x80xi32, #tpu.memory_space<hbm>> -> memref<125x80xi32, #tpu.memory_space<hbm>>
      %dma_start3A_108 = arith.constant 0 : i32
      %dma_start3A_109 = arith.constant 0 : i32
      %dma_start3A_110 = tpu.memref_slice %arg4[%add3A, %dma_start3A_108, %dma_start3A_109] : memref<32x125x80xi32, #tpu.memory_space<hbm>> -> memref<1x125x80xi32, #tpu.memory_space<hbm>>
      %dma_start3A_111 = tpu.memref_squeeze %dma_start3A_110 : memref<1x125x80xi32, #tpu.memory_space<hbm>> -> memref<125x80xi32, #tpu.memory_space<hbm>>
      tpu.enqueue_dma source(%dma_start3A_111 : memref<125x80xi32, #tpu.memory_space<hbm>>) target(%arg9 : memref<125x80xi32, #tpu.memory_space<vmem>>) target_semaphore(%run_scoped3A : memref<!tpu.dma_semaphore, #tpu.memory_space<semaphore_mem>>)
      %dma_wait3A_112 = arith.constant 0 : i32
      %dma_wait3A_113 = arith.constant 0 : i32
      %dma_wait3A_114 = tpu.memref_slice %arg4[%add3A, %dma_wait3A_112, %dma_wait3A_113] : memref<32x125x80xi32, #tpu.memory_space<hbm>> -> memref<1x125x80xi32, #tpu.memory_space<hbm>>
      %dma_wait3A_115 = tpu.memref_squeeze %dma_wait3A_114 : memref<1x125x80xi32, #tpu.memory_space<hbm>> -> memref<125x80xi32, #tpu.memory_space<hbm>>
      %dma_wait3A_116 = arith.constant 0 : i32
      %dma_wait3A_117 = arith.constant 0 : i32
      %dma_wait3A_118 = tpu.memref_slice %arg4[%add3A, %dma_wait3A_116, %dma_wait3A_117] : memref<32x125x80xi32, #tpu.memory_space<hbm>> -> memref<1x125x80xi32, #tpu.memory_space<hbm>>
      %dma_wait3A_119 = tpu.memref_squeeze %dma_wait3A_118 : memref<1x125x80xi32, #tpu.memory_space<hbm>> -> memref<125x80xi32, #tpu.memory_space<hbm>>
      tpu.wait_dma2 semaphore(%run_scoped3A : memref<!tpu.dma_semaphore, #tpu.memory_space<semaphore_mem>>) src(%dma_wait3A_119 : memref<125x80xi32, #tpu.memory_space<hbm>>) dst(%arg9 : memref<125x80xi32, #tpu.memory_space<vmem>>)
      tpu.yield
    }) : () -> ()
    %barrier3A = arith.constant 0 : index
    tpu.barrier barrier_id(%barrier3A)
    %multiple_of3A = arith.constant 0 : i32
    %multiple_of3A_3 = tpu.assume_multiple %multiple_of3A, 8 : i32
    %dma_start3A = arith.constant 0 : i32
    %dma_start3A_4 = arith.constant 0 : i32
    %dma_start3A_5 = arith.constant 0 : i32
    %dma_start3A_6 = tpu.memref_slice %arg10[%dma_start3A, %dma_start3A_4, %dma_start3A_5] : memref<2x80x128xf32, #tpu.memory_space<vmem>> -> memref<1x80x128xf32, #tpu.memory_space<vmem>>
    %dma_start3A_7 = tpu.memref_squeeze %dma_start3A_6 : memref<1x80x128xf32, #tpu.memory_space<vmem>> -> memref<80x128xf32, #tpu.memory_space<vmem>>
    %dma_start3A_8 = tpu.memref_slice %arg8[%multiple_of3A_3] : memref<10000xi32, #tpu.memory_space<vmem>> -> memref<80xi32, #tpu.memory_space<vmem>>
    %dma_start3A_9 = arith.constant 0 : i32
    %dma_start3A_10 = arith.constant 0 : i32
    %dma_start3A_11 = tpu.memref_slice %arg2[%dma_start3A_9, %dma_start3A_10] : memref<40000x128xf32, #tpu.memory_space<hbm>> -> memref<40000x128xf32, #tpu.memory_space<hbm>>
    tpu.enqueue_indirect_dma source(%dma_start3A_11 : memref<40000x128xf32, #tpu.memory_space<hbm>>) target(%dma_start3A_7 : memref<80x128xf32, #tpu.memory_space<vmem>>) offsets(%dma_start3A_8 : memref<80xi32, #tpu.memory_space<vmem>>) semaphore(%arg11 : memref<!tpu.dma_semaphore, #tpu.memory_space<semaphore_mem>>)
    %scan3A = arith.constant 0 : i32
    %scan3A_12 = arith.constant 0 : i32
    %scan3A_13 = arith.constant 62 : i32
    %scan3A_14 = arith.addi %scan3A_12, %scan3A_13 : i32
    %scan3A_15 = arith.constant 1 : i32
    scf.for %scan3A_104 = %scan3A_12 to %scan3A_14 step %scan3A_15  : i32 {
      %mul3A_105 = arith.constant 2 : i32
      %mul3A_106 = arith.muli %scan3A_104, %mul3A_105 : i32
      %gt3A = arith.constant 0 : i32
      %gt3A_107 = arith.cmpi sgt, %scan3A_104, %gt3A : i32
      %convert_element_type3A = arith.extui %gt3A_107 : i1 to i32
      %cond3A = arith.constant 0 : i32
      %cond3A_108 = arith.cmpi ne, %convert_element_type3A, %cond3A : i32
      scf.if %cond3A_108 {
        %dma_wait3A_181 = arith.constant 0 : i32
        %dma_wait3A_182 = arith.constant 0 : i32
        %dma_wait3A_183 = arith.constant 0 : i32
        %dma_wait3A_184 = tpu.memref_slice %arg10[%dma_wait3A_181, %dma_wait3A_182, %dma_wait3A_183] : memref<2x80x128xf32, #tpu.memory_space<vmem>> -> memref<1x80x128xf32, #tpu.memory_space<vmem>>
        %dma_wait3A_185 = tpu.memref_squeeze %dma_wait3A_184 : memref<1x80x128xf32, #tpu.memory_space<vmem>> -> memref<80x128xf32, #tpu.memory_space<vmem>>
        %dma_wait3A_186 = arith.constant 0 : i32
        %dma_wait3A_187 = arith.constant 0 : i32
        %dma_wait3A_188 = tpu.memref_slice %arg2[%dma_wait3A_186, %dma_wait3A_187] : memref<40000x128xf32, #tpu.memory_space<hbm>> -> memref<80x128xf32, #tpu.memory_space<hbm>>
        %dma_wait3A_189 = arith.constant 0 : i32
        %dma_wait3A_190 = arith.constant 0 : i32
        %dma_wait3A_191 = tpu.memref_slice %arg10[%dma_wait3A_181, %dma_wait3A_189, %dma_wait3A_190] : memref<2x80x128xf32, #tpu.memory_space<vmem>> -> memref<1x80x128xf32, #tpu.memory_space<vmem>>
        %dma_wait3A_192 = tpu.memref_squeeze %dma_wait3A_191 : memref<1x80x128xf32, #tpu.memory_space<vmem>> -> memref<80x128xf32, #tpu.memory_space<vmem>>
        %dma_wait3A_193 = arith.constant 0 : i32
        %dma_wait3A_194 = arith.constant 0 : i32
        %dma_wait3A_195 = tpu.memref_slice %arg2[%dma_wait3A_193, %dma_wait3A_194] : memref<40000x128xf32, #tpu.memory_space<hbm>> -> memref<80x128xf32, #tpu.memory_space<hbm>>
        tpu.wait_dma2 semaphore(%arg14 : memref<!tpu.dma_semaphore, #tpu.memory_space<semaphore_mem>>) src(%dma_wait3A_195 : memref<80x128xf32, #tpu.memory_space<hbm>>) dst(%dma_wait3A_192 : memref<80x128xf32, #tpu.memory_space<vmem>>)
      } else {
      }
      %add3A_109 = arith.constant 1 : i32
      %add3A_110 = arith.addi %mul3A_106, %add3A_109 : i32
      %mul3A_111 = arith.constant 80 : i32
      %mul3A_112 = arith.muli %add3A_110, %mul3A_111 : i32
      %multiple_of3A_113 = tpu.assume_multiple %mul3A_112, 8 : i32
      %dma_start3A_114 = arith.constant 1 : i32
      %dma_start3A_115 = arith.constant 0 : i32
      %dma_start3A_116 = arith.constant 0 : i32
      %dma_start3A_117 = tpu.memref_slice %arg10[%dma_start3A_114, %dma_start3A_115, %dma_start3A_116] : memref<2x80x128xf32, #tpu.memory_space<vmem>> -> memref<1x80x128xf32, #tpu.memory_space<vmem>>
      %dma_start3A_118 = tpu.memref_squeeze %dma_start3A_117 : memref<1x80x128xf32, #tpu.memory_space<vmem>> -> memref<80x128xf32, #tpu.memory_space<vmem>>
      %dma_start3A_119 = tpu.memref_slice %arg8[%multiple_of3A_113] : memref<10000xi32, #tpu.memory_space<vmem>> -> memref<80xi32, #tpu.memory_space<vmem>>
      %dma_start3A_120 = arith.constant 0 : i32
      %dma_start3A_121 = arith.constant 0 : i32
      %dma_start3A_122 = tpu.memref_slice %arg2[%dma_start3A_120, %dma_start3A_121] : memref<40000x128xf32, #tpu.memory_space<hbm>> -> memref<40000x128xf32, #tpu.memory_space<hbm>>
      tpu.enqueue_indirect_dma source(%dma_start3A_122 : memref<40000x128xf32, #tpu.memory_space<hbm>>) target(%dma_start3A_118 : memref<80x128xf32, #tpu.memory_space<vmem>>) offsets(%dma_start3A_119 : memref<80xi32, #tpu.memory_space<vmem>>) semaphore(%arg12 : memref<!tpu.dma_semaphore, #tpu.memory_space<semaphore_mem>>)
      %dma_wait3A_123 = arith.constant 0 : i32
      %dma_wait3A_124 = arith.constant 0 : i32
      %dma_wait3A_125 = arith.constant 0 : i32
      %dma_wait3A_126 = tpu.memref_slice %arg10[%dma_wait3A_123, %dma_wait3A_124, %dma_wait3A_125] : memref<2x80x128xf32, #tpu.memory_space<vmem>> -> memref<1x80x128xf32, #tpu.memory_space<vmem>>
      %dma_wait3A_127 = tpu.memref_squeeze %dma_wait3A_126 : memref<1x80x128xf32, #tpu.memory_space<vmem>> -> memref<80x128xf32, #tpu.memory_space<vmem>>
      %dma_wait3A_128 = arith.constant 0 : i32
      %dma_wait3A_129 = arith.constant 0 : i32
      %dma_wait3A_130 = tpu.memref_slice %arg2[%dma_wait3A_128, %dma_wait3A_129] : memref<40000x128xf32, #tpu.memory_space<hbm>> -> memref<80x128xf32, #tpu.memory_space<hbm>>
      %dma_wait3A_131 = arith.constant 0 : i32
      %dma_wait3A_132 = arith.constant 0 : i32
      %dma_wait3A_133 = tpu.memref_slice %arg10[%dma_wait3A_123, %dma_wait3A_131, %dma_wait3A_132] : memref<2x80x128xf32, #tpu.memory_space<vmem>> -> memref<1x80x128xf32, #tpu.memory_space<vmem>>
      %dma_wait3A_134 = tpu.memref_squeeze %dma_wait3A_133 : memref<1x80x128xf32, #tpu.memory_space<vmem>> -> memref<80x128xf32, #tpu.memory_space<vmem>>
      %dma_wait3A_135 = arith.constant 0 : i32
      %dma_wait3A_136 = arith.constant 0 : i32
      %dma_wait3A_137 = tpu.memref_slice %arg2[%dma_wait3A_135, %dma_wait3A_136] : memref<40000x128xf32, #tpu.memory_space<hbm>> -> memref<80x128xf32, #tpu.memory_space<hbm>>
      tpu.wait_dma2 semaphore(%arg11 : memref<!tpu.dma_semaphore, #tpu.memory_space<semaphore_mem>>) src(%dma_wait3A_137 : memref<80x128xf32, #tpu.memory_space<hbm>>) dst(%dma_wait3A_134 : memref<80x128xf32, #tpu.memory_space<vmem>>)
      %dma_start3A_138 = arith.constant 0 : i32
      %dma_start3A_139 = arith.constant 0 : i32
      %dma_start3A_140 = arith.constant 0 : i32
      %dma_start3A_141 = tpu.memref_slice %arg10[%dma_start3A_138, %dma_start3A_139, %dma_start3A_140] : memref<2x80x128xf32, #tpu.memory_space<vmem>> -> memref<1x80x128xf32, #tpu.memory_space<vmem>>
      %dma_start3A_142 = tpu.memref_squeeze %dma_start3A_141 : memref<1x80x128xf32, #tpu.memory_space<vmem>> -> memref<80x128xf32, #tpu.memory_space<vmem>>
      %dma_start3A_143 = arith.constant 0 : i32
      %dma_start3A_144 = tpu.memref_slice %arg9[%mul3A_106, %dma_start3A_143] : memref<125x80xi32, #tpu.memory_space<vmem>> -> memref<1x80xi32, #tpu.memory_space<vmem>>
      %dma_start3A_145 = tpu.memref_squeeze %dma_start3A_144 : memref<1x80xi32, #tpu.memory_space<vmem>> -> memref<80xi32, #tpu.memory_space<vmem>>
      %dma_start3A_146 = arith.constant 0 : i32
      %dma_start3A_147 = arith.constant 0 : i32
      %dma_start3A_148 = tpu.memref_slice %arg7[%dma_start3A_146, %dma_start3A_147] : memref<10240x128xf32, #tpu.memory_space<vmem_shared>> -> memref<10240x128xf32, #tpu.memory_space<vmem_shared>>
      tpu.enqueue_indirect_dma source(%dma_start3A_142 : memref<80x128xf32, #tpu.memory_space<vmem>>) target(%dma_start3A_148 : memref<10240x128xf32, #tpu.memory_space<vmem_shared>>) offsets(%dma_start3A_145 : memref<80xi32, #tpu.memory_space<vmem>>) semaphore(%arg13 : memref<!tpu.dma_semaphore, #tpu.memory_space<semaphore_mem>>) {add = true}
      %lt3A = arith.constant 61 : i32
      %lt3A_149 = arith.cmpi slt, %scan3A_104, %lt3A : i32
      %convert_element_type3A_150 = arith.extui %lt3A_149 : i1 to i32
      %cond3A_151 = arith.constant 0 : i32
      %cond3A_152 = arith.cmpi ne, %convert_element_type3A_150, %cond3A_151 : i32
      scf.if %cond3A_152 {
        %dma_wait3A_181 = arith.constant 0 : i32
        %dma_wait3A_182 = arith.constant 0 : i32
        %dma_wait3A_183 = arith.constant 0 : i32
        %dma_wait3A_184 = tpu.memref_slice %arg10[%dma_wait3A_181, %dma_wait3A_182, %dma_wait3A_183] : memref<2x80x128xf32, #tpu.memory_space<vmem>> -> memref<1x80x128xf32, #tpu.memory_space<vmem>>
        %dma_wait3A_185 = tpu.memref_squeeze %dma_wait3A_184 : memref<1x80x128xf32, #tpu.memory_space<vmem>> -> memref<80x128xf32, #tpu.memory_space<vmem>>
        %dma_wait3A_186 = arith.constant 0 : i32
        %dma_wait3A_187 = arith.constant 0 : i32
        %dma_wait3A_188 = tpu.memref_slice %arg2[%dma_wait3A_186, %dma_wait3A_187] : memref<40000x128xf32, #tpu.memory_space<hbm>> -> memref<80x128xf32, #tpu.memory_space<hbm>>
        %dma_wait3A_189 = arith.constant 0 : i32
        %dma_wait3A_190 = arith.constant 0 : i32
        %dma_wait3A_191 = tpu.memref_slice %arg10[%dma_wait3A_181, %dma_wait3A_189, %dma_wait3A_190] : memref<2x80x128xf32, #tpu.memory_space<vmem>> -> memref<1x80x128xf32, #tpu.memory_space<vmem>>
        %dma_wait3A_192 = tpu.memref_squeeze %dma_wait3A_191 : memref<1x80x128xf32, #tpu.memory_space<vmem>> -> memref<80x128xf32, #tpu.memory_space<vmem>>
        %dma_wait3A_193 = arith.constant 0 : i32
        %dma_wait3A_194 = arith.constant 0 : i32
        %dma_wait3A_195 = tpu.memref_slice %arg2[%dma_wait3A_193, %dma_wait3A_194] : memref<40000x128xf32, #tpu.memory_space<hbm>> -> memref<80x128xf32, #tpu.memory_space<hbm>>
        tpu.wait_dma2 semaphore(%arg13 : memref<!tpu.dma_semaphore, #tpu.memory_space<semaphore_mem>>) src(%dma_wait3A_195 : memref<80x128xf32, #tpu.memory_space<hbm>>) dst(%dma_wait3A_192 : memref<80x128xf32, #tpu.memory_space<vmem>>)
        %add3A_196 = arith.constant 2 : i32
        %add3A_197 = arith.addi %mul3A_106, %add3A_196 : i32
        %mul3A_198 = arith.constant 80 : i32
        %mul3A_199 = arith.muli %add3A_197, %mul3A_198 : i32
        %multiple_of3A_200 = tpu.assume_multiple %mul3A_199, 8 : i32
        %dma_start3A_201 = arith.constant 0 : i32
        %dma_start3A_202 = arith.constant 0 : i32
        %dma_start3A_203 = arith.constant 0 : i32
        %dma_start3A_204 = tpu.memref_slice %arg10[%dma_start3A_201, %dma_start3A_202, %dma_start3A_203] : memref<2x80x128xf32, #tpu.memory_space<vmem>> -> memref<1x80x128xf32, #tpu.memory_space<vmem>>
        %dma_start3A_205 = tpu.memref_squeeze %dma_start3A_204 : memref<1x80x128xf32, #tpu.memory_space<vmem>> -> memref<80x128xf32, #tpu.memory_space<vmem>>
        %dma_start3A_206 = tpu.memref_slice %arg8[%multiple_of3A_200] : memref<10000xi32, #tpu.memory_space<vmem>> -> memref<80xi32, #tpu.memory_space<vmem>>
        %dma_start3A_207 = arith.constant 0 : i32
        %dma_start3A_208 = arith.constant 0 : i32
        %dma_start3A_209 = tpu.memref_slice %arg2[%dma_start3A_207, %dma_start3A_208] : memref<40000x128xf32, #tpu.memory_space<hbm>> -> memref<40000x128xf32, #tpu.memory_space<hbm>>
        tpu.enqueue_indirect_dma source(%dma_start3A_209 : memref<40000x128xf32, #tpu.memory_space<hbm>>) target(%dma_start3A_205 : memref<80x128xf32, #tpu.memory_space<vmem>>) offsets(%dma_start3A_206 : memref<80xi32, #tpu.memory_space<vmem>>) semaphore(%arg11 : memref<!tpu.dma_semaphore, #tpu.memory_space<semaphore_mem>>)
      } else {
      }
      %dma_wait3A_153 = arith.constant 1 : i32
      %dma_wait3A_154 = arith.constant 0 : i32
      %dma_wait3A_155 = arith.constant 0 : i32
      %dma_wait3A_156 = tpu.memref_slice %arg10[%dma_wait3A_153, %dma_wait3A_154, %dma_wait3A_155] : memref<2x80x128xf32, #tpu.memory_space<vmem>> -> memref<1x80x128xf32, #tpu.memory_space<vmem>>
      %dma_wait3A_157 = tpu.memref_squeeze %dma_wait3A_156 : memref<1x80x128xf32, #tpu.memory_space<vmem>> -> memref<80x128xf32, #tpu.memory_space<vmem>>
      %dma_wait3A_158 = arith.constant 0 : i32
      %dma_wait3A_159 = arith.constant 0 : i32
      %dma_wait3A_160 = tpu.memref_slice %arg2[%dma_wait3A_158, %dma_wait3A_159] : memref<40000x128xf32, #tpu.memory_space<hbm>> -> memref<80x128xf32, #tpu.memory_space<hbm>>
      %dma_wait3A_161 = arith.constant 0 : i32
      %dma_wait3A_162 = arith.constant 0 : i32
      %dma_wait3A_163 = tpu.memref_slice %arg10[%dma_wait3A_153, %dma_wait3A_161, %dma_wait3A_162] : memref<2x80x128xf32, #tpu.memory_space<vmem>> -> memref<1x80x128xf32, #tpu.memory_space<vmem>>
      %dma_wait3A_164 = tpu.memref_squeeze %dma_wait3A_163 : memref<1x80x128xf32, #tpu.memory_space<vmem>> -> memref<80x128xf32, #tpu.memory_space<vmem>>
      %dma_wait3A_165 = arith.constant 0 : i32
      %dma_wait3A_166 = arith.constant 0 : i32
      %dma_wait3A_167 = tpu.memref_slice %arg2[%dma_wait3A_165, %dma_wait3A_166] : memref<40000x128xf32, #tpu.memory_space<hbm>> -> memref<80x128xf32, #tpu.memory_space<hbm>>
      tpu.wait_dma2 semaphore(%arg12 : memref<!tpu.dma_semaphore, #tpu.memory_space<semaphore_mem>>) src(%dma_wait3A_167 : memref<80x128xf32, #tpu.memory_space<hbm>>) dst(%dma_wait3A_164 : memref<80x128xf32, #tpu.memory_space<vmem>>)
      %add3A_168 = arith.constant 1 : i32
      %add3A_169 = arith.addi %mul3A_106, %add3A_168 : i32
      %dma_start3A_170 = arith.constant 1 : i32
      %dma_start3A_171 = arith.constant 0 : i32
      %dma_start3A_172 = arith.constant 0 : i32
      %dma_start3A_173 = tpu.memref_slice %arg10[%dma_start3A_170, %dma_start3A_171, %dma_start3A_172] : memref<2x80x128xf32, #tpu.memory_space<vmem>> -> memref<1x80x128xf32, #tpu.memory_space<vmem>>
      %dma_start3A_174 = tpu.memref_squeeze %dma_start3A_173 : memref<1x80x128xf32, #tpu.memory_space<vmem>> -> memref<80x128xf32, #tpu.memory_space<vmem>>
      %dma_start3A_175 = arith.constant 0 : i32
      %dma_start3A_176 = tpu.memref_slice %arg9[%add3A_169, %dma_start3A_175] : memref<125x80xi32, #tpu.memory_space<vmem>> -> memref<1x80xi32, #tpu.memory_space<vmem>>
      %dma_start3A_177 = tpu.memref_squeeze %dma_start3A_176 : memref<1x80xi32, #tpu.memory_space<vmem>> -> memref<80xi32, #tpu.memory_space<vmem>>
      %dma_start3A_178 = arith.constant 0 : i32
      %dma_start3A_179 = arith.constant 0 : i32
      %dma_start3A_180 = tpu.memref_slice %arg7[%dma_start3A_178, %dma_start3A_179] : memref<10240x128xf32, #tpu.memory_space<vmem_shared>> -> memref<10240x128xf32, #tpu.memory_space<vmem_shared>>
      tpu.enqueue_indirect_dma source(%dma_start3A_174 : memref<80x128xf32, #tpu.memory_space<vmem>>) target(%dma_start3A_180 : memref<10240x128xf32, #tpu.memory_space<vmem_shared>>) offsets(%dma_start3A_177 : memref<80xi32, #tpu.memory_space<vmem>>) semaphore(%arg14 : memref<!tpu.dma_semaphore, #tpu.memory_space<semaphore_mem>>) {add = true}
    }
    %scan3A_16 = arith.constant 62 : i32
    %dma_wait3A = arith.constant 0 : i32
    %dma_wait3A_17 = arith.constant 0 : i32
    %dma_wait3A_18 = arith.constant 0 : i32
    %dma_wait3A_19 = tpu.memref_slice %arg10[%dma_wait3A, %dma_wait3A_17, %dma_wait3A_18] : memref<2x80x128xf32, #tpu.memory_space<vmem>> -> memref<1x80x128xf32, #tpu.memory_space<vmem>>
    %dma_wait3A_20 = tpu.memref_squeeze %dma_wait3A_19 : memref<1x80x128xf32, #tpu.memory_space<vmem>> -> memref<80x128xf32, #tpu.memory_space<vmem>>
    %dma_wait3A_21 = arith.constant 0 : i32
    %dma_wait3A_22 = arith.constant 0 : i32
    %dma_wait3A_23 = tpu.memref_slice %arg2[%dma_wait3A_21, %dma_wait3A_22] : memref<40000x128xf32, #tpu.memory_space<hbm>> -> memref<80x128xf32, #tpu.memory_space<hbm>>
    %dma_wait3A_24 = arith.constant 0 : i32
    %dma_wait3A_25 = arith.constant 0 : i32
    %dma_wait3A_26 = tpu.memref_slice %arg10[%dma_wait3A, %dma_wait3A_24, %dma_wait3A_25] : memref<2x80x128xf32, #tpu.memory_space<vmem>> -> memref<1x80x128xf32, #tpu.memory_space<vmem>>
    %dma_wait3A_27 = tpu.memref_squeeze %dma_wait3A_26 : memref<1x80x128xf32, #tpu.memory_space<vmem>> -> memref<80x128xf32, #tpu.memory_space<vmem>>
    %dma_wait3A_28 = arith.constant 0 : i32
    %dma_wait3A_29 = arith.constant 0 : i32
    %dma_wait3A_30 = tpu.memref_slice %arg2[%dma_wait3A_28, %dma_wait3A_29] : memref<40000x128xf32, #tpu.memory_space<hbm>> -> memref<80x128xf32, #tpu.memory_space<hbm>>
    tpu.wait_dma2 semaphore(%arg13 : memref<!tpu.dma_semaphore, #tpu.memory_space<semaphore_mem>>) src(%dma_wait3A_30 : memref<80x128xf32, #tpu.memory_space<hbm>>) dst(%dma_wait3A_27 : memref<80x128xf32, #tpu.memory_space<vmem>>)
    %multiple_of3A_31 = arith.constant 9920 : i32
    %multiple_of3A_32 = tpu.assume_multiple %multiple_of3A_31, 8 : i32
    %dma_start3A_33 = arith.constant 0 : i32
    %dma_start3A_34 = arith.constant 0 : i32
    %dma_start3A_35 = arith.constant 0 : i32
    %dma_start3A_36 = tpu.memref_slice %arg10[%dma_start3A_33, %dma_start3A_34, %dma_start3A_35] : memref<2x80x128xf32, #tpu.memory_space<vmem>> -> memref<1x80x128xf32, #tpu.memory_space<vmem>>
    %dma_start3A_37 = tpu.memref_squeeze %dma_start3A_36 : memref<1x80x128xf32, #tpu.memory_space<vmem>> -> memref<80x128xf32, #tpu.memory_space<vmem>>
    %dma_start3A_38 = tpu.memref_slice %arg8[%multiple_of3A_32] : memref<10000xi32, #tpu.memory_space<vmem>> -> memref<80xi32, #tpu.memory_space<vmem>>
    %dma_start3A_39 = arith.constant 0 : i32
    %dma_start3A_40 = arith.constant 0 : i32
    %dma_start3A_41 = tpu.memref_slice %arg2[%dma_start3A_39, %dma_start3A_40] : memref<40000x128xf32, #tpu.memory_space<hbm>> -> memref<40000x128xf32, #tpu.memory_space<hbm>>
    tpu.enqueue_indirect_dma source(%dma_start3A_41 : memref<40000x128xf32, #tpu.memory_space<hbm>>) target(%dma_start3A_37 : memref<80x128xf32, #tpu.memory_space<vmem>>) offsets(%dma_start3A_38 : memref<80xi32, #tpu.memory_space<vmem>>) semaphore(%arg11 : memref<!tpu.dma_semaphore, #tpu.memory_space<semaphore_mem>>)
    %dma_wait3A_42 = arith.constant 0 : i32
    %dma_wait3A_43 = arith.constant 0 : i32
    %dma_wait3A_44 = arith.constant 0 : i32
    %dma_wait3A_45 = tpu.memref_slice %arg10[%dma_wait3A_42, %dma_wait3A_43, %dma_wait3A_44] : memref<2x80x128xf32, #tpu.memory_space<vmem>> -> memref<1x80x128xf32, #tpu.memory_space<vmem>>
    %dma_wait3A_46 = tpu.memref_squeeze %dma_wait3A_45 : memref<1x80x128xf32, #tpu.memory_space<vmem>> -> memref<80x128xf32, #tpu.memory_space<vmem>>
    %dma_wait3A_47 = arith.constant 0 : i32
    %dma_wait3A_48 = arith.constant 0 : i32
    %dma_wait3A_49 = tpu.memref_slice %arg2[%dma_wait3A_47, %dma_wait3A_48] : memref<40000x128xf32, #tpu.memory_space<hbm>> -> memref<80x128xf32, #tpu.memory_space<hbm>>
    %dma_wait3A_50 = arith.constant 0 : i32
    %dma_wait3A_51 = arith.constant 0 : i32
    %dma_wait3A_52 = tpu.memref_slice %arg10[%dma_wait3A_42, %dma_wait3A_50, %dma_wait3A_51] : memref<2x80x128xf32, #tpu.memory_space<vmem>> -> memref<1x80x128xf32, #tpu.memory_space<vmem>>
    %dma_wait3A_53 = tpu.memref_squeeze %dma_wait3A_52 : memref<1x80x128xf32, #tpu.memory_space<vmem>> -> memref<80x128xf32, #tpu.memory_space<vmem>>
    %dma_wait3A_54 = arith.constant 0 : i32
    %dma_wait3A_55 = arith.constant 0 : i32
    %dma_wait3A_56 = tpu.memref_slice %arg2[%dma_wait3A_54, %dma_wait3A_55] : memref<40000x128xf32, #tpu.memory_space<hbm>> -> memref<80x128xf32, #tpu.memory_space<hbm>>
    tpu.wait_dma2 semaphore(%arg14 : memref<!tpu.dma_semaphore, #tpu.memory_space<semaphore_mem>>) src(%dma_wait3A_56 : memref<80x128xf32, #tpu.memory_space<hbm>>) dst(%dma_wait3A_53 : memref<80x128xf32, #tpu.memory_space<vmem>>)
    %dma_wait3A_57 = arith.constant 0 : i32
    %dma_wait3A_58 = arith.constant 0 : i32
    %dma_wait3A_59 = arith.constant 0 : i32
    %dma_wait3A_60 = tpu.memref_slice %arg10[%dma_wait3A_57, %dma_wait3A_58, %dma_wait3A_59] : memref<2x80x128xf32, #tpu.memory_space<vmem>> -> memref<1x80x128xf32, #tpu.memory_space<vmem>>
    %dma_wait3A_61 = tpu.memref_squeeze %dma_wait3A_60 : memref<1x80x128xf32, #tpu.memory_space<vmem>> -> memref<80x128xf32, #tpu.memory_space<vmem>>
    %dma_wait3A_62 = arith.constant 0 : i32
    %dma_wait3A_63 = arith.constant 0 : i32
    %dma_wait3A_64 = tpu.memref_slice %arg2[%dma_wait3A_62, %dma_wait3A_63] : memref<40000x128xf32, #tpu.memory_space<hbm>> -> memref<80x128xf32, #tpu.memory_space<hbm>>
    %dma_wait3A_65 = arith.constant 0 : i32
    %dma_wait3A_66 = arith.constant 0 : i32
    %dma_wait3A_67 = tpu.memref_slice %arg10[%dma_wait3A_57, %dma_wait3A_65, %dma_wait3A_66] : memref<2x80x128xf32, #tpu.memory_space<vmem>> -> memref<1x80x128xf32, #tpu.memory_space<vmem>>
    %dma_wait3A_68 = tpu.memref_squeeze %dma_wait3A_67 : memref<1x80x128xf32, #tpu.memory_space<vmem>> -> memref<80x128xf32, #tpu.memory_space<vmem>>
    %dma_wait3A_69 = arith.constant 0 : i32
    %dma_wait3A_70 = arith.constant 0 : i32
    %dma_wait3A_71 = tpu.memref_slice %arg2[%dma_wait3A_69, %dma_wait3A_70] : memref<40000x128xf32, #tpu.memory_space<hbm>> -> memref<80x128xf32, #tpu.memory_space<hbm>>
    tpu.wait_dma2 semaphore(%arg11 : memref<!tpu.dma_semaphore, #tpu.memory_space<semaphore_mem>>) src(%dma_wait3A_71 : memref<80x128xf32, #tpu.memory_space<hbm>>) dst(%dma_wait3A_68 : memref<80x128xf32, #tpu.memory_space<vmem>>)
    %dma_start3A_72 = arith.constant 0 : i32
    %dma_start3A_73 = arith.constant 124 : i32
    %dma_start3A_74 = arith.constant 0 : i32
    %dma_start3A_75 = arith.constant 0 : i32
    %dma_start3A_76 = tpu.memref_slice %arg10[%dma_start3A_72, %dma_start3A_74, %dma_start3A_75] : memref<2x80x128xf32, #tpu.memory_space<vmem>> -> memref<1x80x128xf32, #tpu.memory_space<vmem>>
    %dma_start3A_77 = tpu.memref_squeeze %dma_start3A_76 : memref<1x80x128xf32, #tpu.memory_space<vmem>> -> memref<80x128xf32, #tpu.memory_space<vmem>>
    %dma_start3A_78 = arith.constant 0 : i32
    %dma_start3A_79 = tpu.memref_slice %arg9[%dma_start3A_73, %dma_start3A_78] : memref<125x80xi32, #tpu.memory_space<vmem>> -> memref<1x80xi32, #tpu.memory_space<vmem>>
    %dma_start3A_80 = tpu.memref_squeeze %dma_start3A_79 : memref<1x80xi32, #tpu.memory_space<vmem>> -> memref<80xi32, #tpu.memory_space<vmem>>
    %dma_start3A_81 = arith.constant 0 : i32
    %dma_start3A_82 = arith.constant 0 : i32
    %dma_start3A_83 = tpu.memref_slice %arg7[%dma_start3A_81, %dma_start3A_82] : memref<10240x128xf32, #tpu.memory_space<vmem_shared>> -> memref<10240x128xf32, #tpu.memory_space<vmem_shared>>
    tpu.enqueue_indirect_dma source(%dma_start3A_77 : memref<80x128xf32, #tpu.memory_space<vmem>>) target(%dma_start3A_83 : memref<10240x128xf32, #tpu.memory_space<vmem_shared>>) offsets(%dma_start3A_80 : memref<80xi32, #tpu.memory_space<vmem>>) semaphore(%arg13 : memref<!tpu.dma_semaphore, #tpu.memory_space<semaphore_mem>>) {add = true}
    %dma_wait3A_84 = arith.constant 0 : i32
    %dma_wait3A_85 = arith.constant 0 : i32
    %dma_wait3A_86 = arith.constant 0 : i32
    %dma_wait3A_87 = tpu.memref_slice %arg10[%dma_wait3A_84, %dma_wait3A_85, %dma_wait3A_86] : memref<2x80x128xf32, #tpu.memory_space<vmem>> -> memref<1x80x128xf32, #tpu.memory_space<vmem>>
    %dma_wait3A_88 = tpu.memref_squeeze %dma_wait3A_87 : memref<1x80x128xf32, #tpu.memory_space<vmem>> -> memref<80x128xf32, #tpu.memory_space<vmem>>
    %dma_wait3A_89 = arith.constant 0 : i32
    %dma_wait3A_90 = arith.constant 0 : i32
    %dma_wait3A_91 = tpu.memref_slice %arg2[%dma_wait3A_89, %dma_wait3A_90] : memref<40000x128xf32, #tpu.memory_space<hbm>> -> memref<80x128xf32, #tpu.memory_space<hbm>>
    %dma_wait3A_92 = arith.constant 0 : i32
    %dma_wait3A_93 = arith.constant 0 : i32
    %dma_wait3A_94 = tpu.memref_slice %arg10[%dma_wait3A_84, %dma_wait3A_92, %dma_wait3A_93] : memref<2x80x128xf32, #tpu.memory_space<vmem>> -> memref<1x80x128xf32, #tpu.memory_space<vmem>>
    %dma_wait3A_95 = tpu.memref_squeeze %dma_wait3A_94 : memref<1x80x128xf32, #tpu.memory_space<vmem>> -> memref<80x128xf32, #tpu.memory_space<vmem>>
    %dma_wait3A_96 = arith.constant 0 : i32
    %dma_wait3A_97 = arith.constant 0 : i32
    %dma_wait3A_98 = tpu.memref_slice %arg2[%dma_wait3A_96, %dma_wait3A_97] : memref<40000x128xf32, #tpu.memory_space<hbm>> -> memref<80x128xf32, #tpu.memory_space<hbm>>
    tpu.wait_dma2 semaphore(%arg13 : memref<!tpu.dma_semaphore, #tpu.memory_space<semaphore_mem>>) src(%dma_wait3A_98 : memref<80x128xf32, #tpu.memory_space<hbm>>) dst(%dma_wait3A_95 : memref<80x128xf32, #tpu.memory_space<vmem>>)
    %barrier3A_99 = arith.constant 0 : index
    tpu.barrier barrier_id(%barrier3A_99)
    %mul3A_100 = arith.constant 640 : i32
    %mul3A_101 = arith.muli %arg1, %mul3A_100 : i32
    %mul3A_102 = arith.constant 640 : i32
    %mul3A_103 = arith.muli %arg1, %mul3A_102 : i32
    "tpu.region"() ({
      %run_scoped3A = tpu.sem_alloc : memref<!tpu.dma_semaphore, #tpu.memory_space<semaphore_mem>>
      %dma_start3A_104 = arith.constant 0 : i32
      %dma_start3A_105 = tpu.memref_slice %arg6[%arg0, %mul3A_103, %dma_start3A_104] : memref<2x10240x128xf32, #tpu.memory_space<hbm>> -> memref<1x640x128xf32, #tpu.memory_space<hbm>>
      %dma_start3A_106 = tpu.memref_squeeze %dma_start3A_105 : memref<1x640x128xf32, #tpu.memory_space<hbm>> -> memref<640x128xf32, #tpu.memory_space<hbm>>
      %dma_start3A_107 = arith.constant 0 : i32
      %dma_start3A_108 = tpu.memref_slice %arg7[%mul3A_101, %dma_start3A_107] : memref<10240x128xf32, #tpu.memory_space<vmem_shared>> -> memref<640x128xf32, #tpu.memory_space<vmem_shared>>
      tpu.enqueue_dma source(%dma_start3A_108 : memref<640x128xf32, #tpu.memory_space<vmem_shared>>) target(%dma_start3A_106 : memref<640x128xf32, #tpu.memory_space<hbm>>) target_semaphore(%run_scoped3A : memref<!tpu.dma_semaphore, #tpu.memory_space<semaphore_mem>>)
      %dma_wait3A_109 = arith.constant 0 : i32
      %dma_wait3A_110 = tpu.memref_slice %arg6[%arg0, %mul3A_103, %dma_wait3A_109] : memref<2x10240x128xf32, #tpu.memory_space<hbm>> -> memref<1x640x128xf32, #tpu.memory_space<hbm>>
      %dma_wait3A_111 = tpu.memref_squeeze %dma_wait3A_110 : memref<1x640x128xf32, #tpu.memory_space<hbm>> -> memref<640x128xf32, #tpu.memory_space<hbm>>
      %dma_wait3A_112 = arith.constant 0 : i32
      %dma_wait3A_113 = tpu.memref_slice %arg7[%mul3A_101, %dma_wait3A_112] : memref<10240x128xf32, #tpu.memory_space<vmem_shared>> -> memref<640x128xf32, #tpu.memory_space<vmem_shared>>
      tpu.wait_dma2 semaphore(%run_scoped3A : memref<!tpu.dma_semaphore, #tpu.memory_space<semaphore_mem>>) src(%dma_wait3A_113 : memref<640x128xf32, #tpu.memory_space<vmem_shared>>) dst(%dma_wait3A_111 : memref<640x128xf32, #tpu.memory_space<hbm>>)
      tpu.yield
    }) : () -> ()
    return
  }
}

module attributes {stable_mosaic.version = 14 : i64} {
  func.func @_eidx_body(%arg0: memref<2500x128xi32, #tpu.memory_space<vmem>>, %arg1: memref<2500x128xi32, #tpu.memory_space<vmem>>, %arg2: memref<2500x128xi32, #tpu.memory_space<vmem>>) attributes {dimension_semantics = [], scalar_prefetch = 0 : i64, scratch_operands = 0 : i64, tpu.core_type = #tpu.core_type<tc>} {
    %get3A = arith.constant 0 : index
    %get3A_0 = arith.constant 0 : index
    %get3A_1 = vector.load %arg0[%get3A, %get3A_0] : memref<2500x128xi32, #tpu.memory_space<vmem>>, vector<2500x128xi32>
    %get3A_2 = arith.constant 0 : index
    %get3A_3 = arith.constant 0 : index
    %get3A_4 = vector.load %arg1[%get3A_2, %get3A_3] : memref<2500x128xi32, #tpu.memory_space<vmem>>, vector<2500x128xi32>
    %mul3A = arith.constant 10000 : i32
    %mul3A_5 = vector.broadcast %mul3A : i32 to vector<2500x128xi32>
    %mul3A_6 = arith.muli %get3A_4, %mul3A_5 : vector<2500x128xi32>
    %add3A = arith.addi %get3A_1, %mul3A_6 : vector<2500x128xi32>
    %swap3A = arith.constant 0 : index
    %swap3A_7 = arith.constant 0 : index
    %swap3A_8 = vector.load %arg2[%swap3A, %swap3A_7] : memref<2500x128xi32, #tpu.memory_space<vmem>>, vector<2500x128xi32>
    tpu.vector_store %arg2[%swap3A, %swap3A_7], %add3A {strides = array<i32>} : memref<2500x128xi32, #tpu.memory_space<vmem>>, vector<2500x128xi32>,
    return
  }
}

module attributes {stable_mosaic.version = 14 : i64} {
  func.func @_prep_body(%arg0: i32, %arg1: memref<1x1x400xi32, #tpu.memory_space<vmem>>, %arg2: memref<128x128xf32, #tpu.memory_space<vmem>>, %arg3: memref<128x128xf32, #tpu.memory_space<vmem>>, %arg4: memref<128x128xf32, #tpu.memory_space<vmem>>, %arg5: memref<8x16xf32, #tpu.memory_space<vmem>>, %arg6: memref<16x128xf32, #tpu.memory_space<vmem>>, %arg7: memref<1x128xf32, #tpu.memory_space<vmem>>, %arg8: memref<400x128xf32, #tpu.memory_space<vmem>>, %arg9: memref<400x128xf32, #tpu.memory_space<vmem>>, %arg10: memref<4x400x128xf32, #tpu.memory_space<vmem>>) attributes {dimension_semantics = [#tpu.dimension_semantics<arbitrary>], iteration_bounds = array<i64: 25>, scalar_prefetch = 0 : i64, scratch_operands = 0 : i64, tpu.core_type = #tpu.core_type<tc>, window_params = [{transform_indices = @transform_0, window_bounds = array<i64: 1, 1, 400>}, {pipeline_mode = #tpu.pipeline_mode<synchronous>, transform_indices = @transform_1, window_bounds = array<i64: 128, 128>}, {pipeline_mode = #tpu.pipeline_mode<synchronous>, transform_indices = @transform_2, window_bounds = array<i64: 128, 128>}, {pipeline_mode = #tpu.pipeline_mode<synchronous>, transform_indices = @transform_3, window_bounds = array<i64: 128, 128>}, {pipeline_mode = #tpu.pipeline_mode<synchronous>, transform_indices = @transform_4, window_bounds = array<i64: 8, 16>}, {pipeline_mode = #tpu.pipeline_mode<synchronous>, transform_indices = @transform_5, window_bounds = array<i64: 16, 128>}, {pipeline_mode = #tpu.pipeline_mode<synchronous>, transform_indices = @transform_6, window_bounds = array<i64: 1, 128>}, {transform_indices = @transform_7, window_bounds = array<i64: 400, 128>}, {transform_indices = @transform_8, window_bounds = array<i64: 400, 128>}, {transform_indices = @transform_9, window_bounds = array<i64: 4, 400, 128>}]} {
    %get3A = arith.constant 0 : index
    %get3A_0 = arith.constant 0 : index
    %get3A_1 = arith.constant 0 : index
    %get3A_2 = vector.load %arg1[%get3A, %get3A_0, %get3A_1] : memref<1x1x400xi32, #tpu.memory_space<vmem>>, vector<1x1x400xi32>
    %get3A_3 = vector.shape_cast %get3A_2 : vector<1x1x400xi32> to vector<400xi32>
    %broadcast_in_dim3A = vector.shape_cast %get3A_3 : vector<400xi32> to vector<400x1xi32>
    %iota3A = tpu.iota {dimensions = array<i32: 1>} : vector<400x128xi32>
    %eq3A = vector.broadcast %broadcast_in_dim3A : vector<400x1xi32> to vector<400x128xi32>
    %eq3A_4 = arith.cmpi eq, %eq3A, %iota3A : vector<400x128xi32>
    %convert_element_type3A = arith.extui %eq3A_4 : vector<400x128xi1> to vector<400x128xi32>
    %convert_element_type3A_5 = arith.sitofp %convert_element_type3A : vector<400x128xi32> to vector<400x128xf32>
    %get3A_6 = arith.constant 0 : index
    %get3A_7 = arith.constant 0 : index
    %get3A_8 = vector.load %arg2[%get3A_6, %get3A_7] : memref<128x128xf32, #tpu.memory_space<vmem>>, vector<128x128xf32>
    %dot_general3A = arith.constant dense<0.000000e+00> : vector<400x128xf32>
    %dot_general3A_9 = tpu.matmul %convert_element_type3A_5, %get3A_8, %dot_general3A {dimension_numbers = #tpu.dot_dimension_numbers<[1], [0], [0], [1], [0, 0, 1, 1], [], []>, transpose_lhs_hint = false} : vector<400x128xf32>, vector<128x128xf32>, vector<400x128xf32> -> vector<400x128xf32>
    %get3A_10 = arith.constant 0 : index
    %get3A_11 = arith.constant 0 : index
    %get3A_12 = vector.load %arg3[%get3A_10, %get3A_11] : memref<128x128xf32, #tpu.memory_space<vmem>>, vector<128x128xf32>
    %dot_general3A_13 = arith.constant dense<0.000000e+00> : vector<400x128xf32>
    %dot_general3A_14 = tpu.matmul %dot_general3A_9, %get3A_12, %dot_general3A_13 {dimension_numbers = #tpu.dot_dimension_numbers<[1], [0], [0], [1], [0, 0, 1, 1], [], []>, transpose_lhs_hint = false} : vector<400x128xf32>, vector<128x128xf32>, vector<400x128xf32> -> vector<400x128xf32>
    %swap3A = arith.constant 0 : index
    %swap3A_15 = arith.constant 0 : index
    %swap3A_16 = vector.load %arg8[%swap3A, %swap3A_15] : memref<400x128xf32, #tpu.memory_space<vmem>>, vector<400x128xf32>
    tpu.vector_store %arg8[%swap3A, %swap3A_15], %dot_general3A_14 {strides = array<i32>} : memref<400x128xf32, #tpu.memory_space<vmem>>, vector<400x128xf32>,
    %get3A_17 = arith.constant 0 : index
    %get3A_18 = arith.constant 0 : index
    %get3A_19 = vector.load %arg4[%get3A_17, %get3A_18] : memref<128x128xf32, #tpu.memory_space<vmem>>, vector<128x128xf32>
    %dot_general3A_20 = arith.constant dense<0.000000e+00> : vector<400x128xf32>
    %dot_general3A_21 = tpu.matmul %dot_general3A_9, %get3A_19, %dot_general3A_20 {dimension_numbers = #tpu.dot_dimension_numbers<[1], [0], [0], [1], [0, 0, 1, 1], [], []>, transpose_lhs_hint = false} : vector<400x128xf32>, vector<128x128xf32>, vector<400x128xf32> -> vector<400x128xf32>
    %swap3A_22 = arith.constant 0 : index
    %swap3A_23 = arith.constant 0 : index
    %swap3A_24 = vector.load %arg9[%swap3A_22, %swap3A_23] : memref<400x128xf32, #tpu.memory_space<vmem>>, vector<400x128xf32>
    tpu.vector_store %arg9[%swap3A_22, %swap3A_23], %dot_general3A_21 {strides = array<i32>} : memref<400x128xf32, #tpu.memory_space<vmem>>, vector<400x128xf32>,
    %get3A_25 = arith.constant 0 : index
    %get3A_26 = arith.constant 0 : index
    %get3A_27 = vector.load %arg5[%get3A_25, %get3A_26] : memref<8x16xf32, #tpu.memory_space<vmem>>, vector<8x16xf32>
    %get3A_28 = arith.constant 0 : index
    %get3A_29 = arith.constant 0 : index
    %get3A_30 = vector.load %arg6[%get3A_28, %get3A_29] : memref<16x128xf32, #tpu.memory_space<vmem>>, vector<16x128xf32>
    %dot_general3A_31 = arith.constant dense<0.000000e+00> : vector<8x128xf32>
    %dot_general3A_32 = tpu.matmul %get3A_27, %get3A_30, %dot_general3A_31 {dimension_numbers = #tpu.dot_dimension_numbers<[1], [0], [0], [1], [0, 0, 1, 1], [], []>, transpose_lhs_hint = false} : vector<8x16xf32>, vector<16x128xf32>, vector<8x128xf32> -> vector<8x128xf32>
    %get3A_33 = arith.constant 0 : index
    %get3A_34 = arith.constant 0 : index
    %get3A_35 = vector.load %arg7[%get3A_33, %get3A_34] : memref<1x128xf32, #tpu.memory_space<vmem>>, vector<1x128xf32>
    %add3A = vector.broadcast %get3A_35 : vector<1x128xf32> to vector<8x128xf32>
    %add3A_36 = arith.addf %dot_general3A_32, %add3A : vector<8x128xf32>
    %slice3A = vector.extract_strided_slice %add3A_36 {offsets = [0, 0], sizes = [1, 128], strides = [1, 1]} : vector<8x128xf32> to vector<1x128xf32>
    %add3A_37 = vector.broadcast %slice3A : vector<1x128xf32> to vector<400x128xf32>
    %add3A_38 = arith.addf %dot_general3A_14, %add3A_37 : vector<400x128xf32>
    %max3A = arith.constant 0.000000e+00 : f32
    %max3A_39 = vector.broadcast %max3A : f32 to vector<400x128xf32>
    %max3A_40 = arith.maximumf %add3A_38, %max3A_39 : vector<400x128xf32>
    %swap3A_41 = arith.constant 0 : index
    %swap3A_42 = arith.constant 0 : index
    %swap3A_43 = arith.constant 0 : index
    %swap3A_44 = vector.load %arg10[%swap3A_41, %swap3A_42, %swap3A_43] : memref<4x400x128xf32, #tpu.memory_space<vmem>>, vector<1x400x128xf32>
    %swap3A_45 = vector.shape_cast %swap3A_44 : vector<1x400x128xf32> to vector<400x128xf32>
    %swap3A_46 = vector.shape_cast %max3A_40 : vector<400x128xf32> to vector<1x400x128xf32>
    tpu.vector_store %arg10[%swap3A_41, %swap3A_42, %swap3A_43], %swap3A_46 {strides = array<i32>} : memref<4x400x128xf32, #tpu.memory_space<vmem>>, vector<1x400x128xf32>,
    %slice3A_47 = vector.extract_strided_slice %add3A_36 {offsets = [1, 0], sizes = [1, 128], strides = [1, 1]} : vector<8x128xf32> to vector<1x128xf32>
    %add3A_48 = vector.broadcast %slice3A_47 : vector<1x128xf32> to vector<400x128xf32>
    %add3A_49 = arith.addf %dot_general3A_14, %add3A_48 : vector<400x128xf32>
    %max3A_50 = arith.constant 0.000000e+00 : f32
    %max3A_51 = vector.broadcast %max3A_50 : f32 to vector<400x128xf32>
    %max3A_52 = arith.maximumf %add3A_49, %max3A_51 : vector<400x128xf32>
    %swap3A_53 = arith.constant 1 : index
    %swap3A_54 = arith.constant 0 : index
    %swap3A_55 = arith.constant 0 : index
    %swap3A_56 = vector.load %arg10[%swap3A_53, %swap3A_54, %swap3A_55] : memref<4x400x128xf32, #tpu.memory_space<vmem>>, vector<1x400x128xf32>
    %swap3A_57 = vector.shape_cast %swap3A_56 : vector<1x400x128xf32> to vector<400x128xf32>
    %swap3A_58 = vector.shape_cast %max3A_52 : vector<400x128xf32> to vector<1x400x128xf32>
    tpu.vector_store %arg10[%swap3A_53, %swap3A_54, %swap3A_55], %swap3A_58 {strides = array<i32>} : memref<4x400x128xf32, #tpu.memory_space<vmem>>, vector<1x400x128xf32>,
    %slice3A_59 = vector.extract_strided_slice %add3A_36 {offsets = [2, 0], sizes = [1, 128], strides = [1, 1]} : vector<8x128xf32> to vector<1x128xf32>
    %add3A_60 = vector.broadcast %slice3A_59 : vector<1x128xf32> to vector<400x128xf32>
    %add3A_61 = arith.addf %dot_general3A_14, %add3A_60 : vector<400x128xf32>
    %max3A_62 = arith.constant 0.000000e+00 : f32
    %max3A_63 = vector.broadcast %max3A_62 : f32 to vector<400x128xf32>
    %max3A_64 = arith.maximumf %add3A_61, %max3A_63 : vector<400x128xf32>
    %swap3A_65 = arith.constant 2 : index
    %swap3A_66 = arith.constant 0 : index
    %swap3A_67 = arith.constant 0 : index
    %swap3A_68 = vector.load %arg10[%swap3A_65, %swap3A_66, %swap3A_67] : memref<4x400x128xf32, #tpu.memory_space<vmem>>, vector<1x400x128xf32>
    %swap3A_69 = vector.shape_cast %swap3A_68 : vector<1x400x128xf32> to vector<400x128xf32>
    %swap3A_70 = vector.shape_cast %max3A_64 : vector<400x128xf32> to vector<1x400x128xf32>
    tpu.vector_store %arg10[%swap3A_65, %swap3A_66, %swap3A_67], %swap3A_70 {strides = array<i32>} : memref<4x400x128xf32, #tpu.memory_space<vmem>>, vector<1x400x128xf32>,
    %slice3A_71 = vector.extract_strided_slice %add3A_36 {offsets = [3, 0], sizes = [1, 128], strides = [1, 1]} : vector<8x128xf32> to vector<1x128xf32>
    %add3A_72 = vector.broadcast %slice3A_71 : vector<1x128xf32> to vector<400x128xf32>
    %add3A_73 = arith.addf %dot_general3A_14, %add3A_72 : vector<400x128xf32>
    %max3A_74 = arith.constant 0.000000e+00 : f32
    %max3A_75 = vector.broadcast %max3A_74 : f32 to vector<400x128xf32>
    %max3A_76 = arith.maximumf %add3A_73, %max3A_75 : vector<400x128xf32>
    %swap3A_77 = arith.constant 3 : index
    %swap3A_78 = arith.constant 0 : index
    %swap3A_79 = arith.constant 0 : index
    %swap3A_80 = vector.load %arg10[%swap3A_77, %swap3A_78, %swap3A_79] : memref<4x400x128xf32, #tpu.memory_space<vmem>>, vector<1x400x128xf32>
    %swap3A_81 = vector.shape_cast %swap3A_80 : vector<1x400x128xf32> to vector<400x128xf32>
    %swap3A_82 = vector.shape_cast %max3A_76 : vector<400x128xf32> to vector<1x400x128xf32>
    tpu.vector_store %arg10[%swap3A_77, %swap3A_78, %swap3A_79], %swap3A_82 {strides = array<i32>} : memref<4x400x128xf32, #tpu.memory_space<vmem>>, vector<1x400x128xf32>,
    return
  }
  func.func @transform_0(%arg0: i32) -> (i32, i32, i32) {
    %c0_i32 = arith.constant 0 : i32
    %c0_i32_0 = arith.constant 0 : i32
    %c0_i32_1 = arith.constant 0 : i32
    return %arg0, %c0_i32, %c0_i32_0 : i32, i32, i32
  }
  func.func @transform_1(%arg0: i32) -> (i32, i32) {
    %c0_i32 = arith.constant 0 : i32
    %c0_i32_0 = arith.constant 0 : i32
    %c0_i32_1 = arith.constant 0 : i32
    return %c0_i32, %c0_i32_0 : i32, i32
  }
  func.func @transform_2(%arg0: i32) -> (i32, i32) {
    %c0_i32 = arith.constant 0 : i32
    %c0_i32_0 = arith.constant 0 : i32
    %c0_i32_1 = arith.constant 0 : i32
    return %c0_i32, %c0_i32_0 : i32, i32
  }
  func.func @transform_3(%arg0: i32) -> (i32, i32) {
    %c0_i32 = arith.constant 0 : i32
    %c0_i32_0 = arith.constant 0 : i32
    %c0_i32_1 = arith.constant 0 : i32
    return %c0_i32, %c0_i32_0 : i32, i32
  }
  func.func @transform_4(%arg0: i32) -> (i32, i32) {
    %c0_i32 = arith.constant 0 : i32
    %c0_i32_0 = arith.constant 0 : i32
    %c0_i32_1 = arith.constant 0 : i32
    return %c0_i32, %c0_i32_0 : i32, i32
  }
  func.func @transform_5(%arg0: i32) -> (i32, i32) {
    %c0_i32 = arith.constant 0 : i32
    %c0_i32_0 = arith.constant 0 : i32
    %c0_i32_1 = arith.constant 0 : i32
    return %c0_i32, %c0_i32_0 : i32, i32
  }
  func.func @transform_6(%arg0: i32) -> (i32, i32) {
    %c0_i32 = arith.constant 0 : i32
    %c0_i32_0 = arith.constant 0 : i32
    %c0_i32_1 = arith.constant 0 : i32
    return %c0_i32, %c0_i32_0 : i32, i32
  }
  func.func @transform_7(%arg0: i32) -> (i32, i32) {
    %c0_i32 = arith.constant 0 : i32
    %c0_i32_0 = arith.constant 0 : i32
    return %arg0, %c0_i32 : i32, i32
  }
  func.func @transform_8(%arg0: i32) -> (i32, i32) {
    %c0_i32 = arith.constant 0 : i32
    %c0_i32_0 = arith.constant 0 : i32
    return %arg0, %c0_i32 : i32, i32
  }
  func.func @transform_9(%arg0: i32) -> (i32, i32, i32) {
    %c0_i32 = arith.constant 0 : i32
    %c0_i32_0 = arith.constant 0 : i32
    %c0_i32_1 = arith.constant 0 : i32
    return %c0_i32, %arg0, %c0_i32_0 : i32, i32, i32
  }
}

module attributes {stable_mosaic.version = 14 : i64} {
  func.func @_combine_body(%arg0: i32, %arg1: memref<2x400x128xf32, #tpu.memory_space<vmem>>, %arg2: memref<400x128xf32, #tpu.memory_space<vmem>>, %arg3: memref<128x128xf32, #tpu.memory_space<vmem>>, %arg4: memref<1x128xf32, #tpu.memory_space<vmem>>, %arg5: memref<8x16xf32, #tpu.memory_space<vmem>>, %arg6: memref<16x128xf32, #tpu.memory_space<vmem>>, %arg7: memref<1x128xf32, #tpu.memory_space<vmem>>, %arg8: memref<4x400x128xf32, #tpu.memory_space<vmem>>) attributes {dimension_semantics = [#tpu.dimension_semantics<arbitrary>], iteration_bounds = array<i64: 25>, scalar_prefetch = 0 : i64, scratch_operands = 0 : i64, tpu.core_type = #tpu.core_type<tc>, window_params = [{transform_indices = @transform_0, window_bounds = array<i64: 2, 400, 128>}, {transform_indices = @transform_1, window_bounds = array<i64: 400, 128>}, {pipeline_mode = #tpu.pipeline_mode<synchronous>, transform_indices = @transform_2, window_bounds = array<i64: 128, 128>}, {pipeline_mode = #tpu.pipeline_mode<synchronous>, transform_indices = @transform_3, window_bounds = array<i64: 1, 128>}, {pipeline_mode = #tpu.pipeline_mode<synchronous>, transform_indices = @transform_4, window_bounds = array<i64: 8, 16>}, {pipeline_mode = #tpu.pipeline_mode<synchronous>, transform_indices = @transform_5, window_bounds = array<i64: 16, 128>}, {pipeline_mode = #tpu.pipeline_mode<synchronous>, transform_indices = @transform_6, window_bounds = array<i64: 1, 128>}, {transform_indices = @transform_7, window_bounds = array<i64: 4, 400, 128>}]} {
    %get3A = arith.constant 0 : index
    %get3A_0 = arith.constant 0 : index
    %get3A_1 = arith.constant 0 : index
    %get3A_2 = vector.load %arg1[%get3A, %get3A_0, %get3A_1] : memref<2x400x128xf32, #tpu.memory_space<vmem>>, vector<1x400x128xf32>
    %get3A_3 = vector.shape_cast %get3A_2 : vector<1x400x128xf32> to vector<400x128xf32>
    %get3A_4 = arith.constant 1 : index
    %get3A_5 = arith.constant 0 : index
    %get3A_6 = arith.constant 0 : index
    %get3A_7 = vector.load %arg1[%get3A_4, %get3A_5, %get3A_6] : memref<2x400x128xf32, #tpu.memory_space<vmem>>, vector<1x400x128xf32>
    %get3A_8 = vector.shape_cast %get3A_7 : vector<1x400x128xf32> to vector<400x128xf32>
    %add3A = arith.addf %get3A_3, %get3A_8 : vector<400x128xf32>
    %get3A_9 = arith.constant 0 : index
    %get3A_10 = arith.constant 0 : index
    %get3A_11 = vector.load %arg2[%get3A_9, %get3A_10] : memref<400x128xf32, #tpu.memory_space<vmem>>, vector<400x128xf32>
    %get3A_12 = arith.constant 0 : index
    %get3A_13 = arith.constant 0 : index
    %get3A_14 = vector.load %arg3[%get3A_12, %get3A_13] : memref<128x128xf32, #tpu.memory_space<vmem>>, vector<128x128xf32>
    %dot_general3A = arith.constant dense<0.000000e+00> : vector<400x128xf32>
    %dot_general3A_15 = tpu.matmul %add3A, %get3A_14, %dot_general3A {dimension_numbers = #tpu.dot_dimension_numbers<[1], [0], [0], [1], [0, 0, 1, 1], [], []>, transpose_lhs_hint = false} : vector<400x128xf32>, vector<128x128xf32>, vector<400x128xf32> -> vector<400x128xf32>
    %add3A_16 = arith.addf %get3A_11, %dot_general3A_15 : vector<400x128xf32>
    %get3A_17 = arith.constant 0 : index
    %get3A_18 = arith.constant 0 : index
    %get3A_19 = vector.load %arg4[%get3A_17, %get3A_18] : memref<1x128xf32, #tpu.memory_space<vmem>>, vector<1x128xf32>
    %add3A_20 = vector.broadcast %get3A_19 : vector<1x128xf32> to vector<400x128xf32>
    %add3A_21 = arith.addf %add3A_16, %add3A_20 : vector<400x128xf32>
    %get3A_22 = arith.constant 0 : index
    %get3A_23 = arith.constant 0 : index
    %get3A_24 = vector.load %arg5[%get3A_22, %get3A_23] : memref<8x16xf32, #tpu.memory_space<vmem>>, vector<8x16xf32>
    %get3A_25 = arith.constant 0 : index
    %get3A_26 = arith.constant 0 : index
    %get3A_27 = vector.load %arg6[%get3A_25, %get3A_26] : memref<16x128xf32, #tpu.memory_space<vmem>>, vector<16x128xf32>
    %dot_general3A_28 = arith.constant dense<0.000000e+00> : vector<8x128xf32>
    %dot_general3A_29 = tpu.matmul %get3A_24, %get3A_27, %dot_general3A_28 {dimension_numbers = #tpu.dot_dimension_numbers<[1], [0], [0], [1], [0, 0, 1, 1], [], []>, transpose_lhs_hint = false} : vector<8x16xf32>, vector<16x128xf32>, vector<8x128xf32> -> vector<8x128xf32>
    %get3A_30 = arith.constant 0 : index
    %get3A_31 = arith.constant 0 : index
    %get3A_32 = vector.load %arg7[%get3A_30, %get3A_31] : memref<1x128xf32, #tpu.memory_space<vmem>>, vector<1x128xf32>
    %add3A_33 = vector.broadcast %get3A_32 : vector<1x128xf32> to vector<8x128xf32>
    %add3A_34 = arith.addf %dot_general3A_29, %add3A_33 : vector<8x128xf32>
    %slice3A = vector.extract_strided_slice %add3A_34 {offsets = [0, 0], sizes = [1, 128], strides = [1, 1]} : vector<8x128xf32> to vector<1x128xf32>
    %add3A_35 = vector.broadcast %slice3A : vector<1x128xf32> to vector<400x128xf32>
    %add3A_36 = arith.addf %add3A_21, %add3A_35 : vector<400x128xf32>
    %max3A = arith.constant 0.000000e+00 : f32
    %max3A_37 = vector.broadcast %max3A : f32 to vector<400x128xf32>
    %max3A_38 = arith.maximumf %add3A_36, %max3A_37 : vector<400x128xf32>
    %swap3A = arith.constant 0 : index
    %swap3A_39 = arith.constant 0 : index
    %swap3A_40 = arith.constant 0 : index
    %swap3A_41 = vector.load %arg8[%swap3A, %swap3A_39, %swap3A_40] : memref<4x400x128xf32, #tpu.memory_space<vmem>>, vector<1x400x128xf32>
    %swap3A_42 = vector.shape_cast %swap3A_41 : vector<1x400x128xf32> to vector<400x128xf32>
    %swap3A_43 = vector.shape_cast %max3A_38 : vector<400x128xf32> to vector<1x400x128xf32>
    tpu.vector_store %arg8[%swap3A, %swap3A_39, %swap3A_40], %swap3A_43 {strides = array<i32>} : memref<4x400x128xf32, #tpu.memory_space<vmem>>, vector<1x400x128xf32>,
    %slice3A_44 = vector.extract_strided_slice %add3A_34 {offsets = [1, 0], sizes = [1, 128], strides = [1, 1]} : vector<8x128xf32> to vector<1x128xf32>
    %add3A_45 = vector.broadcast %slice3A_44 : vector<1x128xf32> to vector<400x128xf32>
    %add3A_46 = arith.addf %add3A_21, %add3A_45 : vector<400x128xf32>
    %max3A_47 = arith.constant 0.000000e+00 : f32
    %max3A_48 = vector.broadcast %max3A_47 : f32 to vector<400x128xf32>
    %max3A_49 = arith.maximumf %add3A_46, %max3A_48 : vector<400x128xf32>
    %swap3A_50 = arith.constant 1 : index
    %swap3A_51 = arith.constant 0 : index
    %swap3A_52 = arith.constant 0 : index
    %swap3A_53 = vector.load %arg8[%swap3A_50, %swap3A_51, %swap3A_52] : memref<4x400x128xf32, #tpu.memory_space<vmem>>, vector<1x400x128xf32>
    %swap3A_54 = vector.shape_cast %swap3A_53 : vector<1x400x128xf32> to vector<400x128xf32>
    %swap3A_55 = vector.shape_cast %max3A_49 : vector<400x128xf32> to vector<1x400x128xf32>
    tpu.vector_store %arg8[%swap3A_50, %swap3A_51, %swap3A_52], %swap3A_55 {strides = array<i32>} : memref<4x400x128xf32, #tpu.memory_space<vmem>>, vector<1x400x128xf32>,
    %slice3A_56 = vector.extract_strided_slice %add3A_34 {offsets = [2, 0], sizes = [1, 128], strides = [1, 1]} : vector<8x128xf32> to vector<1x128xf32>
    %add3A_57 = vector.broadcast %slice3A_56 : vector<1x128xf32> to vector<400x128xf32>
    %add3A_58 = arith.addf %add3A_21, %add3A_57 : vector<400x128xf32>
    %max3A_59 = arith.constant 0.000000e+00 : f32
    %max3A_60 = vector.broadcast %max3A_59 : f32 to vector<400x128xf32>
    %max3A_61 = arith.maximumf %add3A_58, %max3A_60 : vector<400x128xf32>
    %swap3A_62 = arith.constant 2 : index
    %swap3A_63 = arith.constant 0 : index
    %swap3A_64 = arith.constant 0 : index
    %swap3A_65 = vector.load %arg8[%swap3A_62, %swap3A_63, %swap3A_64] : memref<4x400x128xf32, #tpu.memory_space<vmem>>, vector<1x400x128xf32>
    %swap3A_66 = vector.shape_cast %swap3A_65 : vector<1x400x128xf32> to vector<400x128xf32>
    %swap3A_67 = vector.shape_cast %max3A_61 : vector<400x128xf32> to vector<1x400x128xf32>
    tpu.vector_store %arg8[%swap3A_62, %swap3A_63, %swap3A_64], %swap3A_67 {strides = array<i32>} : memref<4x400x128xf32, #tpu.memory_space<vmem>>, vector<1x400x128xf32>,
    %slice3A_68 = vector.extract_strided_slice %add3A_34 {offsets = [3, 0], sizes = [1, 128], strides = [1, 1]} : vector<8x128xf32> to vector<1x128xf32>
    %add3A_69 = vector.broadcast %slice3A_68 : vector<1x128xf32> to vector<400x128xf32>
    %add3A_70 = arith.addf %add3A_21, %add3A_69 : vector<400x128xf32>
    %max3A_71 = arith.constant 0.000000e+00 : f32
    %max3A_72 = vector.broadcast %max3A_71 : f32 to vector<400x128xf32>
    %max3A_73 = arith.maximumf %add3A_70, %max3A_72 : vector<400x128xf32>
    %swap3A_74 = arith.constant 3 : index
    %swap3A_75 = arith.constant 0 : index
    %swap3A_76 = arith.constant 0 : index
    %swap3A_77 = vector.load %arg8[%swap3A_74, %swap3A_75, %swap3A_76] : memref<4x400x128xf32, #tpu.memory_space<vmem>>, vector<1x400x128xf32>
    %swap3A_78 = vector.shape_cast %swap3A_77 : vector<1x400x128xf32> to vector<400x128xf32>
    %swap3A_79 = vector.shape_cast %max3A_73 : vector<400x128xf32> to vector<1x400x128xf32>
    tpu.vector_store %arg8[%swap3A_74, %swap3A_75, %swap3A_76], %swap3A_79 {strides = array<i32>} : memref<4x400x128xf32, #tpu.memory_space<vmem>>, vector<1x400x128xf32>,
    return
  }
  func.func @transform_0(%arg0: i32) -> (i32, i32, i32) {
    %c0_i32 = arith.constant 0 : i32
    %c0_i32_0 = arith.constant 0 : i32
    %c0_i32_1 = arith.constant 0 : i32
    return %c0_i32, %arg0, %c0_i32_0 : i32, i32, i32
  }
  func.func @transform_1(%arg0: i32) -> (i32, i32) {
    %c0_i32 = arith.constant 0 : i32
    %c0_i32_0 = arith.constant 0 : i32
    return %arg0, %c0_i32 : i32, i32
  }
  func.func @transform_2(%arg0: i32) -> (i32, i32) {
    %c0_i32 = arith.constant 0 : i32
    %c0_i32_0 = arith.constant 0 : i32
    %c0_i32_1 = arith.constant 0 : i32
    return %c0_i32, %c0_i32_0 : i32, i32
  }
  func.func @transform_3(%arg0: i32) -> (i32, i32) {
    %c0_i32 = arith.constant 0 : i32
    %c0_i32_0 = arith.constant 0 : i32
    %c0_i32_1 = arith.constant 0 : i32
    return %c0_i32, %c0_i32_0 : i32, i32
  }
  func.func @transform_4(%arg0: i32) -> (i32, i32) {
    %c0_i32 = arith.constant 0 : i32
    %c0_i32_0 = arith.constant 0 : i32
    %c0_i32_1 = arith.constant 0 : i32
    return %c0_i32, %c0_i32_0 : i32, i32
  }
  func.func @transform_5(%arg0: i32) -> (i32, i32) {
    %c0_i32 = arith.constant 0 : i32
    %c0_i32_0 = arith.constant 0 : i32
    %c0_i32_1 = arith.constant 0 : i32
    return %c0_i32, %c0_i32_0 : i32, i32
  }
  func.func @transform_6(%arg0: i32) -> (i32, i32) {
    %c0_i32 = arith.constant 0 : i32
    %c0_i32_0 = arith.constant 0 : i32
    %c0_i32_1 = arith.constant 0 : i32
    return %c0_i32, %c0_i32_0 : i32, i32
  }
  func.func @transform_7(%arg0: i32) -> (i32, i32, i32) {
    %c0_i32 = arith.constant 0 : i32
    %c0_i32_0 = arith.constant 0 : i32
    %c0_i32_1 = arith.constant 0 : i32
    return %c0_i32, %arg0, %c0_i32_0 : i32, i32, i32
  }
}

module attributes {stable_mosaic.version = 14 : i64} {
  func.func @_head_body(%arg0: i32, %arg1: memref<2x400x128xf32, #tpu.memory_space<vmem>>, %arg2: memref<400x128xf32, #tpu.memory_space<vmem>>, %arg3: memref<128x128xf32, #tpu.memory_space<vmem>>, %arg4: memref<1x128xf32, #tpu.memory_space<vmem>>, %arg5: memref<128x128xf32, #tpu.memory_space<vmem>>, %arg6: memref<1x128xf32, #tpu.memory_space<vmem>>, %arg7: memref<400x128xf32, #tpu.memory_space<vmem>>) attributes {dimension_semantics = [#tpu.dimension_semantics<arbitrary>], iteration_bounds = array<i64: 25>, scalar_prefetch = 0 : i64, scratch_operands = 0 : i64, tpu.core_type = #tpu.core_type<tc>, window_params = [{transform_indices = @transform_0, window_bounds = array<i64: 2, 400, 128>}, {transform_indices = @transform_1, window_bounds = array<i64: 400, 128>}, {pipeline_mode = #tpu.pipeline_mode<synchronous>, transform_indices = @transform_2, window_bounds = array<i64: 128, 128>}, {pipeline_mode = #tpu.pipeline_mode<synchronous>, transform_indices = @transform_3, window_bounds = array<i64: 1, 128>}, {pipeline_mode = #tpu.pipeline_mode<synchronous>, transform_indices = @transform_4, window_bounds = array<i64: 128, 128>}, {pipeline_mode = #tpu.pipeline_mode<synchronous>, transform_indices = @transform_5, window_bounds = array<i64: 1, 128>}, {transform_indices = @transform_6, window_bounds = array<i64: 400, 128>}]} {
    %get3A = arith.constant 0 : index
    %get3A_0 = arith.constant 0 : index
    %get3A_1 = arith.constant 0 : index
    %get3A_2 = vector.load %arg1[%get3A, %get3A_0, %get3A_1] : memref<2x400x128xf32, #tpu.memory_space<vmem>>, vector<1x400x128xf32>
    %get3A_3 = vector.shape_cast %get3A_2 : vector<1x400x128xf32> to vector<400x128xf32>
    %get3A_4 = arith.constant 1 : index
    %get3A_5 = arith.constant 0 : index
    %get3A_6 = arith.constant 0 : index
    %get3A_7 = vector.load %arg1[%get3A_4, %get3A_5, %get3A_6] : memref<2x400x128xf32, #tpu.memory_space<vmem>>, vector<1x400x128xf32>
    %get3A_8 = vector.shape_cast %get3A_7 : vector<1x400x128xf32> to vector<400x128xf32>
    %add3A = arith.addf %get3A_3, %get3A_8 : vector<400x128xf32>
    %get3A_9 = arith.constant 0 : index
    %get3A_10 = arith.constant 0 : index
    %get3A_11 = vector.load %arg2[%get3A_9, %get3A_10] : memref<400x128xf32, #tpu.memory_space<vmem>>, vector<400x128xf32>
    %get3A_12 = arith.constant 0 : index
    %get3A_13 = arith.constant 0 : index
    %get3A_14 = vector.load %arg3[%get3A_12, %get3A_13] : memref<128x128xf32, #tpu.memory_space<vmem>>, vector<128x128xf32>
    %dot_general3A = arith.constant dense<0.000000e+00> : vector<400x128xf32>
    %dot_general3A_15 = tpu.matmul %add3A, %get3A_14, %dot_general3A {dimension_numbers = #tpu.dot_dimension_numbers<[1], [0], [0], [1], [0, 0, 1, 1], [], []>, transpose_lhs_hint = false} : vector<400x128xf32>, vector<128x128xf32>, vector<400x128xf32> -> vector<400x128xf32>
    %add3A_16 = arith.addf %get3A_11, %dot_general3A_15 : vector<400x128xf32>
    %get3A_17 = arith.constant 0 : index
    %get3A_18 = arith.constant 0 : index
    %get3A_19 = vector.load %arg4[%get3A_17, %get3A_18] : memref<1x128xf32, #tpu.memory_space<vmem>>, vector<1x128xf32>
    %add3A_20 = vector.broadcast %get3A_19 : vector<1x128xf32> to vector<400x128xf32>
    %add3A_21 = arith.addf %add3A_16, %add3A_20 : vector<400x128xf32>
    %max3A = arith.constant 0.000000e+00 : f32
    %max3A_22 = vector.broadcast %max3A : f32 to vector<400x128xf32>
    %max3A_23 = arith.maximumf %add3A_21, %max3A_22 : vector<400x128xf32>
    %get3A_24 = arith.constant 0 : index
    %get3A_25 = arith.constant 0 : index
    %get3A_26 = vector.load %arg5[%get3A_24, %get3A_25] : memref<128x128xf32, #tpu.memory_space<vmem>>, vector<128x128xf32>
    %dot_general3A_27 = arith.constant dense<0.000000e+00> : vector<400x128xf32>
    %dot_general3A_28 = tpu.matmul %max3A_23, %get3A_26, %dot_general3A_27 {dimension_numbers = #tpu.dot_dimension_numbers<[1], [0], [0], [1], [0, 0, 1, 1], [], []>, transpose_lhs_hint = false} : vector<400x128xf32>, vector<128x128xf32>, vector<400x128xf32> -> vector<400x128xf32>
    %get3A_29 = arith.constant 0 : index
    %get3A_30 = arith.constant 0 : index
    %get3A_31 = vector.load %arg6[%get3A_29, %get3A_30] : memref<1x128xf32, #tpu.memory_space<vmem>>, vector<1x128xf32>
    %add3A_32 = vector.broadcast %get3A_31 : vector<1x128xf32> to vector<400x128xf32>
    %add3A_33 = arith.addf %dot_general3A_28, %add3A_32 : vector<400x128xf32>
    %swap3A = arith.constant 0 : index
    %swap3A_34 = arith.constant 0 : index
    %swap3A_35 = vector.load %arg7[%swap3A, %swap3A_34] : memref<400x128xf32, #tpu.memory_space<vmem>>, vector<400x128xf32>
    tpu.vector_store %arg7[%swap3A, %swap3A_34], %add3A_33 {strides = array<i32>} : memref<400x128xf32, #tpu.memory_space<vmem>>, vector<400x128xf32>,
    return
  }
  func.func @transform_0(%arg0: i32) -> (i32, i32, i32) {
    %c0_i32 = arith.constant 0 : i32
    %c0_i32_0 = arith.constant 0 : i32
    %c0_i32_1 = arith.constant 0 : i32
    return %c0_i32, %arg0, %c0_i32_0 : i32, i32, i32
  }
  func.func @transform_1(%arg0: i32) -> (i32, i32) {
    %c0_i32 = arith.constant 0 : i32
    %c0_i32_0 = arith.constant 0 : i32
    return %arg0, %c0_i32 : i32, i32
  }
  func.func @transform_2(%arg0: i32) -> (i32, i32) {
    %c0_i32 = arith.constant 0 : i32
    %c0_i32_0 = arith.constant 0 : i32
    %c0_i32_1 = arith.constant 0 : i32
    return %c0_i32, %c0_i32_0 : i32, i32
  }
  func.func @transform_3(%arg0: i32) -> (i32, i32) {
    %c0_i32 = arith.constant 0 : i32
    %c0_i32_0 = arith.constant 0 : i32
    %c0_i32_1 = arith.constant 0 : i32
    return %c0_i32, %c0_i32_0 : i32, i32
  }
  func.func @transform_4(%arg0: i32) -> (i32, i32) {
    %c0_i32 = arith.constant 0 : i32
    %c0_i32_0 = arith.constant 0 : i32
    %c0_i32_1 = arith.constant 0 : i32
    return %c0_i32, %c0_i32_0 : i32, i32
  }
  func.func @transform_5(%arg0: i32) -> (i32, i32) {
    %c0_i32 = arith.constant 0 : i32
    %c0_i32_0 = arith.constant 0 : i32
    %c0_i32_1 = arith.constant 0 : i32
    return %c0_i32, %c0_i32_0 : i32, i32
  }
  func.func @transform_6(%arg0: i32) -> (i32, i32) {
    %c0_i32 = arith.constant 0 : i32
    %c0_i32_0 = arith.constant 0 : i32
    return %arg0, %c0_i32 : i32, i32
  }
}

</mosaic_0001>

<sc_bundles>
// kernel: kernel.14.cloned.1.call-start
scs
__scs_entry_jumppad:
0x0: {  	(pc) =	sbr.rel $0x88, $3  }
0x1: {  	(tag) =	ssettag $0x0;
	lr =	simm.s32 $0x1  }
0x2: {  	[smem:$0x3F94] =	sst lr;
	_ =	strace $0xD0000000  }
0x3: {  	_ = 	snop  }
0x4: {  	_ = 	snop  }
0x5: {  	_ = 	snop  }
0x6: {  	_ = 	snop  }
0x7: {  	_ = 	snop  }
__scs_overlays_trampoline_lowered:
0x8: {  	[smem:$0x3FA3] =	sst s0  }
0x9: {  	[smem:$0x3FA4] =	sst s1  }
0xa: {  	[smem:$0x3FA5] =	sst s2  }
0xb: {  	[smem:$0x3FA6] =	sst s3  }
0xc: {  	[smem:$0x3FA7] =	sst s4  }
0xd: {  	[smem:$0x3FA8] =	sst s5  }
0xe: {  	[smem:$0x3FA9] =	sst s6  }
0xf: {  	[smem:$0x3FAA] =	sst s7  }
0x10: {  	[smem:$0x3FAB] =	sst s8  }
0x11: {  	[smem:$0x3FAC] =	sst s9;
	s0 =	simm.s32 @!p0 $0x0  }
0x12: {  	s1 =	sld [smem:$0x3F92];
	s0 =	simm.s32 @p0 $0x1  }
0x13: {  	[smem:$0x3FAD] =	sst s0;
	s0 =	simm.s32 @!p1 $0x0  }
0x14: {  	s2 =	sld [smem:$0x3F91];
	s0 =	simm.s32 @p1 $0x1  }
0x15: {  	[smem:$0x3FAE] =	sst s0;
	s0 =	simm.s32 @!p2 $0x0  }
0x16: {  	s3 =	sld [smem:$0x3FDB];
	s0 =	simm.s32 @p2 $0x1  }
0x17: {  	s4 =	simm.s32 $0x1BF5;
	[smem:$0x3FB0] =	sst s0  }
0x18: {  	s0 =	sld [smem:$0x3F93];
	_ =	swait.ge [sflag:s4], $0x0  }
0x19: {  	s7 =	sld [smem:$0x3F94]  }
0x1a: {  	s8 =	sadd.s32 $0xFFFFE003, lr  }
0x1b: {  	s9 =	sadd.s32 $0xFFFFFEF7, lr;
	s5 =	simm.s32 $0xFFFFFFFF;
	p2 =	slt.u32 s8, $0xFFFFF086  }
0x1c: {  	p1 =	slt.u32 s9, $0xF7A;
	s5 =	simm.s32 @!p2 $0x0  }
0x1d: {  	s5 =	simm.s32 @p1 $0x1;
	p0 =	seq.s32 s7, s2  }
0x1e: {  	s7 =	smul.u32 @!p0 $0xF7A, s2;
	p2 =	seq.s32 @!p0 s5, $0x0  }
0x1f: {  	s9 =	smul.u32 $0xF7A, s1;
	s8 =	simm.s32 @!p0 $0x1BF5;
	p2 =	por !p2, p0  }
0x20: {  	[sflag:s8] =	ssyncset.s32 @!p0 $0xFFFFF086;
	s6 =	sadd.s32 @!p0 s3, s7;
	s7 =	simm.s32 @!p0 $0x108  }
0x21: {  	s3 =	sadd.s32 s3, s9;
	s6 =	sadd.s32 @!p0 $0x88, s6;
	s7 =	simm.s32 @p2 $0x1082  }
0x22: {  	[simem:s7], [sflag:s8] =	dma.local @!p0 [hbm:s6], $0xF7A  }
0x23: {  	s9 =	sor.u32 $0xD0000000, s2;
	s6 =	simm.s32 $0x108;
	_ =	swait.ge @!p0 [sflag:s8], $0x0  }
0x24: {  	s3 =	sadd.s32 $0x88, s3;
	s6 =	simm.s32 @!p1 $0x1082;
	[sflag:s4] =	ssyncset.s32 $0xFFFFF086  }
0x25: {  	[simem:s6], [sflag:s4] =	dma.local [hbm:s3], $0xF7A  }
0x26: {  	[smem:$0x3F94] =	sst s1;
	(tag) =	ssettag s2;
	_ =	strace s9  }
0x27: {  	s1 =	sld [smem:$0x3FA4]  }
0x28: {  	s2 =	sld [smem:$0x3FA5]  }
0x29: {  	s4 =	sld [smem:$0x3FA7]  }
0x2a: {  	p0 =	seq.s32 s5, $0x0;
	s5 =	sld [smem:$0x3FA8]  }
0x2b: {  	s6 =	sld [smem:$0x3FA9]  }
0x2c: {  	s7 =	sld [smem:$0x3FAA]  }
0x2d: {  	s3 =	simm.s32 $0x108;
	s8 =	sld [smem:$0x3FAB]  }
0x2e: {  	s3 =	simm.s32 @!p0 $0x1082;
	s9 =	sld [smem:$0x3FAC]  }
0x2f: {  	lr =	sadd.s32 s0, s3;
	s0 =	sld [smem:$0x3FA3]  }
0x30: {  	s3 =	sld [smem:$0x3FA6]  }
0x31: {  	[smem:$0x3FAF] =	sst s10  }
0x32: {  	s10 =	sld [smem:$0x3FAD];
	_ =	sdelay $0x3  }
0x33: {  	p0 =	seq.s32 s10, $0x1;
	s10 =	sld [smem:$0x3FAF];
	_ =	sdelay $0x3  }
0x34: {  	[smem:$0x3FAF] =	sst s10  }
0x35: {  	s10 =	sld [smem:$0x3FAE];
	_ =	sdelay $0x3  }
0x36: {  	p1 =	seq.s32 s10, $0x1;
	s10 =	sld [smem:$0x3FAF];
	_ =	sdelay $0x3  }
0x37: {  	[smem:$0x3FAF] =	sst s10  }
0x38: {  	s10 =	sld [smem:$0x3FB0]  }
0x39: {  	_ = 	snop;
	(pc) =	sbr.ind lr, $3  }
0x3a: {  	_ = 	snop  }
0x3b: {  	_ = 	snop  }
0x3c: {  	p2 =	seq.s32 s10, $0x1;
	s10 =	sld [smem:$0x3FAF]  }
0x3d: {  	_ =	shalt  }
0x3e: {  	_ =	shalt  }
0x3f: {  	_ =	shalt  }
0x40: {  	_ =	shalt  }
0x41: {  	_ =	shalt  }
0x42: {  	_ =	shalt  }
0x43: {  	_ =	shalt  }
0x44: {  	_ =	shalt  }
0x45: {  	_ =	shalt  }
0x46: {  	_ =	shalt  }
0x47: {  	_ =	shalt  }
0x48: {  	_ =	shalt  }
0x49: {  	_ =	shalt  }
0x4a: {  	_ =	shalt  }
0x4b: {  	_ =	shalt  }
0x4c: {  	_ =	shalt  }
0x4d: {  	_ =	shalt  }
0x4e: {  	_ =	shalt  }
0x4f: {  	_ =	shalt  }
0x50: {  	_ =	shalt  }
0x51: {  	_ =	shalt  }
0x52: {  	_ =	shalt  }
0x53: {  	_ =	shalt  }
0x54: {  	_ =	shalt  }
0x55: {  	_ =	shalt  }
0x56: {  	_ =	shalt  }
0x57: {  	_ =	shalt  }
0x58: {  	_ =	shalt  }
0x59: {  	_ =	shalt  }
0x5a: {  	_ =	shalt  }
0x5b: {  	_ =	shalt  }
0x5c: {  	_ =	shalt  }
0x5d: {  	_ =	shalt  }
0x5e: {  	_ =	shalt  }
0x5f: {  	_ =	shalt  }
0x60: {  	_ =	shalt  }
0x61: {  	_ =	shalt  }
0x62: {  	_ =	shalt  }
0x63: {  	_ =	shalt  }
0x64: {  	_ =	shalt  }
0x65: {  	_ =	shalt  }
0x66: {  	_ =	shalt  }
0x67: {  	_ =	shalt  }
0x68: {  	_ =	shalt  }
0x69: {  	_ =	shalt  }
0x6a: {  	_ =	shalt  }
0x6b: {  	_ =	shalt  }
0x6c: {  	_ =	shalt  }
0x6d: {  	_ =	shalt  }
0x6e: {  	_ =	shalt  }
0x6f: {  	_ =	shalt  }
0x70: {  	_ =	shalt  }
0x71: {  	_ =	shalt  }
0x72: {  	_ =	shalt  }
0x73: {  	_ =	shalt  }
0x74: {  	_ =	shalt  }
0x75: {  	_ =	shalt  }
0x76: {  	_ =	shalt  }
0x77: {  	_ =	shalt  }
0x78: {  	_ =	shalt  }
0x79: {  	_ =	shalt  }
0x7a: {  	_ =	shalt  }
0x7b: {  	_ =	shalt  }
0x7c: {  	_ =	shalt  }
0x7d: {  	_ =	shalt  }
0x7e: {  	_ =	shalt  }
0x7f: {  	_ =	shalt  }
0x80: {  	_ =	shalt  }
0x81: {  	_ =	shalt  }
0x82: {  	_ =	shalt  }
0x83: {  	_ =	shalt  }
0x84: {  	_ =	shalt  }
0x85: {  	_ =	shalt  }
0x86: {  	_ =	shalt  }
0x87: {  	_ =	shalt  }
.Lfunc_end0:
.L_simem_size_0:
called_computation_lowered:
.L_overlay_start_0:
0x88: {  	s2 =	sld [smem:$0x3FD9]  }
0x89: {  	s3 =	sld [smem:$0x3FFE];
	_ =	sdelay $0x1  }
0x8a: {  	s1 =	srdreg.scid  }
0x8b: {  	s0 =	sand.u32 $0x1, s1  }
0x8c: {  	s16 =	sshll.u32 s0, $0xA;
	s2 =	sadd.s32 s3, s2  }
0x8d: {  	s2 =	sadd.s32 s2, s16  }
0x8e: {  	[smem:$0x3FBB] =	sst s2  }
0x8f: {  	_ = 	snop  }
0x90: {  	(tm) =	ssettm $0x1  }
0x91: {  	s17 =	sld [smem:$0x3FFB];
	_ =	sdelay $0x3  }
0x92: {  	_ =	strace s17  }
0x93: {  	s2 =	sld [smem:$0x3FFC];
	_ =	sdelay $0x3  }
0x94: {  	_ =	strace s2  }
0x95: {  	s2 =	sld [smem:$0x3FFD];
	_ =	sdelay $0x3  }
0x96: {  	_ =	strace s2  }
0x97: {  	_ =	strace $0x8FFFFFFF  }
0x98: {  	s18 =	sld [smem:$0x3FDB];
	_ =	sdelay $0x1  }
0x99: {  	s19 =	simm.s32 $_scs_section_size  }
0x9a: {  	s4 =	simm.s32 $_size__tile_overlayer_lowered;
	s5 =	simm.s32 $_tile_overlayer_lowered  }
0x9b: {  	s22 =	simm.s32 $0x1BFF;
	s21 =	sshll.u32 s5, $0x1;
	s2 =	sadd.s32 s19, s18  }
0x9c: {  	s6 =	simm.s32 $0x0;
	s20 =	sshll.u32 s4, $0x1;
	s4 =	sadd.s32 s21, s2  }
0x9d: {  	[timem:s6], [sflag:s22] =	dma.local [hbm:s4], s20  }
0x9e: {  	_ =	swait.ge [sflag:s22], s20  }
0x9f: {  	s3 =	ssub.s32 $0x0, s20;
	[sflag:s22] =	ssyncset.done $0x0  }
0xa0: {  	[sflag:s22] =	ssyncadd.s32 s3;
	_ =	sdelay $0x1  }
0xa1: {  	s23 =	simm.s32 $0x1B8B  }
0xa2: {  	_ =	swait.ge [sflag:s23], $0x1  }
0xa3: {  	[sflag:s23] =	ssyncset.done $0x0  }
0xa4: {  	s25 =	simm.s32 $0x1B8E;
	s24 =	sld [smem:$0x3FFE];
	[sflag:s23] =	ssyncadd.s32 $0xFFFFFFFF  }
0xa5: {  	s26 =	simm.s32 $execute0_lowered;
	[smem:$0x3FD2] =	sst s25  }
0xa6: {  	s4 =	sshll.u32 s26, $0x1;
	_ =	strace $0x80000046;
	[dreg:$0x1] =	wrdreg $0xFFFFFFFF  }
0xa7: {  	s28 =	simm.s32 $_size_execute0_lowered;
	s2 =	sadd.s32 s2, s4;
	[dreg:$0x0] =	wrdreg $0x0  }
0xa8: {  	s4 =	sshll.u32 s28, $0x1;
	[dreg:$0x2] =	wrdreg s2  }
0xa9: {  	[dreg:$0x3] =	wrdreg s4  }
0xaa: {  	[dreg:$0x4] =	wrdreg $0xC0  }
0xab: {  	_ =	task [dreg:s6], $0x5FFFF  }
0xac: {  	[dreg:$0x1] =	wrdreg $0xFFFFFFFF  }
0xad: {  	[dreg:$0x0] =	wrdreg $0x60  }
0xae: {  	[dreg:$0x2] =	wrdreg s24  }
0xaf: {  	[dreg:$0x3] =	wrdreg $0x0  }
0xb0: {  	[dreg:$0x4] =	wrdreg $0x9  }
0xb1: {  	_ =	task.clear_ibuf [dreg:s6], $0x5FFFF;
	_ =	strace $0x90000046  }
0xb2: {  	s29 =	simm.s32 $0x9;
	_ =	strace $0x80000048  }
0xb3: {  	_ =	swait.ge [sflag:s29], $0x1  }
0xb4: {  	[sflag:s29] =	ssyncadd.s32 $0xFFFFFFFF  }
0xb5: {  	_ =	strace $0x90000048  }
0xb6: {  	_ =	sfence  }
0xb7: {  	s30 =	sld [smem:$0x0];
	_ =	sdelay $0x2  }
0xb8: {  	s31 =	sshll.u32 s1, $0xD;
	s1 =	sshrl.u32 s1, $0x2  }
0xb9: {  	s3 =	sand.u32 $0x4000, s31;
	s1 =	sadd.s32 s1, s30  }
0xba: {  	s0 =	sor.u32 s3, s0;
	s1 =	sshll.u32 s1, $0x11  }
0xbb: {  	s0 =	sor.u32 s1, s0  }
0xbc: {  	s0 =	sadd.s32 $0x8F2B, s0  }
0xbd: {  	[sflag:s0] =	ssyncadd.remote.s32 $0x1  }
0xbe: {  	_ =	sfence.sel $0xFFFF  }
0xbf: {  	[dreg:$0x0] =	wrdreg $0xFFFFFFFF;
	(pc) =	sbr.abs _section_cstart, $3  }
0xc0: {  	[dreg:$0x1] =	wrdreg $0xFFFFFFFF  }
0xc1: {  	_ =	task.clear_ibuf [dreg:s6], $0x2FFFF;
	_ =	strace $0x9FFFFFFF  }
0xc2: {  	(tm) =	ssettm $0x7FFFFFFF  }
0xc3: {  	_ =	shalt  }
tec
execute0_lowered:
.L_overlay_start_1:
0x0: {  	(tag) =	ssettag $0x1  }
0x1: {  	s0 =	srdreg.scid  }
0x2: {  	s9 =	stileid.u32;
	s3 =	rddreg [dreg:$0x0]  }
0x3: {  	s2 =	rddreg [dreg:$0x1];
	s6 =	simm.s32 $0x0;
	s12 =	simm.s32 $0x5  }
0x4: {  	s15 =	simm.s32 $0x14000;
	s16 =	simm.s32 $0x16780;
	s17 =	simm.s32 $0x50  }
0x5: {  	s18 =	simm.s32 $0x1A780;
	s20 =	simm.s32 $0x1CF80;
	s28 =	simm.s32 $0x16670  }
0x6: {  	s29 =	simm.s32 $0x1A480;
	s30 =	simm.s32 $0x1A500;
	s31 =	simm.s32 $0x166C0  }
0x7: {  	s0 =	sand.u32 $0x1, s0;
	s1 =	sshll.u32 s9, $0x1;
	s7 =	smul.u32 $0x14000, s9  }
0x8: {  	s4 =	sshrl.u32 s9, $0x2;
	[smem:$0x7FF] =	sst s6;
	s24 =	smul.u32 $0x50000, s9  }
0x9: {  	s26 =	sshll.u32 s9, $0x6;
	s1 =	sor.u32 s0, s1;
	s4 =	smul.u32 $0x13C00, s4  }
0xa: {  	s21 =	smul.u32 $0x140000, s0;
	_ =	strace $0x80000047;
	s0 =	ssub.s32 $0x2, s0  }
0xb: {  	s5 =	sshll.u32 s1, $0x7;
	s1 =	sshll.u32 s1, $0xB;
	s25 =	sshrl.u32 s0, $0x1  }
0xc: {  	s5 =	sand.u32 $0x380, s5;
	s1 =	sadd.s32 s1, s3;
	s23 =	sadd.s32 s7, s21  }
0xd: {  	s7 =	sshrl.u32 s24, $0x2;
	s0 =	ssub.s32 s0, s25;
	s21 =	simm.s32 $0x1  }
0xe: {  	s24 =	simm.s32 $0x2;
	s25 =	simm.s32 $0x16800;
	s4 =	sor.u32 s4, s5  }
0xf: {  	s5 =	sadd.s32 $0xB9E00, s3;
	s6 =	sshrl.u32 s23, $0x3;
	s11 =	sadd.s32 s7, s2  }
0x10: {  	s10 =	smax.u32 s0, $0x1;
	s23 =	simm.s32 $0x140A0;
	s0 =	simm.s32 $0x0  }
0x11: {  	s22 =	sshrl.u32 s4, $0x3;
	s4 =	sadd.s32 $0x1DA00, s3;
	s11 =	sshrl.u32 s11, $0x3  }
0x12: {  	s8 =	sadd.s32 s22, s3;
	s3 =	sadd.s32 s6, s3;
	s6 =	sor.u32 $0x1C05, s26  }
0x13: {  	s22 =	simm.s32 $0x3;
	s26 =	simm.s32 $0x4;
	s7 =	sadd.s32 $0x3C00, s8  }
0x14: {  	s8 =	sadd.s32 $0xDA00, s1;
	s9 =	sadd.s32 $0xBC600, s3;
	s1 =	simm.s32 $0x1A580  }
.LBB2_1:
0x15: {  	[spmem:s11], [sflag:s6] =	dma.local [hbm:s5], $0x2800  }
0x16: {  	_ =	swait.ge [sflag:s12], $0x2800  }
0x17: {  	[sflag:s12] =	ssyncset.done $0x0  }
0x18: {  	s3 =	simm.s32 $0x80;
	s13 =	simm.s32 $0x400;
	[sflag:s12] =	ssyncadd.s32 $0xFFFFD800  }
0x19: {  	[tilespmem:s15], [sflag:$0x5] =	stream.strided.gather [hbm4b:s7+s3], $0x2780, s13, s3, $0x38;
	[tilespmem:$0x1F780] =	vst v63  }
0x1a: {  	_ =	swait.ge [sflag:s12], $0x2780  }
0x1b: {  	[sflag:s12] =	ssyncset.done $0x0  }
0x1c: {  	s14 =	simm.s32 $0x0;
	[sflag:s12] =	ssyncadd.s32 $0xFFFFD880  }
0x1d: {  	[tilespmem:s16], [sflag:$0x5] =	stream.linear.gather [hbm4b:s8+s14], $0x3E80, $0x38;
	[tilespmem:$0x1F780] =	vst v63  }
0x1e: {  	_ =	swait.ge [sflag:s12], $0x3E80  }
0x1f: {  	[sflag:s12] =	ssyncset.done $0x0  }
0x20: {  	[sflag:s12] =	ssyncadd.s32 $0xFFFFC180  }
0x21: {  	[bflag:$0x0] =	sbarrier.arrive $0xFFFF  }
0x22: {  	[tilespmem:s18], [sflag:$0x1] =	stream.indirect.gather [hbm4b:s4+s17], $0x80, s15, s17, $0xb8;
	[tilespmem:$0x1F780] =	vst v63  }
0x23: {  	s19 =	simm.s32 $0x14050  }
0x24: {  	[tilespmem:s20], [sflag:$0x2] =	stream.indirect.gather [hbm4b:s4+s17], $0x80, s19, s17, $0xb8;
	[tilespmem:$0x1F780] =	vst v63  }
0x25: {  	_ =	swait.ge [sflag:s21], $0x2800  }
0x26: {  	[sflag:s21] =	ssyncset.done $0x0  }
0x27: {  	[sflag:s21] =	ssyncadd.s32 $0xFFFFD800  }
0x28: {  	[spmem:s2] =	stream.indirect.scatter.add.f32 [tilespmem:s18], [sflag:$0x3], $0x80, s16, s17, $0xb8;
	[tilespmem:$0x1F780] =	vst v63  }
0x29: {  	_ =	swait.ge [sflag:s22], $0x2800  }
0x2a: {  	[sflag:s22] =	ssyncset.done $0x0  }
0x2b: {  	[sflag:s22] =	ssyncadd.s32 $0xFFFFD800  }
0x2c: {  	[tilespmem:s18], [sflag:$0x1] =	stream.indirect.gather [hbm4b:s4+s17], $0x80, s23, s17, $0xb8;
	[tilespmem:$0x1F780] =	vst v63  }
0x2d: {  	_ =	swait.ge [sflag:s24], $0x2800  }
0x2e: {  	[sflag:s24] =	ssyncset.done $0x0  }
0x2f: {  	[sflag:s24] =	ssyncadd.s32 $0xFFFFD800  }
0x30: {  	[spmem:s2] =	stream.indirect.scatter.add.f32 [tilespmem:s20], [sflag:$0x4], $0x80, s25, s17, $0xb8;
	[tilespmem:$0x1F780] =	vst v63  }
0x31: {  	_ =	swait.ge [sflag:s26], $0x2800  }
0x32: {  	[sflag:s26] =	ssyncset.done $0x0  }
0x33: {  	s13 =	simm.s32 $0x140F0;
	[sflag:s26] =	ssyncadd.s32 $0xFFFFD800  }
0x34: {  	[tilespmem:s20], [sflag:$0x2] =	stream.indirect.gather [hbm4b:s4+s17], $0x80, s13, s17, $0xb8;
	[tilespmem:$0x1F780] =	vst v63  }
0x35: {  	_ =	swait.ge [sflag:s21], $0x2800  }
0x36: {  	[sflag:s21] =	ssyncset.done $0x0  }
0x37: {  	s14 =	simm.s32 $0x16880;
	[sflag:s21] =	ssyncadd.s32 $0xFFFFD800  }
0x38: {  	[spmem:s2] =	stream.indirect.scatter.add.f32 [tilespmem:s18], [sflag:$0x3], $0x80, s14, s17, $0xb8;
	[tilespmem:$0x1F780] =	vst v63  }
0x39: {  	_ =	swait.ge [sflag:s22], $0x2800  }
0x3a: {  	[sflag:s22] =	ssyncset.done $0x0  }
0x3b: {  	s19 =	simm.s32 $0x14140;
	[sflag:s22] =	ssyncadd.s32 $0xFFFFD800  }
0x3c: {  	[tilespmem:s18], [sflag:$0x1] =	stream.indirect.gather [hbm4b:s4+s17], $0x80, s19, s17, $0xb8;
	[tilespmem:$0x1F780] =	vst v63  }
0x3d: {  	_ =	swait.ge [sflag:s24], $0x2800  }
0x3e: {  	s3 =	simm.s32 $0xFFFF1400;
	[sflag:s24] =	ssyncset.done $0x0  }
0x3f: {  	s13 =	simm.s32 $0x141E0;
	s14 =	simm.s32 $0x16900;
	[sflag:s24] =	ssyncadd.s32 $0xFFFFD800  }
.LBB2_2:
0x40: {  	[spmem:s2] =	stream.indirect.scatter.add.f32 [tilespmem:s20], [sflag:$0x4], $0x80, s14, s17, $0xb8;
	[tilespmem:$0x1F780] =	vst v63  }
0x41: {  	s14 =	smov.u32 s3  }
0x42: {  	p0 =	sne.s32 s3, $0xFFFFFC00;
	s3 =	sadd.s32 $0x400, s3;
	_ =	swait.ge [sflag:s26], $0x2800  }
0x43: {  	[sflag:s26] =	ssyncset.done $0x0  }
0x44: {  	s19 =	sadd.s32 $0xFFFFFFB0, s13;
	[sflag:s26] =	ssyncadd.s32 $0xFFFFD800  }
0x45: {  	[tilespmem:s20], [sflag:$0x2] =	stream.indirect.gather [hbm4b:s4+s17], $0x80, s19, s17, $0xb8;
	[tilespmem:$0x1F780] =	vst v63  }
0x46: {  	_ =	swait.ge [sflag:s21], $0x2800  }
0x47: {  	s14 =	sshra.s32 s14, $0x2;
	[sflag:s21] =	ssyncset.done $0x0  }
0x48: {  	s19 =	sadd.s32 $0x1A480, s14;
	[sflag:s21] =	ssyncadd.s32 $0xFFFFD800  }
0x49: {  	[spmem:s2] =	stream.indirect.scatter.add.f32 [tilespmem:s18], [sflag:$0x3], $0x80, s19, s17, $0xb8;
	[tilespmem:$0x1F780] =	vst v63  }
0x4a: {  	_ =	swait.ge [sflag:s22], $0x2800  }
0x4b: {  	[sflag:s22] =	ssyncset.done $0x0  }
.Ltmp0:
0x4c: {  	[sflag:s22] =	ssyncadd.s32 $0xFFFFD800;
	(pc) =	sbr.rel @p0 .LBB2_2-.Ltmp0, $4  }
0x4d: {  	[tilespmem:s18], [sflag:$0x1] =	stream.indirect.gather [hbm4b:s4+s17], $0x80, s13, s17, $0xb8;
	[tilespmem:$0x1F780] =	vst v63  }
0x4e: {  	_ =	swait.ge [sflag:s24], $0x2800  }
0x4f: {  	[sflag:s24] =	ssyncset.done $0x0  }
0x50: {  	s14 =	sadd.s32 $0x1A500, s14;
	s13 =	sadd.s32 $0xA0, s13;
	[sflag:s24] =	ssyncadd.s32 $0xFFFFD800  }
0x51: {  	[spmem:s2] =	stream.indirect.scatter.add.f32 [tilespmem:s20], [sflag:$0x4], $0x80, s14, s17, $0xb8;
	[tilespmem:$0x1F780] =	vst v63  }
0x52: {  	_ =	swait.ge [sflag:s26], $0x2800  }
0x53: {  	[sflag:s26] =	ssyncset.done $0x0  }
0x54: {  	[sflag:s26] =	ssyncadd.s32 $0xFFFFD800  }
0x55: {  	[tilespmem:s20], [sflag:$0x2] =	stream.indirect.gather [hbm4b:s4+s17], $0x80, s28, s17, $0xb8;
	[tilespmem:$0x1F780] =	vst v63  }
0x56: {  	_ =	swait.ge [sflag:s21], $0x2800  }
0x57: {  	[sflag:s21] =	ssyncset.done $0x0  }
0x58: {  	[sflag:s21] =	ssyncadd.s32 $0xFFFFD800  }
0x59: {  	[spmem:s2] =	stream.indirect.scatter.add.f32 [tilespmem:s18], [sflag:$0x3], $0x80, s29, s17, $0xb8;
	[tilespmem:$0x1F780] =	vst v63  }
0x5a: {  	_ =	swait.ge [sflag:s24], $0x2800  }
0x5b: {  	[sflag:s24] =	ssyncset.done $0x0  }
0x5c: {  	[sflag:s24] =	ssyncadd.s32 $0xFFFFD800  }
0x5d: {  	[spmem:s2] =	stream.indirect.scatter.add.f32 [tilespmem:s20], [sflag:$0x4], $0x80, s30, s17, $0xb8;
	[tilespmem:$0x1F780] =	vst v63  }
0x5e: {  	_ =	swait.ge [sflag:s22], $0x2800  }
0x5f: {  	[sflag:s22] =	ssyncset.done $0x0  }
0x60: {  	[sflag:s22] =	ssyncadd.s32 $0xFFFFD800  }
0x61: {  	[tilespmem:s18], [sflag:$0x1] =	stream.indirect.gather [hbm4b:s4+s17], $0x80, s31, s17, $0xb8;
	[tilespmem:$0x1F780] =	vst v63  }
0x62: {  	_ =	swait.ge [sflag:s26], $0x2800  }
0x63: {  	[sflag:s26] =	ssyncset.done $0x0  }
0x64: {  	[sflag:s26] =	ssyncadd.s32 $0xFFFFD800  }
0x65: {  	_ =	swait.ge [sflag:s21], $0x2800  }
0x66: {  	[sflag:s21] =	ssyncset.done $0x0  }
0x67: {  	[sflag:s21] =	ssyncadd.s32 $0xFFFFD800  }
0x68: {  	[spmem:s2] =	stream.indirect.scatter.add.f32 [tilespmem:s18], [sflag:$0x3], $0x80, s1, s17, $0xb8;
	[tilespmem:$0x1F780] =	vst v63  }
0x69: {  	_ =	swait.ge [sflag:s22], $0x2800  }
0x6a: {  	s0 =	sadd.s32 $0x1, s0;
	[sflag:s22] =	ssyncset.done $0x0  }
0x6b: {  	p0 =	sne.s32 s0, s10;
	[sflag:s22] =	ssyncadd.s32 $0xFFFFD800  }
.Ltmp1:
0x6c: {  	[bflag:$0x0] =	sbarrier.arrive $0xFFFF;
	(pc) =	sbr.rel @p0 .LBB2_1-.Ltmp1, $4  }
0x6d: {  	[hbm:s9], [sflag:s6] =	dma.local [spmem:s11], $0x2800  }
0x6e: {  	_ =	swait.ge [sflag:s12], $0x2800  }
0x6f: {  	[sflag:s12] =	ssyncset.done $0x0  }
0x70: {  	[sflag:s12] =	ssyncadd.s32 $0xFFFFD800  }
0x71: {  	_ =	sfence.sel $0x180000  }
0x72: {  	[bflag:$0x0] =	sbarrier.arrive $0xFFFF  }
0x73: {  	_ =	strace $0x90000047  }
0x74: {  	s0 =	stileid.u32;
	[bflag:$0x2] =	sbarrier.arrive $0xFFFF  }
0x75: {  	p0 =	sne.s32 s0, $0x0;
	s0 =	rddreg [dreg:$0x2]  }
0x76: {  	s0 =	sadd.s32 @!p0 $0x100000, s0  }
0x77: {  	[sflag:s0] =	ssyncadd.tile.s32 @!p0 $0x1;
	_ =	shalt  }
.Lfunc_end2:
_tile_overlayer_lowered:
.L_overlay_start_2:
0x78: {  	(tag) =	ssettag $0x2  }
0x79: {  	s0 =	rddreg [dreg:$0x0];
	s2 =	stileid.u32  }
0x7a: {  	s1 =	rddreg [dreg:$0x1];
	p0 =	sne.s32 s2, $0x0  }
0x7b: {  	s3 =	rddreg [dreg:$0x2];
	[bflag:$0x3] =	sbarrier.arrive $0xFFFF;
	s2 =	simm.s32 @!p0 $0x1C05  }
0x7c: {  	[timem:s3], [sflag:s2] =	dma.local @!p0 [hbm:s0], s1  }
0x7d: {  	s0 =	simm.s32 @!p0 $0x5  }
0x7e: {  	_ =	swait.ge @!p0 [sflag:s0], s1  }
0x7f: {  	s1 =	ssub.s32 @!p0 $0x0, s1;
	[sflag:s0] =	ssyncset.done @!p0 $0x0  }
0x80: {  	[sflag:s0] =	ssyncadd.s32 @!p0 s1  }
0x81: {  	[bflag:$0x3] =	sbarrier.arrive $0xFFFF  }
0x82: {  	_ =	shalt  }

// kernel: kernel.17.cloned.1.call-start
scs
__scs_entry_jumppad:
0x0: {  	(pc) =	sbr.rel $0x88, $3  }
0x1: {  	(tag) =	ssettag $0x0;
	lr =	simm.s32 $0x1  }
0x2: {  	[smem:$0x3F94] =	sst lr;
	_ =	strace $0xD0000000  }
0x3: {  	_ = 	snop  }
0x4: {  	_ = 	snop  }
0x5: {  	_ = 	snop  }
0x6: {  	_ = 	snop  }
0x7: {  	_ = 	snop  }
__scs_overlays_trampoline_lowered:
0x8: {  	[smem:$0x3FA3] =	sst s0  }
0x9: {  	[smem:$0x3FA4] =	sst s1  }
0xa: {  	[smem:$0x3FA5] =	sst s2  }
0xb: {  	[smem:$0x3FA6] =	sst s3  }
0xc: {  	[smem:$0x3FA7] =	sst s4  }
0xd: {  	[smem:$0x3FA8] =	sst s5  }
0xe: {  	[smem:$0x3FA9] =	sst s6  }
0xf: {  	[smem:$0x3FAA] =	sst s7  }
0x10: {  	[smem:$0x3FAB] =	sst s8  }
0x11: {  	[smem:$0x3FAC] =	sst s9;
	s0 =	simm.s32 @!p0 $0x0  }
0x12: {  	s1 =	sld [smem:$0x3F92];
	s0 =	simm.s32 @p0 $0x1  }
0x13: {  	[smem:$0x3FAD] =	sst s0;
	s0 =	simm.s32 @!p1 $0x0  }
0x14: {  	s2 =	sld [smem:$0x3F91];
	s0 =	simm.s32 @p1 $0x1  }
0x15: {  	[smem:$0x3FAE] =	sst s0;
	s0 =	simm.s32 @!p2 $0x0  }
0x16: {  	s3 =	sld [smem:$0x3FDB];
	s0 =	simm.s32 @p2 $0x1  }
0x17: {  	s4 =	simm.s32 $0x1BF5;
	[smem:$0x3FB0] =	sst s0  }
0x18: {  	s0 =	sld [smem:$0x3F93];
	_ =	swait.ge [sflag:s4], $0x0  }
0x19: {  	s7 =	sld [smem:$0x3F94]  }
0x1a: {  	s8 =	sadd.s32 $0xFFFFE003, lr  }
0x1b: {  	s9 =	sadd.s32 $0xFFFFFEF7, lr;
	s5 =	simm.s32 $0xFFFFFFFF;
	p2 =	slt.u32 s8, $0xFFFFF086  }
0x1c: {  	p1 =	slt.u32 s9, $0xF7A;
	s5 =	simm.s32 @!p2 $0x0  }
0x1d: {  	s5 =	simm.s32 @p1 $0x1;
	p0 =	seq.s32 s7, s2  }
0x1e: {  	s7 =	smul.u32 @!p0 $0xF7A, s2;
	p2 =	seq.s32 @!p0 s5, $0x0  }
0x1f: {  	s9 =	smul.u32 $0xF7A, s1;
	s8 =	simm.s32 @!p0 $0x1BF5;
	p2 =	por !p2, p0  }
0x20: {  	[sflag:s8] =	ssyncset.s32 @!p0 $0xFFFFF086;
	s6 =	sadd.s32 @!p0 s3, s7;
	s7 =	simm.s32 @!p0 $0x108  }
0x21: {  	s3 =	sadd.s32 s3, s9;
	s6 =	sadd.s32 @!p0 $0x88, s6;
	s7 =	simm.s32 @p2 $0x1082  }
0x22: {  	[simem:s7], [sflag:s8] =	dma.local @!p0 [hbm:s6], $0xF7A  }
0x23: {  	s9 =	sor.u32 $0xD0000000, s2;
	s6 =	simm.s32 $0x108;
	_ =	swait.ge @!p0 [sflag:s8], $0x0  }
0x24: {  	s3 =	sadd.s32 $0x88, s3;
	s6 =	simm.s32 @!p1 $0x1082;
	[sflag:s4] =	ssyncset.s32 $0xFFFFF086  }
0x25: {  	[simem:s6], [sflag:s4] =	dma.local [hbm:s3], $0xF7A  }
0x26: {  	[smem:$0x3F94] =	sst s1;
	(tag) =	ssettag s2;
	_ =	strace s9  }
0x27: {  	s1 =	sld [smem:$0x3FA4]  }
0x28: {  	s2 =	sld [smem:$0x3FA5]  }
0x29: {  	s4 =	sld [smem:$0x3FA7]  }
0x2a: {  	p0 =	seq.s32 s5, $0x0;
	s5 =	sld [smem:$0x3FA8]  }
0x2b: {  	s6 =	sld [smem:$0x3FA9]  }
0x2c: {  	s7 =	sld [smem:$0x3FAA]  }
0x2d: {  	s3 =	simm.s32 $0x108;
	s8 =	sld [smem:$0x3FAB]  }
0x2e: {  	s3 =	simm.s32 @!p0 $0x1082;
	s9 =	sld [smem:$0x3FAC]  }
0x2f: {  	lr =	sadd.s32 s0, s3;
	s0 =	sld [smem:$0x3FA3]  }
0x30: {  	s3 =	sld [smem:$0x3FA6]  }
0x31: {  	[smem:$0x3FAF] =	sst s10  }
0x32: {  	s10 =	sld [smem:$0x3FAD];
	_ =	sdelay $0x3  }
0x33: {  	p0 =	seq.s32 s10, $0x1;
	s10 =	sld [smem:$0x3FAF];
	_ =	sdelay $0x3  }
0x34: {  	[smem:$0x3FAF] =	sst s10  }
0x35: {  	s10 =	sld [smem:$0x3FAE];
	_ =	sdelay $0x3  }
0x36: {  	p1 =	seq.s32 s10, $0x1;
	s10 =	sld [smem:$0x3FAF];
	_ =	sdelay $0x3  }
0x37: {  	[smem:$0x3FAF] =	sst s10  }
0x38: {  	s10 =	sld [smem:$0x3FB0]  }
0x39: {  	_ = 	snop;
	(pc) =	sbr.ind lr, $3  }
0x3a: {  	_ = 	snop  }
0x3b: {  	_ = 	snop  }
0x3c: {  	p2 =	seq.s32 s10, $0x1;
	s10 =	sld [smem:$0x3FAF]  }
0x3d: {  	_ =	shalt  }
0x3e: {  	_ =	shalt  }
0x3f: {  	_ =	shalt  }
0x40: {  	_ =	shalt  }
0x41: {  	_ =	shalt  }
0x42: {  	_ =	shalt  }
0x43: {  	_ =	shalt  }
0x44: {  	_ =	shalt  }
0x45: {  	_ =	shalt  }
0x46: {  	_ =	shalt  }
0x47: {  	_ =	shalt  }
0x48: {  	_ =	shalt  }
0x49: {  	_ =	shalt  }
0x4a: {  	_ =	shalt  }
0x4b: {  	_ =	shalt  }
0x4c: {  	_ =	shalt  }
0x4d: {  	_ =	shalt  }
0x4e: {  	_ =	shalt  }
0x4f: {  	_ =	shalt  }
0x50: {  	_ =	shalt  }
0x51: {  	_ =	shalt  }
0x52: {  	_ =	shalt  }
0x53: {  	_ =	shalt  }
0x54: {  	_ =	shalt  }
0x55: {  	_ =	shalt  }
0x56: {  	_ =	shalt  }
0x57: {  	_ =	shalt  }
0x58: {  	_ =	shalt  }
0x59: {  	_ =	shalt  }
0x5a: {  	_ =	shalt  }
0x5b: {  	_ =	shalt  }
0x5c: {  	_ =	shalt  }
0x5d: {  	_ =	shalt  }
0x5e: {  	_ =	shalt  }
0x5f: {  	_ =	shalt  }
0x60: {  	_ =	shalt  }
0x61: {  	_ =	shalt  }
0x62: {  	_ =	shalt  }
0x63: {  	_ =	shalt  }
0x64: {  	_ =	shalt  }
0x65: {  	_ =	shalt  }
0x66: {  	_ =	shalt  }
0x67: {  	_ =	shalt  }
0x68: {  	_ =	shalt  }
0x69: {  	_ =	shalt  }
0x6a: {  	_ =	shalt  }
0x6b: {  	_ =	shalt  }
0x6c: {  	_ =	shalt  }
0x6d: {  	_ =	shalt  }
0x6e: {  	_ =	shalt  }
0x6f: {  	_ =	shalt  }
0x70: {  	_ =	shalt  }
0x71: {  	_ =	shalt  }
0x72: {  	_ =	shalt  }
0x73: {  	_ =	shalt  }
0x74: {  	_ =	shalt  }
0x75: {  	_ =	shalt  }
0x76: {  	_ =	shalt  }
0x77: {  	_ =	shalt  }
0x78: {  	_ =	shalt  }
0x79: {  	_ =	shalt  }
0x7a: {  	_ =	shalt  }
0x7b: {  	_ =	shalt  }
0x7c: {  	_ =	shalt  }
0x7d: {  	_ =	shalt  }
0x7e: {  	_ =	shalt  }
0x7f: {  	_ =	shalt  }
0x80: {  	_ =	shalt  }
0x81: {  	_ =	shalt  }
0x82: {  	_ =	shalt  }
0x83: {  	_ =	shalt  }
0x84: {  	_ =	shalt  }
0x85: {  	_ =	shalt  }
0x86: {  	_ =	shalt  }
0x87: {  	_ =	shalt  }
.Lfunc_end0:
.L_simem_size_0:
called_computation.1_lowered:
.L_overlay_start_0:
0x88: {  	s2 =	sld [smem:$0x3FD9]  }
0x89: {  	s3 =	sld [smem:$0x3FFE];
	_ =	sdelay $0x1  }
0x8a: {  	s1 =	srdreg.scid  }
0x8b: {  	s0 =	sand.u32 $0x1, s1  }
0x8c: {  	s16 =	sshll.u32 s0, $0xA;
	s2 =	sadd.s32 s3, s2  }
0x8d: {  	s2 =	sadd.s32 s2, s16  }
0x8e: {  	[smem:$0x3FBB] =	sst s2  }
0x8f: {  	_ = 	snop  }
0x90: {  	(tm) =	ssettm $0x1  }
0x91: {  	s17 =	sld [smem:$0x3FFB];
	_ =	sdelay $0x3  }
0x92: {  	_ =	strace s17  }
0x93: {  	s2 =	sld [smem:$0x3FFC];
	_ =	sdelay $0x3  }
0x94: {  	_ =	strace s2  }
0x95: {  	s2 =	sld [smem:$0x3FFD];
	_ =	sdelay $0x3  }
0x96: {  	_ =	strace s2  }
0x97: {  	_ =	strace $0x8FFFFFFF  }
0x98: {  	s18 =	sld [smem:$0x3FDB];
	_ =	sdelay $0x1  }
0x99: {  	s19 =	simm.s32 $_scs_section_size  }
0x9a: {  	s4 =	simm.s32 $_size__tile_overlayer_lowered;
	s5 =	simm.s32 $_tile_overlayer_lowered  }
0x9b: {  	s22 =	simm.s32 $0x1BFF;
	s21 =	sshll.u32 s5, $0x1;
	s2 =	sadd.s32 s19, s18  }
0x9c: {  	s6 =	simm.s32 $0x0;
	s20 =	sshll.u32 s4, $0x1;
	s4 =	sadd.s32 s21, s2  }
0x9d: {  	[timem:s6], [sflag:s22] =	dma.local [hbm:s4], s20  }
0x9e: {  	_ =	swait.ge [sflag:s22], s20  }
0x9f: {  	s3 =	ssub.s32 $0x0, s20;
	[sflag:s22] =	ssyncset.done $0x0  }
0xa0: {  	[sflag:s22] =	ssyncadd.s32 s3;
	_ =	sdelay $0x1  }
0xa1: {  	s23 =	simm.s32 $0x1B8B  }
0xa2: {  	_ =	swait.ge [sflag:s23], $0x1  }
0xa3: {  	[sflag:s23] =	ssyncset.done $0x0  }
0xa4: {  	s25 =	simm.s32 $0x1B8E;
	s24 =	sld [smem:$0x3FFE];
	[sflag:s23] =	ssyncadd.s32 $0xFFFFFFFF  }
0xa5: {  	s26 =	simm.s32 $execute0_lowered;
	[smem:$0x3FD2] =	sst s25  }
0xa6: {  	s4 =	sshll.u32 s26, $0x1;
	_ =	strace $0x80000049;
	[dreg:$0x1] =	wrdreg $0xFFFFFFFF  }
0xa7: {  	s28 =	simm.s32 $_size_execute0_lowered;
	s2 =	sadd.s32 s2, s4;
	[dreg:$0x0] =	wrdreg $0x0  }
0xa8: {  	s4 =	sshll.u32 s28, $0x1;
	[dreg:$0x2] =	wrdreg s2  }
0xa9: {  	[dreg:$0x3] =	wrdreg s4  }
0xaa: {  	[dreg:$0x4] =	wrdreg $0xC0  }
0xab: {  	_ =	task [dreg:s6], $0x5FFFF  }
0xac: {  	[dreg:$0x1] =	wrdreg $0xFFFFFFFF  }
0xad: {  	[dreg:$0x0] =	wrdreg $0x60  }
0xae: {  	[dreg:$0x2] =	wrdreg s24  }
0xaf: {  	[dreg:$0x3] =	wrdreg $0x0  }
0xb0: {  	[dreg:$0x4] =	wrdreg $0x9  }
0xb1: {  	_ =	task.clear_ibuf [dreg:s6], $0x5FFFF;
	_ =	strace $0x90000049  }
0xb2: {  	s29 =	simm.s32 $0x9;
	_ =	strace $0x8000004B  }
0xb3: {  	_ =	swait.ge [sflag:s29], $0x1  }
0xb4: {  	[sflag:s29] =	ssyncadd.s32 $0xFFFFFFFF  }
0xb5: {  	_ =	strace $0x9000004B  }
0xb6: {  	_ =	sfence  }
0xb7: {  	s30 =	sld [smem:$0x0];
	_ =	sdelay $0x2  }
0xb8: {  	s31 =	sshll.u32 s1, $0xD;
	s1 =	sshrl.u32 s1, $0x2  }
0xb9: {  	s3 =	sand.u32 $0x4000, s31;
	s1 =	sadd.s32 s1, s30  }
0xba: {  	s0 =	sor.u32 s3, s0;
	s1 =	sshll.u32 s1, $0x11  }
0xbb: {  	s0 =	sor.u32 s1, s0  }
0xbc: {  	s0 =	sadd.s32 $0x8F2B, s0  }
0xbd: {  	[sflag:s0] =	ssyncadd.remote.s32 $0x1  }
0xbe: {  	_ =	sfence.sel $0xFFFF  }
0xbf: {  	[dreg:$0x0] =	wrdreg $0xFFFFFFFF;
	(pc) =	sbr.abs _section_cstart, $3  }
0xc0: {  	[dreg:$0x1] =	wrdreg $0xFFFFFFFF  }
0xc1: {  	_ =	task.clear_ibuf [dreg:s6], $0x2FFFF;
	_ =	strace $0x9FFFFFFF  }
0xc2: {  	(tm) =	ssettm $0x7FFFFFFF  }
0xc3: {  	_ =	shalt  }
tec
execute0_lowered:
.L_overlay_start_1:
0x0: {  	(tag) =	ssettag $0x1  }
0x1: {  	s0 =	srdreg.scid  }
0x2: {  	s9 =	stileid.u32;
	s3 =	rddreg [dreg:$0x0]  }
0x3: {  	s2 =	rddreg [dreg:$0x1];
	s6 =	simm.s32 $0x0;
	s12 =	simm.s32 $0x5  }
0x4: {  	s15 =	simm.s32 $0x14000;
	s16 =	simm.s32 $0x16780;
	s17 =	simm.s32 $0x50  }
0x5: {  	s18 =	simm.s32 $0x1A780;
	s20 =	simm.s32 $0x1CF80;
	s28 =	simm.s32 $0x16670  }
0x6: {  	s29 =	simm.s32 $0x1A480;
	s30 =	simm.s32 $0x1A500;
	s31 =	simm.s32 $0x166C0  }
0x7: {  	s0 =	sand.u32 $0x1, s0;
	s1 =	sshll.u32 s9, $0x1;
	s7 =	smul.u32 $0x14000, s9  }
0x8: {  	s4 =	sshrl.u32 s9, $0x2;
	[smem:$0x7FF] =	sst s6;
	s24 =	smul.u32 $0x50000, s9  }
0x9: {  	s26 =	sshll.u32 s9, $0x6;
	s1 =	sor.u32 s0, s1;
	s4 =	smul.u32 $0x13C00, s4  }
0xa: {  	s21 =	smul.u32 $0x140000, s0;
	_ =	strace $0x8000004A;
	s0 =	ssub.s32 $0x2, s0  }
0xb: {  	s5 =	sshll.u32 s1, $0x7;
	s1 =	sshll.u32 s1, $0xB;
	s25 =	sshrl.u32 s0, $0x1  }
0xc: {  	s5 =	sand.u32 $0x380, s5;
	s1 =	sadd.s32 s1, s3;
	s23 =	sadd.s32 s7, s21  }
0xd: {  	s7 =	sshrl.u32 s24, $0x2;
	s0 =	ssub.s32 s0, s25;
	s21 =	simm.s32 $0x1  }
0xe: {  	s24 =	simm.s32 $0x2;
	s25 =	simm.s32 $0x16800;
	s4 =	sor.u32 s4, s5  }
0xf: {  	s5 =	sadd.s32 $0xB9E00, s3;
	s6 =	sshrl.u32 s23, $0x3;
	s11 =	sadd.s32 s7, s2  }
0x10: {  	s10 =	smax.u32 s0, $0x1;
	s23 =	simm.s32 $0x140A0;
	s0 =	simm.s32 $0x0  }
0x11: {  	s22 =	sshrl.u32 s4, $0x3;
	s4 =	sadd.s32 $0x1DA00, s3;
	s11 =	sshrl.u32 s11, $0x3  }
0x12: {  	s8 =	sadd.s32 s22, s3;
	s3 =	sadd.s32 s6, s3;
	s6 =	sor.u32 $0x1C05, s26  }
0x13: {  	s22 =	simm.s32 $0x3;
	s26 =	simm.s32 $0x4;
	s7 =	sadd.s32 $0x3C00, s8  }
0x14: {  	s8 =	sadd.s32 $0xDA00, s1;
	s9 =	sadd.s32 $0xBC600, s3;
	s1 =	simm.s32 $0x1A580  }
.LBB2_1:
0x15: {  	[spmem:s11], [sflag:s6] =	dma.local [hbm:s5], $0x2800  }
0x16: {  	_ =	swait.ge [sflag:s12], $0x2800  }
0x17: {  	[sflag:s12] =	ssyncset.done $0x0  }
0x18: {  	s3 =	simm.s32 $0x80;
	s13 =	simm.s32 $0x400;
	[sflag:s12] =	ssyncadd.s32 $0xFFFFD800  }
0x19: {  	[tilespmem:s15], [sflag:$0x5] =	stream.strided.gather [hbm4b:s7+s3], $0x2780, s13, s3, $0x38;
	[tilespmem:$0x1F780] =	vst v63  }
0x1a: {  	_ =	swait.ge [sflag:s12], $0x2780  }
0x1b: {  	[sflag:s12] =	ssyncset.done $0x0  }
0x1c: {  	s14 =	simm.s32 $0x0;
	[sflag:s12] =	ssyncadd.s32 $0xFFFFD880  }
0x1d: {  	[tilespmem:s16], [sflag:$0x5] =	stream.linear.gather [hbm4b:s8+s14], $0x3E80, $0x38;
	[tilespmem:$0x1F780] =	vst v63  }
0x1e: {  	_ =	swait.ge [sflag:s12], $0x3E80  }
0x1f: {  	[sflag:s12] =	ssyncset.done $0x0  }
0x20: {  	[sflag:s12] =	ssyncadd.s32 $0xFFFFC180  }
0x21: {  	[bflag:$0x0] =	sbarrier.arrive $0xFFFF  }
0x22: {  	[tilespmem:s18], [sflag:$0x1] =	stream.indirect.gather [hbm4b:s4+s17], $0x80, s15, s17, $0xb8;
	[tilespmem:$0x1F780] =	vst v63  }
0x23: {  	s19 =	simm.s32 $0x14050  }
0x24: {  	[tilespmem:s20], [sflag:$0x2] =	stream.indirect.gather [hbm4b:s4+s17], $0x80, s19, s17, $0xb8;
	[tilespmem:$0x1F780] =	vst v63  }
0x25: {  	_ =	swait.ge [sflag:s21], $0x2800  }
0x26: {  	[sflag:s21] =	ssyncset.done $0x0  }
0x27: {  	[sflag:s21] =	ssyncadd.s32 $0xFFFFD800  }
0x28: {  	[spmem:s2] =	stream.indirect.scatter.add.f32 [tilespmem:s18], [sflag:$0x3], $0x80, s16, s17, $0xb8;
	[tilespmem:$0x1F780] =	vst v63  }
0x29: {  	_ =	swait.ge [sflag:s22], $0x2800  }
0x2a: {  	[sflag:s22] =	ssyncset.done $0x0  }
0x2b: {  	[sflag:s22] =	ssyncadd.s32 $0xFFFFD800  }
0x2c: {  	[tilespmem:s18], [sflag:$0x1] =	stream.indirect.gather [hbm4b:s4+s17], $0x80, s23, s17, $0xb8;
	[tilespmem:$0x1F780] =	vst v63  }
0x2d: {  	_ =	swait.ge [sflag:s24], $0x2800  }
0x2e: {  	[sflag:s24] =	ssyncset.done $0x0  }
0x2f: {  	[sflag:s24] =	ssyncadd.s32 $0xFFFFD800  }
0x30: {  	[spmem:s2] =	stream.indirect.scatter.add.f32 [tilespmem:s20], [sflag:$0x4], $0x80, s25, s17, $0xb8;
	[tilespmem:$0x1F780] =	vst v63  }
0x31: {  	_ =	swait.ge [sflag:s26], $0x2800  }
0x32: {  	[sflag:s26] =	ssyncset.done $0x0  }
0x33: {  	s13 =	simm.s32 $0x140F0;
	[sflag:s26] =	ssyncadd.s32 $0xFFFFD800  }
0x34: {  	[tilespmem:s20], [sflag:$0x2] =	stream.indirect.gather [hbm4b:s4+s17], $0x80, s13, s17, $0xb8;
	[tilespmem:$0x1F780] =	vst v63  }
0x35: {  	_ =	swait.ge [sflag:s21], $0x2800  }
0x36: {  	[sflag:s21] =	ssyncset.done $0x0  }
0x37: {  	s14 =	simm.s32 $0x16880;
	[sflag:s21] =	ssyncadd.s32 $0xFFFFD800  }
0x38: {  	[spmem:s2] =	stream.indirect.scatter.add.f32 [tilespmem:s18], [sflag:$0x3], $0x80, s14, s17, $0xb8;
	[tilespmem:$0x1F780] =	vst v63  }
0x39: {  	_ =	swait.ge [sflag:s22], $0x2800  }
0x3a: {  	[sflag:s22] =	ssyncset.done $0x0  }
0x3b: {  	s19 =	simm.s32 $0x14140;
	[sflag:s22] =	ssyncadd.s32 $0xFFFFD800  }
0x3c: {  	[tilespmem:s18], [sflag:$0x1] =	stream.indirect.gather [hbm4b:s4+s17], $0x80, s19, s17, $0xb8;
	[tilespmem:$0x1F780] =	vst v63  }
0x3d: {  	_ =	swait.ge [sflag:s24], $0x2800  }
0x3e: {  	s3 =	simm.s32 $0xFFFF1400;
	[sflag:s24] =	ssyncset.done $0x0  }
0x3f: {  	s13 =	simm.s32 $0x141E0;
	s14 =	simm.s32 $0x16900;
	[sflag:s24] =	ssyncadd.s32 $0xFFFFD800  }
.LBB2_2:
0x40: {  	[spmem:s2] =	stream.indirect.scatter.add.f32 [tilespmem:s20], [sflag:$0x4], $0x80, s14, s17, $0xb8;
	[tilespmem:$0x1F780] =	vst v63  }
0x41: {  	s14 =	smov.u32 s3  }
0x42: {  	p0 =	sne.s32 s3, $0xFFFFFC00;
	s3 =	sadd.s32 $0x400, s3;
	_ =	swait.ge [sflag:s26], $0x2800  }
0x43: {  	[sflag:s26] =	ssyncset.done $0x0  }
0x44: {  	s19 =	sadd.s32 $0xFFFFFFB0, s13;
	[sflag:s26] =	ssyncadd.s32 $0xFFFFD800  }
0x45: {  	[tilespmem:s20], [sflag:$0x2] =	stream.indirect.gather [hbm4b:s4+s17], $0x80, s19, s17, $0xb8;
	[tilespmem:$0x1F780] =	vst v63  }
0x46: {  	_ =	swait.ge [sflag:s21], $0x2800  }
0x47: {  	s14 =	sshra.s32 s14, $0x2;
	[sflag:s21] =	ssyncset.done $0x0  }
0x48: {  	s19 =	sadd.s32 $0x1A480, s14;
	[sflag:s21] =	ssyncadd.s32 $0xFFFFD800  }
0x49: {  	[spmem:s2] =	stream.indirect.scatter.add.f32 [tilespmem:s18], [sflag:$0x3], $0x80, s19, s17, $0xb8;
	[tilespmem:$0x1F780] =	vst v63  }
0x4a: {  	_ =	swait.ge [sflag:s22], $0x2800  }
0x4b: {  	[sflag:s22] =	ssyncset.done $0x0  }
.Ltmp0:
0x4c: {  	[sflag:s22] =	ssyncadd.s32 $0xFFFFD800;
	(pc) =	sbr.rel @p0 .LBB2_2-.Ltmp0, $4  }
0x4d: {  	[tilespmem:s18], [sflag:$0x1] =	stream.indirect.gather [hbm4b:s4+s17], $0x80, s13, s17, $0xb8;
	[tilespmem:$0x1F780] =	vst v63  }
0x4e: {  	_ =	swait.ge [sflag:s24], $0x2800  }
0x4f: {  	[sflag:s24] =	ssyncset.done $0x0  }
0x50: {  	s14 =	sadd.s32 $0x1A500, s14;
	s13 =	sadd.s32 $0xA0, s13;
	[sflag:s24] =	ssyncadd.s32 $0xFFFFD800  }
0x51: {  	[spmem:s2] =	stream.indirect.scatter.add.f32 [tilespmem:s20], [sflag:$0x4], $0x80, s14, s17, $0xb8;
	[tilespmem:$0x1F780] =	vst v63  }
0x52: {  	_ =	swait.ge [sflag:s26], $0x2800  }
0x53: {  	[sflag:s26] =	ssyncset.done $0x0  }
0x54: {  	[sflag:s26] =	ssyncadd.s32 $0xFFFFD800  }
0x55: {  	[tilespmem:s20], [sflag:$0x2] =	stream.indirect.gather [hbm4b:s4+s17], $0x80, s28, s17, $0xb8;
	[tilespmem:$0x1F780] =	vst v63  }
0x56: {  	_ =	swait.ge [sflag:s21], $0x2800  }
0x57: {  	[sflag:s21] =	ssyncset.done $0x0  }
0x58: {  	[sflag:s21] =	ssyncadd.s32 $0xFFFFD800  }
0x59: {  	[spmem:s2] =	stream.indirect.scatter.add.f32 [tilespmem:s18], [sflag:$0x3], $0x80, s29, s17, $0xb8;
	[tilespmem:$0x1F780] =	vst v63  }
0x5a: {  	_ =	swait.ge [sflag:s24], $0x2800  }
0x5b: {  	[sflag:s24] =	ssyncset.done $0x0  }
0x5c: {  	[sflag:s24] =	ssyncadd.s32 $0xFFFFD800  }
0x5d: {  	[spmem:s2] =	stream.indirect.scatter.add.f32 [tilespmem:s20], [sflag:$0x4], $0x80, s30, s17, $0xb8;
	[tilespmem:$0x1F780] =	vst v63  }
0x5e: {  	_ =	swait.ge [sflag:s22], $0x2800  }
0x5f: {  	[sflag:s22] =	ssyncset.done $0x0  }
0x60: {  	[sflag:s22] =	ssyncadd.s32 $0xFFFFD800  }
0x61: {  	[tilespmem:s18], [sflag:$0x1] =	stream.indirect.gather [hbm4b:s4+s17], $0x80, s31, s17, $0xb8;
	[tilespmem:$0x1F780] =	vst v63  }
0x62: {  	_ =	swait.ge [sflag:s26], $0x2800  }
0x63: {  	[sflag:s26] =	ssyncset.done $0x0  }
0x64: {  	[sflag:s26] =	ssyncadd.s32 $0xFFFFD800  }
0x65: {  	_ =	swait.ge [sflag:s21], $0x2800  }
0x66: {  	[sflag:s21] =	ssyncset.done $0x0  }
0x67: {  	[sflag:s21] =	ssyncadd.s32 $0xFFFFD800  }
0x68: {  	[spmem:s2] =	stream.indirect.scatter.add.f32 [tilespmem:s18], [sflag:$0x3], $0x80, s1, s17, $0xb8;
	[tilespmem:$0x1F780] =	vst v63  }
0x69: {  	_ =	swait.ge [sflag:s22], $0x2800  }
0x6a: {  	s0 =	sadd.s32 $0x1, s0;
	[sflag:s22] =	ssyncset.done $0x0  }
0x6b: {  	p0 =	sne.s32 s0, s10;
	[sflag:s22] =	ssyncadd.s32 $0xFFFFD800  }
.Ltmp1:
0x6c: {  	[bflag:$0x0] =	sbarrier.arrive $0xFFFF;
	(pc) =	sbr.rel @p0 .LBB2_1-.Ltmp1, $4  }
0x6d: {  	[hbm:s9], [sflag:s6] =	dma.local [spmem:s11], $0x2800  }
0x6e: {  	_ =	swait.ge [sflag:s12], $0x2800  }
0x6f: {  	[sflag:s12] =	ssyncset.done $0x0  }
0x70: {  	[sflag:s12] =	ssyncadd.s32 $0xFFFFD800  }
0x71: {  	_ =	sfence.sel $0x180000  }
0x72: {  	[bflag:$0x0] =	sbarrier.arrive $0xFFFF  }
0x73: {  	_ =	strace $0x9000004A  }
0x74: {  	s0 =	stileid.u32;
	[bflag:$0x2] =	sbarrier.arrive $0xFFFF  }
0x75: {  	p0 =	sne.s32 s0, $0x0;
	s0 =	rddreg [dreg:$0x2]  }
0x76: {  	s0 =	sadd.s32 @!p0 $0x100000, s0  }
0x77: {  	[sflag:s0] =	ssyncadd.tile.s32 @!p0 $0x1;
	_ =	shalt  }
.Lfunc_end2:
_tile_overlayer_lowered:
.L_overlay_start_2:
0x78: {  	(tag) =	ssettag $0x2  }
0x79: {  	s0 =	rddreg [dreg:$0x0];
	s2 =	stileid.u32  }
0x7a: {  	s1 =	rddreg [dreg:$0x1];
	p0 =	sne.s32 s2, $0x0  }
0x7b: {  	s3 =	rddreg [dreg:$0x2];
	[bflag:$0x3] =	sbarrier.arrive $0xFFFF;
	s2 =	simm.s32 @!p0 $0x1C05  }
0x7c: {  	[timem:s3], [sflag:s2] =	dma.local @!p0 [hbm:s0], s1  }
0x7d: {  	s0 =	simm.s32 @!p0 $0x5  }
0x7e: {  	_ =	swait.ge @!p0 [sflag:s0], s1  }
0x7f: {  	s1 =	ssub.s32 @!p0 $0x0, s1;
	[sflag:s0] =	ssyncset.done @!p0 $0x0  }
0x80: {  	[sflag:s0] =	ssyncadd.s32 @!p0 s1  }
0x81: {  	[bflag:$0x3] =	sbarrier.arrive $0xFFFF  }
0x82: {  	_ =	shalt  }

// kernel: kernel.20.cloned.1.call-start
scs
__scs_entry_jumppad:
0x0: {  	(pc) =	sbr.rel $0x88, $3  }
0x1: {  	(tag) =	ssettag $0x0;
	lr =	simm.s32 $0x1  }
0x2: {  	[smem:$0x3F94] =	sst lr;
	_ =	strace $0xD0000000  }
0x3: {  	_ = 	snop  }
0x4: {  	_ = 	snop  }
0x5: {  	_ = 	snop  }
0x6: {  	_ = 	snop  }
0x7: {  	_ = 	snop  }
__scs_overlays_trampoline_lowered:
0x8: {  	[smem:$0x3FA3] =	sst s0  }
0x9: {  	[smem:$0x3FA4] =	sst s1  }
0xa: {  	[smem:$0x3FA5] =	sst s2  }
0xb: {  	[smem:$0x3FA6] =	sst s3  }
0xc: {  	[smem:$0x3FA7] =	sst s4  }
0xd: {  	[smem:$0x3FA8] =	sst s5  }
0xe: {  	[smem:$0x3FA9] =	sst s6  }
0xf: {  	[smem:$0x3FAA] =	sst s7  }
0x10: {  	[smem:$0x3FAB] =	sst s8  }
0x11: {  	[smem:$0x3FAC] =	sst s9;
	s0 =	simm.s32 @!p0 $0x0  }
0x12: {  	s1 =	sld [smem:$0x3F92];
	s0 =	simm.s32 @p0 $0x1  }
0x13: {  	[smem:$0x3FAD] =	sst s0;
	s0 =	simm.s32 @!p1 $0x0  }
0x14: {  	s2 =	sld [smem:$0x3F91];
	s0 =	simm.s32 @p1 $0x1  }
0x15: {  	[smem:$0x3FAE] =	sst s0;
	s0 =	simm.s32 @!p2 $0x0  }
0x16: {  	s3 =	sld [smem:$0x3FDB];
	s0 =	simm.s32 @p2 $0x1  }
0x17: {  	s4 =	simm.s32 $0x1BF5;
	[smem:$0x3FB0] =	sst s0  }
0x18: {  	s0 =	sld [smem:$0x3F93];
	_ =	swait.ge [sflag:s4], $0x0  }
0x19: {  	s7 =	sld [smem:$0x3F94]  }
0x1a: {  	s8 =	sadd.s32 $0xFFFFE003, lr  }
0x1b: {  	s9 =	sadd.s32 $0xFFFFFEF7, lr;
	s5 =	simm.s32 $0xFFFFFFFF;
	p2 =	slt.u32 s8, $0xFFFFF086  }
0x1c: {  	p1 =	slt.u32 s9, $0xF7A;
	s5 =	simm.s32 @!p2 $0x0  }
0x1d: {  	s5 =	simm.s32 @p1 $0x1;
	p0 =	seq.s32 s7, s2  }
0x1e: {  	s7 =	smul.u32 @!p0 $0xF7A, s2;
	p2 =	seq.s32 @!p0 s5, $0x0  }
0x1f: {  	s9 =	smul.u32 $0xF7A, s1;
	s8 =	simm.s32 @!p0 $0x1BF5;
	p2 =	por !p2, p0  }
0x20: {  	[sflag:s8] =	ssyncset.s32 @!p0 $0xFFFFF086;
	s6 =	sadd.s32 @!p0 s3, s7;
	s7 =	simm.s32 @!p0 $0x108  }
0x21: {  	s3 =	sadd.s32 s3, s9;
	s6 =	sadd.s32 @!p0 $0x88, s6;
	s7 =	simm.s32 @p2 $0x1082  }
0x22: {  	[simem:s7], [sflag:s8] =	dma.local @!p0 [hbm:s6], $0xF7A  }
0x23: {  	s9 =	sor.u32 $0xD0000000, s2;
	s6 =	simm.s32 $0x108;
	_ =	swait.ge @!p0 [sflag:s8], $0x0  }
0x24: {  	s3 =	sadd.s32 $0x88, s3;
	s6 =	simm.s32 @!p1 $0x1082;
	[sflag:s4] =	ssyncset.s32 $0xFFFFF086  }
0x25: {  	[simem:s6], [sflag:s4] =	dma.local [hbm:s3], $0xF7A  }
0x26: {  	[smem:$0x3F94] =	sst s1;
	(tag) =	ssettag s2;
	_ =	strace s9  }
0x27: {  	s1 =	sld [smem:$0x3FA4]  }
0x28: {  	s2 =	sld [smem:$0x3FA5]  }
0x29: {  	s4 =	sld [smem:$0x3FA7]  }
0x2a: {  	p0 =	seq.s32 s5, $0x0;
	s5 =	sld [smem:$0x3FA8]  }
0x2b: {  	s6 =	sld [smem:$0x3FA9]  }
0x2c: {  	s7 =	sld [smem:$0x3FAA]  }
0x2d: {  	s3 =	simm.s32 $0x108;
	s8 =	sld [smem:$0x3FAB]  }
0x2e: {  	s3 =	simm.s32 @!p0 $0x1082;
	s9 =	sld [smem:$0x3FAC]  }
0x2f: {  	lr =	sadd.s32 s0, s3;
	s0 =	sld [smem:$0x3FA3]  }
0x30: {  	s3 =	sld [smem:$0x3FA6]  }
0x31: {  	[smem:$0x3FAF] =	sst s10  }
0x32: {  	s10 =	sld [smem:$0x3FAD];
	_ =	sdelay $0x3  }
0x33: {  	p0 =	seq.s32 s10, $0x1;
	s10 =	sld [smem:$0x3FAF];
	_ =	sdelay $0x3  }
0x34: {  	[smem:$0x3FAF] =	sst s10  }
0x35: {  	s10 =	sld [smem:$0x3FAE];
	_ =	sdelay $0x3  }
0x36: {  	p1 =	seq.s32 s10, $0x1;
	s10 =	sld [smem:$0x3FAF];
	_ =	sdelay $0x3  }
0x37: {  	[smem:$0x3FAF] =	sst s10  }
0x38: {  	s10 =	sld [smem:$0x3FB0]  }
0x39: {  	_ = 	snop;
	(pc) =	sbr.ind lr, $3  }
0x3a: {  	_ = 	snop  }
0x3b: {  	_ = 	snop  }
0x3c: {  	p2 =	seq.s32 s10, $0x1;
	s10 =	sld [smem:$0x3FAF]  }
0x3d: {  	_ =	shalt  }
0x3e: {  	_ =	shalt  }
0x3f: {  	_ =	shalt  }
0x40: {  	_ =	shalt  }
0x41: {  	_ =	shalt  }
0x42: {  	_ =	shalt  }
0x43: {  	_ =	shalt  }
0x44: {  	_ =	shalt  }
0x45: {  	_ =	shalt  }
0x46: {  	_ =	shalt  }
0x47: {  	_ =	shalt  }
0x48: {  	_ =	shalt  }
0x49: {  	_ =	shalt  }
0x4a: {  	_ =	shalt  }
0x4b: {  	_ =	shalt  }
0x4c: {  	_ =	shalt  }
0x4d: {  	_ =	shalt  }
0x4e: {  	_ =	shalt  }
0x4f: {  	_ =	shalt  }
0x50: {  	_ =	shalt  }
0x51: {  	_ =	shalt  }
0x52: {  	_ =	shalt  }
0x53: {  	_ =	shalt  }
0x54: {  	_ =	shalt  }
0x55: {  	_ =	shalt  }
0x56: {  	_ =	shalt  }
0x57: {  	_ =	shalt  }
0x58: {  	_ =	shalt  }
0x59: {  	_ =	shalt  }
0x5a: {  	_ =	shalt  }
0x5b: {  	_ =	shalt  }
0x5c: {  	_ =	shalt  }
0x5d: {  	_ =	shalt  }
0x5e: {  	_ =	shalt  }
0x5f: {  	_ =	shalt  }
0x60: {  	_ =	shalt  }
0x61: {  	_ =	shalt  }
0x62: {  	_ =	shalt  }
0x63: {  	_ =	shalt  }
0x64: {  	_ =	shalt  }
0x65: {  	_ =	shalt  }
0x66: {  	_ =	shalt  }
0x67: {  	_ =	shalt  }
0x68: {  	_ =	shalt  }
0x69: {  	_ =	shalt  }
0x6a: {  	_ =	shalt  }
0x6b: {  	_ =	shalt  }
0x6c: {  	_ =	shalt  }
0x6d: {  	_ =	shalt  }
0x6e: {  	_ =	shalt  }
0x6f: {  	_ =	shalt  }
0x70: {  	_ =	shalt  }
0x71: {  	_ =	shalt  }
0x72: {  	_ =	shalt  }
0x73: {  	_ =	shalt  }
0x74: {  	_ =	shalt  }
0x75: {  	_ =	shalt  }
0x76: {  	_ =	shalt  }
0x77: {  	_ =	shalt  }
0x78: {  	_ =	shalt  }
0x79: {  	_ =	shalt  }
0x7a: {  	_ =	shalt  }
0x7b: {  	_ =	shalt  }
0x7c: {  	_ =	shalt  }
0x7d: {  	_ =	shalt  }
0x7e: {  	_ =	shalt  }
0x7f: {  	_ =	shalt  }
0x80: {  	_ =	shalt  }
0x81: {  	_ =	shalt  }
0x82: {  	_ =	shalt  }
0x83: {  	_ =	shalt  }
0x84: {  	_ =	shalt  }
0x85: {  	_ =	shalt  }
0x86: {  	_ =	shalt  }
0x87: {  	_ =	shalt  }
.Lfunc_end0:
.L_simem_size_0:
called_computation.2_lowered:
.L_overlay_start_0:
0x88: {  	s2 =	sld [smem:$0x3FD9]  }
0x89: {  	s3 =	sld [smem:$0x3FFE];
	_ =	sdelay $0x1  }
0x8a: {  	s1 =	srdreg.scid  }
0x8b: {  	s0 =	sand.u32 $0x1, s1  }
0x8c: {  	s16 =	sshll.u32 s0, $0xA;
	s2 =	sadd.s32 s3, s2  }
0x8d: {  	s2 =	sadd.s32 s2, s16  }
0x8e: {  	[smem:$0x3FBB] =	sst s2  }
0x8f: {  	_ = 	snop  }
0x90: {  	(tm) =	ssettm $0x1  }
0x91: {  	s17 =	sld [smem:$0x3FFB];
	_ =	sdelay $0x3  }
0x92: {  	_ =	strace s17  }
0x93: {  	s2 =	sld [smem:$0x3FFC];
	_ =	sdelay $0x3  }
0x94: {  	_ =	strace s2  }
0x95: {  	s2 =	sld [smem:$0x3FFD];
	_ =	sdelay $0x3  }
0x96: {  	_ =	strace s2  }
0x97: {  	_ =	strace $0x8FFFFFFF  }
0x98: {  	s18 =	sld [smem:$0x3FDB];
	_ =	sdelay $0x1  }
0x99: {  	s19 =	simm.s32 $_scs_section_size  }
0x9a: {  	s4 =	simm.s32 $_size__tile_overlayer_lowered;
	s5 =	simm.s32 $_tile_overlayer_lowered  }
0x9b: {  	s22 =	simm.s32 $0x1BFF;
	s21 =	sshll.u32 s5, $0x1;
	s2 =	sadd.s32 s19, s18  }
0x9c: {  	s6 =	simm.s32 $0x0;
	s20 =	sshll.u32 s4, $0x1;
	s4 =	sadd.s32 s21, s2  }
0x9d: {  	[timem:s6], [sflag:s22] =	dma.local [hbm:s4], s20  }
0x9e: {  	_ =	swait.ge [sflag:s22], s20  }
0x9f: {  	s3 =	ssub.s32 $0x0, s20;
	[sflag:s22] =	ssyncset.done $0x0  }
0xa0: {  	[sflag:s22] =	ssyncadd.s32 s3;
	_ =	sdelay $0x1  }
0xa1: {  	s23 =	simm.s32 $0x1B8B  }
0xa2: {  	_ =	swait.ge [sflag:s23], $0x1  }
0xa3: {  	[sflag:s23] =	ssyncset.done $0x0  }
0xa4: {  	s25 =	simm.s32 $0x1B8E;
	s24 =	sld [smem:$0x3FFE];
	[sflag:s23] =	ssyncadd.s32 $0xFFFFFFFF  }
0xa5: {  	s26 =	simm.s32 $execute0_lowered;
	[smem:$0x3FD2] =	sst s25  }
0xa6: {  	s4 =	sshll.u32 s26, $0x1;
	_ =	strace $0x8000004C;
	[dreg:$0x1] =	wrdreg $0xFFFFFFFF  }
0xa7: {  	s28 =	simm.s32 $_size_execute0_lowered;
	s2 =	sadd.s32 s2, s4;
	[dreg:$0x0] =	wrdreg $0x0  }
0xa8: {  	s4 =	sshll.u32 s28, $0x1;
	[dreg:$0x2] =	wrdreg s2  }
0xa9: {  	[dreg:$0x3] =	wrdreg s4  }
0xaa: {  	[dreg:$0x4] =	wrdreg $0xC0  }
0xab: {  	_ =	task [dreg:s6], $0x5FFFF  }
0xac: {  	[dreg:$0x1] =	wrdreg $0xFFFFFFFF  }
0xad: {  	[dreg:$0x0] =	wrdreg $0x60  }
0xae: {  	[dreg:$0x2] =	wrdreg s24  }
0xaf: {  	[dreg:$0x3] =	wrdreg $0x0  }
0xb0: {  	[dreg:$0x4] =	wrdreg $0x9  }
0xb1: {  	_ =	task.clear_ibuf [dreg:s6], $0x5FFFF;
	_ =	strace $0x9000004C  }
0xb2: {  	s29 =	simm.s32 $0x9;
	_ =	strace $0x8000004E  }
0xb3: {  	_ =	swait.ge [sflag:s29], $0x1  }
0xb4: {  	[sflag:s29] =	ssyncadd.s32 $0xFFFFFFFF  }
0xb5: {  	_ =	strace $0x9000004E  }
0xb6: {  	_ =	sfence  }
0xb7: {  	s30 =	sld [smem:$0x0];
	_ =	sdelay $0x2  }
0xb8: {  	s31 =	sshll.u32 s1, $0xD;
	s1 =	sshrl.u32 s1, $0x2  }
0xb9: {  	s3 =	sand.u32 $0x4000, s31;
	s1 =	sadd.s32 s1, s30  }
0xba: {  	s0 =	sor.u32 s3, s0;
	s1 =	sshll.u32 s1, $0x11  }
0xbb: {  	s0 =	sor.u32 s1, s0  }
0xbc: {  	s0 =	sadd.s32 $0x8F2B, s0  }
0xbd: {  	[sflag:s0] =	ssyncadd.remote.s32 $0x1  }
0xbe: {  	_ =	sfence.sel $0xFFFF  }
0xbf: {  	[dreg:$0x0] =	wrdreg $0xFFFFFFFF;
	(pc) =	sbr.abs _section_cstart, $3  }
0xc0: {  	[dreg:$0x1] =	wrdreg $0xFFFFFFFF  }
0xc1: {  	_ =	task.clear_ibuf [dreg:s6], $0x2FFFF;
	_ =	strace $0x9FFFFFFF  }
0xc2: {  	(tm) =	ssettm $0x7FFFFFFF  }
0xc3: {  	_ =	shalt  }
tec
execute0_lowered:
.L_overlay_start_1:
0x0: {  	(tag) =	ssettag $0x1  }
0x1: {  	s0 =	srdreg.scid  }
0x2: {  	s9 =	stileid.u32;
	s3 =	rddreg [dreg:$0x0]  }
0x3: {  	s2 =	rddreg [dreg:$0x1];
	s6 =	simm.s32 $0x0;
	s12 =	simm.s32 $0x5  }
0x4: {  	s15 =	simm.s32 $0x14000;
	s16 =	simm.s32 $0x16780;
	s17 =	simm.s32 $0x50  }
0x5: {  	s18 =	simm.s32 $0x1A780;
	s20 =	simm.s32 $0x1CF80;
	s28 =	simm.s32 $0x16670  }
0x6: {  	s29 =	simm.s32 $0x1A480;
	s30 =	simm.s32 $0x1A500;
	s31 =	simm.s32 $0x166C0  }
0x7: {  	s0 =	sand.u32 $0x1, s0;
	s1 =	sshll.u32 s9, $0x1;
	s7 =	smul.u32 $0x14000, s9  }
0x8: {  	s4 =	sshrl.u32 s9, $0x2;
	[smem:$0x7FF] =	sst s6;
	s24 =	smul.u32 $0x50000, s9  }
0x9: {  	s26 =	sshll.u32 s9, $0x6;
	s1 =	sor.u32 s0, s1;
	s4 =	smul.u32 $0x13C00, s4  }
0xa: {  	s21 =	smul.u32 $0x140000, s0;
	_ =	strace $0x8000004D;
	s0 =	ssub.s32 $0x2, s0  }
0xb: {  	s5 =	sshll.u32 s1, $0x7;
	s1 =	sshll.u32 s1, $0xB;
	s25 =	sshrl.u32 s0, $0x1  }
0xc: {  	s5 =	sand.u32 $0x380, s5;
	s1 =	sadd.s32 s1, s3;
	s23 =	sadd.s32 s7, s21  }
0xd: {  	s7 =	sshrl.u32 s24, $0x2;
	s0 =	ssub.s32 s0, s25;
	s21 =	simm.s32 $0x1  }
0xe: {  	s24 =	simm.s32 $0x2;
	s25 =	simm.s32 $0x16800;
	s4 =	sor.u32 s4, s5  }
0xf: {  	s5 =	sadd.s32 $0xB9E00, s3;
	s6 =	sshrl.u32 s23, $0x3;
	s11 =	sadd.s32 s7, s2  }
0x10: {  	s10 =	smax.u32 s0, $0x1;
	s23 =	simm.s32 $0x140A0;
	s0 =	simm.s32 $0x0  }
0x11: {  	s22 =	sshrl.u32 s4, $0x3;
	s4 =	sadd.s32 $0x1DA00, s3;
	s11 =	sshrl.u32 s11, $0x3  }
0x12: {  	s8 =	sadd.s32 s22, s3;
	s3 =	sadd.s32 s6, s3;
	s6 =	sor.u32 $0x1C05, s26  }
0x13: {  	s22 =	simm.s32 $0x3;
	s26 =	simm.s32 $0x4;
	s7 =	sadd.s32 $0x3C00, s8  }
0x14: {  	s8 =	sadd.s32 $0xDA00, s1;
	s9 =	sadd.s32 $0xBC600, s3;
	s1 =	simm.s32 $0x1A580  }
.LBB2_1:
0x15: {  	[spmem:s11], [sflag:s6] =	dma.local [hbm:s5], $0x2800  }
0x16: {  	_ =	swait.ge [sflag:s12], $0x2800  }
0x17: {  	[sflag:s12] =	ssyncset.done $0x0  }
0x18: {  	s3 =	simm.s32 $0x80;
	s13 =	simm.s32 $0x400;
	[sflag:s12] =	ssyncadd.s32 $0xFFFFD800  }
0x19: {  	[tilespmem:s15], [sflag:$0x5] =	stream.strided.gather [hbm4b:s7+s3], $0x2780, s13, s3, $0x38;
	[tilespmem:$0x1F780] =	vst v63  }
0x1a: {  	_ =	swait.ge [sflag:s12], $0x2780  }
0x1b: {  	[sflag:s12] =	ssyncset.done $0x0  }
0x1c: {  	s14 =	simm.s32 $0x0;
	[sflag:s12] =	ssyncadd.s32 $0xFFFFD880  }
0x1d: {  	[tilespmem:s16], [sflag:$0x5] =	stream.linear.gather [hbm4b:s8+s14], $0x3E80, $0x38;
	[tilespmem:$0x1F780] =	vst v63  }
0x1e: {  	_ =	swait.ge [sflag:s12], $0x3E80  }
0x1f: {  	[sflag:s12] =	ssyncset.done $0x0  }
0x20: {  	[sflag:s12] =	ssyncadd.s32 $0xFFFFC180  }
0x21: {  	[bflag:$0x0] =	sbarrier.arrive $0xFFFF  }
0x22: {  	[tilespmem:s18], [sflag:$0x1] =	stream.indirect.gather [hbm4b:s4+s17], $0x80, s15, s17, $0xb8;
	[tilespmem:$0x1F780] =	vst v63  }
0x23: {  	s19 =	simm.s32 $0x14050  }
0x24: {  	[tilespmem:s20], [sflag:$0x2] =	stream.indirect.gather [hbm4b:s4+s17], $0x80, s19, s17, $0xb8;
	[tilespmem:$0x1F780] =	vst v63  }
0x25: {  	_ =	swait.ge [sflag:s21], $0x2800  }
0x26: {  	[sflag:s21] =	ssyncset.done $0x0  }
0x27: {  	[sflag:s21] =	ssyncadd.s32 $0xFFFFD800  }
0x28: {  	[spmem:s2] =	stream.indirect.scatter.add.f32 [tilespmem:s18], [sflag:$0x3], $0x80, s16, s17, $0xb8;
	[tilespmem:$0x1F780] =	vst v63  }
0x29: {  	_ =	swait.ge [sflag:s22], $0x2800  }
0x2a: {  	[sflag:s22] =	ssyncset.done $0x0  }
0x2b: {  	[sflag:s22] =	ssyncadd.s32 $0xFFFFD800  }
0x2c: {  	[tilespmem:s18], [sflag:$0x1] =	stream.indirect.gather [hbm4b:s4+s17], $0x80, s23, s17, $0xb8;
	[tilespmem:$0x1F780] =	vst v63  }
0x2d: {  	_ =	swait.ge [sflag:s24], $0x2800  }
0x2e: {  	[sflag:s24] =	ssyncset.done $0x0  }
0x2f: {  	[sflag:s24] =	ssyncadd.s32 $0xFFFFD800  }
0x30: {  	[spmem:s2] =	stream.indirect.scatter.add.f32 [tilespmem:s20], [sflag:$0x4], $0x80, s25, s17, $0xb8;
	[tilespmem:$0x1F780] =	vst v63  }
0x31: {  	_ =	swait.ge [sflag:s26], $0x2800  }
0x32: {  	[sflag:s26] =	ssyncset.done $0x0  }
0x33: {  	s13 =	simm.s32 $0x140F0;
	[sflag:s26] =	ssyncadd.s32 $0xFFFFD800  }
0x34: {  	[tilespmem:s20], [sflag:$0x2] =	stream.indirect.gather [hbm4b:s4+s17], $0x80, s13, s17, $0xb8;
	[tilespmem:$0x1F780] =	vst v63  }
0x35: {  	_ =	swait.ge [sflag:s21], $0x2800  }
0x36: {  	[sflag:s21] =	ssyncset.done $0x0  }
0x37: {  	s14 =	simm.s32 $0x16880;
	[sflag:s21] =	ssyncadd.s32 $0xFFFFD800  }
0x38: {  	[spmem:s2] =	stream.indirect.scatter.add.f32 [tilespmem:s18], [sflag:$0x3], $0x80, s14, s17, $0xb8;
	[tilespmem:$0x1F780] =	vst v63  }
0x39: {  	_ =	swait.ge [sflag:s22], $0x2800  }
0x3a: {  	[sflag:s22] =	ssyncset.done $0x0  }
0x3b: {  	s19 =	simm.s32 $0x14140;
	[sflag:s22] =	ssyncadd.s32 $0xFFFFD800  }
0x3c: {  	[tilespmem:s18], [sflag:$0x1] =	stream.indirect.gather [hbm4b:s4+s17], $0x80, s19, s17, $0xb8;
	[tilespmem:$0x1F780] =	vst v63  }
0x3d: {  	_ =	swait.ge [sflag:s24], $0x2800  }
0x3e: {  	s3 =	simm.s32 $0xFFFF1400;
	[sflag:s24] =	ssyncset.done $0x0  }
0x3f: {  	s13 =	simm.s32 $0x141E0;
	s14 =	simm.s32 $0x16900;
	[sflag:s24] =	ssyncadd.s32 $0xFFFFD800  }
.LBB2_2:
0x40: {  	[spmem:s2] =	stream.indirect.scatter.add.f32 [tilespmem:s20], [sflag:$0x4], $0x80, s14, s17, $0xb8;
	[tilespmem:$0x1F780] =	vst v63  }
0x41: {  	s14 =	smov.u32 s3  }
0x42: {  	p0 =	sne.s32 s3, $0xFFFFFC00;
	s3 =	sadd.s32 $0x400, s3;
	_ =	swait.ge [sflag:s26], $0x2800  }
0x43: {  	[sflag:s26] =	ssyncset.done $0x0  }
0x44: {  	s19 =	sadd.s32 $0xFFFFFFB0, s13;
	[sflag:s26] =	ssyncadd.s32 $0xFFFFD800  }
0x45: {  	[tilespmem:s20], [sflag:$0x2] =	stream.indirect.gather [hbm4b:s4+s17], $0x80, s19, s17, $0xb8;
	[tilespmem:$0x1F780] =	vst v63  }
0x46: {  	_ =	swait.ge [sflag:s21], $0x2800  }
0x47: {  	s14 =	sshra.s32 s14, $0x2;
	[sflag:s21] =	ssyncset.done $0x0  }
0x48: {  	s19 =	sadd.s32 $0x1A480, s14;
	[sflag:s21] =	ssyncadd.s32 $0xFFFFD800  }
0x49: {  	[spmem:s2] =	stream.indirect.scatter.add.f32 [tilespmem:s18], [sflag:$0x3], $0x80, s19, s17, $0xb8;
	[tilespmem:$0x1F780] =	vst v63  }
0x4a: {  	_ =	swait.ge [sflag:s22], $0x2800  }
0x4b: {  	[sflag:s22] =	ssyncset.done $0x0  }
.Ltmp0:
0x4c: {  	[sflag:s22] =	ssyncadd.s32 $0xFFFFD800;
	(pc) =	sbr.rel @p0 .LBB2_2-.Ltmp0, $4  }
0x4d: {  	[tilespmem:s18], [sflag:$0x1] =	stream.indirect.gather [hbm4b:s4+s17], $0x80, s13, s17, $0xb8;
	[tilespmem:$0x1F780] =	vst v63  }
0x4e: {  	_ =	swait.ge [sflag:s24], $0x2800  }
0x4f: {  	[sflag:s24] =	ssyncset.done $0x0  }
0x50: {  	s14 =	sadd.s32 $0x1A500, s14;
	s13 =	sadd.s32 $0xA0, s13;
	[sflag:s24] =	ssyncadd.s32 $0xFFFFD800  }
0x51: {  	[spmem:s2] =	stream.indirect.scatter.add.f32 [tilespmem:s20], [sflag:$0x4], $0x80, s14, s17, $0xb8;
	[tilespmem:$0x1F780] =	vst v63  }
0x52: {  	_ =	swait.ge [sflag:s26], $0x2800  }
0x53: {  	[sflag:s26] =	ssyncset.done $0x0  }
0x54: {  	[sflag:s26] =	ssyncadd.s32 $0xFFFFD800  }
0x55: {  	[tilespmem:s20], [sflag:$0x2] =	stream.indirect.gather [hbm4b:s4+s17], $0x80, s28, s17, $0xb8;
	[tilespmem:$0x1F780] =	vst v63  }
0x56: {  	_ =	swait.ge [sflag:s21], $0x2800  }
0x57: {  	[sflag:s21] =	ssyncset.done $0x0  }
0x58: {  	[sflag:s21] =	ssyncadd.s32 $0xFFFFD800  }
0x59: {  	[spmem:s2] =	stream.indirect.scatter.add.f32 [tilespmem:s18], [sflag:$0x3], $0x80, s29, s17, $0xb8;
	[tilespmem:$0x1F780] =	vst v63  }
0x5a: {  	_ =	swait.ge [sflag:s24], $0x2800  }
0x5b: {  	[sflag:s24] =	ssyncset.done $0x0  }
0x5c: {  	[sflag:s24] =	ssyncadd.s32 $0xFFFFD800  }
0x5d: {  	[spmem:s2] =	stream.indirect.scatter.add.f32 [tilespmem:s20], [sflag:$0x4], $0x80, s30, s17, $0xb8;
	[tilespmem:$0x1F780] =	vst v63  }
0x5e: {  	_ =	swait.ge [sflag:s22], $0x2800  }
0x5f: {  	[sflag:s22] =	ssyncset.done $0x0  }
0x60: {  	[sflag:s22] =	ssyncadd.s32 $0xFFFFD800  }
0x61: {  	[tilespmem:s18], [sflag:$0x1] =	stream.indirect.gather [hbm4b:s4+s17], $0x80, s31, s17, $0xb8;
	[tilespmem:$0x1F780] =	vst v63  }
0x62: {  	_ =	swait.ge [sflag:s26], $0x2800  }
0x63: {  	[sflag:s26] =	ssyncset.done $0x0  }
0x64: {  	[sflag:s26] =	ssyncadd.s32 $0xFFFFD800  }
0x65: {  	_ =	swait.ge [sflag:s21], $0x2800  }
0x66: {  	[sflag:s21] =	ssyncset.done $0x0  }
0x67: {  	[sflag:s21] =	ssyncadd.s32 $0xFFFFD800  }
0x68: {  	[spmem:s2] =	stream.indirect.scatter.add.f32 [tilespmem:s18], [sflag:$0x3], $0x80, s1, s17, $0xb8;
	[tilespmem:$0x1F780] =	vst v63  }
0x69: {  	_ =	swait.ge [sflag:s22], $0x2800  }
0x6a: {  	s0 =	sadd.s32 $0x1, s0;
	[sflag:s22] =	ssyncset.done $0x0  }
0x6b: {  	p0 =	sne.s32 s0, s10;
	[sflag:s22] =	ssyncadd.s32 $0xFFFFD800  }
.Ltmp1:
0x6c: {  	[bflag:$0x0] =	sbarrier.arrive $0xFFFF;
	(pc) =	sbr.rel @p0 .LBB2_1-.Ltmp1, $4  }
0x6d: {  	[hbm:s9], [sflag:s6] =	dma.local [spmem:s11], $0x2800  }
0x6e: {  	_ =	swait.ge [sflag:s12], $0x2800  }
0x6f: {  	[sflag:s12] =	ssyncset.done $0x0  }
0x70: {  	[sflag:s12] =	ssyncadd.s32 $0xFFFFD800  }
0x71: {  	_ =	sfence.sel $0x180000  }
0x72: {  	[bflag:$0x0] =	sbarrier.arrive $0xFFFF  }
0x73: {  	_ =	strace $0x9000004D  }
0x74: {  	s0 =	stileid.u32;
	[bflag:$0x2] =	sbarrier.arrive $0xFFFF  }
0x75: {  	p0 =	sne.s32 s0, $0x0;
	s0 =	rddreg [dreg:$0x2]  }
0x76: {  	s0 =	sadd.s32 @!p0 $0x100000, s0  }
0x77: {  	[sflag:s0] =	ssyncadd.tile.s32 @!p0 $0x1;
	_ =	shalt  }
.Lfunc_end2:
_tile_overlayer_lowered:
.L_overlay_start_2:
0x78: {  	(tag) =	ssettag $0x2  }
0x79: {  	s0 =	rddreg [dreg:$0x0];
	s2 =	stileid.u32  }
0x7a: {  	s1 =	rddreg [dreg:$0x1];
	p0 =	sne.s32 s2, $0x0  }
0x7b: {  	s3 =	rddreg [dreg:$0x2];
	[bflag:$0x3] =	sbarrier.arrive $0xFFFF;
	s2 =	simm.s32 @!p0 $0x1C05  }
0x7c: {  	[timem:s3], [sflag:s2] =	dma.local @!p0 [hbm:s0], s1  }
0x7d: {  	s0 =	simm.s32 @!p0 $0x5  }
0x7e: {  	_ =	swait.ge @!p0 [sflag:s0], s1  }
0x7f: {  	s1 =	ssub.s32 @!p0 $0x0, s1;
	[sflag:s0] =	ssyncset.done @!p0 $0x0  }
0x80: {  	[sflag:s0] =	ssyncadd.s32 @!p0 s1  }
0x81: {  	[bflag:$0x3] =	sbarrier.arrive $0xFFFF  }
0x82: {  	_ =	shalt  }

// kernel: kernel.23.cloned.1.call-start
scs
__scs_entry_jumppad:
0x0: {  	(pc) =	sbr.rel $0x88, $3  }
0x1: {  	(tag) =	ssettag $0x0;
	lr =	simm.s32 $0x1  }
0x2: {  	[smem:$0x3F94] =	sst lr;
	_ =	strace $0xD0000000  }
0x3: {  	_ = 	snop  }
0x4: {  	_ = 	snop  }
0x5: {  	_ = 	snop  }
0x6: {  	_ = 	snop  }
0x7: {  	_ = 	snop  }
__scs_overlays_trampoline_lowered:
0x8: {  	[smem:$0x3FA3] =	sst s0  }
0x9: {  	[smem:$0x3FA4] =	sst s1  }
0xa: {  	[smem:$0x3FA5] =	sst s2  }
0xb: {  	[smem:$0x3FA6] =	sst s3  }
0xc: {  	[smem:$0x3FA7] =	sst s4  }
0xd: {  	[smem:$0x3FA8] =	sst s5  }
0xe: {  	[smem:$0x3FA9] =	sst s6  }
0xf: {  	[smem:$0x3FAA] =	sst s7  }
0x10: {  	[smem:$0x3FAB] =	sst s8  }
0x11: {  	[smem:$0x3FAC] =	sst s9;
	s0 =	simm.s32 @!p0 $0x0  }
0x12: {  	s1 =	sld [smem:$0x3F92];
	s0 =	simm.s32 @p0 $0x1  }
0x13: {  	[smem:$0x3FAD] =	sst s0;
	s0 =	simm.s32 @!p1 $0x0  }
0x14: {  	s2 =	sld [smem:$0x3F91];
	s0 =	simm.s32 @p1 $0x1  }
0x15: {  	[smem:$0x3FAE] =	sst s0;
	s0 =	simm.s32 @!p2 $0x0  }
0x16: {  	s3 =	sld [smem:$0x3FDB];
	s0 =	simm.s32 @p2 $0x1  }
0x17: {  	s4 =	simm.s32 $0x1BF5;
	[smem:$0x3FB0] =	sst s0  }
0x18: {  	s0 =	sld [smem:$0x3F93];
	_ =	swait.ge [sflag:s4], $0x0  }
0x19: {  	s7 =	sld [smem:$0x3F94]  }
0x1a: {  	s8 =	sadd.s32 $0xFFFFE003, lr  }
0x1b: {  	s9 =	sadd.s32 $0xFFFFFEF7, lr;
	s5 =	simm.s32 $0xFFFFFFFF;
	p2 =	slt.u32 s8, $0xFFFFF086  }
0x1c: {  	p1 =	slt.u32 s9, $0xF7A;
	s5 =	simm.s32 @!p2 $0x0  }
0x1d: {  	s5 =	simm.s32 @p1 $0x1;
	p0 =	seq.s32 s7, s2  }
0x1e: {  	s7 =	smul.u32 @!p0 $0xF7A, s2;
	p2 =	seq.s32 @!p0 s5, $0x0  }
0x1f: {  	s9 =	smul.u32 $0xF7A, s1;
	s8 =	simm.s32 @!p0 $0x1BF5;
	p2 =	por !p2, p0  }
0x20: {  	[sflag:s8] =	ssyncset.s32 @!p0 $0xFFFFF086;
	s6 =	sadd.s32 @!p0 s3, s7;
	s7 =	simm.s32 @!p0 $0x108  }
0x21: {  	s3 =	sadd.s32 s3, s9;
	s6 =	sadd.s32 @!p0 $0x88, s6;
	s7 =	simm.s32 @p2 $0x1082  }
0x22: {  	[simem:s7], [sflag:s8] =	dma.local @!p0 [hbm:s6], $0xF7A  }
0x23: {  	s9 =	sor.u32 $0xD0000000, s2;
	s6 =	simm.s32 $0x108;
	_ =	swait.ge @!p0 [sflag:s8], $0x0  }
0x24: {  	s3 =	sadd.s32 $0x88, s3;
	s6 =	simm.s32 @!p1 $0x1082;
	[sflag:s4] =	ssyncset.s32 $0xFFFFF086  }
0x25: {  	[simem:s6], [sflag:s4] =	dma.local [hbm:s3], $0xF7A  }
0x26: {  	[smem:$0x3F94] =	sst s1;
	(tag) =	ssettag s2;
	_ =	strace s9  }
0x27: {  	s1 =	sld [smem:$0x3FA4]  }
0x28: {  	s2 =	sld [smem:$0x3FA5]  }
0x29: {  	s4 =	sld [smem:$0x3FA7]  }
0x2a: {  	p0 =	seq.s32 s5, $0x0;
	s5 =	sld [smem:$0x3FA8]  }
0x2b: {  	s6 =	sld [smem:$0x3FA9]  }
0x2c: {  	s7 =	sld [smem:$0x3FAA]  }
0x2d: {  	s3 =	simm.s32 $0x108;
	s8 =	sld [smem:$0x3FAB]  }
0x2e: {  	s3 =	simm.s32 @!p0 $0x1082;
	s9 =	sld [smem:$0x3FAC]  }
0x2f: {  	lr =	sadd.s32 s0, s3;
	s0 =	sld [smem:$0x3FA3]  }
0x30: {  	s3 =	sld [smem:$0x3FA6]  }
0x31: {  	[smem:$0x3FAF] =	sst s10  }
0x32: {  	s10 =	sld [smem:$0x3FAD];
	_ =	sdelay $0x3  }
0x33: {  	p0 =	seq.s32 s10, $0x1;
	s10 =	sld [smem:$0x3FAF];
	_ =	sdelay $0x3  }
0x34: {  	[smem:$0x3FAF] =	sst s10  }
0x35: {  	s10 =	sld [smem:$0x3FAE];
	_ =	sdelay $0x3  }
0x36: {  	p1 =	seq.s32 s10, $0x1;
	s10 =	sld [smem:$0x3FAF];
	_ =	sdelay $0x3  }
0x37: {  	[smem:$0x3FAF] =	sst s10  }
0x38: {  	s10 =	sld [smem:$0x3FB0]  }
0x39: {  	_ = 	snop;
	(pc) =	sbr.ind lr, $3  }
0x3a: {  	_ = 	snop  }
0x3b: {  	_ = 	snop  }
0x3c: {  	p2 =	seq.s32 s10, $0x1;
	s10 =	sld [smem:$0x3FAF]  }
0x3d: {  	_ =	shalt  }
0x3e: {  	_ =	shalt  }
0x3f: {  	_ =	shalt  }
0x40: {  	_ =	shalt  }
0x41: {  	_ =	shalt  }
0x42: {  	_ =	shalt  }
0x43: {  	_ =	shalt  }
0x44: {  	_ =	shalt  }
0x45: {  	_ =	shalt  }
0x46: {  	_ =	shalt  }
0x47: {  	_ =	shalt  }
0x48: {  	_ =	shalt  }
0x49: {  	_ =	shalt  }
0x4a: {  	_ =	shalt  }
0x4b: {  	_ =	shalt  }
0x4c: {  	_ =	shalt  }
0x4d: {  	_ =	shalt  }
0x4e: {  	_ =	shalt  }
0x4f: {  	_ =	shalt  }
0x50: {  	_ =	shalt  }
0x51: {  	_ =	shalt  }
0x52: {  	_ =	shalt  }
0x53: {  	_ =	shalt  }
0x54: {  	_ =	shalt  }
0x55: {  	_ =	shalt  }
0x56: {  	_ =	shalt  }
0x57: {  	_ =	shalt  }
0x58: {  	_ =	shalt  }
0x59: {  	_ =	shalt  }
0x5a: {  	_ =	shalt  }
0x5b: {  	_ =	shalt  }
0x5c: {  	_ =	shalt  }
0x5d: {  	_ =	shalt  }
0x5e: {  	_ =	shalt  }
0x5f: {  	_ =	shalt  }
0x60: {  	_ =	shalt  }
0x61: {  	_ =	shalt  }
0x62: {  	_ =	shalt  }
0x63: {  	_ =	shalt  }
0x64: {  	_ =	shalt  }
0x65: {  	_ =	shalt  }
0x66: {  	_ =	shalt  }
0x67: {  	_ =	shalt  }
0x68: {  	_ =	shalt  }
0x69: {  	_ =	shalt  }
0x6a: {  	_ =	shalt  }
0x6b: {  	_ =	shalt  }
0x6c: {  	_ =	shalt  }
0x6d: {  	_ =	shalt  }
0x6e: {  	_ =	shalt  }
0x6f: {  	_ =	shalt  }
0x70: {  	_ =	shalt  }
0x71: {  	_ =	shalt  }
0x72: {  	_ =	shalt  }
0x73: {  	_ =	shalt  }
0x74: {  	_ =	shalt  }
0x75: {  	_ =	shalt  }
0x76: {  	_ =	shalt  }
0x77: {  	_ =	shalt  }
0x78: {  	_ =	shalt  }
0x79: {  	_ =	shalt  }
0x7a: {  	_ =	shalt  }
0x7b: {  	_ =	shalt  }
0x7c: {  	_ =	shalt  }
0x7d: {  	_ =	shalt  }
0x7e: {  	_ =	shalt  }
0x7f: {  	_ =	shalt  }
0x80: {  	_ =	shalt  }
0x81: {  	_ =	shalt  }
0x82: {  	_ =	shalt  }
0x83: {  	_ =	shalt  }
0x84: {  	_ =	shalt  }
0x85: {  	_ =	shalt  }
0x86: {  	_ =	shalt  }
0x87: {  	_ =	shalt  }
.Lfunc_end0:
.L_simem_size_0:
called_computation.3_lowered:
.L_overlay_start_0:
0x88: {  	s2 =	sld [smem:$0x3FD9]  }
0x89: {  	s3 =	sld [smem:$0x3FFE];
	_ =	sdelay $0x1  }
0x8a: {  	s1 =	srdreg.scid  }
0x8b: {  	s0 =	sand.u32 $0x1, s1  }
0x8c: {  	s16 =	sshll.u32 s0, $0xA;
	s2 =	sadd.s32 s3, s2  }
0x8d: {  	s2 =	sadd.s32 s2, s16  }
0x8e: {  	[smem:$0x3FBB] =	sst s2  }
0x8f: {  	_ = 	snop  }
0x90: {  	(tm) =	ssettm $0x1  }
0x91: {  	s17 =	sld [smem:$0x3FFB];
	_ =	sdelay $0x3  }
0x92: {  	_ =	strace s17  }
0x93: {  	s2 =	sld [smem:$0x3FFC];
	_ =	sdelay $0x3  }
0x94: {  	_ =	strace s2  }
0x95: {  	s2 =	sld [smem:$0x3FFD];
	_ =	sdelay $0x3  }
0x96: {  	_ =	strace s2  }
0x97: {  	_ =	strace $0x8FFFFFFF  }
0x98: {  	s18 =	sld [smem:$0x3FDB];
	_ =	sdelay $0x1  }
0x99: {  	s19 =	simm.s32 $_scs_section_size  }
0x9a: {  	s4 =	simm.s32 $_size__tile_overlayer_lowered;
	s5 =	simm.s32 $_tile_overlayer_lowered  }
0x9b: {  	s22 =	simm.s32 $0x1BFF;
	s21 =	sshll.u32 s5, $0x1;
	s2 =	sadd.s32 s19, s18  }
0x9c: {  	s6 =	simm.s32 $0x0;
	s20 =	sshll.u32 s4, $0x1;
	s4 =	sadd.s32 s21, s2  }
0x9d: {  	[timem:s6], [sflag:s22] =	dma.local [hbm:s4], s20  }
0x9e: {  	_ =	swait.ge [sflag:s22], s20  }
0x9f: {  	s3 =	ssub.s32 $0x0, s20;
	[sflag:s22] =	ssyncset.done $0x0  }
0xa0: {  	[sflag:s22] =	ssyncadd.s32 s3;
	_ =	sdelay $0x1  }
0xa1: {  	s23 =	simm.s32 $0x1B8B  }
0xa2: {  	_ =	swait.ge [sflag:s23], $0x1  }
0xa3: {  	[sflag:s23] =	ssyncset.done $0x0  }
0xa4: {  	s25 =	simm.s32 $0x1B8E;
	s24 =	sld [smem:$0x3FFE];
	[sflag:s23] =	ssyncadd.s32 $0xFFFFFFFF  }
0xa5: {  	s26 =	simm.s32 $execute0_lowered;
	[smem:$0x3FD2] =	sst s25  }
0xa6: {  	s4 =	sshll.u32 s26, $0x1;
	_ =	strace $0x8000004F;
	[dreg:$0x1] =	wrdreg $0xFFFFFFFF  }
0xa7: {  	s28 =	simm.s32 $_size_execute0_lowered;
	s2 =	sadd.s32 s2, s4;
	[dreg:$0x0] =	wrdreg $0x0  }
0xa8: {  	s4 =	sshll.u32 s28, $0x1;
	[dreg:$0x2] =	wrdreg s2  }
0xa9: {  	[dreg:$0x3] =	wrdreg s4  }
0xaa: {  	[dreg:$0x4] =	wrdreg $0xC0  }
0xab: {  	_ =	task [dreg:s6], $0x5FFFF  }
0xac: {  	[dreg:$0x1] =	wrdreg $0xFFFFFFFF  }
0xad: {  	[dreg:$0x0] =	wrdreg $0x60  }
0xae: {  	[dreg:$0x2] =	wrdreg s24  }
0xaf: {  	[dreg:$0x3] =	wrdreg $0x0  }
0xb0: {  	[dreg:$0x4] =	wrdreg $0x9  }
0xb1: {  	_ =	task.clear_ibuf [dreg:s6], $0x5FFFF;
	_ =	strace $0x9000004F  }
0xb2: {  	s29 =	simm.s32 $0x9;
	_ =	strace $0x80000051  }
0xb3: {  	_ =	swait.ge [sflag:s29], $0x1  }
0xb4: {  	[sflag:s29] =	ssyncadd.s32 $0xFFFFFFFF  }
0xb5: {  	_ =	strace $0x90000051  }
0xb6: {  	_ =	sfence  }
0xb7: {  	s30 =	sld [smem:$0x0];
	_ =	sdelay $0x2  }
0xb8: {  	s31 =	sshll.u32 s1, $0xD;
	s1 =	sshrl.u32 s1, $0x2  }
0xb9: {  	s3 =	sand.u32 $0x4000, s31;
	s1 =	sadd.s32 s1, s30  }
0xba: {  	s0 =	sor.u32 s3, s0;
	s1 =	sshll.u32 s1, $0x11  }
0xbb: {  	s0 =	sor.u32 s1, s0  }
0xbc: {  	s0 =	sadd.s32 $0x8F2B, s0  }
0xbd: {  	[sflag:s0] =	ssyncadd.remote.s32 $0x1  }
0xbe: {  	_ =	sfence.sel $0xFFFF  }
0xbf: {  	[dreg:$0x0] =	wrdreg $0xFFFFFFFF;
	(pc) =	sbr.abs _section_cstart, $3  }
0xc0: {  	[dreg:$0x1] =	wrdreg $0xFFFFFFFF  }
0xc1: {  	_ =	task.clear_ibuf [dreg:s6], $0x2FFFF;
	_ =	strace $0x9FFFFFFF  }
0xc2: {  	(tm) =	ssettm $0x7FFFFFFF  }
0xc3: {  	_ =	shalt  }
tec
execute0_lowered:
.L_overlay_start_1:
0x0: {  	(tag) =	ssettag $0x1  }
0x1: {  	s0 =	srdreg.scid  }
0x2: {  	s9 =	stileid.u32;
	s3 =	rddreg [dreg:$0x0]  }
0x3: {  	s2 =	rddreg [dreg:$0x1];
	s6 =	simm.s32 $0x0;
	s12 =	simm.s32 $0x5  }
0x4: {  	s15 =	simm.s32 $0x14000;
	s16 =	simm.s32 $0x16780;
	s17 =	simm.s32 $0x50  }
0x5: {  	s18 =	simm.s32 $0x1A780;
	s20 =	simm.s32 $0x1CF80;
	s28 =	simm.s32 $0x16670  }
0x6: {  	s29 =	simm.s32 $0x1A480;
	s30 =	simm.s32 $0x1A500;
	s31 =	simm.s32 $0x166C0  }
0x7: {  	s0 =	sand.u32 $0x1, s0;
	s1 =	sshll.u32 s9, $0x1;
	s7 =	smul.u32 $0x14000, s9  }
0x8: {  	s4 =	sshrl.u32 s9, $0x2;
	[smem:$0x7FF] =	sst s6;
	s24 =	smul.u32 $0x50000, s9  }
0x9: {  	s26 =	sshll.u32 s9, $0x6;
	s1 =	sor.u32 s0, s1;
	s4 =	smul.u32 $0x13C00, s4  }
0xa: {  	s21 =	smul.u32 $0x140000, s0;
	_ =	strace $0x80000050;
	s0 =	ssub.s32 $0x2, s0  }
0xb: {  	s5 =	sshll.u32 s1, $0x7;
	s1 =	sshll.u32 s1, $0xB;
	s25 =	sshrl.u32 s0, $0x1  }
0xc: {  	s5 =	sand.u32 $0x380, s5;
	s1 =	sadd.s32 s1, s3;
	s23 =	sadd.s32 s7, s21  }
0xd: {  	s7 =	sshrl.u32 s24, $0x2;
	s0 =	ssub.s32 s0, s25;
	s21 =	simm.s32 $0x1  }
0xe: {  	s24 =	simm.s32 $0x2;
	s25 =	simm.s32 $0x16800;
	s4 =	sor.u32 s4, s5  }
0xf: {  	s5 =	sadd.s32 $0xB9E00, s3;
	s6 =	sshrl.u32 s23, $0x3;
	s11 =	sadd.s32 s7, s2  }
0x10: {  	s10 =	smax.u32 s0, $0x1;
	s23 =	simm.s32 $0x140A0;
	s0 =	simm.s32 $0x0  }
0x11: {  	s22 =	sshrl.u32 s4, $0x3;
	s4 =	sadd.s32 $0x1DA00, s3;
	s11 =	sshrl.u32 s11, $0x3  }
0x12: {  	s8 =	sadd.s32 s22, s3;
	s3 =	sadd.s32 s6, s3;
	s6 =	sor.u32 $0x1C05, s26  }
0x13: {  	s22 =	simm.s32 $0x3;
	s26 =	simm.s32 $0x4;
	s7 =	sadd.s32 $0x3C00, s8  }
0x14: {  	s8 =	sadd.s32 $0xDA00, s1;
	s9 =	sadd.s32 $0xBC600, s3;
	s1 =	simm.s32 $0x1A580  }
.LBB2_1:
0x15: {  	[spmem:s11], [sflag:s6] =	dma.local [hbm:s5], $0x2800  }
0x16: {  	_ =	swait.ge [sflag:s12], $0x2800  }
0x17: {  	[sflag:s12] =	ssyncset.done $0x0  }
0x18: {  	s3 =	simm.s32 $0x80;
	s13 =	simm.s32 $0x400;
	[sflag:s12] =	ssyncadd.s32 $0xFFFFD800  }
0x19: {  	[tilespmem:s15], [sflag:$0x5] =	stream.strided.gather [hbm4b:s7+s3], $0x2780, s13, s3, $0x38;
	[tilespmem:$0x1F780] =	vst v63  }
0x1a: {  	_ =	swait.ge [sflag:s12], $0x2780  }
0x1b: {  	[sflag:s12] =	ssyncset.done $0x0  }
0x1c: {  	s14 =	simm.s32 $0x0;
	[sflag:s12] =	ssyncadd.s32 $0xFFFFD880  }
0x1d: {  	[tilespmem:s16], [sflag:$0x5] =	stream.linear.gather [hbm4b:s8+s14], $0x3E80, $0x38;
	[tilespmem:$0x1F780] =	vst v63  }
0x1e: {  	_ =	swait.ge [sflag:s12], $0x3E80  }
0x1f: {  	[sflag:s12] =	ssyncset.done $0x0  }
0x20: {  	[sflag:s12] =	ssyncadd.s32 $0xFFFFC180  }
0x21: {  	[bflag:$0x0] =	sbarrier.arrive $0xFFFF  }
0x22: {  	[tilespmem:s18], [sflag:$0x1] =	stream.indirect.gather [hbm4b:s4+s17], $0x80, s15, s17, $0xb8;
	[tilespmem:$0x1F780] =	vst v63  }
0x23: {  	s19 =	simm.s32 $0x14050  }
0x24: {  	[tilespmem:s20], [sflag:$0x2] =	stream.indirect.gather [hbm4b:s4+s17], $0x80, s19, s17, $0xb8;
	[tilespmem:$0x1F780] =	vst v63  }
0x25: {  	_ =	swait.ge [sflag:s21], $0x2800  }
0x26: {  	[sflag:s21] =	ssyncset.done $0x0  }
0x27: {  	[sflag:s21] =	ssyncadd.s32 $0xFFFFD800  }
0x28: {  	[spmem:s2] =	stream.indirect.scatter.add.f32 [tilespmem:s18], [sflag:$0x3], $0x80, s16, s17, $0xb8;
	[tilespmem:$0x1F780] =	vst v63  }
0x29: {  	_ =	swait.ge [sflag:s22], $0x2800  }
0x2a: {  	[sflag:s22] =	ssyncset.done $0x0  }
0x2b: {  	[sflag:s22] =	ssyncadd.s32 $0xFFFFD800  }
0x2c: {  	[tilespmem:s18], [sflag:$0x1] =	stream.indirect.gather [hbm4b:s4+s17], $0x80, s23, s17, $0xb8;
	[tilespmem:$0x1F780] =	vst v63  }
0x2d: {  	_ =	swait.ge [sflag:s24], $0x2800  }
0x2e: {  	[sflag:s24] =	ssyncset.done $0x0  }
0x2f: {  	[sflag:s24] =	ssyncadd.s32 $0xFFFFD800  }
0x30: {  	[spmem:s2] =	stream.indirect.scatter.add.f32 [tilespmem:s20], [sflag:$0x4], $0x80, s25, s17, $0xb8;
	[tilespmem:$0x1F780] =	vst v63  }
0x31: {  	_ =	swait.ge [sflag:s26], $0x2800  }
0x32: {  	[sflag:s26] =	ssyncset.done $0x0  }
0x33: {  	s13 =	simm.s32 $0x140F0;
	[sflag:s26] =	ssyncadd.s32 $0xFFFFD800  }
0x34: {  	[tilespmem:s20], [sflag:$0x2] =	stream.indirect.gather [hbm4b:s4+s17], $0x80, s13, s17, $0xb8;
	[tilespmem:$0x1F780] =	vst v63  }
0x35: {  	_ =	swait.ge [sflag:s21], $0x2800  }
0x36: {  	[sflag:s21] =	ssyncset.done $0x0  }
0x37: {  	s14 =	simm.s32 $0x16880;
	[sflag:s21] =	ssyncadd.s32 $0xFFFFD800  }
0x38: {  	[spmem:s2] =	stream.indirect.scatter.add.f32 [tilespmem:s18], [sflag:$0x3], $0x80, s14, s17, $0xb8;
	[tilespmem:$0x1F780] =	vst v63  }
0x39: {  	_ =	swait.ge [sflag:s22], $0x2800  }
0x3a: {  	[sflag:s22] =	ssyncset.done $0x0  }
0x3b: {  	s19 =	simm.s32 $0x14140;
	[sflag:s22] =	ssyncadd.s32 $0xFFFFD800  }
0x3c: {  	[tilespmem:s18], [sflag:$0x1] =	stream.indirect.gather [hbm4b:s4+s17], $0x80, s19, s17, $0xb8;
	[tilespmem:$0x1F780] =	vst v63  }
0x3d: {  	_ =	swait.ge [sflag:s24], $0x2800  }
0x3e: {  	s3 =	simm.s32 $0xFFFF1400;
	[sflag:s24] =	ssyncset.done $0x0  }
0x3f: {  	s13 =	simm.s32 $0x141E0;
	s14 =	simm.s32 $0x16900;
	[sflag:s24] =	ssyncadd.s32 $0xFFFFD800  }
.LBB2_2:
0x40: {  	[spmem:s2] =	stream.indirect.scatter.add.f32 [tilespmem:s20], [sflag:$0x4], $0x80, s14, s17, $0xb8;
	[tilespmem:$0x1F780] =	vst v63  }
0x41: {  	s14 =	smov.u32 s3  }
0x42: {  	p0 =	sne.s32 s3, $0xFFFFFC00;
	s3 =	sadd.s32 $0x400, s3;
	_ =	swait.ge [sflag:s26], $0x2800  }
0x43: {  	[sflag:s26] =	ssyncset.done $0x0  }
0x44: {  	s19 =	sadd.s32 $0xFFFFFFB0, s13;
	[sflag:s26] =	ssyncadd.s32 $0xFFFFD800  }
0x45: {  	[tilespmem:s20], [sflag:$0x2] =	stream.indirect.gather [hbm4b:s4+s17], $0x80, s19, s17, $0xb8;
	[tilespmem:$0x1F780] =	vst v63  }
0x46: {  	_ =	swait.ge [sflag:s21], $0x2800  }
0x47: {  	s14 =	sshra.s32 s14, $0x2;
	[sflag:s21] =	ssyncset.done $0x0  }
0x48: {  	s19 =	sadd.s32 $0x1A480, s14;
	[sflag:s21] =	ssyncadd.s32 $0xFFFFD800  }
0x49: {  	[spmem:s2] =	stream.indirect.scatter.add.f32 [tilespmem:s18], [sflag:$0x3], $0x80, s19, s17, $0xb8;
	[tilespmem:$0x1F780] =	vst v63  }
0x4a: {  	_ =	swait.ge [sflag:s22], $0x2800  }
0x4b: {  	[sflag:s22] =	ssyncset.done $0x0  }
.Ltmp0:
0x4c: {  	[sflag:s22] =	ssyncadd.s32 $0xFFFFD800;
	(pc) =	sbr.rel @p0 .LBB2_2-.Ltmp0, $4  }
0x4d: {  	[tilespmem:s18], [sflag:$0x1] =	stream.indirect.gather [hbm4b:s4+s17], $0x80, s13, s17, $0xb8;
	[tilespmem:$0x1F780] =	vst v63  }
0x4e: {  	_ =	swait.ge [sflag:s24], $0x2800  }
0x4f: {  	[sflag:s24] =	ssyncset.done $0x0  }
0x50: {  	s14 =	sadd.s32 $0x1A500, s14;
	s13 =	sadd.s32 $0xA0, s13;
	[sflag:s24] =	ssyncadd.s32 $0xFFFFD800  }
0x51: {  	[spmem:s2] =	stream.indirect.scatter.add.f32 [tilespmem:s20], [sflag:$0x4], $0x80, s14, s17, $0xb8;
	[tilespmem:$0x1F780] =	vst v63  }
0x52: {  	_ =	swait.ge [sflag:s26], $0x2800  }
0x53: {  	[sflag:s26] =	ssyncset.done $0x0  }
0x54: {  	[sflag:s26] =	ssyncadd.s32 $0xFFFFD800  }
0x55: {  	[tilespmem:s20], [sflag:$0x2] =	stream.indirect.gather [hbm4b:s4+s17], $0x80, s28, s17, $0xb8;
	[tilespmem:$0x1F780] =	vst v63  }
0x56: {  	_ =	swait.ge [sflag:s21], $0x2800  }
0x57: {  	[sflag:s21] =	ssyncset.done $0x0  }
0x58: {  	[sflag:s21] =	ssyncadd.s32 $0xFFFFD800  }
0x59: {  	[spmem:s2] =	stream.indirect.scatter.add.f32 [tilespmem:s18], [sflag:$0x3], $0x80, s29, s17, $0xb8;
	[tilespmem:$0x1F780] =	vst v63  }
0x5a: {  	_ =	swait.ge [sflag:s24], $0x2800  }
0x5b: {  	[sflag:s24] =	ssyncset.done $0x0  }
0x5c: {  	[sflag:s24] =	ssyncadd.s32 $0xFFFFD800  }
0x5d: {  	[spmem:s2] =	stream.indirect.scatter.add.f32 [tilespmem:s20], [sflag:$0x4], $0x80, s30, s17, $0xb8;
	[tilespmem:$0x1F780] =	vst v63  }
0x5e: {  	_ =	swait.ge [sflag:s22], $0x2800  }
0x5f: {  	[sflag:s22] =	ssyncset.done $0x0  }
0x60: {  	[sflag:s22] =	ssyncadd.s32 $0xFFFFD800  }
0x61: {  	[tilespmem:s18], [sflag:$0x1] =	stream.indirect.gather [hbm4b:s4+s17], $0x80, s31, s17, $0xb8;
	[tilespmem:$0x1F780] =	vst v63  }
0x62: {  	_ =	swait.ge [sflag:s26], $0x2800  }
0x63: {  	[sflag:s26] =	ssyncset.done $0x0  }
0x64: {  	[sflag:s26] =	ssyncadd.s32 $0xFFFFD800  }
0x65: {  	_ =	swait.ge [sflag:s21], $0x2800  }
0x66: {  	[sflag:s21] =	ssyncset.done $0x0  }
0x67: {  	[sflag:s21] =	ssyncadd.s32 $0xFFFFD800  }
0x68: {  	[spmem:s2] =	stream.indirect.scatter.add.f32 [tilespmem:s18], [sflag:$0x3], $0x80, s1, s17, $0xb8;
	[tilespmem:$0x1F780] =	vst v63  }
0x69: {  	_ =	swait.ge [sflag:s22], $0x2800  }
0x6a: {  	s0 =	sadd.s32 $0x1, s0;
	[sflag:s22] =	ssyncset.done $0x0  }
0x6b: {  	p0 =	sne.s32 s0, s10;
	[sflag:s22] =	ssyncadd.s32 $0xFFFFD800  }
.Ltmp1:
0x6c: {  	[bflag:$0x0] =	sbarrier.arrive $0xFFFF;
	(pc) =	sbr.rel @p0 .LBB2_1-.Ltmp1, $4  }
0x6d: {  	[hbm:s9], [sflag:s6] =	dma.local [spmem:s11], $0x2800  }
0x6e: {  	_ =	swait.ge [sflag:s12], $0x2800  }
0x6f: {  	[sflag:s12] =	ssyncset.done $0x0  }
0x70: {  	[sflag:s12] =	ssyncadd.s32 $0xFFFFD800  }
0x71: {  	_ =	sfence.sel $0x180000  }
0x72: {  	[bflag:$0x0] =	sbarrier.arrive $0xFFFF  }
0x73: {  	_ =	strace $0x90000050  }
0x74: {  	s0 =	stileid.u32;
	[bflag:$0x2] =	sbarrier.arrive $0xFFFF  }
0x75: {  	p0 =	sne.s32 s0, $0x0;
	s0 =	rddreg [dreg:$0x2]  }
0x76: {  	s0 =	sadd.s32 @!p0 $0x100000, s0  }
0x77: {  	[sflag:s0] =	ssyncadd.tile.s32 @!p0 $0x1;
	_ =	shalt  }
.Lfunc_end2:
_tile_overlayer_lowered:
.L_overlay_start_2:
0x78: {  	(tag) =	ssettag $0x2  }
0x79: {  	s0 =	rddreg [dreg:$0x0];
	s2 =	stileid.u32  }
0x7a: {  	s1 =	rddreg [dreg:$0x1];
	p0 =	sne.s32 s2, $0x0  }
0x7b: {  	s3 =	rddreg [dreg:$0x2];
	[bflag:$0x3] =	sbarrier.arrive $0xFFFF;
	s2 =	simm.s32 @!p0 $0x1C05  }
0x7c: {  	[timem:s3], [sflag:s2] =	dma.local @!p0 [hbm:s0], s1  }
0x7d: {  	s0 =	simm.s32 @!p0 $0x5  }
0x7e: {  	_ =	swait.ge @!p0 [sflag:s0], s1  }
0x7f: {  	s1 =	ssub.s32 @!p0 $0x0, s1;
	[sflag:s0] =	ssyncset.done @!p0 $0x0  }
0x80: {  	[sflag:s0] =	ssyncadd.s32 @!p0 s1  }
0x81: {  	[bflag:$0x3] =	sbarrier.arrive $0xFFFF  }
0x82: {  	_ =	shalt  }

// kernel: kernel.26.cloned.1.call-start
scs
__scs_entry_jumppad:
0x0: {  	(pc) =	sbr.rel $0x88, $3  }
0x1: {  	(tag) =	ssettag $0x0;
	lr =	simm.s32 $0x1  }
0x2: {  	[smem:$0x3F94] =	sst lr;
	_ =	strace $0xD0000000  }
0x3: {  	_ = 	snop  }
0x4: {  	_ = 	snop  }
0x5: {  	_ = 	snop  }
0x6: {  	_ = 	snop  }
0x7: {  	_ = 	snop  }
__scs_overlays_trampoline_lowered:
0x8: {  	[smem:$0x3FA3] =	sst s0  }
0x9: {  	[smem:$0x3FA4] =	sst s1  }
0xa: {  	[smem:$0x3FA5] =	sst s2  }
0xb: {  	[smem:$0x3FA6] =	sst s3  }
0xc: {  	[smem:$0x3FA7] =	sst s4  }
0xd: {  	[smem:$0x3FA8] =	sst s5  }
0xe: {  	[smem:$0x3FA9] =	sst s6  }
0xf: {  	[smem:$0x3FAA] =	sst s7  }
0x10: {  	[smem:$0x3FAB] =	sst s8  }
0x11: {  	[smem:$0x3FAC] =	sst s9;
	s0 =	simm.s32 @!p0 $0x0  }
0x12: {  	s1 =	sld [smem:$0x3F92];
	s0 =	simm.s32 @p0 $0x1  }
0x13: {  	[smem:$0x3FAD] =	sst s0;
	s0 =	simm.s32 @!p1 $0x0  }
0x14: {  	s2 =	sld [smem:$0x3F91];
	s0 =	simm.s32 @p1 $0x1  }
0x15: {  	[smem:$0x3FAE] =	sst s0;
	s0 =	simm.s32 @!p2 $0x0  }
0x16: {  	s3 =	sld [smem:$0x3FDB];
	s0 =	simm.s32 @p2 $0x1  }
0x17: {  	s4 =	simm.s32 $0x1BF5;
	[smem:$0x3FB0] =	sst s0  }
0x18: {  	s0 =	sld [smem:$0x3F93];
	_ =	swait.ge [sflag:s4], $0x0  }
0x19: {  	s7 =	sld [smem:$0x3F94]  }
0x1a: {  	s8 =	sadd.s32 $0xFFFFE003, lr  }
0x1b: {  	s9 =	sadd.s32 $0xFFFFFEF7, lr;
	s5 =	simm.s32 $0xFFFFFFFF;
	p2 =	slt.u32 s8, $0xFFFFF086  }
0x1c: {  	p1 =	slt.u32 s9, $0xF7A;
	s5 =	simm.s32 @!p2 $0x0  }
0x1d: {  	s5 =	simm.s32 @p1 $0x1;
	p0 =	seq.s32 s7, s2  }
0x1e: {  	s7 =	smul.u32 @!p0 $0xF7A, s2;
	p2 =	seq.s32 @!p0 s5, $0x0  }
0x1f: {  	s9 =	smul.u32 $0xF7A, s1;
	s8 =	simm.s32 @!p0 $0x1BF5;
	p2 =	por !p2, p0  }
0x20: {  	[sflag:s8] =	ssyncset.s32 @!p0 $0xFFFFF086;
	s6 =	sadd.s32 @!p0 s3, s7;
	s7 =	simm.s32 @!p0 $0x108  }
0x21: {  	s3 =	sadd.s32 s3, s9;
	s6 =	sadd.s32 @!p0 $0x88, s6;
	s7 =	simm.s32 @p2 $0x1082  }
0x22: {  	[simem:s7], [sflag:s8] =	dma.local @!p0 [hbm:s6], $0xF7A  }
0x23: {  	s9 =	sor.u32 $0xD0000000, s2;
	s6 =	simm.s32 $0x108;
	_ =	swait.ge @!p0 [sflag:s8], $0x0  }
0x24: {  	s3 =	sadd.s32 $0x88, s3;
	s6 =	simm.s32 @!p1 $0x1082;
	[sflag:s4] =	ssyncset.s32 $0xFFFFF086  }
0x25: {  	[simem:s6], [sflag:s4] =	dma.local [hbm:s3], $0xF7A  }
0x26: {  	[smem:$0x3F94] =	sst s1;
	(tag) =	ssettag s2;
	_ =	strace s9  }
0x27: {  	s1 =	sld [smem:$0x3FA4]  }
0x28: {  	s2 =	sld [smem:$0x3FA5]  }
0x29: {  	s4 =	sld [smem:$0x3FA7]  }
0x2a: {  	p0 =	seq.s32 s5, $0x0;
	s5 =	sld [smem:$0x3FA8]  }
0x2b: {  	s6 =	sld [smem:$0x3FA9]  }
0x2c: {  	s7 =	sld [smem:$0x3FAA]  }
0x2d: {  	s3 =	simm.s32 $0x108;
	s8 =	sld [smem:$0x3FAB]  }
0x2e: {  	s3 =	simm.s32 @!p0 $0x1082;
	s9 =	sld [smem:$0x3FAC]  }
0x2f: {  	lr =	sadd.s32 s0, s3;
	s0 =	sld [smem:$0x3FA3]  }
0x30: {  	s3 =	sld [smem:$0x3FA6]  }
0x31: {  	[smem:$0x3FAF] =	sst s10  }
0x32: {  	s10 =	sld [smem:$0x3FAD];
	_ =	sdelay $0x3  }
0x33: {  	p0 =	seq.s32 s10, $0x1;
	s10 =	sld [smem:$0x3FAF];
	_ =	sdelay $0x3  }
0x34: {  	[smem:$0x3FAF] =	sst s10  }
0x35: {  	s10 =	sld [smem:$0x3FAE];
	_ =	sdelay $0x3  }
0x36: {  	p1 =	seq.s32 s10, $0x1;
	s10 =	sld [smem:$0x3FAF];
	_ =	sdelay $0x3  }
0x37: {  	[smem:$0x3FAF] =	sst s10  }
0x38: {  	s10 =	sld [smem:$0x3FB0]  }
0x39: {  	_ = 	snop;
	(pc) =	sbr.ind lr, $3  }
0x3a: {  	_ = 	snop  }
0x3b: {  	_ = 	snop  }
0x3c: {  	p2 =	seq.s32 s10, $0x1;
	s10 =	sld [smem:$0x3FAF]  }
0x3d: {  	_ =	shalt  }
0x3e: {  	_ =	shalt  }
0x3f: {  	_ =	shalt  }
0x40: {  	_ =	shalt  }
0x41: {  	_ =	shalt  }
0x42: {  	_ =	shalt  }
0x43: {  	_ =	shalt  }
0x44: {  	_ =	shalt  }
0x45: {  	_ =	shalt  }
0x46: {  	_ =	shalt  }
0x47: {  	_ =	shalt  }
0x48: {  	_ =	shalt  }
0x49: {  	_ =	shalt  }
0x4a: {  	_ =	shalt  }
0x4b: {  	_ =	shalt  }
0x4c: {  	_ =	shalt  }
0x4d: {  	_ =	shalt  }
0x4e: {  	_ =	shalt  }
0x4f: {  	_ =	shalt  }
0x50: {  	_ =	shalt  }
0x51: {  	_ =	shalt  }
0x52: {  	_ =	shalt  }
0x53: {  	_ =	shalt  }
0x54: {  	_ =	shalt  }
0x55: {  	_ =	shalt  }
0x56: {  	_ =	shalt  }
0x57: {  	_ =	shalt  }
0x58: {  	_ =	shalt  }
0x59: {  	_ =	shalt  }
0x5a: {  	_ =	shalt  }
0x5b: {  	_ =	shalt  }
0x5c: {  	_ =	shalt  }
0x5d: {  	_ =	shalt  }
0x5e: {  	_ =	shalt  }
0x5f: {  	_ =	shalt  }
0x60: {  	_ =	shalt  }
0x61: {  	_ =	shalt  }
0x62: {  	_ =	shalt  }
0x63: {  	_ =	shalt  }
0x64: {  	_ =	shalt  }
0x65: {  	_ =	shalt  }
0x66: {  	_ =	shalt  }
0x67: {  	_ =	shalt  }
0x68: {  	_ =	shalt  }
0x69: {  	_ =	shalt  }
0x6a: {  	_ =	shalt  }
0x6b: {  	_ =	shalt  }
0x6c: {  	_ =	shalt  }
0x6d: {  	_ =	shalt  }
0x6e: {  	_ =	shalt  }
0x6f: {  	_ =	shalt  }
0x70: {  	_ =	shalt  }
0x71: {  	_ =	shalt  }
0x72: {  	_ =	shalt  }
0x73: {  	_ =	shalt  }
0x74: {  	_ =	shalt  }
0x75: {  	_ =	shalt  }
0x76: {  	_ =	shalt  }
0x77: {  	_ =	shalt  }
0x78: {  	_ =	shalt  }
0x79: {  	_ =	shalt  }
0x7a: {  	_ =	shalt  }
0x7b: {  	_ =	shalt  }
0x7c: {  	_ =	shalt  }
0x7d: {  	_ =	shalt  }
0x7e: {  	_ =	shalt  }
0x7f: {  	_ =	shalt  }
0x80: {  	_ =	shalt  }
0x81: {  	_ =	shalt  }
0x82: {  	_ =	shalt  }
0x83: {  	_ =	shalt  }
0x84: {  	_ =	shalt  }
0x85: {  	_ =	shalt  }
0x86: {  	_ =	shalt  }
0x87: {  	_ =	shalt  }
.Lfunc_end0:
.L_simem_size_0:
called_computation.4_lowered:
.L_overlay_start_0:
0x88: {  	s2 =	sld [smem:$0x3FD9]  }
0x89: {  	s3 =	sld [smem:$0x3FFE];
	_ =	sdelay $0x1  }
0x8a: {  	s1 =	srdreg.scid  }
0x8b: {  	s0 =	sand.u32 $0x1, s1  }
0x8c: {  	s16 =	sshll.u32 s0, $0xA;
	s2 =	sadd.s32 s3, s2  }
0x8d: {  	s2 =	sadd.s32 s2, s16  }
0x8e: {  	[smem:$0x3FBB] =	sst s2  }
0x8f: {  	_ = 	snop  }
0x90: {  	(tm) =	ssettm $0x1  }
0x91: {  	s17 =	sld [smem:$0x3FFB];
	_ =	sdelay $0x3  }
0x92: {  	_ =	strace s17  }
0x93: {  	s2 =	sld [smem:$0x3FFC];
	_ =	sdelay $0x3  }
0x94: {  	_ =	strace s2  }
0x95: {  	s2 =	sld [smem:$0x3FFD];
	_ =	sdelay $0x3  }
0x96: {  	_ =	strace s2  }
0x97: {  	_ =	strace $0x8FFFFFFF  }
0x98: {  	s18 =	sld [smem:$0x3FDB];
	_ =	sdelay $0x1  }
0x99: {  	s19 =	simm.s32 $_scs_section_size  }
0x9a: {  	s4 =	simm.s32 $_size__tile_overlayer_lowered;
	s5 =	simm.s32 $_tile_overlayer_lowered  }
0x9b: {  	s22 =	simm.s32 $0x1BFF;
	s21 =	sshll.u32 s5, $0x1;
	s2 =	sadd.s32 s19, s18  }
0x9c: {  	s6 =	simm.s32 $0x0;
	s20 =	sshll.u32 s4, $0x1;
	s4 =	sadd.s32 s21, s2  }
0x9d: {  	[timem:s6], [sflag:s22] =	dma.local [hbm:s4], s20  }
0x9e: {  	_ =	swait.ge [sflag:s22], s20  }
0x9f: {  	s3 =	ssub.s32 $0x0, s20;
	[sflag:s22] =	ssyncset.done $0x0  }
0xa0: {  	[sflag:s22] =	ssyncadd.s32 s3;
	_ =	sdelay $0x1  }
0xa1: {  	s23 =	simm.s32 $0x1B8B  }
0xa2: {  	_ =	swait.ge [sflag:s23], $0x1  }
0xa3: {  	[sflag:s23] =	ssyncset.done $0x0  }
0xa4: {  	s25 =	simm.s32 $0x1B8E;
	s24 =	sld [smem:$0x3FFE];
	[sflag:s23] =	ssyncadd.s32 $0xFFFFFFFF  }
0xa5: {  	s26 =	simm.s32 $execute0_lowered;
	[smem:$0x3FD2] =	sst s25  }
0xa6: {  	s4 =	sshll.u32 s26, $0x1;
	_ =	strace $0x80000052;
	[dreg:$0x1] =	wrdreg $0xFFFFFFFF  }
0xa7: {  	s28 =	simm.s32 $_size_execute0_lowered;
	s2 =	sadd.s32 s2, s4;
	[dreg:$0x0] =	wrdreg $0x0  }
0xa8: {  	s4 =	sshll.u32 s28, $0x1;
	[dreg:$0x2] =	wrdreg s2  }
0xa9: {  	[dreg:$0x3] =	wrdreg s4  }
0xaa: {  	[dreg:$0x4] =	wrdreg $0xC0  }
0xab: {  	_ =	task [dreg:s6], $0x5FFFF  }
0xac: {  	[dreg:$0x1] =	wrdreg $0xFFFFFFFF  }
0xad: {  	[dreg:$0x0] =	wrdreg $0x60  }
0xae: {  	[dreg:$0x2] =	wrdreg s24  }
0xaf: {  	[dreg:$0x3] =	wrdreg $0x0  }
0xb0: {  	[dreg:$0x4] =	wrdreg $0x9  }
0xb1: {  	_ =	task.clear_ibuf [dreg:s6], $0x5FFFF;
	_ =	strace $0x90000052  }
0xb2: {  	s29 =	simm.s32 $0x9;
	_ =	strace $0x80000054  }
0xb3: {  	_ =	swait.ge [sflag:s29], $0x1  }
0xb4: {  	[sflag:s29] =	ssyncadd.s32 $0xFFFFFFFF  }
0xb5: {  	_ =	strace $0x90000054  }
0xb6: {  	_ =	sfence  }
0xb7: {  	s30 =	sld [smem:$0x0];
	_ =	sdelay $0x2  }
0xb8: {  	s31 =	sshll.u32 s1, $0xD;
	s1 =	sshrl.u32 s1, $0x2  }
0xb9: {  	s3 =	sand.u32 $0x4000, s31;
	s1 =	sadd.s32 s1, s30  }
0xba: {  	s0 =	sor.u32 s3, s0;
	s1 =	sshll.u32 s1, $0x11  }
0xbb: {  	s0 =	sor.u32 s1, s0  }
0xbc: {  	s0 =	sadd.s32 $0x8F2B, s0  }
0xbd: {  	[sflag:s0] =	ssyncadd.remote.s32 $0x1  }
0xbe: {  	_ =	sfence.sel $0xFFFF  }
0xbf: {  	[dreg:$0x0] =	wrdreg $0xFFFFFFFF;
	(pc) =	sbr.abs _section_cstart, $3  }
0xc0: {  	[dreg:$0x1] =	wrdreg $0xFFFFFFFF  }
0xc1: {  	_ =	task.clear_ibuf [dreg:s6], $0x2FFFF;
	_ =	strace $0x9FFFFFFF  }
0xc2: {  	(tm) =	ssettm $0x7FFFFFFF  }
0xc3: {  	_ =	shalt  }
tec
execute0_lowered:
.L_overlay_start_1:
0x0: {  	(tag) =	ssettag $0x1  }
0x1: {  	s0 =	srdreg.scid  }
0x2: {  	s9 =	stileid.u32;
	s3 =	rddreg [dreg:$0x0]  }
0x3: {  	s2 =	rddreg [dreg:$0x1];
	s6 =	simm.s32 $0x0;
	s12 =	simm.s32 $0x5  }
0x4: {  	s15 =	simm.s32 $0x14000;
	s16 =	simm.s32 $0x16780;
	s17 =	simm.s32 $0x50  }
0x5: {  	s18 =	simm.s32 $0x1A780;
	s20 =	simm.s32 $0x1CF80;
	s28 =	simm.s32 $0x16670  }
0x6: {  	s29 =	simm.s32 $0x1A480;
	s30 =	simm.s32 $0x1A500;
	s31 =	simm.s32 $0x166C0  }
0x7: {  	s0 =	sand.u32 $0x1, s0;
	s1 =	sshll.u32 s9, $0x1;
	s7 =	smul.u32 $0x14000, s9  }
0x8: {  	s4 =	sshrl.u32 s9, $0x2;
	[smem:$0x7FF] =	sst s6;
	s24 =	smul.u32 $0x50000, s9  }
0x9: {  	s26 =	sshll.u32 s9, $0x6;
	s1 =	sor.u32 s0, s1;
	s4 =	smul.u32 $0x13C00, s4  }
0xa: {  	s21 =	smul.u32 $0x140000, s0;
	_ =	strace $0x80000053;
	s0 =	ssub.s32 $0x2, s0  }
0xb: {  	s5 =	sshll.u32 s1, $0x7;
	s1 =	sshll.u32 s1, $0xB;
	s25 =	sshrl.u32 s0, $0x1  }
0xc: {  	s5 =	sand.u32 $0x380, s5;
	s1 =	sadd.s32 s1, s3;
	s23 =	sadd.s32 s7, s21  }
0xd: {  	s7 =	sshrl.u32 s24, $0x2;
	s0 =	ssub.s32 s0, s25;
	s21 =	simm.s32 $0x1  }
0xe: {  	s24 =	simm.s32 $0x2;
	s25 =	simm.s32 $0x16800;
	s4 =	sor.u32 s4, s5  }
0xf: {  	s5 =	sadd.s32 $0xB9E00, s3;
	s6 =	sshrl.u32 s23, $0x3;
	s11 =	sadd.s32 s7, s2  }
0x10: {  	s10 =	smax.u32 s0, $0x1;
	s23 =	simm.s32 $0x140A0;
	s0 =	simm.s32 $0x0  }
0x11: {  	s22 =	sshrl.u32 s4, $0x3;
	s4 =	sadd.s32 $0x1DA00, s3;
	s11 =	sshrl.u32 s11, $0x3  }
0x12: {  	s8 =	sadd.s32 s22, s3;
	s3 =	sadd.s32 s6, s3;
	s6 =	sor.u32 $0x1C05, s26  }
0x13: {  	s22 =	simm.s32 $0x3;
	s26 =	simm.s32 $0x4;
	s7 =	sadd.s32 $0x3C00, s8  }
0x14: {  	s8 =	sadd.s32 $0xDA00, s1;
	s9 =	sadd.s32 $0xBC600, s3;
	s1 =	simm.s32 $0x1A580  }
.LBB2_1:
0x15: {  	[spmem:s11], [sflag:s6] =	dma.local [hbm:s5], $0x2800  }
0x16: {  	_ =	swait.ge [sflag:s12], $0x2800  }
0x17: {  	[sflag:s12] =	ssyncset.done $0x0  }
0x18: {  	s3 =	simm.s32 $0x80;
	s13 =	simm.s32 $0x400;
	[sflag:s12] =	ssyncadd.s32 $0xFFFFD800  }
0x19: {  	[tilespmem:s15], [sflag:$0x5] =	stream.strided.gather [hbm4b:s7+s3], $0x2780, s13, s3, $0x38;
	[tilespmem:$0x1F780] =	vst v63  }
0x1a: {  	_ =	swait.ge [sflag:s12], $0x2780  }
0x1b: {  	[sflag:s12] =	ssyncset.done $0x0  }
0x1c: {  	s14 =	simm.s32 $0x0;
	[sflag:s12] =	ssyncadd.s32 $0xFFFFD880  }
0x1d: {  	[tilespmem:s16], [sflag:$0x5] =	stream.linear.gather [hbm4b:s8+s14], $0x3E80, $0x38;
	[tilespmem:$0x1F780] =	vst v63  }
0x1e: {  	_ =	swait.ge [sflag:s12], $0x3E80  }
0x1f: {  	[sflag:s12] =	ssyncset.done $0x0  }
0x20: {  	[sflag:s12] =	ssyncadd.s32 $0xFFFFC180  }
0x21: {  	[bflag:$0x0] =	sbarrier.arrive $0xFFFF  }
0x22: {  	[tilespmem:s18], [sflag:$0x1] =	stream.indirect.gather [hbm4b:s4+s17], $0x80, s15, s17, $0xb8;
	[tilespmem:$0x1F780] =	vst v63  }
0x23: {  	s19 =	simm.s32 $0x14050  }
0x24: {  	[tilespmem:s20], [sflag:$0x2] =	stream.indirect.gather [hbm4b:s4+s17], $0x80, s19, s17, $0xb8;
	[tilespmem:$0x1F780] =	vst v63  }
0x25: {  	_ =	swait.ge [sflag:s21], $0x2800  }
0x26: {  	[sflag:s21] =	ssyncset.done $0x0  }
0x27: {  	[sflag:s21] =	ssyncadd.s32 $0xFFFFD800  }
0x28: {  	[spmem:s2] =	stream.indirect.scatter.add.f32 [tilespmem:s18], [sflag:$0x3], $0x80, s16, s17, $0xb8;
	[tilespmem:$0x1F780] =	vst v63  }
0x29: {  	_ =	swait.ge [sflag:s22], $0x2800  }
0x2a: {  	[sflag:s22] =	ssyncset.done $0x0  }
0x2b: {  	[sflag:s22] =	ssyncadd.s32 $0xFFFFD800  }
0x2c: {  	[tilespmem:s18], [sflag:$0x1] =	stream.indirect.gather [hbm4b:s4+s17], $0x80, s23, s17, $0xb8;
	[tilespmem:$0x1F780] =	vst v63  }
0x2d: {  	_ =	swait.ge [sflag:s24], $0x2800  }
0x2e: {  	[sflag:s24] =	ssyncset.done $0x0  }
0x2f: {  	[sflag:s24] =	ssyncadd.s32 $0xFFFFD800  }
0x30: {  	[spmem:s2] =	stream.indirect.scatter.add.f32 [tilespmem:s20], [sflag:$0x4], $0x80, s25, s17, $0xb8;
	[tilespmem:$0x1F780] =	vst v63  }
0x31: {  	_ =	swait.ge [sflag:s26], $0x2800  }
0x32: {  	[sflag:s26] =	ssyncset.done $0x0  }
0x33: {  	s13 =	simm.s32 $0x140F0;
	[sflag:s26] =	ssyncadd.s32 $0xFFFFD800  }
0x34: {  	[tilespmem:s20], [sflag:$0x2] =	stream.indirect.gather [hbm4b:s4+s17], $0x80, s13, s17, $0xb8;
	[tilespmem:$0x1F780] =	vst v63  }
0x35: {  	_ =	swait.ge [sflag:s21], $0x2800  }
0x36: {  	[sflag:s21] =	ssyncset.done $0x0  }
0x37: {  	s14 =	simm.s32 $0x16880;
	[sflag:s21] =	ssyncadd.s32 $0xFFFFD800  }
0x38: {  	[spmem:s2] =	stream.indirect.scatter.add.f32 [tilespmem:s18], [sflag:$0x3], $0x80, s14, s17, $0xb8;
	[tilespmem:$0x1F780] =	vst v63  }
0x39: {  	_ =	swait.ge [sflag:s22], $0x2800  }
0x3a: {  	[sflag:s22] =	ssyncset.done $0x0  }
0x3b: {  	s19 =	simm.s32 $0x14140;
	[sflag:s22] =	ssyncadd.s32 $0xFFFFD800  }
0x3c: {  	[tilespmem:s18], [sflag:$0x1] =	stream.indirect.gather [hbm4b:s4+s17], $0x80, s19, s17, $0xb8;
	[tilespmem:$0x1F780] =	vst v63  }
0x3d: {  	_ =	swait.ge [sflag:s24], $0x2800  }
0x3e: {  	s3 =	simm.s32 $0xFFFF1400;
	[sflag:s24] =	ssyncset.done $0x0  }
0x3f: {  	s13 =	simm.s32 $0x141E0;
	s14 =	simm.s32 $0x16900;
	[sflag:s24] =	ssyncadd.s32 $0xFFFFD800  }
.LBB2_2:
0x40: {  	[spmem:s2] =	stream.indirect.scatter.add.f32 [tilespmem:s20], [sflag:$0x4], $0x80, s14, s17, $0xb8;
	[tilespmem:$0x1F780] =	vst v63  }
0x41: {  	s14 =	smov.u32 s3  }
0x42: {  	p0 =	sne.s32 s3, $0xFFFFFC00;
	s3 =	sadd.s32 $0x400, s3;
	_ =	swait.ge [sflag:s26], $0x2800  }
0x43: {  	[sflag:s26] =	ssyncset.done $0x0  }
0x44: {  	s19 =	sadd.s32 $0xFFFFFFB0, s13;
	[sflag:s26] =	ssyncadd.s32 $0xFFFFD800  }
0x45: {  	[tilespmem:s20], [sflag:$0x2] =	stream.indirect.gather [hbm4b:s4+s17], $0x80, s19, s17, $0xb8;
	[tilespmem:$0x1F780] =	vst v63  }
0x46: {  	_ =	swait.ge [sflag:s21], $0x2800  }
0x47: {  	s14 =	sshra.s32 s14, $0x2;
	[sflag:s21] =	ssyncset.done $0x0  }
0x48: {  	s19 =	sadd.s32 $0x1A480, s14;
	[sflag:s21] =	ssyncadd.s32 $0xFFFFD800  }
0x49: {  	[spmem:s2] =	stream.indirect.scatter.add.f32 [tilespmem:s18], [sflag:$0x3], $0x80, s19, s17, $0xb8;
	[tilespmem:$0x1F780] =	vst v63  }
0x4a: {  	_ =	swait.ge [sflag:s22], $0x2800  }
0x4b: {  	[sflag:s22] =	ssyncset.done $0x0  }
.Ltmp0:
0x4c: {  	[sflag:s22] =	ssyncadd.s32 $0xFFFFD800;
	(pc) =	sbr.rel @p0 .LBB2_2-.Ltmp0, $4  }
0x4d: {  	[tilespmem:s18], [sflag:$0x1] =	stream.indirect.gather [hbm4b:s4+s17], $0x80, s13, s17, $0xb8;
	[tilespmem:$0x1F780] =	vst v63  }
0x4e: {  	_ =	swait.ge [sflag:s24], $0x2800  }
0x4f: {  	[sflag:s24] =	ssyncset.done $0x0  }
0x50: {  	s14 =	sadd.s32 $0x1A500, s14;
	s13 =	sadd.s32 $0xA0, s13;
	[sflag:s24] =	ssyncadd.s32 $0xFFFFD800  }
0x51: {  	[spmem:s2] =	stream.indirect.scatter.add.f32 [tilespmem:s20], [sflag:$0x4], $0x80, s14, s17, $0xb8;
	[tilespmem:$0x1F780] =	vst v63  }
0x52: {  	_ =	swait.ge [sflag:s26], $0x2800  }
0x53: {  	[sflag:s26] =	ssyncset.done $0x0  }
0x54: {  	[sflag:s26] =	ssyncadd.s32 $0xFFFFD800  }
0x55: {  	[tilespmem:s20], [sflag:$0x2] =	stream.indirect.gather [hbm4b:s4+s17], $0x80, s28, s17, $0xb8;
	[tilespmem:$0x1F780] =	vst v63  }
0x56: {  	_ =	swait.ge [sflag:s21], $0x2800  }
0x57: {  	[sflag:s21] =	ssyncset.done $0x0  }
0x58: {  	[sflag:s21] =	ssyncadd.s32 $0xFFFFD800  }
0x59: {  	[spmem:s2] =	stream.indirect.scatter.add.f32 [tilespmem:s18], [sflag:$0x3], $0x80, s29, s17, $0xb8;
	[tilespmem:$0x1F780] =	vst v63  }
0x5a: {  	_ =	swait.ge [sflag:s24], $0x2800  }
0x5b: {  	[sflag:s24] =	ssyncset.done $0x0  }
0x5c: {  	[sflag:s24] =	ssyncadd.s32 $0xFFFFD800  }
0x5d: {  	[spmem:s2] =	stream.indirect.scatter.add.f32 [tilespmem:s20], [sflag:$0x4], $0x80, s30, s17, $0xb8;
	[tilespmem:$0x1F780] =	vst v63  }
0x5e: {  	_ =	swait.ge [sflag:s22], $0x2800  }
0x5f: {  	[sflag:s22] =	ssyncset.done $0x0  }
0x60: {  	[sflag:s22] =	ssyncadd.s32 $0xFFFFD800  }
0x61: {  	[tilespmem:s18], [sflag:$0x1] =	stream.indirect.gather [hbm4b:s4+s17], $0x80, s31, s17, $0xb8;
	[tilespmem:$0x1F780] =	vst v63  }
0x62: {  	_ =	swait.ge [sflag:s26], $0x2800  }
0x63: {  	[sflag:s26] =	ssyncset.done $0x0  }
0x64: {  	[sflag:s26] =	ssyncadd.s32 $0xFFFFD800  }
0x65: {  	_ =	swait.ge [sflag:s21], $0x2800  }
0x66: {  	[sflag:s21] =	ssyncset.done $0x0  }
0x67: {  	[sflag:s21] =	ssyncadd.s32 $0xFFFFD800  }
0x68: {  	[spmem:s2] =	stream.indirect.scatter.add.f32 [tilespmem:s18], [sflag:$0x3], $0x80, s1, s17, $0xb8;
	[tilespmem:$0x1F780] =	vst v63  }
0x69: {  	_ =	swait.ge [sflag:s22], $0x2800  }
0x6a: {  	s0 =	sadd.s32 $0x1, s0;
	[sflag:s22] =	ssyncset.done $0x0  }
0x6b: {  	p0 =	sne.s32 s0, s10;
	[sflag:s22] =	ssyncadd.s32 $0xFFFFD800  }
.Ltmp1:
0x6c: {  	[bflag:$0x0] =	sbarrier.arrive $0xFFFF;
	(pc) =	sbr.rel @p0 .LBB2_1-.Ltmp1, $4  }
0x6d: {  	[hbm:s9], [sflag:s6] =	dma.local [spmem:s11], $0x2800  }
0x6e: {  	_ =	swait.ge [sflag:s12], $0x2800  }
0x6f: {  	[sflag:s12] =	ssyncset.done $0x0  }
0x70: {  	[sflag:s12] =	ssyncadd.s32 $0xFFFFD800  }
0x71: {  	_ =	sfence.sel $0x180000  }
0x72: {  	[bflag:$0x0] =	sbarrier.arrive $0xFFFF  }
0x73: {  	_ =	strace $0x90000053  }
0x74: {  	s0 =	stileid.u32;
	[bflag:$0x2] =	sbarrier.arrive $0xFFFF  }
0x75: {  	p0 =	sne.s32 s0, $0x0;
	s0 =	rddreg [dreg:$0x2]  }
0x76: {  	s0 =	sadd.s32 @!p0 $0x100000, s0  }
0x77: {  	[sflag:s0] =	ssyncadd.tile.s32 @!p0 $0x1;
	_ =	shalt  }
.Lfunc_end2:
_tile_overlayer_lowered:
.L_overlay_start_2:
0x78: {  	(tag) =	ssettag $0x2  }
0x79: {  	s0 =	rddreg [dreg:$0x0];
	s2 =	stileid.u32  }
0x7a: {  	s1 =	rddreg [dreg:$0x1];
	p0 =	sne.s32 s2, $0x0  }
0x7b: {  	s3 =	rddreg [dreg:$0x2];
	[bflag:$0x3] =	sbarrier.arrive $0xFFFF;
	s2 =	simm.s32 @!p0 $0x1C05  }
0x7c: {  	[timem:s3], [sflag:s2] =	dma.local @!p0 [hbm:s0], s1  }
0x7d: {  	s0 =	simm.s32 @!p0 $0x5  }
0x7e: {  	_ =	swait.ge @!p0 [sflag:s0], s1  }
0x7f: {  	s1 =	ssub.s32 @!p0 $0x0, s1;
	[sflag:s0] =	ssyncset.done @!p0 $0x0  }
0x80: {  	[sflag:s0] =	ssyncadd.s32 @!p0 s1  }
0x81: {  	[bflag:$0x3] =	sbarrier.arrive $0xFFFF  }
0x82: {  	_ =	shalt  }

</sc_bundles>
